<compile_context>
chip_gen: v7x
topology: tpu7x:2x2x1
jax: 0.10.2.dev20260603
libtpu: 0.0.44.dev20260713+nightly
codegen_flags: <defaults>
</compile_context>

<pallas_src>
import functools
from typing import Any

import jax
import jax.numpy as jnp
from jax import lax
from jax.experimental import pallas as pl
from jax.experimental.pallas import tpu as pltpu
from jax.experimental.pallas import tpu_sc as plsc

_NCORES = 2
_NSUB = 16
_NW = _NCORES * _NSUB
_NLANES = 16
_CHUNK = 80
_NSTREAM = 5


def _sc_counts(dst, N):
    E = dst.shape[0]
    D = 128
    NP = ((N + 127) // 128) * 128
    RPS = NP // _NSUB
    EPW = E // _NW
    n_chunks = EPW // _CHUNK
    assert EPW % _CHUNK == 0

    mesh = plsc.VectorSubcoreMesh(core_axis_name="c", subcore_axis_name="s")
    out_type = [jax.ShapeDtypeStruct((_NCORES, NP, D), jnp.float32)]
    scratch = [
        pltpu.VMEM((_CHUNK,), jnp.int32),
        pltpu.VMEM((_CHUNK, D), jnp.float32),
        pltpu.VMEM_SHARED((NP, D), jnp.float32),
    ]

    def body(dst_hbm, c_out, dst_v, ones_v, acc):
        cid = lax.axis_index("c")
        sid = lax.axis_index("s")
        wid = sid * _NCORES + cid
        rsl = pl.ds(sid * RPS, RPS)
        zrow = jnp.zeros((_NLANES,), jnp.float32)

        def zbuf(e, _):
            for j in range(D // _NLANES):
                ones_v[e, pl.ds(j * _NLANES, _NLANES)] = zrow
            return 0
        lax.fori_loop(0, _CHUNK, zbuf, 0)
        nfull, rem = RPS // _CHUNK, RPS % _CHUNK
        for k in range(nfull):
            pltpu.sync_copy(ones_v, acc.at[pl.ds(sid * RPS + k * _CHUNK, _CHUNK)])
        if rem:
            pltpu.sync_copy(ones_v.at[pl.ds(0, rem)],
                            acc.at[pl.ds(sid * RPS + nfull * _CHUNK, rem)])
        one_row = jnp.where(lax.iota(jnp.int32, _NLANES) == 0, 1.0, 0.0)

        def initones(e, _):
            ones_v[e, pl.ds(0, _NLANES)] = one_row
            return 0
        lax.fori_loop(0, _CHUNK, initones, 0)
        plsc.subcore_barrier()

        def chunk(g, _):
            base = wid * EPW + g * _CHUNK
            pltpu.sync_copy(dst_hbm.at[pl.ds(base, _CHUNK)], dst_v)
            pltpu.sync_copy(ones_v, acc.at[dst_v], add=True)
            return 0
        lax.fori_loop(0, n_chunks, chunk, 0)
        plsc.subcore_barrier()
        pltpu.sync_copy(acc.at[rsl], c_out.at[cid, rsl])

    return pl.kernel(body, out_type=out_type, mesh=mesh, scratch_types=scratch)(dst)


def _sc_segsum(h, src3d, dst3d, ew):
    N, D = h.shape
    E = ew.shape[0] // _NLANES
    NP = ((N + 127) // 128) * 128
    RPS = NP // _NSUB
    EPW = E // _NW
    NS = 1
    IB = NS * _CHUNK
    n_iter = EPW // IB
    assert EPW % IB == 0 and n_iter % 2 == 1 and NP % _NSUB == 0

    mesh = plsc.VectorSubcoreMesh(core_axis_name="c", subcore_axis_name="s")
    out_type = [jax.ShapeDtypeStruct((_NCORES, NP, D), jnp.float32)]
    scratch = [
        pltpu.VMEM((1, NS, _CHUNK), jnp.int32),
        pltpu.VMEM((1, NS, _CHUNK), jnp.int32),
        pltpu.VMEM((1, NS, _CHUNK), jnp.int32),
        pltpu.VMEM((1, NS, _CHUNK), jnp.int32),
        pltpu.VMEM((IB * _NLANES,), jnp.float32),
        pltpu.VMEM((IB * _NLANES,), jnp.float32),
        pltpu.VMEM((IB, D), jnp.float32),
        pltpu.VMEM((IB, D), jnp.float32),
        pltpu.VMEM_SHARED((NP, D), jnp.float32),
        pltpu.SemaphoreType.DMA, pltpu.SemaphoreType.DMA,
        pltpu.SemaphoreType.DMA, pltpu.SemaphoreType.DMA,
    ]

    def body(h_hbm, src3_hbm, dst3_hbm, ew_hbm, p_out,
             sb0, sb1, db0, db1, eb0, eb1, rb0, rb1, acc,
             gs0, gs1, ss0, ss1):
        srcb, dstb, ewb, rows = (sb0, sb1), (db0, db1), (eb0, eb1), (rb0, rb1)
        gsem, ssem = (gs0, gs1), (ss0, ss1)
        cid = lax.axis_index("c")
        sid = lax.axis_index("s")
        wid = sid * _NCORES + cid
        rsl = pl.ds(sid * RPS, RPS)
        zrow = jnp.zeros((_NLANES,), jnp.float32)

        def zbuf(e, _):
            for j in range(D // _NLANES):
                rb0[e, pl.ds(j * _NLANES, _NLANES)] = zrow
            return 0
        lax.fori_loop(0, IB, zbuf, 0)
        nfull, rem = RPS // IB, RPS % IB
        for k in range(nfull):
            pltpu.sync_copy(rb0, acc.at[pl.ds(sid * RPS + k * IB, IB)])
        if rem:
            pltpu.sync_copy(rb0.at[pl.ds(0, rem)],
                            acc.at[pl.ds(sid * RPS + nfull * IB, rem)])
        plsc.subcore_barrier()

        def load_idx(g, b):
            blk = wid * n_iter + g
            pltpu.sync_copy(src3_hbm.at[pl.ds(blk, 1)], srcb[b])
            pltpu.sync_copy(dst3_hbm.at[pl.ds(blk, 1)], dstb[b])
            pltpu.sync_copy(
                ew_hbm.at[pl.ds((wid * EPW + g * IB) * _NLANES, IB * _NLANES)],
                ewb[b])

        def start_gathers(b):
            for j in range(NS):
                pltpu.async_copy(h_hbm.at[srcb[b].at[0, j]],
                                 rows[b].at[pl.ds(j * _CHUNK, _CHUNK)], gsem[b])

        def drain_gathers(b):
            for j in range(NS):
                pltpu.make_async_copy(
                    h_hbm.at[pl.ds(0, _CHUNK)],
                    rows[b].at[pl.ds(j * _CHUNK, _CHUNK)], gsem[b]).wait()

        def start_scatters(b):
            for j in range(NS):
                pltpu.async_copy(rows[b].at[pl.ds(j * _CHUNK, _CHUNK)],
                                 acc.at[dstb[b].at[0, j]], ssem[b], add=True)

        def drain_scatters(b):
            for j in range(NS):
                pltpu.make_async_copy(
                    rows[b].at[pl.ds(j * _CHUNK, _CHUNK)],
                    acc.at[pl.ds(0, _CHUNK)], ssem[b]).wait()

        def scale(b):
            def s1(e, _):
                w = ewb[b][pl.ds(e * _NLANES, _NLANES)]
                for j in range(D // _NLANES):
                    sl = pl.ds(j * _NLANES, _NLANES)
                    rows[b][e, sl] = rows[b][e, sl] * w
                return 0
            lax.fori_loop(0, IB, s1, 0)

        load_idx(0, 0)
        start_gathers(0)

        @pl.loop(0, n_iter - 1, step=2)
        def _(i0):
            for b in (0, 1):
                g = i0 + b
                nb = 1 - b

                @pl.when(g >= 1)
                def _():
                    drain_scatters(nb)
                load_idx(g + 1, nb)
                start_gathers(nb)
                drain_gathers(b)
                scale(b)
                start_scatters(b)

        drain_gathers(0)
        scale(0)
        start_scatters(0)
        drain_scatters(0)
        drain_scatters(1)
        plsc.subcore_barrier()
        pltpu.sync_copy(acc.at[rsl], p_out.at[cid, rsl])

    return pl.kernel(body, out_type=out_type, mesh=mesh, scratch_types=scratch)(
        h, src3d, dst3d, ew)


def _sc_gather2(h, src3d, dst3d, E):
    N, D = h.shape
    EPW = E // _NW
    IB = _NSTREAM * _CHUNK
    n_iter = EPW // IB
    assert EPW % IB == 0 and n_iter % 2 == 1

    mesh = plsc.VectorSubcoreMesh(core_axis_name="c", subcore_axis_name="s")
    out_type = [jax.ShapeDtypeStruct((E, D), jnp.float32),
                jax.ShapeDtypeStruct((E, D), jnp.float32)]
    scratch = [
        pltpu.VMEM((1, _NSTREAM, _CHUNK), jnp.int32),
        pltpu.VMEM((1, _NSTREAM, _CHUNK), jnp.int32),
        pltpu.VMEM((IB, D), jnp.float32),
        pltpu.VMEM((IB, D), jnp.float32),
        pltpu.SemaphoreType.DMA, pltpu.SemaphoreType.DMA,
        pltpu.SemaphoreType.DMA, pltpu.SemaphoreType.DMA,
    ]

    def body(h_hbm, src3_hbm, dst3_hbm, hs_out, hd_out,
             ib0, ib1, rb0, rb1, gs0, gs1, ws0, ws1):
        idxb, rows = (ib0, ib1), (rb0, rb1)
        gsem, wsem = (gs0, gs1), (ws0, ws1)
        cid = lax.axis_index("c")
        sid = lax.axis_index("s")
        wid = sid * _NCORES + cid

        for idx3_hbm, out_hbm in ((src3_hbm, hs_out), (dst3_hbm, hd_out)):
            def load_idx(g, b):
                pltpu.sync_copy(idx3_hbm.at[pl.ds(wid * n_iter + g, 1)], idxb[b])

            def start_gathers(b):
                for j in range(_NSTREAM):
                    pltpu.async_copy(h_hbm.at[idxb[b].at[0, j]],
                                     rows[b].at[pl.ds(j * _CHUNK, _CHUNK)],
                                     gsem[b])

            def drain_gathers(b):
                for j in range(_NSTREAM):
                    pltpu.make_async_copy(
                        h_hbm.at[pl.ds(0, _CHUNK)],
                        rows[b].at[pl.ds(j * _CHUNK, _CHUNK)], gsem[b]).wait()

            def start_write(g, b):
                pltpu.async_copy(rows[b],
                                 out_hbm.at[pl.ds(wid * EPW + g * IB, IB)],
                                 wsem[b])

            def drain_write(g, b):
                pltpu.make_async_copy(
                    rows[b], out_hbm.at[pl.ds(wid * EPW + g * IB, IB)],
                    wsem[b]).wait()

            load_idx(0, 0)
            start_gathers(0)

            @pl.loop(0, n_iter - 1, step=2)
            def _(i0):
                for b in (0, 1):
                    g = i0 + b
                    nb = 1 - b

                    @pl.when(g >= 1)
                    def _():
                        drain_write(g - 1, nb)
                    load_idx(g + 1, nb)
                    start_gathers(nb)
                    drain_gathers(b)
                    start_write(g, b)

            drain_gathers(0)
            start_write(n_iter - 1, 0)
            drain_write(n_iter - 1, 0)
            drain_write(n_iter - 2, 1)

    return pl.kernel(body, out_type=out_type, mesh=mesh, scratch_types=scratch)(
        h, src3d, dst3d)


def _edge_head_body(hs_ref, hd_ref, a_ref, w1_ref, b1_ref,
                    wsrc_ref, wdst_ref, wr_ref, ball_ref,
                    w2c_ref, b2c_ref, w2p_ref, b2p_ref, w3c_ref, b3c_ref,
                    w3p_ref, b3p_ref, logit_ref, par_ref):
    hs = hs_ref[...]
    hd = hd_ref[...]
    a = a_ref[...]
    r = jnp.maximum(a * w1_ref[...] + b1_ref[...], 0.0)
    u = (jnp.dot(hs, wsrc_ref[...], preferred_element_type=jnp.float32)
         + jnp.dot(hd, wdst_ref[...], preferred_element_type=jnp.float32)
         + jnp.dot(r, wr_ref[...], preferred_element_type=jnp.float32)
         + ball_ref[...])
    u = jnp.maximum(u, 0.0)
    c = u[:, :128]
    q = u[:, 128:]
    c2 = jnp.maximum(jnp.dot(c, w2c_ref[...], preferred_element_type=jnp.float32)
                     + b2c_ref[...], 0.0)
    q2 = jnp.maximum(jnp.dot(q, w2p_ref[...], preferred_element_type=jnp.float32)
                     + b2p_ref[...], 0.0)
    lg = jnp.dot(c2, w3c_ref[...], preferred_element_type=jnp.float32) + b3c_ref[...]
    logit_ref[...] = lg
    pp = jnp.dot(q2, w3p_ref[...], preferred_element_type=jnp.float32) + b3p_ref[...]
    par_ref[...] = jax.nn.softplus(pp) + 1e-6


def _edge_head(hs, hd, a, w1_row, b1_row, wsrc, wdst, wr, ball, w2c, b2c,
               w2p, b2p, w3c, b3c, w3p, b3p, BE):
    E = hs.shape[0]
    grid = (E // BE,)
    wb = lambda shape: pl.BlockSpec(shape, lambda i: tuple(0 for _ in shape))
    return pl.pallas_call(
        _edge_head_body,
        grid=grid,
        in_specs=[
            pl.BlockSpec((BE, 128), lambda i: (i, 0)),
            pl.BlockSpec((BE, 128), lambda i: (i, 0)),
            pl.BlockSpec((BE, 1), lambda i: (i, 0)),
            wb((1, 32)), wb((1, 32)),
            wb((128, 256)), wb((128, 256)), wb((32, 256)), wb((1, 256)),
            wb((128, 64)), wb((1, 64)), wb((128, 64)), wb((1, 64)),
            wb((64, 1)), wb((1, 1)), wb((64, 4)), wb((1, 4)),
        ],
        out_specs=[
            pl.BlockSpec((BE, 1), lambda i: (i, 0)),
            pl.BlockSpec((BE, 4), lambda i: (i, 0)),
        ],
        out_shape=[
            jax.ShapeDtypeStruct((E, 1), jnp.float32),
            jax.ShapeDtypeStruct((E, 4), jnp.float32),
        ],
    )(hs, hd, a, w1_row, b1_row, wsrc, wdst, wr, ball,
      w2c, b2c, w2p, b2p, w3c, b3c, w3p, b3p)


def _layer_norm(x, g, b):
    m = x.mean(-1, keepdims=True)
    v = ((x - m) ** 2).mean(-1, keepdims=True)
    return (x - m) / jnp.sqrt(v + 1e-5) * g + b


def kernel(x, edge_index, edge_attr, params):
    N, D = x.shape
    E = edge_index.shape[1]
    H = 16
    DH = D // H
    src, dst = edge_index[0], edge_index[1]

    p = params
    BE = 3200 if E % 3200 == 0 else E

    w1_row = p['ee_W1'].T.reshape(1, -1)
    b1_row = p['ee_b1'].reshape(1, -1)
    wsum_row = p['ee_W2'].sum(0).reshape(1, -1)
    csum = p['ee_b2'].sum()
    rtmp = jnp.maximum(edge_attr * w1_row + b1_row, 0.0)
    ew = jax.nn.sigmoid(jnp.sum(rtmp * wsum_row, axis=1) + csum)

    h = x @ p['in_W'].T + p['in_b']

    src3s = src.reshape(E // _CHUNK, 1, _CHUNK)
    dst3s = dst.reshape(E // _CHUNK, 1, _CHUNK)
    src3g = src.reshape(E // (_NSTREAM * _CHUNK), _NSTREAM, _CHUNK)
    dst3g = dst.reshape(E // (_NSTREAM * _CHUNK), _NSTREAM, _CHUNK)
    ew1d = jnp.broadcast_to(ew[:, None], (E, 16)).reshape(E * 16)
    (c_parts,) = _sc_counts(dst, N)
    counts = c_parts[0, :N, 0] + c_parts[1, :N, 0]
    inv_cnt = 1.0 / jnp.maximum(counts, 1.0)
    for li, lp in enumerate(p['layers']):
        (p_parts,) = _sc_segsum(h, src3s, dst3s, ew1d)
        P = p_parts[0, :N, :D] + p_parts[1, :N, :D]
        S = (P @ lp['Wq'].T).reshape(N, H, DH)
        K = (h @ lp['Wk'].T).reshape(N, H, DH)
        V = (h @ lp['Wv'].T).reshape(N, H, DH)
        s = (K * S).sum(-1) * (1.0 / jnp.sqrt(jnp.float32(DH)))
        attn = (V * s[:, :, None] * inv_cnt[:, None, None]).reshape(N, D)
        attn = attn @ lp['Wo'].T + lp['bo']
        h1 = _layer_norm(h + attn, lp['ln1_g'], lp['ln1_b'])
        ff = jnp.maximum(h1 @ lp['ff_W1'].T + lp['ff_b1'], 0.0) @ lp['ff_W2'].T + lp['ff_b2']
        h = _layer_norm(h1 + ff, lp['ln2_g'], lp['ln2_b'])

    W1_all = jnp.concatenate([p['cls_W1'], p['pp_W1']], axis=0)
    wsrc = W1_all[:, :D].T
    wdst = W1_all[:, D:2 * D].T
    wr = p['ee_W2'].T @ W1_all[:, 2 * D:].T
    ball = (jnp.concatenate([p['cls_b1'], p['pp_b1']])
            + p['ee_b2'] @ W1_all[:, 2 * D:].T).reshape(1, -1)

    hs, hd = _sc_gather2(h, src3g, dst3g, E)
    logits, pars = _edge_head(
        hs, hd, edge_attr, w1_row, b1_row, wsrc, wdst, wr, ball,
        p['cls_W2'].T, p['cls_b2'].reshape(1, -1),
        p['pp_W2'].T, p['pp_b2'].reshape(1, -1),
        p['cls_W3'].T, p['cls_b3'].reshape(1, -1),
        p['pp_W3'].T, p['pp_b3'].reshape(1, -1), BE)
    return logits[:, 0], pars

# --- scband reference (transcript-rebuilt; emitter-appended) ---
"""Pipeline reference for scband-physics-graph-transformer-38010460570143 (READ-ONLY COPY).

The authoritative reference and input builder live on the scoring server;
editing this copy changes nothing except your own understanding.
"""

import jax, jax.numpy as jnp
import numpy as np

N, E, D, H, NL = 10000, 320000, 128, 16, 2
DH = D // H
DFF = 4 * D
DE = D // 2
DCAT = 2 * D + DE
NEP = 4


def _lin_w(k, out_d, in_d):
    s = (2.0 / (in_d + out_d)) ** 0.5
    return jax.random.normal(k, (out_d, in_d), jnp.float32) * s


def setup_inputs(seed: int = 0) -> dict:
    key = jax.random.key(seed)
    ki = iter(jax.random.split(key, 64))
    x = jax.random.normal(next(ki), (N, D), jnp.float32)
    edge_index = jax.random.randint(next(ki), (2, E), 0, N)
    edge_attr = jax.random.normal(next(ki), (E, 1), jnp.float32)
    params = {
        'in_W': _lin_w(next(ki), D, D), 'in_b': jnp.zeros((D,), jnp.float32),
        'ee_W1': _lin_w(next(ki), D // 4, 1), 'ee_b1': jnp.zeros((D // 4,), jnp.float32),
        'ee_W2': _lin_w(next(ki), DE, D // 4), 'ee_b2': jnp.zeros((DE,), jnp.float32),
        'layers': [],
    }
    for _ in range(NL):
        params['layers'].append({
            'Wq': _lin_w(next(ki), D, D), 'Wk': _lin_w(next(ki), D, D),
            'Wv': _lin_w(next(ki), D, D), 'Wo': _lin_w(next(ki), D, D),
            'bo': jnp.zeros((D,), jnp.float32),
            'ff_W1': _lin_w(next(ki), DFF, D), 'ff_b1': jnp.zeros((DFF,), jnp.float32),
            'ff_W2': _lin_w(next(ki), D, DFF), 'ff_b2': jnp.zeros((D,), jnp.float32),
            'ln1_g': jnp.ones((D,), jnp.float32), 'ln1_b': jnp.zeros((D,), jnp.float32),
            'ln2_g': jnp.ones((D,), jnp.float32), 'ln2_b': jnp.zeros((D,), jnp.float32),
        })
    params['cls_W1'] = _lin_w(next(ki), D, DCAT); params['cls_b1'] = jnp.zeros((D,), jnp.float32)
    params['cls_W2'] = _lin_w(next(ki), DE, D); params['cls_b2'] = jnp.zeros((DE,), jnp.float32)
    params['cls_W3'] = _lin_w(next(ki), 1, DE); params['cls_b3'] = jnp.zeros((1,), jnp.float32)
    params['pp_W1'] = _lin_w(next(ki), D, DCAT); params['pp_b1'] = jnp.zeros((D,), jnp.float32)
    params['pp_W2'] = _lin_w(next(ki), DE, D); params['pp_b2'] = jnp.zeros((DE,), jnp.float32)
    params['pp_W3'] = _lin_w(next(ki), NEP, DE); params['pp_b3'] = jnp.zeros((NEP,), jnp.float32)
    return {'x': x, 'edge_index': edge_index, 'edge_attr': edge_attr, 'params': params}


def _linear(x, W, b):
    return x @ W.T + b


def _layer_norm(x, g, b):
    m = x.mean(-1, keepdims=True)
    v = ((x - m) ** 2).mean(-1, keepdims=True)
    return (x - m) / jnp.sqrt(v + 1e-5) * g + b


def _mha(h, edge_index, edge_feat, p):
    n = h.shape[0]
    Q = (h @ p['Wq'].T).reshape(n, H, DH)
    K = (h @ p['Wk'].T).reshape(n, H, DH)
    V = (h @ p['Wv'].T).reshape(n, H, DH)
    src, dst = edge_index[0], edge_index[1]
    q_i = Q[src]
    k_j = K[dst]
    v_j = V[dst]
    scores = (q_i * k_j).sum(-1) * (1.0 / jnp.sqrt(jnp.float32(DH)))
    ew = jax.nn.sigmoid(edge_feat.sum(-1, keepdims=True))
    scores = scores * ew
    weighted = v_j * scores[:, :, None]
    sums = jax.ops.segment_sum(weighted, dst, num_segments=n)
    counts = jax.ops.segment_sum(jnp.ones((weighted.shape[0],), jnp.float32), dst, num_segments=n)
    out = sums / jnp.maximum(counts, 1.0)[:, None, None]
    out = out.reshape(n, D)
    return out @ p['Wo'].T + p['bo']


def _forward(x, edge_attr, params, edge_index):
    h = _linear(x, params['in_W'], params['in_b'])
    ef = jax.nn.relu(_linear(edge_attr, params['ee_W1'], params['ee_b1']))
    ef = _linear(ef, params['ee_W2'], params['ee_b2'])
    for p in params['layers']:
        attn = _mha(h, edge_index, ef, p)
        h1 = _layer_norm(h + attn, p['ln1_g'], p['ln1_b'])
        ff = _linear(jax.nn.relu(_linear(h1, p['ff_W1'], p['ff_b1'])), p['ff_W2'], p['ff_b2'])
        h = _layer_norm(h1 + ff, p['ln2_g'], p['ln2_b'])
    src, dst = edge_index[0], edge_index[1]
    feats = jnp.concatenate([h[src], h[dst], ef], axis=1)
    c = jax.nn.relu(_linear(feats, params['cls_W1'], params['cls_b1']))
    c = jax.nn.relu(_linear(c, params['cls_W2'], params['cls_b2']))
    edge_logits = _linear(c, params['cls_W3'], params['cls_b3'])[:, 0]
    q = jax.nn.relu(_linear(feats, params['pp_W1'], params['pp_b1']))
    q = jax.nn.relu(_linear(q, params['pp_W2'], params['pp_b2']))
    edge_params = jax.nn.softplus(_linear(q, params['pp_W3'], params['pp_b3'])) + 1e-6
    return edge_logits, edge_params


def reference(x, edge_index, edge_attr, params):
    return _forward(x, edge_attr, params, edge_index)

if __name__ == "__main__":
    import jax
    _d = setup_inputs()
    print(jax.jit(kernel)(*tuple(_d.values())))

</pallas_src>

<mosaic_0001>
#map = affine_map<(d0, d1) -> (0, 0)>
#map1 = affine_map<(d0, d1) -> (0, 0, 0)>
#map2 = affine_map<(d0, d1) -> (0)>
module attributes {stable_mosaic.version = 14 : i64} {
  func.func @body(%arg0: i32, %arg1: i32, %arg2: memref<10000x128xf32, #tpu.memory_space<hbm>>, %arg3: memref<4000x1x80xi32, #tpu.memory_space<hbm>>, %arg4: memref<4000x1x80xi32, #tpu.memory_space<hbm>>, %arg5: memref<5120000xf32, #tpu.memory_space<hbm>>, %arg6: memref<2x10112x128xf32, #tpu.memory_space<hbm>>, %arg7: memref<1x1x80xi32, #tpu.memory_space<vmem>>, %arg8: memref<1x1x80xi32, #tpu.memory_space<vmem>>, %arg9: memref<1x1x80xi32, #tpu.memory_space<vmem>>, %arg10: memref<1x1x80xi32, #tpu.memory_space<vmem>>, %arg11: memref<1280xf32, #tpu.memory_space<vmem>>, %arg12: memref<1280xf32, #tpu.memory_space<vmem>>, %arg13: memref<80x128xf32, #tpu.memory_space<vmem>>, %arg14: memref<80x128xf32, #tpu.memory_space<vmem>>, %arg15: memref<10112x128xf32, #tpu.memory_space<vmem_shared>>, %arg16: memref<!tpu.dma_semaphore, #tpu.memory_space<semaphore_mem>>, %arg17: memref<!tpu.dma_semaphore, #tpu.memory_space<semaphore_mem>>, %arg18: memref<!tpu.dma_semaphore, #tpu.memory_space<semaphore_mem>>, %arg19: memref<!tpu.dma_semaphore, #tpu.memory_space<semaphore_mem>>) attributes {dimension_semantics = [#tpu.dimension_semantics<core_parallel>, #tpu.dimension_semantics<subcore_parallel>], iteration_bounds = array<i64: 2, 16>, scalar_prefetch = 0 : i64, scratch_operands = 13 : i64, tpu.core_type = #tpu.core_type<sc_vector_subcore>, window_params = [{transform_indices = #map}, {transform_indices = #map1}, {transform_indices = #map1}, {transform_indices = #map2}, {transform_indices = #map1}]} {
    %mul3A = arith.constant 2 : i32
    %mul3A_0 = arith.muli %arg1, %mul3A : i32
    %add3A = arith.addi %mul3A_0, %arg0 : i32
    %mul3A_1 = arith.constant 632 : i32
    %mul3A_2 = arith.muli %arg1, %mul3A_1 : i32
    %broadcast_in_dim3A = arith.constant 0.000000e+00 : f32
    %broadcast_in_dim3A_3 = vector.broadcast %broadcast_in_dim3A : f32 to vector<16xf32>
    %scan3A = arith.constant 0 : i32
    %scan3A_4 = arith.constant 0 : i32
    %scan3A_5 = arith.constant 80 : i32
    %scan3A_6 = arith.addi %scan3A_4, %scan3A_5 : i32
    %scan3A_7 = arith.constant 1 : i32
    %scan3A_8 = scf.for %scan3A_121 = %scan3A_4 to %scan3A_6 step %scan3A_7 iter_args(%scan3A_122 = %scan3A) -> (i32)  : i32 {
      %swap3A = arith.index_cast %scan3A_121 : i32 to index
      %swap3A_123 = arith.constant 0 : index
      %swap3A_124 = tpu.vector_load %arg13[%swap3A, %swap3A_123] {strides = array<i32>} : memref<80x128xf32, #tpu.memory_space<vmem>>, vector<1x16xf32>,
      %swap3A_125 = vector.shape_cast %swap3A_124 : vector<1x16xf32> to vector<16xf32>
      %swap3A_126 = vector.shape_cast %broadcast_in_dim3A_3 : vector<16xf32> to vector<1x16xf32>
      tpu.vector_store %arg13[%swap3A, %swap3A_123], %swap3A_126 {strides = array<i32>} : memref<80x128xf32, #tpu.memory_space<vmem>>, vector<1x16xf32>,
      %swap3A_127 = arith.index_cast %scan3A_121 : i32 to index
      %swap3A_128 = arith.constant 16 : index
      %swap3A_129 = tpu.vector_load %arg13[%swap3A_127, %swap3A_128] {strides = array<i32>} : memref<80x128xf32, #tpu.memory_space<vmem>>, vector<1x16xf32>,
      %swap3A_130 = vector.shape_cast %swap3A_129 : vector<1x16xf32> to vector<16xf32>
      %swap3A_131 = vector.shape_cast %broadcast_in_dim3A_3 : vector<16xf32> to vector<1x16xf32>
      tpu.vector_store %arg13[%swap3A_127, %swap3A_128], %swap3A_131 {strides = array<i32>} : memref<80x128xf32, #tpu.memory_space<vmem>>, vector<1x16xf32>,
      %swap3A_132 = arith.index_cast %scan3A_121 : i32 to index
      %swap3A_133 = arith.constant 32 : index
      %swap3A_134 = tpu.vector_load %arg13[%swap3A_132, %swap3A_133] {strides = array<i32>} : memref<80x128xf32, #tpu.memory_space<vmem>>, vector<1x16xf32>,
      %swap3A_135 = vector.shape_cast %swap3A_134 : vector<1x16xf32> to vector<16xf32>
      %swap3A_136 = vector.shape_cast %broadcast_in_dim3A_3 : vector<16xf32> to vector<1x16xf32>
      tpu.vector_store %arg13[%swap3A_132, %swap3A_133], %swap3A_136 {strides = array<i32>} : memref<80x128xf32, #tpu.memory_space<vmem>>, vector<1x16xf32>,
      %swap3A_137 = arith.index_cast %scan3A_121 : i32 to index
      %swap3A_138 = arith.constant 48 : index
      %swap3A_139 = tpu.vector_load %arg13[%swap3A_137, %swap3A_138] {strides = array<i32>} : memref<80x128xf32, #tpu.memory_space<vmem>>, vector<1x16xf32>,
      %swap3A_140 = vector.shape_cast %swap3A_139 : vector<1x16xf32> to vector<16xf32>
      %swap3A_141 = vector.shape_cast %broadcast_in_dim3A_3 : vector<16xf32> to vector<1x16xf32>
      tpu.vector_store %arg13[%swap3A_137, %swap3A_138], %swap3A_141 {strides = array<i32>} : memref<80x128xf32, #tpu.memory_space<vmem>>, vector<1x16xf32>,
      %swap3A_142 = arith.index_cast %scan3A_121 : i32 to index
      %swap3A_143 = arith.constant 64 : index
      %swap3A_144 = tpu.vector_load %arg13[%swap3A_142, %swap3A_143] {strides = array<i32>} : memref<80x128xf32, #tpu.memory_space<vmem>>, vector<1x16xf32>,
      %swap3A_145 = vector.shape_cast %swap3A_144 : vector<1x16xf32> to vector<16xf32>
      %swap3A_146 = vector.shape_cast %broadcast_in_dim3A_3 : vector<16xf32> to vector<1x16xf32>
      tpu.vector_store %arg13[%swap3A_142, %swap3A_143], %swap3A_146 {strides = array<i32>} : memref<80x128xf32, #tpu.memory_space<vmem>>, vector<1x16xf32>,
      %swap3A_147 = arith.index_cast %scan3A_121 : i32 to index
      %swap3A_148 = arith.constant 80 : index
      %swap3A_149 = tpu.vector_load %arg13[%swap3A_147, %swap3A_148] {strides = array<i32>} : memref<80x128xf32, #tpu.memory_space<vmem>>, vector<1x16xf32>,
      %swap3A_150 = vector.shape_cast %swap3A_149 : vector<1x16xf32> to vector<16xf32>
      %swap3A_151 = vector.shape_cast %broadcast_in_dim3A_3 : vector<16xf32> to vector<1x16xf32>
      tpu.vector_store %arg13[%swap3A_147, %swap3A_148], %swap3A_151 {strides = array<i32>} : memref<80x128xf32, #tpu.memory_space<vmem>>, vector<1x16xf32>,
      %swap3A_152 = arith.index_cast %scan3A_121 : i32 to index
      %swap3A_153 = arith.constant 96 : index
      %swap3A_154 = tpu.vector_load %arg13[%swap3A_152, %swap3A_153] {strides = array<i32>} : memref<80x128xf32, #tpu.memory_space<vmem>>, vector<1x16xf32>,
      %swap3A_155 = vector.shape_cast %swap3A_154 : vector<1x16xf32> to vector<16xf32>
      %swap3A_156 = vector.shape_cast %broadcast_in_dim3A_3 : vector<16xf32> to vector<1x16xf32>
      tpu.vector_store %arg13[%swap3A_152, %swap3A_153], %swap3A_156 {strides = array<i32>} : memref<80x128xf32, #tpu.memory_space<vmem>>, vector<1x16xf32>,
      %swap3A_157 = arith.index_cast %scan3A_121 : i32 to index
      %swap3A_158 = arith.constant 112 : index
      %swap3A_159 = tpu.vector_load %arg13[%swap3A_157, %swap3A_158] {strides = array<i32>} : memref<80x128xf32, #tpu.memory_space<vmem>>, vector<1x16xf32>,
      %swap3A_160 = vector.shape_cast %swap3A_159 : vector<1x16xf32> to vector<16xf32>
      %swap3A_161 = vector.shape_cast %broadcast_in_dim3A_3 : vector<16xf32> to vector<1x16xf32>
      tpu.vector_store %arg13[%swap3A_157, %swap3A_158], %swap3A_161 {strides = array<i32>} : memref<80x128xf32, #tpu.memory_space<vmem>>, vector<1x16xf32>,
      %scan3A_162 = arith.constant 0 : i32
      scf.yield %scan3A_162 : i32
    }
    %scan3A_9 = arith.constant 80 : i32
    %mul3A_10 = arith.constant 632 : i32
    %mul3A_11 = arith.muli %arg1, %mul3A_10 : i32
    %add3A_12 = arith.constant 0 : i32
    %add3A_13 = arith.addi %mul3A_11, %add3A_12 : i32
    "tpu.region"() ({
      %run_scoped3A = tpu.sem_alloc : memref<!tpu.dma_semaphore, #tpu.memory_space<semaphore_mem>>
      %dma_start3A_121 = arith.constant 0 : i32
      %dma_start3A_122 = tpu.memref_slice %arg15[%add3A_13, %dma_start3A_121] : memref<10112x128xf32, #tpu.memory_space<vmem_shared>> -> memref<80x128xf32, #tpu.memory_space<vmem_shared>>
      %dma_start3A_123 = arith.constant 0 : i32
      %dma_start3A_124 = tpu.memref_slice %arg15[%add3A_13, %dma_start3A_123] : memref<10112x128xf32, #tpu.memory_space<vmem_shared>> -> memref<80x128xf32, #tpu.memory_space<vmem_shared>>
      tpu.enqueue_dma source(%arg13 : memref<80x128xf32, #tpu.memory_space<vmem>>) target(%dma_start3A_124 : memref<80x128xf32, #tpu.memory_space<vmem_shared>>) target_semaphore(%run_scoped3A : memref<!tpu.dma_semaphore, #tpu.memory_space<semaphore_mem>>)
      %dma_wait3A_125 = arith.constant 0 : i32
      %dma_wait3A_126 = tpu.memref_slice %arg15[%add3A_13, %dma_wait3A_125] : memref<10112x128xf32, #tpu.memory_space<vmem_shared>> -> memref<80x128xf32, #tpu.memory_space<vmem_shared>>
      %dma_wait3A_127 = arith.constant 0 : i32
      %dma_wait3A_128 = tpu.memref_slice %arg15[%add3A_13, %dma_wait3A_127] : memref<10112x128xf32, #tpu.memory_space<vmem_shared>> -> memref<80x128xf32, #tpu.memory_space<vmem_shared>>
      tpu.wait_dma2 semaphore(%run_scoped3A : memref<!tpu.dma_semaphore, #tpu.memory_space<semaphore_mem>>) src(%arg13 : memref<80x128xf32, #tpu.memory_space<vmem>>) dst(%dma_wait3A_128 : memref<80x128xf32, #tpu.memory_space<vmem_shared>>)
      tpu.yield
    }) : () -> ()
    %mul3A_14 = arith.constant 632 : i32
    %mul3A_15 = arith.muli %arg1, %mul3A_14 : i32
    %add3A_16 = arith.constant 80 : i32
    %add3A_17 = arith.addi %mul3A_15, %add3A_16 : i32
    "tpu.region"() ({
      %run_scoped3A = tpu.sem_alloc : memref<!tpu.dma_semaphore, #tpu.memory_space<semaphore_mem>>
      %dma_start3A_121 = arith.constant 0 : i32
      %dma_start3A_122 = tpu.memref_slice %arg15[%add3A_17, %dma_start3A_121] : memref<10112x128xf32, #tpu.memory_space<vmem_shared>> -> memref<80x128xf32, #tpu.memory_space<vmem_shared>>
      %dma_start3A_123 = arith.constant 0 : i32
      %dma_start3A_124 = tpu.memref_slice %arg15[%add3A_17, %dma_start3A_123] : memref<10112x128xf32, #tpu.memory_space<vmem_shared>> -> memref<80x128xf32, #tpu.memory_space<vmem_shared>>
      tpu.enqueue_dma source(%arg13 : memref<80x128xf32, #tpu.memory_space<vmem>>) target(%dma_start3A_124 : memref<80x128xf32, #tpu.memory_space<vmem_shared>>) target_semaphore(%run_scoped3A : memref<!tpu.dma_semaphore, #tpu.memory_space<semaphore_mem>>)
      %dma_wait3A_125 = arith.constant 0 : i32
      %dma_wait3A_126 = tpu.memref_slice %arg15[%add3A_17, %dma_wait3A_125] : memref<10112x128xf32, #tpu.memory_space<vmem_shared>> -> memref<80x128xf32, #tpu.memory_space<vmem_shared>>
      %dma_wait3A_127 = arith.constant 0 : i32
      %dma_wait3A_128 = tpu.memref_slice %arg15[%add3A_17, %dma_wait3A_127] : memref<10112x128xf32, #tpu.memory_space<vmem_shared>> -> memref<80x128xf32, #tpu.memory_space<vmem_shared>>
      tpu.wait_dma2 semaphore(%run_scoped3A : memref<!tpu.dma_semaphore, #tpu.memory_space<semaphore_mem>>) src(%arg13 : memref<80x128xf32, #tpu.memory_space<vmem>>) dst(%dma_wait3A_128 : memref<80x128xf32, #tpu.memory_space<vmem_shared>>)
      tpu.yield
    }) : () -> ()
    %mul3A_18 = arith.constant 632 : i32
    %mul3A_19 = arith.muli %arg1, %mul3A_18 : i32
    %add3A_20 = arith.constant 160 : i32
    %add3A_21 = arith.addi %mul3A_19, %add3A_20 : i32
    "tpu.region"() ({
      %run_scoped3A = tpu.sem_alloc : memref<!tpu.dma_semaphore, #tpu.memory_space<semaphore_mem>>
      %dma_start3A_121 = arith.constant 0 : i32
      %dma_start3A_122 = tpu.memref_slice %arg15[%add3A_21, %dma_start3A_121] : memref<10112x128xf32, #tpu.memory_space<vmem_shared>> -> memref<80x128xf32, #tpu.memory_space<vmem_shared>>
      %dma_start3A_123 = arith.constant 0 : i32
      %dma_start3A_124 = tpu.memref_slice %arg15[%add3A_21, %dma_start3A_123] : memref<10112x128xf32, #tpu.memory_space<vmem_shared>> -> memref<80x128xf32, #tpu.memory_space<vmem_shared>>
      tpu.enqueue_dma source(%arg13 : memref<80x128xf32, #tpu.memory_space<vmem>>) target(%dma_start3A_124 : memref<80x128xf32, #tpu.memory_space<vmem_shared>>) target_semaphore(%run_scoped3A : memref<!tpu.dma_semaphore, #tpu.memory_space<semaphore_mem>>)
      %dma_wait3A_125 = arith.constant 0 : i32
      %dma_wait3A_126 = tpu.memref_slice %arg15[%add3A_21, %dma_wait3A_125] : memref<10112x128xf32, #tpu.memory_space<vmem_shared>> -> memref<80x128xf32, #tpu.memory_space<vmem_shared>>
      %dma_wait3A_127 = arith.constant 0 : i32
      %dma_wait3A_128 = tpu.memref_slice %arg15[%add3A_21, %dma_wait3A_127] : memref<10112x128xf32, #tpu.memory_space<vmem_shared>> -> memref<80x128xf32, #tpu.memory_space<vmem_shared>>
      tpu.wait_dma2 semaphore(%run_scoped3A : memref<!tpu.dma_semaphore, #tpu.memory_space<semaphore_mem>>) src(%arg13 : memref<80x128xf32, #tpu.memory_space<vmem>>) dst(%dma_wait3A_128 : memref<80x128xf32, #tpu.memory_space<vmem_shared>>)
      tpu.yield
    }) : () -> ()
    %mul3A_22 = arith.constant 632 : i32
    %mul3A_23 = arith.muli %arg1, %mul3A_22 : i32
    %add3A_24 = arith.constant 240 : i32
    %add3A_25 = arith.addi %mul3A_23, %add3A_24 : i32
    "tpu.region"() ({
      %run_scoped3A = tpu.sem_alloc : memref<!tpu.dma_semaphore, #tpu.memory_space<semaphore_mem>>
      %dma_start3A_121 = arith.constant 0 : i32
      %dma_start3A_122 = tpu.memref_slice %arg15[%add3A_25, %dma_start3A_121] : memref<10112x128xf32, #tpu.memory_space<vmem_shared>> -> memref<80x128xf32, #tpu.memory_space<vmem_shared>>
      %dma_start3A_123 = arith.constant 0 : i32
      %dma_start3A_124 = tpu.memref_slice %arg15[%add3A_25, %dma_start3A_123] : memref<10112x128xf32, #tpu.memory_space<vmem_shared>> -> memref<80x128xf32, #tpu.memory_space<vmem_shared>>
      tpu.enqueue_dma source(%arg13 : memref<80x128xf32, #tpu.memory_space<vmem>>) target(%dma_start3A_124 : memref<80x128xf32, #tpu.memory_space<vmem_shared>>) target_semaphore(%run_scoped3A : memref<!tpu.dma_semaphore, #tpu.memory_space<semaphore_mem>>)
      %dma_wait3A_125 = arith.constant 0 : i32
      %dma_wait3A_126 = tpu.memref_slice %arg15[%add3A_25, %dma_wait3A_125] : memref<10112x128xf32, #tpu.memory_space<vmem_shared>> -> memref<80x128xf32, #tpu.memory_space<vmem_shared>>
      %dma_wait3A_127 = arith.constant 0 : i32
      %dma_wait3A_128 = tpu.memref_slice %arg15[%add3A_25, %dma_wait3A_127] : memref<10112x128xf32, #tpu.memory_space<vmem_shared>> -> memref<80x128xf32, #tpu.memory_space<vmem_shared>>
      tpu.wait_dma2 semaphore(%run_scoped3A : memref<!tpu.dma_semaphore, #tpu.memory_space<semaphore_mem>>) src(%arg13 : memref<80x128xf32, #tpu.memory_space<vmem>>) dst(%dma_wait3A_128 : memref<80x128xf32, #tpu.memory_space<vmem_shared>>)
      tpu.yield
    }) : () -> ()
    %mul3A_26 = arith.constant 632 : i32
    %mul3A_27 = arith.muli %arg1, %mul3A_26 : i32
    %add3A_28 = arith.constant 320 : i32
    %add3A_29 = arith.addi %mul3A_27, %add3A_28 : i32
    "tpu.region"() ({
      %run_scoped3A = tpu.sem_alloc : memref<!tpu.dma_semaphore, #tpu.memory_space<semaphore_mem>>
      %dma_start3A_121 = arith.constant 0 : i32
      %dma_start3A_122 = tpu.memref_slice %arg15[%add3A_29, %dma_start3A_121] : memref<10112x128xf32, #tpu.memory_space<vmem_shared>> -> memref<80x128xf32, #tpu.memory_space<vmem_shared>>
      %dma_start3A_123 = arith.constant 0 : i32
      %dma_start3A_124 = tpu.memref_slice %arg15[%add3A_29, %dma_start3A_123] : memref<10112x128xf32, #tpu.memory_space<vmem_shared>> -> memref<80x128xf32, #tpu.memory_space<vmem_shared>>
      tpu.enqueue_dma source(%arg13 : memref<80x128xf32, #tpu.memory_space<vmem>>) target(%dma_start3A_124 : memref<80x128xf32, #tpu.memory_space<vmem_shared>>) target_semaphore(%run_scoped3A : memref<!tpu.dma_semaphore, #tpu.memory_space<semaphore_mem>>)
      %dma_wait3A_125 = arith.constant 0 : i32
      %dma_wait3A_126 = tpu.memref_slice %arg15[%add3A_29, %dma_wait3A_125] : memref<10112x128xf32, #tpu.memory_space<vmem_shared>> -> memref<80x128xf32, #tpu.memory_space<vmem_shared>>
      %dma_wait3A_127 = arith.constant 0 : i32
      %dma_wait3A_128 = tpu.memref_slice %arg15[%add3A_29, %dma_wait3A_127] : memref<10112x128xf32, #tpu.memory_space<vmem_shared>> -> memref<80x128xf32, #tpu.memory_space<vmem_shared>>
      tpu.wait_dma2 semaphore(%run_scoped3A : memref<!tpu.dma_semaphore, #tpu.memory_space<semaphore_mem>>) src(%arg13 : memref<80x128xf32, #tpu.memory_space<vmem>>) dst(%dma_wait3A_128 : memref<80x128xf32, #tpu.memory_space<vmem_shared>>)
      tpu.yield
    }) : () -> ()
    %mul3A_30 = arith.constant 632 : i32
    %mul3A_31 = arith.muli %arg1, %mul3A_30 : i32
    %add3A_32 = arith.constant 400 : i32
    %add3A_33 = arith.addi %mul3A_31, %add3A_32 : i32
    "tpu.region"() ({
      %run_scoped3A = tpu.sem_alloc : memref<!tpu.dma_semaphore, #tpu.memory_space<semaphore_mem>>
      %dma_start3A_121 = arith.constant 0 : i32
      %dma_start3A_122 = tpu.memref_slice %arg15[%add3A_33, %dma_start3A_121] : memref<10112x128xf32, #tpu.memory_space<vmem_shared>> -> memref<80x128xf32, #tpu.memory_space<vmem_shared>>
      %dma_start3A_123 = arith.constant 0 : i32
      %dma_start3A_124 = tpu.memref_slice %arg15[%add3A_33, %dma_start3A_123] : memref<10112x128xf32, #tpu.memory_space<vmem_shared>> -> memref<80x128xf32, #tpu.memory_space<vmem_shared>>
      tpu.enqueue_dma source(%arg13 : memref<80x128xf32, #tpu.memory_space<vmem>>) target(%dma_start3A_124 : memref<80x128xf32, #tpu.memory_space<vmem_shared>>) target_semaphore(%run_scoped3A : memref<!tpu.dma_semaphore, #tpu.memory_space<semaphore_mem>>)
      %dma_wait3A_125 = arith.constant 0 : i32
      %dma_wait3A_126 = tpu.memref_slice %arg15[%add3A_33, %dma_wait3A_125] : memref<10112x128xf32, #tpu.memory_space<vmem_shared>> -> memref<80x128xf32, #tpu.memory_space<vmem_shared>>
      %dma_wait3A_127 = arith.constant 0 : i32
      %dma_wait3A_128 = tpu.memref_slice %arg15[%add3A_33, %dma_wait3A_127] : memref<10112x128xf32, #tpu.memory_space<vmem_shared>> -> memref<80x128xf32, #tpu.memory_space<vmem_shared>>
      tpu.wait_dma2 semaphore(%run_scoped3A : memref<!tpu.dma_semaphore, #tpu.memory_space<semaphore_mem>>) src(%arg13 : memref<80x128xf32, #tpu.memory_space<vmem>>) dst(%dma_wait3A_128 : memref<80x128xf32, #tpu.memory_space<vmem_shared>>)
      tpu.yield
    }) : () -> ()
    %mul3A_34 = arith.constant 632 : i32
    %mul3A_35 = arith.muli %arg1, %mul3A_34 : i32
    %add3A_36 = arith.constant 480 : i32
    %add3A_37 = arith.addi %mul3A_35, %add3A_36 : i32
    "tpu.region"() ({
      %run_scoped3A = tpu.sem_alloc : memref<!tpu.dma_semaphore, #tpu.memory_space<semaphore_mem>>
      %dma_start3A_121 = arith.constant 0 : i32
      %dma_start3A_122 = tpu.memref_slice %arg15[%add3A_37, %dma_start3A_121] : memref<10112x128xf32, #tpu.memory_space<vmem_shared>> -> memref<80x128xf32, #tpu.memory_space<vmem_shared>>
      %dma_start3A_123 = arith.constant 0 : i32
      %dma_start3A_124 = tpu.memref_slice %arg15[%add3A_37, %dma_start3A_123] : memref<10112x128xf32, #tpu.memory_space<vmem_shared>> -> memref<80x128xf32, #tpu.memory_space<vmem_shared>>
      tpu.enqueue_dma source(%arg13 : memref<80x128xf32, #tpu.memory_space<vmem>>) target(%dma_start3A_124 : memref<80x128xf32, #tpu.memory_space<vmem_shared>>) target_semaphore(%run_scoped3A : memref<!tpu.dma_semaphore, #tpu.memory_space<semaphore_mem>>)
      %dma_wait3A_125 = arith.constant 0 : i32
      %dma_wait3A_126 = tpu.memref_slice %arg15[%add3A_37, %dma_wait3A_125] : memref<10112x128xf32, #tpu.memory_space<vmem_shared>> -> memref<80x128xf32, #tpu.memory_space<vmem_shared>>
      %dma_wait3A_127 = arith.constant 0 : i32
      %dma_wait3A_128 = tpu.memref_slice %arg15[%add3A_37, %dma_wait3A_127] : memref<10112x128xf32, #tpu.memory_space<vmem_shared>> -> memref<80x128xf32, #tpu.memory_space<vmem_shared>>
      tpu.wait_dma2 semaphore(%run_scoped3A : memref<!tpu.dma_semaphore, #tpu.memory_space<semaphore_mem>>) src(%arg13 : memref<80x128xf32, #tpu.memory_space<vmem>>) dst(%dma_wait3A_128 : memref<80x128xf32, #tpu.memory_space<vmem_shared>>)
      tpu.yield
    }) : () -> ()
    %mul3A_38 = arith.constant 632 : i32
    %mul3A_39 = arith.muli %arg1, %mul3A_38 : i32
    %add3A_40 = arith.constant 560 : i32
    %add3A_41 = arith.addi %mul3A_39, %add3A_40 : i32
    "tpu.region"() ({
      %run_scoped3A = tpu.sem_alloc : memref<!tpu.dma_semaphore, #tpu.memory_space<semaphore_mem>>
      %dma_start3A_121 = arith.constant 0 : i32
      %dma_start3A_122 = arith.constant 0 : i32
      %dma_start3A_123 = tpu.memref_slice %arg13[%dma_start3A_121, %dma_start3A_122] : memref<80x128xf32, #tpu.memory_space<vmem>> -> memref<72x128xf32, #tpu.memory_space<vmem>>
      %dma_start3A_124 = arith.constant 0 : i32
      %dma_start3A_125 = tpu.memref_slice %arg15[%add3A_41, %dma_start3A_124] : memref<10112x128xf32, #tpu.memory_space<vmem_shared>> -> memref<72x128xf32, #tpu.memory_space<vmem_shared>>
      %dma_start3A_126 = arith.constant 0 : i32
      %dma_start3A_127 = tpu.memref_slice %arg15[%add3A_41, %dma_start3A_126] : memref<10112x128xf32, #tpu.memory_space<vmem_shared>> -> memref<72x128xf32, #tpu.memory_space<vmem_shared>>
      %dma_start3A_128 = arith.constant 0 : i32
      %dma_start3A_129 = arith.constant 0 : i32
      %dma_start3A_130 = tpu.memref_slice %arg13[%dma_start3A_128, %dma_start3A_129] : memref<80x128xf32, #tpu.memory_space<vmem>> -> memref<72x128xf32, #tpu.memory_space<vmem>>
      tpu.enqueue_dma source(%dma_start3A_130 : memref<72x128xf32, #tpu.memory_space<vmem>>) target(%dma_start3A_127 : memref<72x128xf32, #tpu.memory_space<vmem_shared>>) target_semaphore(%run_scoped3A : memref<!tpu.dma_semaphore, #tpu.memory_space<semaphore_mem>>)
      %dma_wait3A_131 = arith.constant 0 : i32
      %dma_wait3A_132 = arith.constant 0 : i32
      %dma_wait3A_133 = tpu.memref_slice %arg13[%dma_wait3A_131, %dma_wait3A_132] : memref<80x128xf32, #tpu.memory_space<vmem>> -> memref<72x128xf32, #tpu.memory_space<vmem>>
      %dma_wait3A_134 = arith.constant 0 : i32
      %dma_wait3A_135 = tpu.memref_slice %arg15[%add3A_41, %dma_wait3A_134] : memref<10112x128xf32, #tpu.memory_space<vmem_shared>> -> memref<72x128xf32, #tpu.memory_space<vmem_shared>>
      %dma_wait3A_136 = arith.constant 0 : i32
      %dma_wait3A_137 = tpu.memref_slice %arg15[%add3A_41, %dma_wait3A_136] : memref<10112x128xf32, #tpu.memory_space<vmem_shared>> -> memref<72x128xf32, #tpu.memory_space<vmem_shared>>
      %dma_wait3A_138 = arith.constant 0 : i32
      %dma_wait3A_139 = arith.constant 0 : i32
      %dma_wait3A_140 = tpu.memref_slice %arg13[%dma_wait3A_138, %dma_wait3A_139] : memref<80x128xf32, #tpu.memory_space<vmem>> -> memref<72x128xf32, #tpu.memory_space<vmem>>
      tpu.wait_dma2 semaphore(%run_scoped3A : memref<!tpu.dma_semaphore, #tpu.memory_space<semaphore_mem>>) src(%dma_wait3A_140 : memref<72x128xf32, #tpu.memory_space<vmem>>) dst(%dma_wait3A_137 : memref<72x128xf32, #tpu.memory_space<vmem_shared>>)
      tpu.yield
    }) : () -> ()
    %barrier3A = arith.constant 0 : index
    tpu.barrier barrier_id(%barrier3A)
    %mul3A_42 = arith.constant 125 : i32
    %mul3A_43 = arith.muli %add3A, %mul3A_42 : i32
    %add3A_44 = arith.constant 0 : i32
    %add3A_45 = arith.addi %mul3A_43, %add3A_44 : i32
    "tpu.region"() ({
      %run_scoped3A = tpu.sem_alloc : memref<!tpu.dma_semaphore, #tpu.memory_space<semaphore_mem>>
      %dma_start3A_121 = arith.constant 0 : i32
      %dma_start3A_122 = arith.constant 0 : i32
      %dma_start3A_123 = tpu.memref_slice %arg3[%add3A_45, %dma_start3A_121, %dma_start3A_122] : memref<4000x1x80xi32, #tpu.memory_space<hbm>> -> memref<1x1x80xi32, #tpu.memory_space<hbm>>
      %dma_start3A_124 = arith.constant 0 : i32
      %dma_start3A_125 = arith.constant 0 : i32
      %dma_start3A_126 = tpu.memref_slice %arg3[%add3A_45, %dma_start3A_124, %dma_start3A_125] : memref<4000x1x80xi32, #tpu.memory_space<hbm>> -> memref<1x1x80xi32, #tpu.memory_space<hbm>>
      tpu.enqueue_dma source(%dma_start3A_126 : memref<1x1x80xi32, #tpu.memory_space<hbm>>) target(%arg7 : memref<1x1x80xi32, #tpu.memory_space<vmem>>) target_semaphore(%run_scoped3A : memref<!tpu.dma_semaphore, #tpu.memory_space<semaphore_mem>>)
      %dma_wait3A_127 = arith.constant 0 : i32
      %dma_wait3A_128 = arith.constant 0 : i32
      %dma_wait3A_129 = tpu.memref_slice %arg3[%add3A_45, %dma_wait3A_127, %dma_wait3A_128] : memref<4000x1x80xi32, #tpu.memory_space<hbm>> -> memref<1x1x80xi32, #tpu.memory_space<hbm>>
      %dma_wait3A_130 = arith.constant 0 : i32
      %dma_wait3A_131 = arith.constant 0 : i32
      %dma_wait3A_132 = tpu.memref_slice %arg3[%add3A_45, %dma_wait3A_130, %dma_wait3A_131] : memref<4000x1x80xi32, #tpu.memory_space<hbm>> -> memref<1x1x80xi32, #tpu.memory_space<hbm>>
      tpu.wait_dma2 semaphore(%run_scoped3A : memref<!tpu.dma_semaphore, #tpu.memory_space<semaphore_mem>>) src(%dma_wait3A_132 : memref<1x1x80xi32, #tpu.memory_space<hbm>>) dst(%arg7 : memref<1x1x80xi32, #tpu.memory_space<vmem>>)
      tpu.yield
    }) : () -> ()
    "tpu.region"() ({
      %run_scoped3A = tpu.sem_alloc : memref<!tpu.dma_semaphore, #tpu.memory_space<semaphore_mem>>
      %dma_start3A_121 = arith.constant 0 : i32
      %dma_start3A_122 = arith.constant 0 : i32
      %dma_start3A_123 = tpu.memref_slice %arg4[%add3A_45, %dma_start3A_121, %dma_start3A_122] : memref<4000x1x80xi32, #tpu.memory_space<hbm>> -> memref<1x1x80xi32, #tpu.memory_space<hbm>>
      %dma_start3A_124 = arith.constant 0 : i32
      %dma_start3A_125 = arith.constant 0 : i32
      %dma_start3A_126 = tpu.memref_slice %arg4[%add3A_45, %dma_start3A_124, %dma_start3A_125] : memref<4000x1x80xi32, #tpu.memory_space<hbm>> -> memref<1x1x80xi32, #tpu.memory_space<hbm>>
      tpu.enqueue_dma source(%dma_start3A_126 : memref<1x1x80xi32, #tpu.memory_space<hbm>>) target(%arg9 : memref<1x1x80xi32, #tpu.memory_space<vmem>>) target_semaphore(%run_scoped3A : memref<!tpu.dma_semaphore, #tpu.memory_space<semaphore_mem>>)
      %dma_wait3A_127 = arith.constant 0 : i32
      %dma_wait3A_128 = arith.constant 0 : i32
      %dma_wait3A_129 = tpu.memref_slice %arg4[%add3A_45, %dma_wait3A_127, %dma_wait3A_128] : memref<4000x1x80xi32, #tpu.memory_space<hbm>> -> memref<1x1x80xi32, #tpu.memory_space<hbm>>
      %dma_wait3A_130 = arith.constant 0 : i32
      %dma_wait3A_131 = arith.constant 0 : i32
      %dma_wait3A_132 = tpu.memref_slice %arg4[%add3A_45, %dma_wait3A_130, %dma_wait3A_131] : memref<4000x1x80xi32, #tpu.memory_space<hbm>> -> memref<1x1x80xi32, #tpu.memory_space<hbm>>
      tpu.wait_dma2 semaphore(%run_scoped3A : memref<!tpu.dma_semaphore, #tpu.memory_space<semaphore_mem>>) src(%dma_wait3A_132 : memref<1x1x80xi32, #tpu.memory_space<hbm>>) dst(%arg9 : memref<1x1x80xi32, #tpu.memory_space<vmem>>)
      tpu.yield
    }) : () -> ()
    %mul3A_46 = arith.constant 10000 : i32
    %mul3A_47 = arith.muli %add3A, %mul3A_46 : i32
    %add3A_48 = arith.constant 0 : i32
    %add3A_49 = arith.addi %mul3A_47, %add3A_48 : i32
    %mul3A_50 = arith.constant 16 : i32
    %mul3A_51 = arith.muli %add3A_49, %mul3A_50 : i32
    "tpu.region"() ({
      %run_scoped3A = tpu.sem_alloc : memref<!tpu.dma_semaphore, #tpu.memory_space<semaphore_mem>>
      %dma_start3A_121 = tpu.memref_slice %arg5[%mul3A_51] : memref<5120000xf32, #tpu.memory_space<hbm>> -> memref<1280xf32, #tpu.memory_space<hbm>>
      %dma_start3A_122 = tpu.memref_slice %arg5[%mul3A_51] : memref<5120000xf32, #tpu.memory_space<hbm>> -> memref<1280xf32, #tpu.memory_space<hbm>>
      tpu.enqueue_dma source(%dma_start3A_122 : memref<1280xf32, #tpu.memory_space<hbm>>) target(%arg11 : memref<1280xf32, #tpu.memory_space<vmem>>) target_semaphore(%run_scoped3A : memref<!tpu.dma_semaphore, #tpu.memory_space<semaphore_mem>>)
      %dma_wait3A_123 = tpu.memref_slice %arg5[%mul3A_51] : memref<5120000xf32, #tpu.memory_space<hbm>> -> memref<1280xf32, #tpu.memory_space<hbm>>
      %dma_wait3A_124 = tpu.memref_slice %arg5[%mul3A_51] : memref<5120000xf32, #tpu.memory_space<hbm>> -> memref<1280xf32, #tpu.memory_space<hbm>>
      tpu.wait_dma2 semaphore(%run_scoped3A : memref<!tpu.dma_semaphore, #tpu.memory_space<semaphore_mem>>) src(%dma_wait3A_124 : memref<1280xf32, #tpu.memory_space<hbm>>) dst(%arg11 : memref<1280xf32, #tpu.memory_space<vmem>>)
      tpu.yield
    }) : () -> ()
    %dma_start3A = arith.constant 0 : i32
    %dma_start3A_52 = arith.constant 0 : i32
    %dma_start3A_53 = arith.constant 0 : i32
    %dma_start3A_54 = arith.constant 0 : i32
    %dma_start3A_55 = tpu.memref_slice %arg13[%dma_start3A_53, %dma_start3A_54] : memref<80x128xf32, #tpu.memory_space<vmem>> -> memref<80x128xf32, #tpu.memory_space<vmem>>
    %dma_start3A_56 = arith.constant 0 : i32
    %dma_start3A_57 = tpu.memref_slice %arg7[%dma_start3A, %dma_start3A_52, %dma_start3A_56] : memref<1x1x80xi32, #tpu.memory_space<vmem>> -> memref<1x1x80xi32, #tpu.memory_space<vmem>>
    %dma_start3A_58 = tpu.memref_squeeze %dma_start3A_57 : memref<1x1x80xi32, #tpu.memory_space<vmem>> -> memref<80xi32, #tpu.memory_space<vmem>>
    %dma_start3A_59 = arith.constant 0 : i32
    %dma_start3A_60 = arith.constant 0 : i32
    %dma_start3A_61 = tpu.memref_slice %arg2[%dma_start3A_59, %dma_start3A_60] : memref<10000x128xf32, #tpu.memory_space<hbm>> -> memref<10000x128xf32, #tpu.memory_space<hbm>>
    tpu.enqueue_indirect_dma source(%dma_start3A_61 : memref<10000x128xf32, #tpu.memory_space<hbm>>) target(%dma_start3A_55 : memref<80x128xf32, #tpu.memory_space<vmem>>) offsets(%dma_start3A_58 : memref<80xi32, #tpu.memory_space<vmem>>) semaphore(%arg16 : memref<!tpu.dma_semaphore, #tpu.memory_space<semaphore_mem>>)
    %scan3A_62 = arith.constant 0 : i32
    %scan3A_63 = arith.constant 62 : i32
    %scan3A_64 = arith.addi %scan3A_62, %scan3A_63 : i32
    %scan3A_65 = arith.constant 1 : i32
    scf.for %scan3A_121 = %scan3A_62 to %scan3A_64 step %scan3A_65  : i32 {
      %mul3A_122 = arith.constant 2 : i32
      %mul3A_123 = arith.muli %scan3A_121, %mul3A_122 : i32
      %add3A_124 = arith.constant 0 : i32
      %add3A_125 = arith.addi %add3A_124, %mul3A_123 : i32
      %add3A_126 = arith.constant 0 : i32
      %add3A_127 = arith.addi %add3A_125, %add3A_126 : i32
      %ge3A = arith.constant 1 : i32
      %ge3A_128 = arith.cmpi sge, %add3A_127, %ge3A : i32
      %convert_element_type3A = arith.extui %ge3A_128 : i1 to i32
      %cond3A = arith.constant 0 : i32
      %cond3A_129 = arith.cmpi ne, %convert_element_type3A, %cond3A : i32
      scf.if %cond3A_129 {
        %dma_wait3A_243 = arith.constant 0 : i32
        %dma_wait3A_244 = arith.constant 0 : i32
        %dma_wait3A_245 = tpu.memref_slice %arg14[%dma_wait3A_243, %dma_wait3A_244] : memref<80x128xf32, #tpu.memory_space<vmem>> -> memref<80x128xf32, #tpu.memory_space<vmem>>
        %dma_wait3A_246 = arith.constant 0 : i32
        %dma_wait3A_247 = arith.constant 0 : i32
        %dma_wait3A_248 = tpu.memref_slice %arg15[%dma_wait3A_246, %dma_wait3A_247] : memref<10112x128xf32, #tpu.memory_space<vmem_shared>> -> memref<80x128xf32, #tpu.memory_space<vmem_shared>>
        %dma_wait3A_249 = arith.constant 0 : i32
        %dma_wait3A_250 = arith.constant 0 : i32
        %dma_wait3A_251 = tpu.memref_slice %arg15[%dma_wait3A_249, %dma_wait3A_250] : memref<10112x128xf32, #tpu.memory_space<vmem_shared>> -> memref<80x128xf32, #tpu.memory_space<vmem_shared>>
        %dma_wait3A_252 = arith.constant 0 : i32
        %dma_wait3A_253 = arith.constant 0 : i32
        %dma_wait3A_254 = tpu.memref_slice %arg14[%dma_wait3A_252, %dma_wait3A_253] : memref<80x128xf32, #tpu.memory_space<vmem>> -> memref<80x128xf32, #tpu.memory_space<vmem>>
        tpu.wait_dma2 semaphore(%arg19 : memref<!tpu.dma_semaphore, #tpu.memory_space<semaphore_mem>>) src(%dma_wait3A_254 : memref<80x128xf32, #tpu.memory_space<vmem>>) dst(%dma_wait3A_251 : memref<80x128xf32, #tpu.memory_space<vmem_shared>>)
      } else {
      }
      %add3A_130 = arith.constant 1 : i32
      %add3A_131 = arith.addi %add3A_127, %add3A_130 : i32
      %mul3A_132 = arith.constant 125 : i32
      %mul3A_133 = arith.muli %add3A, %mul3A_132 : i32
      %add3A_134 = arith.addi %mul3A_133, %add3A_131 : i32
      "tpu.region"() ({
        %run_scoped3A = tpu.sem_alloc : memref<!tpu.dma_semaphore, #tpu.memory_space<semaphore_mem>>
        %dma_start3A_243 = arith.constant 0 : i32
        %dma_start3A_244 = arith.constant 0 : i32
        %dma_start3A_245 = tpu.memref_slice %arg3[%add3A_134, %dma_start3A_243, %dma_start3A_244] : memref<4000x1x80xi32, #tpu.memory_space<hbm>> -> memref<1x1x80xi32, #tpu.memory_space<hbm>>
        %dma_start3A_246 = arith.constant 0 : i32
        %dma_start3A_247 = arith.constant 0 : i32
        %dma_start3A_248 = tpu.memref_slice %arg3[%add3A_134, %dma_start3A_246, %dma_start3A_247] : memref<4000x1x80xi32, #tpu.memory_space<hbm>> -> memref<1x1x80xi32, #tpu.memory_space<hbm>>
        tpu.enqueue_dma source(%dma_start3A_248 : memref<1x1x80xi32, #tpu.memory_space<hbm>>) target(%arg8 : memref<1x1x80xi32, #tpu.memory_space<vmem>>) target_semaphore(%run_scoped3A : memref<!tpu.dma_semaphore, #tpu.memory_space<semaphore_mem>>)
        %dma_wait3A_249 = arith.constant 0 : i32
        %dma_wait3A_250 = arith.constant 0 : i32
        %dma_wait3A_251 = tpu.memref_slice %arg3[%add3A_134, %dma_wait3A_249, %dma_wait3A_250] : memref<4000x1x80xi32, #tpu.memory_space<hbm>> -> memref<1x1x80xi32, #tpu.memory_space<hbm>>
        %dma_wait3A_252 = arith.constant 0 : i32
        %dma_wait3A_253 = arith.constant 0 : i32
        %dma_wait3A_254 = tpu.memref_slice %arg3[%add3A_134, %dma_wait3A_252, %dma_wait3A_253] : memref<4000x1x80xi32, #tpu.memory_space<hbm>> -> memref<1x1x80xi32, #tpu.memory_space<hbm>>
        tpu.wait_dma2 semaphore(%run_scoped3A : memref<!tpu.dma_semaphore, #tpu.memory_space<semaphore_mem>>) src(%dma_wait3A_254 : memref<1x1x80xi32, #tpu.memory_space<hbm>>) dst(%arg8 : memref<1x1x80xi32, #tpu.memory_space<vmem>>)
        tpu.yield
      }) : () -> ()
      "tpu.region"() ({
        %run_scoped3A = tpu.sem_alloc : memref<!tpu.dma_semaphore, #tpu.memory_space<semaphore_mem>>
        %dma_start3A_243 = arith.constant 0 : i32
        %dma_start3A_244 = arith.constant 0 : i32
        %dma_start3A_245 = tpu.memref_slice %arg4[%add3A_134, %dma_start3A_243, %dma_start3A_244] : memref<4000x1x80xi32, #tpu.memory_space<hbm>> -> memref<1x1x80xi32, #tpu.memory_space<hbm>>
        %dma_start3A_246 = arith.constant 0 : i32
        %dma_start3A_247 = arith.constant 0 : i32
        %dma_start3A_248 = tpu.memref_slice %arg4[%add3A_134, %dma_start3A_246, %dma_start3A_247] : memref<4000x1x80xi32, #tpu.memory_space<hbm>> -> memref<1x1x80xi32, #tpu.memory_space<hbm>>
        tpu.enqueue_dma source(%dma_start3A_248 : memref<1x1x80xi32, #tpu.memory_space<hbm>>) target(%arg10 : memref<1x1x80xi32, #tpu.memory_space<vmem>>) target_semaphore(%run_scoped3A : memref<!tpu.dma_semaphore, #tpu.memory_space<semaphore_mem>>)
        %dma_wait3A_249 = arith.constant 0 : i32
        %dma_wait3A_250 = arith.constant 0 : i32
        %dma_wait3A_251 = tpu.memref_slice %arg4[%add3A_134, %dma_wait3A_249, %dma_wait3A_250] : memref<4000x1x80xi32, #tpu.memory_space<hbm>> -> memref<1x1x80xi32, #tpu.memory_space<hbm>>
        %dma_wait3A_252 = arith.constant 0 : i32
        %dma_wait3A_253 = arith.constant 0 : i32
        %dma_wait3A_254 = tpu.memref_slice %arg4[%add3A_134, %dma_wait3A_252, %dma_wait3A_253] : memref<4000x1x80xi32, #tpu.memory_space<hbm>> -> memref<1x1x80xi32, #tpu.memory_space<hbm>>
        tpu.wait_dma2 semaphore(%run_scoped3A : memref<!tpu.dma_semaphore, #tpu.memory_space<semaphore_mem>>) src(%dma_wait3A_254 : memref<1x1x80xi32, #tpu.memory_space<hbm>>) dst(%arg10 : memref<1x1x80xi32, #tpu.memory_space<vmem>>)
        tpu.yield
      }) : () -> ()
      %mul3A_135 = arith.constant 10000 : i32
      %mul3A_136 = arith.muli %add3A, %mul3A_135 : i32
      %mul3A_137 = arith.constant 80 : i32
      %mul3A_138 = arith.muli %add3A_131, %mul3A_137 : i32
      %add3A_139 = arith.addi %mul3A_136, %mul3A_138 : i32
      %mul3A_140 = arith.constant 16 : i32
      %mul3A_141 = arith.muli %add3A_139, %mul3A_140 : i32
      "tpu.region"() ({
        %run_scoped3A = tpu.sem_alloc : memref<!tpu.dma_semaphore, #tpu.memory_space<semaphore_mem>>
        %dma_start3A_243 = tpu.memref_slice %arg5[%mul3A_141] : memref<5120000xf32, #tpu.memory_space<hbm>> -> memref<1280xf32, #tpu.memory_space<hbm>>
        %dma_start3A_244 = tpu.memref_slice %arg5[%mul3A_141] : memref<5120000xf32, #tpu.memory_space<hbm>> -> memref<1280xf32, #tpu.memory_space<hbm>>
        tpu.enqueue_dma source(%dma_start3A_244 : memref<1280xf32, #tpu.memory_space<hbm>>) target(%arg12 : memref<1280xf32, #tpu.memory_space<vmem>>) target_semaphore(%run_scoped3A : memref<!tpu.dma_semaphore, #tpu.memory_space<semaphore_mem>>)
        %dma_wait3A_245 = tpu.memref_slice %arg5[%mul3A_141] : memref<5120000xf32, #tpu.memory_space<hbm>> -> memref<1280xf32, #tpu.memory_space<hbm>>
        %dma_wait3A_246 = tpu.memref_slice %arg5[%mul3A_141] : memref<5120000xf32, #tpu.memory_space<hbm>> -> memref<1280xf32, #tpu.memory_space<hbm>>
        tpu.wait_dma2 semaphore(%run_scoped3A : memref<!tpu.dma_semaphore, #tpu.memory_space<semaphore_mem>>) src(%dma_wait3A_246 : memref<1280xf32, #tpu.memory_space<hbm>>) dst(%arg12 : memref<1280xf32, #tpu.memory_space<vmem>>)
        tpu.yield
      }) : () -> ()
      %dma_start3A_142 = arith.constant 0 : i32
      %dma_start3A_143 = arith.constant 0 : i32
      %dma_start3A_144 = arith.constant 0 : i32
      %dma_start3A_145 = arith.constant 0 : i32
      %dma_start3A_146 = tpu.memref_slice %arg14[%dma_start3A_144, %dma_start3A_145] : memref<80x128xf32, #tpu.memory_space<vmem>> -> memref<80x128xf32, #tpu.memory_space<vmem>>
      %dma_start3A_147 = arith.constant 0 : i32
      %dma_start3A_148 = tpu.memref_slice %arg8[%dma_start3A_142, %dma_start3A_143, %dma_start3A_147] : memref<1x1x80xi32, #tpu.memory_space<vmem>> -> memref<1x1x80xi32, #tpu.memory_space<vmem>>
      %dma_start3A_149 = tpu.memref_squeeze %dma_start3A_148 : memref<1x1x80xi32, #tpu.memory_space<vmem>> -> memref<80xi32, #tpu.memory_space<vmem>>
      %dma_start3A_150 = arith.constant 0 : i32
      %dma_start3A_151 = arith.constant 0 : i32
      %dma_start3A_152 = tpu.memref_slice %arg2[%dma_start3A_150, %dma_start3A_151] : memref<10000x128xf32, #tpu.memory_space<hbm>> -> memref<10000x128xf32, #tpu.memory_space<hbm>>
      tpu.enqueue_indirect_dma source(%dma_start3A_152 : memref<10000x128xf32, #tpu.memory_space<hbm>>) target(%dma_start3A_146 : memref<80x128xf32, #tpu.memory_space<vmem>>) offsets(%dma_start3A_149 : memref<80xi32, #tpu.memory_space<vmem>>) semaphore(%arg17 : memref<!tpu.dma_semaphore, #tpu.memory_space<semaphore_mem>>)
      %dma_wait3A_153 = arith.constant 0 : i32
      %dma_wait3A_154 = arith.constant 0 : i32
      %dma_wait3A_155 = tpu.memref_slice %arg13[%dma_wait3A_153, %dma_wait3A_154] : memref<80x128xf32, #tpu.memory_space<vmem>> -> memref<80x128xf32, #tpu.memory_space<vmem>>
      %dma_wait3A_156 = arith.constant 0 : i32
      %dma_wait3A_157 = arith.constant 0 : i32
      %dma_wait3A_158 = tpu.memref_slice %arg2[%dma_wait3A_156, %dma_wait3A_157] : memref<10000x128xf32, #tpu.memory_space<hbm>> -> memref<80x128xf32, #tpu.memory_space<hbm>>
      %dma_wait3A_159 = arith.constant 0 : i32
      %dma_wait3A_160 = arith.constant 0 : i32
      %dma_wait3A_161 = tpu.memref_slice %arg13[%dma_wait3A_159, %dma_wait3A_160] : memref<80x128xf32, #tpu.memory_space<vmem>> -> memref<80x128xf32, #tpu.memory_space<vmem>>
      %dma_wait3A_162 = arith.constant 0 : i32
      %dma_wait3A_163 = arith.constant 0 : i32
      %dma_wait3A_164 = tpu.memref_slice %arg2[%dma_wait3A_162, %dma_wait3A_163] : memref<10000x128xf32, #tpu.memory_space<hbm>> -> memref<80x128xf32, #tpu.memory_space<hbm>>
      tpu.wait_dma2 semaphore(%arg16 : memref<!tpu.dma_semaphore, #tpu.memory_space<semaphore_mem>>) src(%dma_wait3A_164 : memref<80x128xf32, #tpu.memory_space<hbm>>) dst(%dma_wait3A_161 : memref<80x128xf32, #tpu.memory_space<vmem>>)
      %scan3A_165 = arith.constant 0 : i32
      %scan3A_166 = arith.constant 0 : i32
      %scan3A_167 = arith.constant 80 : i32
      %scan3A_168 = arith.addi %scan3A_166, %scan3A_167 : i32
      %scan3A_169 = arith.constant 1 : i32
      %scan3A_170 = scf.for %scan3A_243 = %scan3A_166 to %scan3A_168 step %scan3A_169 iter_args(%scan3A_244 = %scan3A_165) -> (i32)  : i32 {
        %mul3A_245 = arith.constant 16 : i32
        %mul3A_246 = arith.muli %scan3A_243, %mul3A_245 : i32
        %get3A = arith.index_cast %mul3A_246 : i32 to index
        %get3A_247 = tpu.vector_load %arg11[%get3A] {strides = array<i32>} : memref<1280xf32, #tpu.memory_space<vmem>>, vector<16xf32>,
        %get3A_248 = vector.shape_cast %get3A_247 : vector<16xf32> to vector<16xf32>
        %get3A_249 = arith.index_cast %scan3A_243 : i32 to index
        %get3A_250 = arith.constant 0 : index
        %get3A_251 = tpu.vector_load %arg13[%get3A_249, %get3A_250] {strides = array<i32>} : memref<80x128xf32, #tpu.memory_space<vmem>>, vector<1x16xf32>,
        %get3A_252 = vector.shape_cast %get3A_251 : vector<1x16xf32> to vector<16xf32>
        %mul3A_253 = arith.mulf %get3A_252, %get3A_248 : vector<16xf32>
        %swap3A = arith.index_cast %scan3A_243 : i32 to index
        %swap3A_254 = arith.constant 0 : index
        %swap3A_255 = tpu.vector_load %arg13[%swap3A, %swap3A_254] {strides = array<i32>} : memref<80x128xf32, #tpu.memory_space<vmem>>, vector<1x16xf32>,
        %swap3A_256 = vector.shape_cast %swap3A_255 : vector<1x16xf32> to vector<16xf32>
        %swap3A_257 = vector.shape_cast %mul3A_253 : vector<16xf32> to vector<1x16xf32>
        tpu.vector_store %arg13[%swap3A, %swap3A_254], %swap3A_257 {strides = array<i32>} : memref<80x128xf32, #tpu.memory_space<vmem>>, vector<1x16xf32>,
        %get3A_258 = arith.index_cast %scan3A_243 : i32 to index
        %get3A_259 = arith.constant 16 : index
        %get3A_260 = tpu.vector_load %arg13[%get3A_258, %get3A_259] {strides = array<i32>} : memref<80x128xf32, #tpu.memory_space<vmem>>, vector<1x16xf32>,
        %get3A_261 = vector.shape_cast %get3A_260 : vector<1x16xf32> to vector<16xf32>
        %mul3A_262 = arith.mulf %get3A_261, %get3A_248 : vector<16xf32>
        %swap3A_263 = arith.index_cast %scan3A_243 : i32 to index
        %swap3A_264 = arith.constant 16 : index
        %swap3A_265 = tpu.vector_load %arg13[%swap3A_263, %swap3A_264] {strides = array<i32>} : memref<80x128xf32, #tpu.memory_space<vmem>>, vector<1x16xf32>,
        %swap3A_266 = vector.shape_cast %swap3A_265 : vector<1x16xf32> to vector<16xf32>
        %swap3A_267 = vector.shape_cast %mul3A_262 : vector<16xf32> to vector<1x16xf32>
        tpu.vector_store %arg13[%swap3A_263, %swap3A_264], %swap3A_267 {strides = array<i32>} : memref<80x128xf32, #tpu.memory_space<vmem>>, vector<1x16xf32>,
        %get3A_268 = arith.index_cast %scan3A_243 : i32 to index
        %get3A_269 = arith.constant 32 : index
        %get3A_270 = tpu.vector_load %arg13[%get3A_268, %get3A_269] {strides = array<i32>} : memref<80x128xf32, #tpu.memory_space<vmem>>, vector<1x16xf32>,
        %get3A_271 = vector.shape_cast %get3A_270 : vector<1x16xf32> to vector<16xf32>
        %mul3A_272 = arith.mulf %get3A_271, %get3A_248 : vector<16xf32>
        %swap3A_273 = arith.index_cast %scan3A_243 : i32 to index
        %swap3A_274 = arith.constant 32 : index
        %swap3A_275 = tpu.vector_load %arg13[%swap3A_273, %swap3A_274] {strides = array<i32>} : memref<80x128xf32, #tpu.memory_space<vmem>>, vector<1x16xf32>,
        %swap3A_276 = vector.shape_cast %swap3A_275 : vector<1x16xf32> to vector<16xf32>
        %swap3A_277 = vector.shape_cast %mul3A_272 : vector<16xf32> to vector<1x16xf32>
        tpu.vector_store %arg13[%swap3A_273, %swap3A_274], %swap3A_277 {strides = array<i32>} : memref<80x128xf32, #tpu.memory_space<vmem>>, vector<1x16xf32>,
        %get3A_278 = arith.index_cast %scan3A_243 : i32 to index
        %get3A_279 = arith.constant 48 : index
        %get3A_280 = tpu.vector_load %arg13[%get3A_278, %get3A_279] {strides = array<i32>} : memref<80x128xf32, #tpu.memory_space<vmem>>, vector<1x16xf32>,
        %get3A_281 = vector.shape_cast %get3A_280 : vector<1x16xf32> to vector<16xf32>
        %mul3A_282 = arith.mulf %get3A_281, %get3A_248 : vector<16xf32>
        %swap3A_283 = arith.index_cast %scan3A_243 : i32 to index
        %swap3A_284 = arith.constant 48 : index
        %swap3A_285 = tpu.vector_load %arg13[%swap3A_283, %swap3A_284] {strides = array<i32>} : memref<80x128xf32, #tpu.memory_space<vmem>>, vector<1x16xf32>,
        %swap3A_286 = vector.shape_cast %swap3A_285 : vector<1x16xf32> to vector<16xf32>
        %swap3A_287 = vector.shape_cast %mul3A_282 : vector<16xf32> to vector<1x16xf32>
        tpu.vector_store %arg13[%swap3A_283, %swap3A_284], %swap3A_287 {strides = array<i32>} : memref<80x128xf32, #tpu.memory_space<vmem>>, vector<1x16xf32>,
        %get3A_288 = arith.index_cast %scan3A_243 : i32 to index
        %get3A_289 = arith.constant 64 : index
        %get3A_290 = tpu.vector_load %arg13[%get3A_288, %get3A_289] {strides = array<i32>} : memref<80x128xf32, #tpu.memory_space<vmem>>, vector<1x16xf32>,
        %get3A_291 = vector.shape_cast %get3A_290 : vector<1x16xf32> to vector<16xf32>
        %mul3A_292 = arith.mulf %get3A_291, %get3A_248 : vector<16xf32>
        %swap3A_293 = arith.index_cast %scan3A_243 : i32 to index
        %swap3A_294 = arith.constant 64 : index
        %swap3A_295 = tpu.vector_load %arg13[%swap3A_293, %swap3A_294] {strides = array<i32>} : memref<80x128xf32, #tpu.memory_space<vmem>>, vector<1x16xf32>,
        %swap3A_296 = vector.shape_cast %swap3A_295 : vector<1x16xf32> to vector<16xf32>
        %swap3A_297 = vector.shape_cast %mul3A_292 : vector<16xf32> to vector<1x16xf32>
        tpu.vector_store %arg13[%swap3A_293, %swap3A_294], %swap3A_297 {strides = array<i32>} : memref<80x128xf32, #tpu.memory_space<vmem>>, vector<1x16xf32>,
        %get3A_298 = arith.index_cast %scan3A_243 : i32 to index
        %get3A_299 = arith.constant 80 : index
        %get3A_300 = tpu.vector_load %arg13[%get3A_298, %get3A_299] {strides = array<i32>} : memref<80x128xf32, #tpu.memory_space<vmem>>, vector<1x16xf32>,
        %get3A_301 = vector.shape_cast %get3A_300 : vector<1x16xf32> to vector<16xf32>
        %mul3A_302 = arith.mulf %get3A_301, %get3A_248 : vector<16xf32>
        %swap3A_303 = arith.index_cast %scan3A_243 : i32 to index
        %swap3A_304 = arith.constant 80 : index
        %swap3A_305 = tpu.vector_load %arg13[%swap3A_303, %swap3A_304] {strides = array<i32>} : memref<80x128xf32, #tpu.memory_space<vmem>>, vector<1x16xf32>,
        %swap3A_306 = vector.shape_cast %swap3A_305 : vector<1x16xf32> to vector<16xf32>
        %swap3A_307 = vector.shape_cast %mul3A_302 : vector<16xf32> to vector<1x16xf32>
        tpu.vector_store %arg13[%swap3A_303, %swap3A_304], %swap3A_307 {strides = array<i32>} : memref<80x128xf32, #tpu.memory_space<vmem>>, vector<1x16xf32>,
        %get3A_308 = arith.index_cast %scan3A_243 : i32 to index
        %get3A_309 = arith.constant 96 : index
        %get3A_310 = tpu.vector_load %arg13[%get3A_308, %get3A_309] {strides = array<i32>} : memref<80x128xf32, #tpu.memory_space<vmem>>, vector<1x16xf32>,
        %get3A_311 = vector.shape_cast %get3A_310 : vector<1x16xf32> to vector<16xf32>
        %mul3A_312 = arith.mulf %get3A_311, %get3A_248 : vector<16xf32>
        %swap3A_313 = arith.index_cast %scan3A_243 : i32 to index
        %swap3A_314 = arith.constant 96 : index
        %swap3A_315 = tpu.vector_load %arg13[%swap3A_313, %swap3A_314] {strides = array<i32>} : memref<80x128xf32, #tpu.memory_space<vmem>>, vector<1x16xf32>,
        %swap3A_316 = vector.shape_cast %swap3A_315 : vector<1x16xf32> to vector<16xf32>
        %swap3A_317 = vector.shape_cast %mul3A_312 : vector<16xf32> to vector<1x16xf32>
        tpu.vector_store %arg13[%swap3A_313, %swap3A_314], %swap3A_317 {strides = array<i32>} : memref<80x128xf32, #tpu.memory_space<vmem>>, vector<1x16xf32>,
        %get3A_318 = arith.index_cast %scan3A_243 : i32 to index
        %get3A_319 = arith.constant 112 : index
        %get3A_320 = tpu.vector_load %arg13[%get3A_318, %get3A_319] {strides = array<i32>} : memref<80x128xf32, #tpu.memory_space<vmem>>, vector<1x16xf32>,
        %get3A_321 = vector.shape_cast %get3A_320 : vector<1x16xf32> to vector<16xf32>
        %mul3A_322 = arith.mulf %get3A_321, %get3A_248 : vector<16xf32>
        %swap3A_323 = arith.index_cast %scan3A_243 : i32 to index
        %swap3A_324 = arith.constant 112 : index
        %swap3A_325 = tpu.vector_load %arg13[%swap3A_323, %swap3A_324] {strides = array<i32>} : memref<80x128xf32, #tpu.memory_space<vmem>>, vector<1x16xf32>,
        %swap3A_326 = vector.shape_cast %swap3A_325 : vector<1x16xf32> to vector<16xf32>
        %swap3A_327 = vector.shape_cast %mul3A_322 : vector<16xf32> to vector<1x16xf32>
        tpu.vector_store %arg13[%swap3A_323, %swap3A_324], %swap3A_327 {strides = array<i32>} : memref<80x128xf32, #tpu.memory_space<vmem>>, vector<1x16xf32>,
        %scan3A_328 = arith.constant 0 : i32
        scf.yield %scan3A_328 : i32
      }
      %scan3A_171 = arith.constant 80 : i32
      %dma_start3A_172 = arith.constant 0 : i32
      %dma_start3A_173 = arith.constant 0 : i32
      %dma_start3A_174 = arith.constant 0 : i32
      %dma_start3A_175 = arith.constant 0 : i32
      %dma_start3A_176 = tpu.memref_slice %arg13[%dma_start3A_174, %dma_start3A_175] : memref<80x128xf32, #tpu.memory_space<vmem>> -> memref<80x128xf32, #tpu.memory_space<vmem>>
      %dma_start3A_177 = arith.constant 0 : i32
      %dma_start3A_178 = tpu.memref_slice %arg9[%dma_start3A_172, %dma_start3A_173, %dma_start3A_177] : memref<1x1x80xi32, #tpu.memory_space<vmem>> -> memref<1x1x80xi32, #tpu.memory_space<vmem>>
      %dma_start3A_179 = tpu.memref_squeeze %dma_start3A_178 : memref<1x1x80xi32, #tpu.memory_space<vmem>> -> memref<80xi32, #tpu.memory_space<vmem>>
      %dma_start3A_180 = arith.constant 0 : i32
      %dma_start3A_181 = arith.constant 0 : i32
      %dma_start3A_182 = tpu.memref_slice %arg15[%dma_start3A_180, %dma_start3A_181] : memref<10112x128xf32, #tpu.memory_space<vmem_shared>> -> memref<10112x128xf32, #tpu.memory_space<vmem_shared>>
      tpu.enqueue_indirect_dma source(%dma_start3A_176 : memref<80x128xf32, #tpu.memory_space<vmem>>) target(%dma_start3A_182 : memref<10112x128xf32, #tpu.memory_space<vmem_shared>>) offsets(%dma_start3A_179 : memref<80xi32, #tpu.memory_space<vmem>>) semaphore(%arg18 : memref<!tpu.dma_semaphore, #tpu.memory_space<semaphore_mem>>) {add = true}
      %add3A_183 = arith.constant 1 : i32
      %add3A_184 = arith.addi %add3A_125, %add3A_183 : i32
      %ge3A_185 = arith.constant 1 : i32
      %ge3A_186 = arith.cmpi sge, %add3A_184, %ge3A_185 : i32
      %convert_element_type3A_187 = arith.extui %ge3A_186 : i1 to i32
      %cond3A_188 = arith.constant 0 : i32
      %cond3A_189 = arith.cmpi ne, %convert_element_type3A_187, %cond3A_188 : i32
      scf.if %cond3A_189 {
        %dma_wait3A_243 = arith.constant 0 : i32
        %dma_wait3A_244 = arith.constant 0 : i32
        %dma_wait3A_245 = tpu.memref_slice %arg13[%dma_wait3A_243, %dma_wait3A_244] : memref<80x128xf32, #tpu.memory_space<vmem>> -> memref<80x128xf32, #tpu.memory_space<vmem>>
        %dma_wait3A_246 = arith.constant 0 : i32
        %dma_wait3A_247 = arith.constant 0 : i32
        %dma_wait3A_248 = tpu.memref_slice %arg15[%dma_wait3A_246, %dma_wait3A_247] : memref<10112x128xf32, #tpu.memory_space<vmem_shared>> -> memref<80x128xf32, #tpu.memory_space<vmem_shared>>
        %dma_wait3A_249 = arith.constant 0 : i32
        %dma_wait3A_250 = arith.constant 0 : i32
        %dma_wait3A_251 = tpu.memref_slice %arg15[%dma_wait3A_249, %dma_wait3A_250] : memref<10112x128xf32, #tpu.memory_space<vmem_shared>> -> memref<80x128xf32, #tpu.memory_space<vmem_shared>>
        %dma_wait3A_252 = arith.constant 0 : i32
        %dma_wait3A_253 = arith.constant 0 : i32
        %dma_wait3A_254 = tpu.memref_slice %arg13[%dma_wait3A_252, %dma_wait3A_253] : memref<80x128xf32, #tpu.memory_space<vmem>> -> memref<80x128xf32, #tpu.memory_space<vmem>>
        tpu.wait_dma2 semaphore(%arg18 : memref<!tpu.dma_semaphore, #tpu.memory_space<semaphore_mem>>) src(%dma_wait3A_254 : memref<80x128xf32, #tpu.memory_space<vmem>>) dst(%dma_wait3A_251 : memref<80x128xf32, #tpu.memory_space<vmem_shared>>)
      } else {
      }
      %add3A_190 = arith.constant 1 : i32
      %add3A_191 = arith.addi %add3A_184, %add3A_190 : i32
      %mul3A_192 = arith.constant 125 : i32
      %mul3A_193 = arith.muli %add3A, %mul3A_192 : i32
      %add3A_194 = arith.addi %mul3A_193, %add3A_191 : i32
      "tpu.region"() ({
        %run_scoped3A = tpu.sem_alloc : memref<!tpu.dma_semaphore, #tpu.memory_space<semaphore_mem>>
        %dma_start3A_243 = arith.constant 0 : i32
        %dma_start3A_244 = arith.constant 0 : i32
        %dma_start3A_245 = tpu.memref_slice %arg3[%add3A_194, %dma_start3A_243, %dma_start3A_244] : memref<4000x1x80xi32, #tpu.memory_space<hbm>> -> memref<1x1x80xi32, #tpu.memory_space<hbm>>
        %dma_start3A_246 = arith.constant 0 : i32
        %dma_start3A_247 = arith.constant 0 : i32
        %dma_start3A_248 = tpu.memref_slice %arg3[%add3A_194, %dma_start3A_246, %dma_start3A_247] : memref<4000x1x80xi32, #tpu.memory_space<hbm>> -> memref<1x1x80xi32, #tpu.memory_space<hbm>>
        tpu.enqueue_dma source(%dma_start3A_248 : memref<1x1x80xi32, #tpu.memory_space<hbm>>) target(%arg7 : memref<1x1x80xi32, #tpu.memory_space<vmem>>) target_semaphore(%run_scoped3A : memref<!tpu.dma_semaphore, #tpu.memory_space<semaphore_mem>>)
        %dma_wait3A_249 = arith.constant 0 : i32
        %dma_wait3A_250 = arith.constant 0 : i32
        %dma_wait3A_251 = tpu.memref_slice %arg3[%add3A_194, %dma_wait3A_249, %dma_wait3A_250] : memref<4000x1x80xi32, #tpu.memory_space<hbm>> -> memref<1x1x80xi32, #tpu.memory_space<hbm>>
        %dma_wait3A_252 = arith.constant 0 : i32
        %dma_wait3A_253 = arith.constant 0 : i32
        %dma_wait3A_254 = tpu.memref_slice %arg3[%add3A_194, %dma_wait3A_252, %dma_wait3A_253] : memref<4000x1x80xi32, #tpu.memory_space<hbm>> -> memref<1x1x80xi32, #tpu.memory_space<hbm>>
        tpu.wait_dma2 semaphore(%run_scoped3A : memref<!tpu.dma_semaphore, #tpu.memory_space<semaphore_mem>>) src(%dma_wait3A_254 : memref<1x1x80xi32, #tpu.memory_space<hbm>>) dst(%arg7 : memref<1x1x80xi32, #tpu.memory_space<vmem>>)
        tpu.yield
      }) : () -> ()
      "tpu.region"() ({
        %run_scoped3A = tpu.sem_alloc : memref<!tpu.dma_semaphore, #tpu.memory_space<semaphore_mem>>
        %dma_start3A_243 = arith.constant 0 : i32
        %dma_start3A_244 = arith.constant 0 : i32
        %dma_start3A_245 = tpu.memref_slice %arg4[%add3A_194, %dma_start3A_243, %dma_start3A_244] : memref<4000x1x80xi32, #tpu.memory_space<hbm>> -> memref<1x1x80xi32, #tpu.memory_space<hbm>>
        %dma_start3A_246 = arith.constant 0 : i32
        %dma_start3A_247 = arith.constant 0 : i32
        %dma_start3A_248 = tpu.memref_slice %arg4[%add3A_194, %dma_start3A_246, %dma_start3A_247] : memref<4000x1x80xi32, #tpu.memory_space<hbm>> -> memref<1x1x80xi32, #tpu.memory_space<hbm>>
        tpu.enqueue_dma source(%dma_start3A_248 : memref<1x1x80xi32, #tpu.memory_space<hbm>>) target(%arg9 : memref<1x1x80xi32, #tpu.memory_space<vmem>>) target_semaphore(%run_scoped3A : memref<!tpu.dma_semaphore, #tpu.memory_space<semaphore_mem>>)
        %dma_wait3A_249 = arith.constant 0 : i32
        %dma_wait3A_250 = arith.constant 0 : i32
        %dma_wait3A_251 = tpu.memref_slice %arg4[%add3A_194, %dma_wait3A_249, %dma_wait3A_250] : memref<4000x1x80xi32, #tpu.memory_space<hbm>> -> memref<1x1x80xi32, #tpu.memory_space<hbm>>
        %dma_wait3A_252 = arith.constant 0 : i32
        %dma_wait3A_253 = arith.constant 0 : i32
        %dma_wait3A_254 = tpu.memref_slice %arg4[%add3A_194, %dma_wait3A_252, %dma_wait3A_253] : memref<4000x1x80xi32, #tpu.memory_space<hbm>> -> memref<1x1x80xi32, #tpu.memory_space<hbm>>
        tpu.wait_dma2 semaphore(%run_scoped3A : memref<!tpu.dma_semaphore, #tpu.memory_space<semaphore_mem>>) src(%dma_wait3A_254 : memref<1x1x80xi32, #tpu.memory_space<hbm>>) dst(%arg9 : memref<1x1x80xi32, #tpu.memory_space<vmem>>)
        tpu.yield
      }) : () -> ()
      %mul3A_195 = arith.constant 10000 : i32
      %mul3A_196 = arith.muli %add3A, %mul3A_195 : i32
      %mul3A_197 = arith.constant 80 : i32
      %mul3A_198 = arith.muli %add3A_191, %mul3A_197 : i32
      %add3A_199 = arith.addi %mul3A_196, %mul3A_198 : i32
      %mul3A_200 = arith.constant 16 : i32
      %mul3A_201 = arith.muli %add3A_199, %mul3A_200 : i32
      "tpu.region"() ({
        %run_scoped3A = tpu.sem_alloc : memref<!tpu.dma_semaphore, #tpu.memory_space<semaphore_mem>>
        %dma_start3A_243 = tpu.memref_slice %arg5[%mul3A_201] : memref<5120000xf32, #tpu.memory_space<hbm>> -> memref<1280xf32, #tpu.memory_space<hbm>>
        %dma_start3A_244 = tpu.memref_slice %arg5[%mul3A_201] : memref<5120000xf32, #tpu.memory_space<hbm>> -> memref<1280xf32, #tpu.memory_space<hbm>>
        tpu.enqueue_dma source(%dma_start3A_244 : memref<1280xf32, #tpu.memory_space<hbm>>) target(%arg11 : memref<1280xf32, #tpu.memory_space<vmem>>) target_semaphore(%run_scoped3A : memref<!tpu.dma_semaphore, #tpu.memory_space<semaphore_mem>>)
        %dma_wait3A_245 = tpu.memref_slice %arg5[%mul3A_201] : memref<5120000xf32, #tpu.memory_space<hbm>> -> memref<1280xf32, #tpu.memory_space<hbm>>
        %dma_wait3A_246 = tpu.memref_slice %arg5[%mul3A_201] : memref<5120000xf32, #tpu.memory_space<hbm>> -> memref<1280xf32, #tpu.memory_space<hbm>>
        tpu.wait_dma2 semaphore(%run_scoped3A : memref<!tpu.dma_semaphore, #tpu.memory_space<semaphore_mem>>) src(%dma_wait3A_246 : memref<1280xf32, #tpu.memory_space<hbm>>) dst(%arg11 : memref<1280xf32, #tpu.memory_space<vmem>>)
        tpu.yield
      }) : () -> ()
      %dma_start3A_202 = arith.constant 0 : i32
      %dma_start3A_203 = arith.constant 0 : i32
      %dma_start3A_204 = arith.constant 0 : i32
      %dma_start3A_205 = arith.constant 0 : i32
      %dma_start3A_206 = tpu.memref_slice %arg13[%dma_start3A_204, %dma_start3A_205] : memref<80x128xf32, #tpu.memory_space<vmem>> -> memref<80x128xf32, #tpu.memory_space<vmem>>
      %dma_start3A_207 = arith.constant 0 : i32
      %dma_start3A_208 = tpu.memref_slice %arg7[%dma_start3A_202, %dma_start3A_203, %dma_start3A_207] : memref<1x1x80xi32, #tpu.memory_space<vmem>> -> memref<1x1x80xi32, #tpu.memory_space<vmem>>
      %dma_start3A_209 = tpu.memref_squeeze %dma_start3A_208 : memref<1x1x80xi32, #tpu.memory_space<vmem>> -> memref<80xi32, #tpu.memory_space<vmem>>
      %dma_start3A_210 = arith.constant 0 : i32
      %dma_start3A_211 = arith.constant 0 : i32
      %dma_start3A_212 = tpu.memref_slice %arg2[%dma_start3A_210, %dma_start3A_211] : memref<10000x128xf32, #tpu.memory_space<hbm>> -> memref<10000x128xf32, #tpu.memory_space<hbm>>
      tpu.enqueue_indirect_dma source(%dma_start3A_212 : memref<10000x128xf32, #tpu.memory_space<hbm>>) target(%dma_start3A_206 : memref<80x128xf32, #tpu.memory_space<vmem>>) offsets(%dma_start3A_209 : memref<80xi32, #tpu.memory_space<vmem>>) semaphore(%arg16 : memref<!tpu.dma_semaphore, #tpu.memory_space<semaphore_mem>>)
      %dma_wait3A_213 = arith.constant 0 : i32
      %dma_wait3A_214 = arith.constant 0 : i32
      %dma_wait3A_215 = tpu.memref_slice %arg14[%dma_wait3A_213, %dma_wait3A_214] : memref<80x128xf32, #tpu.memory_space<vmem>> -> memref<80x128xf32, #tpu.memory_space<vmem>>
      %dma_wait3A_216 = arith.constant 0 : i32
      %dma_wait3A_217 = arith.constant 0 : i32
      %dma_wait3A_218 = tpu.memref_slice %arg2[%dma_wait3A_216, %dma_wait3A_217] : memref<10000x128xf32, #tpu.memory_space<hbm>> -> memref<80x128xf32, #tpu.memory_space<hbm>>
      %dma_wait3A_219 = arith.constant 0 : i32
      %dma_wait3A_220 = arith.constant 0 : i32
      %dma_wait3A_221 = tpu.memref_slice %arg14[%dma_wait3A_219, %dma_wait3A_220] : memref<80x128xf32, #tpu.memory_space<vmem>> -> memref<80x128xf32, #tpu.memory_space<vmem>>
      %dma_wait3A_222 = arith.constant 0 : i32
      %dma_wait3A_223 = arith.constant 0 : i32
      %dma_wait3A_224 = tpu.memref_slice %arg2[%dma_wait3A_222, %dma_wait3A_223] : memref<10000x128xf32, #tpu.memory_space<hbm>> -> memref<80x128xf32, #tpu.memory_space<hbm>>
      tpu.wait_dma2 semaphore(%arg17 : memref<!tpu.dma_semaphore, #tpu.memory_space<semaphore_mem>>) src(%dma_wait3A_224 : memref<80x128xf32, #tpu.memory_space<hbm>>) dst(%dma_wait3A_221 : memref<80x128xf32, #tpu.memory_space<vmem>>)
      %scan3A_225 = arith.constant 0 : i32
      %scan3A_226 = arith.constant 0 : i32
      %scan3A_227 = arith.constant 80 : i32
      %scan3A_228 = arith.addi %scan3A_226, %scan3A_227 : i32
      %scan3A_229 = arith.constant 1 : i32
      %scan3A_230 = scf.for %scan3A_243 = %scan3A_226 to %scan3A_228 step %scan3A_229 iter_args(%scan3A_244 = %scan3A_225) -> (i32)  : i32 {
        %mul3A_245 = arith.constant 16 : i32
        %mul3A_246 = arith.muli %scan3A_243, %mul3A_245 : i32
        %get3A = arith.index_cast %mul3A_246 : i32 to index
        %get3A_247 = tpu.vector_load %arg12[%get3A] {strides = array<i32>} : memref<1280xf32, #tpu.memory_space<vmem>>, vector<16xf32>,
        %get3A_248 = vector.shape_cast %get3A_247 : vector<16xf32> to vector<16xf32>
        %get3A_249 = arith.index_cast %scan3A_243 : i32 to index
        %get3A_250 = arith.constant 0 : index
        %get3A_251 = tpu.vector_load %arg14[%get3A_249, %get3A_250] {strides = array<i32>} : memref<80x128xf32, #tpu.memory_space<vmem>>, vector<1x16xf32>,
        %get3A_252 = vector.shape_cast %get3A_251 : vector<1x16xf32> to vector<16xf32>
        %mul3A_253 = arith.mulf %get3A_252, %get3A_248 : vector<16xf32>
        %swap3A = arith.index_cast %scan3A_243 : i32 to index
        %swap3A_254 = arith.constant 0 : index
        %swap3A_255 = tpu.vector_load %arg14[%swap3A, %swap3A_254] {strides = array<i32>} : memref<80x128xf32, #tpu.memory_space<vmem>>, vector<1x16xf32>,
        %swap3A_256 = vector.shape_cast %swap3A_255 : vector<1x16xf32> to vector<16xf32>
        %swap3A_257 = vector.shape_cast %mul3A_253 : vector<16xf32> to vector<1x16xf32>
        tpu.vector_store %arg14[%swap3A, %swap3A_254], %swap3A_257 {strides = array<i32>} : memref<80x128xf32, #tpu.memory_space<vmem>>, vector<1x16xf32>,
        %get3A_258 = arith.index_cast %scan3A_243 : i32 to index
        %get3A_259 = arith.constant 16 : index
        %get3A_260 = tpu.vector_load %arg14[%get3A_258, %get3A_259] {strides = array<i32>} : memref<80x128xf32, #tpu.memory_space<vmem>>, vector<1x16xf32>,
        %get3A_261 = vector.shape_cast %get3A_260 : vector<1x16xf32> to vector<16xf32>
        %mul3A_262 = arith.mulf %get3A_261, %get3A_248 : vector<16xf32>
        %swap3A_263 = arith.index_cast %scan3A_243 : i32 to index
        %swap3A_264 = arith.constant 16 : index
        %swap3A_265 = tpu.vector_load %arg14[%swap3A_263, %swap3A_264] {strides = array<i32>} : memref<80x128xf32, #tpu.memory_space<vmem>>, vector<1x16xf32>,
        %swap3A_266 = vector.shape_cast %swap3A_265 : vector<1x16xf32> to vector<16xf32>
        %swap3A_267 = vector.shape_cast %mul3A_262 : vector<16xf32> to vector<1x16xf32>
        tpu.vector_store %arg14[%swap3A_263, %swap3A_264], %swap3A_267 {strides = array<i32>} : memref<80x128xf32, #tpu.memory_space<vmem>>, vector<1x16xf32>,
        %get3A_268 = arith.index_cast %scan3A_243 : i32 to index
        %get3A_269 = arith.constant 32 : index
        %get3A_270 = tpu.vector_load %arg14[%get3A_268, %get3A_269] {strides = array<i32>} : memref<80x128xf32, #tpu.memory_space<vmem>>, vector<1x16xf32>,
        %get3A_271 = vector.shape_cast %get3A_270 : vector<1x16xf32> to vector<16xf32>
        %mul3A_272 = arith.mulf %get3A_271, %get3A_248 : vector<16xf32>
        %swap3A_273 = arith.index_cast %scan3A_243 : i32 to index
        %swap3A_274 = arith.constant 32 : index
        %swap3A_275 = tpu.vector_load %arg14[%swap3A_273, %swap3A_274] {strides = array<i32>} : memref<80x128xf32, #tpu.memory_space<vmem>>, vector<1x16xf32>,
        %swap3A_276 = vector.shape_cast %swap3A_275 : vector<1x16xf32> to vector<16xf32>
        %swap3A_277 = vector.shape_cast %mul3A_272 : vector<16xf32> to vector<1x16xf32>
        tpu.vector_store %arg14[%swap3A_273, %swap3A_274], %swap3A_277 {strides = array<i32>} : memref<80x128xf32, #tpu.memory_space<vmem>>, vector<1x16xf32>,
        %get3A_278 = arith.index_cast %scan3A_243 : i32 to index
        %get3A_279 = arith.constant 48 : index
        %get3A_280 = tpu.vector_load %arg14[%get3A_278, %get3A_279] {strides = array<i32>} : memref<80x128xf32, #tpu.memory_space<vmem>>, vector<1x16xf32>,
        %get3A_281 = vector.shape_cast %get3A_280 : vector<1x16xf32> to vector<16xf32>
        %mul3A_282 = arith.mulf %get3A_281, %get3A_248 : vector<16xf32>
        %swap3A_283 = arith.index_cast %scan3A_243 : i32 to index
        %swap3A_284 = arith.constant 48 : index
        %swap3A_285 = tpu.vector_load %arg14[%swap3A_283, %swap3A_284] {strides = array<i32>} : memref<80x128xf32, #tpu.memory_space<vmem>>, vector<1x16xf32>,
        %swap3A_286 = vector.shape_cast %swap3A_285 : vector<1x16xf32> to vector<16xf32>
        %swap3A_287 = vector.shape_cast %mul3A_282 : vector<16xf32> to vector<1x16xf32>
        tpu.vector_store %arg14[%swap3A_283, %swap3A_284], %swap3A_287 {strides = array<i32>} : memref<80x128xf32, #tpu.memory_space<vmem>>, vector<1x16xf32>,
        %get3A_288 = arith.index_cast %scan3A_243 : i32 to index
        %get3A_289 = arith.constant 64 : index
        %get3A_290 = tpu.vector_load %arg14[%get3A_288, %get3A_289] {strides = array<i32>} : memref<80x128xf32, #tpu.memory_space<vmem>>, vector<1x16xf32>,
        %get3A_291 = vector.shape_cast %get3A_290 : vector<1x16xf32> to vector<16xf32>
        %mul3A_292 = arith.mulf %get3A_291, %get3A_248 : vector<16xf32>
        %swap3A_293 = arith.index_cast %scan3A_243 : i32 to index
        %swap3A_294 = arith.constant 64 : index
        %swap3A_295 = tpu.vector_load %arg14[%swap3A_293, %swap3A_294] {strides = array<i32>} : memref<80x128xf32, #tpu.memory_space<vmem>>, vector<1x16xf32>,
        %swap3A_296 = vector.shape_cast %swap3A_295 : vector<1x16xf32> to vector<16xf32>
        %swap3A_297 = vector.shape_cast %mul3A_292 : vector<16xf32> to vector<1x16xf32>
        tpu.vector_store %arg14[%swap3A_293, %swap3A_294], %swap3A_297 {strides = array<i32>} : memref<80x128xf32, #tpu.memory_space<vmem>>, vector<1x16xf32>,
        %get3A_298 = arith.index_cast %scan3A_243 : i32 to index
        %get3A_299 = arith.constant 80 : index
        %get3A_300 = tpu.vector_load %arg14[%get3A_298, %get3A_299] {strides = array<i32>} : memref<80x128xf32, #tpu.memory_space<vmem>>, vector<1x16xf32>,
        %get3A_301 = vector.shape_cast %get3A_300 : vector<1x16xf32> to vector<16xf32>
        %mul3A_302 = arith.mulf %get3A_301, %get3A_248 : vector<16xf32>
        %swap3A_303 = arith.index_cast %scan3A_243 : i32 to index
        %swap3A_304 = arith.constant 80 : index
        %swap3A_305 = tpu.vector_load %arg14[%swap3A_303, %swap3A_304] {strides = array<i32>} : memref<80x128xf32, #tpu.memory_space<vmem>>, vector<1x16xf32>,
        %swap3A_306 = vector.shape_cast %swap3A_305 : vector<1x16xf32> to vector<16xf32>
        %swap3A_307 = vector.shape_cast %mul3A_302 : vector<16xf32> to vector<1x16xf32>
        tpu.vector_store %arg14[%swap3A_303, %swap3A_304], %swap3A_307 {strides = array<i32>} : memref<80x128xf32, #tpu.memory_space<vmem>>, vector<1x16xf32>,
        %get3A_308 = arith.index_cast %scan3A_243 : i32 to index
        %get3A_309 = arith.constant 96 : index
        %get3A_310 = tpu.vector_load %arg14[%get3A_308, %get3A_309] {strides = array<i32>} : memref<80x128xf32, #tpu.memory_space<vmem>>, vector<1x16xf32>,
        %get3A_311 = vector.shape_cast %get3A_310 : vector<1x16xf32> to vector<16xf32>
        %mul3A_312 = arith.mulf %get3A_311, %get3A_248 : vector<16xf32>
        %swap3A_313 = arith.index_cast %scan3A_243 : i32 to index
        %swap3A_314 = arith.constant 96 : index
        %swap3A_315 = tpu.vector_load %arg14[%swap3A_313, %swap3A_314] {strides = array<i32>} : memref<80x128xf32, #tpu.memory_space<vmem>>, vector<1x16xf32>,
        %swap3A_316 = vector.shape_cast %swap3A_315 : vector<1x16xf32> to vector<16xf32>
        %swap3A_317 = vector.shape_cast %mul3A_312 : vector<16xf32> to vector<1x16xf32>
        tpu.vector_store %arg14[%swap3A_313, %swap3A_314], %swap3A_317 {strides = array<i32>} : memref<80x128xf32, #tpu.memory_space<vmem>>, vector<1x16xf32>,
        %get3A_318 = arith.index_cast %scan3A_243 : i32 to index
        %get3A_319 = arith.constant 112 : index
        %get3A_320 = tpu.vector_load %arg14[%get3A_318, %get3A_319] {strides = array<i32>} : memref<80x128xf32, #tpu.memory_space<vmem>>, vector<1x16xf32>,
        %get3A_321 = vector.shape_cast %get3A_320 : vector<1x16xf32> to vector<16xf32>
        %mul3A_322 = arith.mulf %get3A_321, %get3A_248 : vector<16xf32>
        %swap3A_323 = arith.index_cast %scan3A_243 : i32 to index
        %swap3A_324 = arith.constant 112 : index
        %swap3A_325 = tpu.vector_load %arg14[%swap3A_323, %swap3A_324] {strides = array<i32>} : memref<80x128xf32, #tpu.memory_space<vmem>>, vector<1x16xf32>,
        %swap3A_326 = vector.shape_cast %swap3A_325 : vector<1x16xf32> to vector<16xf32>
        %swap3A_327 = vector.shape_cast %mul3A_322 : vector<16xf32> to vector<1x16xf32>
        tpu.vector_store %arg14[%swap3A_323, %swap3A_324], %swap3A_327 {strides = array<i32>} : memref<80x128xf32, #tpu.memory_space<vmem>>, vector<1x16xf32>,
        %scan3A_328 = arith.constant 0 : i32
        scf.yield %scan3A_328 : i32
      }
      %scan3A_231 = arith.constant 80 : i32
      %dma_start3A_232 = arith.constant 0 : i32
      %dma_start3A_233 = arith.constant 0 : i32
      %dma_start3A_234 = arith.constant 0 : i32
      %dma_start3A_235 = arith.constant 0 : i32
      %dma_start3A_236 = tpu.memref_slice %arg14[%dma_start3A_234, %dma_start3A_235] : memref<80x128xf32, #tpu.memory_space<vmem>> -> memref<80x128xf32, #tpu.memory_space<vmem>>
      %dma_start3A_237 = arith.constant 0 : i32
      %dma_start3A_238 = tpu.memref_slice %arg10[%dma_start3A_232, %dma_start3A_233, %dma_start3A_237] : memref<1x1x80xi32, #tpu.memory_space<vmem>> -> memref<1x1x80xi32, #tpu.memory_space<vmem>>
      %dma_start3A_239 = tpu.memref_squeeze %dma_start3A_238 : memref<1x1x80xi32, #tpu.memory_space<vmem>> -> memref<80xi32, #tpu.memory_space<vmem>>
      %dma_start3A_240 = arith.constant 0 : i32
      %dma_start3A_241 = arith.constant 0 : i32
      %dma_start3A_242 = tpu.memref_slice %arg15[%dma_start3A_240, %dma_start3A_241] : memref<10112x128xf32, #tpu.memory_space<vmem_shared>> -> memref<10112x128xf32, #tpu.memory_space<vmem_shared>>
      tpu.enqueue_indirect_dma source(%dma_start3A_236 : memref<80x128xf32, #tpu.memory_space<vmem>>) target(%dma_start3A_242 : memref<10112x128xf32, #tpu.memory_space<vmem_shared>>) offsets(%dma_start3A_239 : memref<80xi32, #tpu.memory_space<vmem>>) semaphore(%arg19 : memref<!tpu.dma_semaphore, #tpu.memory_space<semaphore_mem>>) {add = true}
    }
    %scan3A_66 = arith.constant 62 : i32
    %dma_wait3A = arith.constant 0 : i32
    %dma_wait3A_67 = arith.constant 0 : i32
    %dma_wait3A_68 = tpu.memref_slice %arg13[%dma_wait3A, %dma_wait3A_67] : memref<80x128xf32, #tpu.memory_space<vmem>> -> memref<80x128xf32, #tpu.memory_space<vmem>>
    %dma_wait3A_69 = arith.constant 0 : i32
    %dma_wait3A_70 = arith.constant 0 : i32
    %dma_wait3A_71 = tpu.memref_slice %arg2[%dma_wait3A_69, %dma_wait3A_70] : memref<10000x128xf32, #tpu.memory_space<hbm>> -> memref<80x128xf32, #tpu.memory_space<hbm>>
    %dma_wait3A_72 = arith.constant 0 : i32
    %dma_wait3A_73 = arith.constant 0 : i32
    %dma_wait3A_74 = tpu.memref_slice %arg13[%dma_wait3A_72, %dma_wait3A_73] : memref<80x128xf32, #tpu.memory_space<vmem>> -> memref<80x128xf32, #tpu.memory_space<vmem>>
    %dma_wait3A_75 = arith.constant 0 : i32
    %dma_wait3A_76 = arith.constant 0 : i32
    %dma_wait3A_77 = tpu.memref_slice %arg2[%dma_wait3A_75, %dma_wait3A_76] : memref<10000x128xf32, #tpu.memory_space<hbm>> -> memref<80x128xf32, #tpu.memory_space<hbm>>
    tpu.wait_dma2 semaphore(%arg16 : memref<!tpu.dma_semaphore, #tpu.memory_space<semaphore_mem>>) src(%dma_wait3A_77 : memref<80x128xf32, #tpu.memory_space<hbm>>) dst(%dma_wait3A_74 : memref<80x128xf32, #tpu.memory_space<vmem>>)
    %scan3A_78 = arith.constant 0 : i32
    %scan3A_79 = arith.constant 0 : i32
    %scan3A_80 = arith.constant 80 : i32
    %scan3A_81 = arith.addi %scan3A_79, %scan3A_80 : i32
    %scan3A_82 = arith.constant 1 : i32
    %scan3A_83 = scf.for %scan3A_121 = %scan3A_79 to %scan3A_81 step %scan3A_82 iter_args(%scan3A_122 = %scan3A_78) -> (i32)  : i32 {
      %mul3A_123 = arith.constant 16 : i32
      %mul3A_124 = arith.muli %scan3A_121, %mul3A_123 : i32
      %get3A = arith.index_cast %mul3A_124 : i32 to index
      %get3A_125 = tpu.vector_load %arg11[%get3A] {strides = array<i32>} : memref<1280xf32, #tpu.memory_space<vmem>>, vector<16xf32>,
      %get3A_126 = vector.shape_cast %get3A_125 : vector<16xf32> to vector<16xf32>
      %get3A_127 = arith.index_cast %scan3A_121 : i32 to index
      %get3A_128 = arith.constant 0 : index
      %get3A_129 = tpu.vector_load %arg13[%get3A_127, %get3A_128] {strides = array<i32>} : memref<80x128xf32, #tpu.memory_space<vmem>>, vector<1x16xf32>,
      %get3A_130 = vector.shape_cast %get3A_129 : vector<1x16xf32> to vector<16xf32>
      %mul3A_131 = arith.mulf %get3A_130, %get3A_126 : vector<16xf32>
      %swap3A = arith.index_cast %scan3A_121 : i32 to index
      %swap3A_132 = arith.constant 0 : index
      %swap3A_133 = tpu.vector_load %arg13[%swap3A, %swap3A_132] {strides = array<i32>} : memref<80x128xf32, #tpu.memory_space<vmem>>, vector<1x16xf32>,
      %swap3A_134 = vector.shape_cast %swap3A_133 : vector<1x16xf32> to vector<16xf32>
      %swap3A_135 = vector.shape_cast %mul3A_131 : vector<16xf32> to vector<1x16xf32>
      tpu.vector_store %arg13[%swap3A, %swap3A_132], %swap3A_135 {strides = array<i32>} : memref<80x128xf32, #tpu.memory_space<vmem>>, vector<1x16xf32>,
      %get3A_136 = arith.index_cast %scan3A_121 : i32 to index
      %get3A_137 = arith.constant 16 : index
      %get3A_138 = tpu.vector_load %arg13[%get3A_136, %get3A_137] {strides = array<i32>} : memref<80x128xf32, #tpu.memory_space<vmem>>, vector<1x16xf32>,
      %get3A_139 = vector.shape_cast %get3A_138 : vector<1x16xf32> to vector<16xf32>
      %mul3A_140 = arith.mulf %get3A_139, %get3A_126 : vector<16xf32>
      %swap3A_141 = arith.index_cast %scan3A_121 : i32 to index
      %swap3A_142 = arith.constant 16 : index
      %swap3A_143 = tpu.vector_load %arg13[%swap3A_141, %swap3A_142] {strides = array<i32>} : memref<80x128xf32, #tpu.memory_space<vmem>>, vector<1x16xf32>,
      %swap3A_144 = vector.shape_cast %swap3A_143 : vector<1x16xf32> to vector<16xf32>
      %swap3A_145 = vector.shape_cast %mul3A_140 : vector<16xf32> to vector<1x16xf32>
      tpu.vector_store %arg13[%swap3A_141, %swap3A_142], %swap3A_145 {strides = array<i32>} : memref<80x128xf32, #tpu.memory_space<vmem>>, vector<1x16xf32>,
      %get3A_146 = arith.index_cast %scan3A_121 : i32 to index
      %get3A_147 = arith.constant 32 : index
      %get3A_148 = tpu.vector_load %arg13[%get3A_146, %get3A_147] {strides = array<i32>} : memref<80x128xf32, #tpu.memory_space<vmem>>, vector<1x16xf32>,
      %get3A_149 = vector.shape_cast %get3A_148 : vector<1x16xf32> to vector<16xf32>
      %mul3A_150 = arith.mulf %get3A_149, %get3A_126 : vector<16xf32>
      %swap3A_151 = arith.index_cast %scan3A_121 : i32 to index
      %swap3A_152 = arith.constant 32 : index
      %swap3A_153 = tpu.vector_load %arg13[%swap3A_151, %swap3A_152] {strides = array<i32>} : memref<80x128xf32, #tpu.memory_space<vmem>>, vector<1x16xf32>,
      %swap3A_154 = vector.shape_cast %swap3A_153 : vector<1x16xf32> to vector<16xf32>
      %swap3A_155 = vector.shape_cast %mul3A_150 : vector<16xf32> to vector<1x16xf32>
      tpu.vector_store %arg13[%swap3A_151, %swap3A_152], %swap3A_155 {strides = array<i32>} : memref<80x128xf32, #tpu.memory_space<vmem>>, vector<1x16xf32>,
      %get3A_156 = arith.index_cast %scan3A_121 : i32 to index
      %get3A_157 = arith.constant 48 : index
      %get3A_158 = tpu.vector_load %arg13[%get3A_156, %get3A_157] {strides = array<i32>} : memref<80x128xf32, #tpu.memory_space<vmem>>, vector<1x16xf32>,
      %get3A_159 = vector.shape_cast %get3A_158 : vector<1x16xf32> to vector<16xf32>
      %mul3A_160 = arith.mulf %get3A_159, %get3A_126 : vector<16xf32>
      %swap3A_161 = arith.index_cast %scan3A_121 : i32 to index
      %swap3A_162 = arith.constant 48 : index
      %swap3A_163 = tpu.vector_load %arg13[%swap3A_161, %swap3A_162] {strides = array<i32>} : memref<80x128xf32, #tpu.memory_space<vmem>>, vector<1x16xf32>,
      %swap3A_164 = vector.shape_cast %swap3A_163 : vector<1x16xf32> to vector<16xf32>
      %swap3A_165 = vector.shape_cast %mul3A_160 : vector<16xf32> to vector<1x16xf32>
      tpu.vector_store %arg13[%swap3A_161, %swap3A_162], %swap3A_165 {strides = array<i32>} : memref<80x128xf32, #tpu.memory_space<vmem>>, vector<1x16xf32>,
      %get3A_166 = arith.index_cast %scan3A_121 : i32 to index
      %get3A_167 = arith.constant 64 : index
      %get3A_168 = tpu.vector_load %arg13[%get3A_166, %get3A_167] {strides = array<i32>} : memref<80x128xf32, #tpu.memory_space<vmem>>, vector<1x16xf32>,
      %get3A_169 = vector.shape_cast %get3A_168 : vector<1x16xf32> to vector<16xf32>
      %mul3A_170 = arith.mulf %get3A_169, %get3A_126 : vector<16xf32>
      %swap3A_171 = arith.index_cast %scan3A_121 : i32 to index
      %swap3A_172 = arith.constant 64 : index
      %swap3A_173 = tpu.vector_load %arg13[%swap3A_171, %swap3A_172] {strides = array<i32>} : memref<80x128xf32, #tpu.memory_space<vmem>>, vector<1x16xf32>,
      %swap3A_174 = vector.shape_cast %swap3A_173 : vector<1x16xf32> to vector<16xf32>
      %swap3A_175 = vector.shape_cast %mul3A_170 : vector<16xf32> to vector<1x16xf32>
      tpu.vector_store %arg13[%swap3A_171, %swap3A_172], %swap3A_175 {strides = array<i32>} : memref<80x128xf32, #tpu.memory_space<vmem>>, vector<1x16xf32>,
      %get3A_176 = arith.index_cast %scan3A_121 : i32 to index
      %get3A_177 = arith.constant 80 : index
      %get3A_178 = tpu.vector_load %arg13[%get3A_176, %get3A_177] {strides = array<i32>} : memref<80x128xf32, #tpu.memory_space<vmem>>, vector<1x16xf32>,
      %get3A_179 = vector.shape_cast %get3A_178 : vector<1x16xf32> to vector<16xf32>
      %mul3A_180 = arith.mulf %get3A_179, %get3A_126 : vector<16xf32>
      %swap3A_181 = arith.index_cast %scan3A_121 : i32 to index
      %swap3A_182 = arith.constant 80 : index
      %swap3A_183 = tpu.vector_load %arg13[%swap3A_181, %swap3A_182] {strides = array<i32>} : memref<80x128xf32, #tpu.memory_space<vmem>>, vector<1x16xf32>,
      %swap3A_184 = vector.shape_cast %swap3A_183 : vector<1x16xf32> to vector<16xf32>
      %swap3A_185 = vector.shape_cast %mul3A_180 : vector<16xf32> to vector<1x16xf32>
      tpu.vector_store %arg13[%swap3A_181, %swap3A_182], %swap3A_185 {strides = array<i32>} : memref<80x128xf32, #tpu.memory_space<vmem>>, vector<1x16xf32>,
      %get3A_186 = arith.index_cast %scan3A_121 : i32 to index
      %get3A_187 = arith.constant 96 : index
      %get3A_188 = tpu.vector_load %arg13[%get3A_186, %get3A_187] {strides = array<i32>} : memref<80x128xf32, #tpu.memory_space<vmem>>, vector<1x16xf32>,
      %get3A_189 = vector.shape_cast %get3A_188 : vector<1x16xf32> to vector<16xf32>
      %mul3A_190 = arith.mulf %get3A_189, %get3A_126 : vector<16xf32>
      %swap3A_191 = arith.index_cast %scan3A_121 : i32 to index
      %swap3A_192 = arith.constant 96 : index
      %swap3A_193 = tpu.vector_load %arg13[%swap3A_191, %swap3A_192] {strides = array<i32>} : memref<80x128xf32, #tpu.memory_space<vmem>>, vector<1x16xf32>,
      %swap3A_194 = vector.shape_cast %swap3A_193 : vector<1x16xf32> to vector<16xf32>
      %swap3A_195 = vector.shape_cast %mul3A_190 : vector<16xf32> to vector<1x16xf32>
      tpu.vector_store %arg13[%swap3A_191, %swap3A_192], %swap3A_195 {strides = array<i32>} : memref<80x128xf32, #tpu.memory_space<vmem>>, vector<1x16xf32>,
      %get3A_196 = arith.index_cast %scan3A_121 : i32 to index
      %get3A_197 = arith.constant 112 : index
      %get3A_198 = tpu.vector_load %arg13[%get3A_196, %get3A_197] {strides = array<i32>} : memref<80x128xf32, #tpu.memory_space<vmem>>, vector<1x16xf32>,
      %get3A_199 = vector.shape_cast %get3A_198 : vector<1x16xf32> to vector<16xf32>
      %mul3A_200 = arith.mulf %get3A_199, %get3A_126 : vector<16xf32>
      %swap3A_201 = arith.index_cast %scan3A_121 : i32 to index
      %swap3A_202 = arith.constant 112 : index
      %swap3A_203 = tpu.vector_load %arg13[%swap3A_201, %swap3A_202] {strides = array<i32>} : memref<80x128xf32, #tpu.memory_space<vmem>>, vector<1x16xf32>,
      %swap3A_204 = vector.shape_cast %swap3A_203 : vector<1x16xf32> to vector<16xf32>
      %swap3A_205 = vector.shape_cast %mul3A_200 : vector<16xf32> to vector<1x16xf32>
      tpu.vector_store %arg13[%swap3A_201, %swap3A_202], %swap3A_205 {strides = array<i32>} : memref<80x128xf32, #tpu.memory_space<vmem>>, vector<1x16xf32>,
      %scan3A_206 = arith.constant 0 : i32
      scf.yield %scan3A_206 : i32
    }
    %scan3A_84 = arith.constant 80 : i32
    %dma_start3A_85 = arith.constant 0 : i32
    %dma_start3A_86 = arith.constant 0 : i32
    %dma_start3A_87 = arith.constant 0 : i32
    %dma_start3A_88 = arith.constant 0 : i32
    %dma_start3A_89 = tpu.memref_slice %arg13[%dma_start3A_87, %dma_start3A_88] : memref<80x128xf32, #tpu.memory_space<vmem>> -> memref<80x128xf32, #tpu.memory_space<vmem>>
    %dma_start3A_90 = arith.constant 0 : i32
    %dma_start3A_91 = tpu.memref_slice %arg9[%dma_start3A_85, %dma_start3A_86, %dma_start3A_90] : memref<1x1x80xi32, #tpu.memory_space<vmem>> -> memref<1x1x80xi32, #tpu.memory_space<vmem>>
    %dma_start3A_92 = tpu.memref_squeeze %dma_start3A_91 : memref<1x1x80xi32, #tpu.memory_space<vmem>> -> memref<80xi32, #tpu.memory_space<vmem>>
    %dma_start3A_93 = arith.constant 0 : i32
    %dma_start3A_94 = arith.constant 0 : i32
    %dma_start3A_95 = tpu.memref_slice %arg15[%dma_start3A_93, %dma_start3A_94] : memref<10112x128xf32, #tpu.memory_space<vmem_shared>> -> memref<10112x128xf32, #tpu.memory_space<vmem_shared>>
    tpu.enqueue_indirect_dma source(%dma_start3A_89 : memref<80x128xf32, #tpu.memory_space<vmem>>) target(%dma_start3A_95 : memref<10112x128xf32, #tpu.memory_space<vmem_shared>>) offsets(%dma_start3A_92 : memref<80xi32, #tpu.memory_space<vmem>>) semaphore(%arg18 : memref<!tpu.dma_semaphore, #tpu.memory_space<semaphore_mem>>) {add = true}
    %dma_wait3A_96 = arith.constant 0 : i32
    %dma_wait3A_97 = arith.constant 0 : i32
    %dma_wait3A_98 = tpu.memref_slice %arg13[%dma_wait3A_96, %dma_wait3A_97] : memref<80x128xf32, #tpu.memory_space<vmem>> -> memref<80x128xf32, #tpu.memory_space<vmem>>
    %dma_wait3A_99 = arith.constant 0 : i32
    %dma_wait3A_100 = arith.constant 0 : i32
    %dma_wait3A_101 = tpu.memref_slice %arg15[%dma_wait3A_99, %dma_wait3A_100] : memref<10112x128xf32, #tpu.memory_space<vmem_shared>> -> memref<80x128xf32, #tpu.memory_space<vmem_shared>>
    %dma_wait3A_102 = arith.constant 0 : i32
    %dma_wait3A_103 = arith.constant 0 : i32
    %dma_wait3A_104 = tpu.memref_slice %arg15[%dma_wait3A_102, %dma_wait3A_103] : memref<10112x128xf32, #tpu.memory_space<vmem_shared>> -> memref<80x128xf32, #tpu.memory_space<vmem_shared>>
    %dma_wait3A_105 = arith.constant 0 : i32
    %dma_wait3A_106 = arith.constant 0 : i32
    %dma_wait3A_107 = tpu.memref_slice %arg13[%dma_wait3A_105, %dma_wait3A_106] : memref<80x128xf32, #tpu.memory_space<vmem>> -> memref<80x128xf32, #tpu.memory_space<vmem>>
    tpu.wait_dma2 semaphore(%arg18 : memref<!tpu.dma_semaphore, #tpu.memory_space<semaphore_mem>>) src(%dma_wait3A_107 : memref<80x128xf32, #tpu.memory_space<vmem>>) dst(%dma_wait3A_104 : memref<80x128xf32, #tpu.memory_space<vmem_shared>>)
    %dma_wait3A_108 = arith.constant 0 : i32
    %dma_wait3A_109 = arith.constant 0 : i32
    %dma_wait3A_110 = tpu.memref_slice %arg14[%dma_wait3A_108, %dma_wait3A_109] : memref<80x128xf32, #tpu.memory_space<vmem>> -> memref<80x128xf32, #tpu.memory_space<vmem>>
    %dma_wait3A_111 = arith.constant 0 : i32
    %dma_wait3A_112 = arith.constant 0 : i32
    %dma_wait3A_113 = tpu.memref_slice %arg15[%dma_wait3A_111, %dma_wait3A_112] : memref<10112x128xf32, #tpu.memory_space<vmem_shared>> -> memref<80x128xf32, #tpu.memory_space<vmem_shared>>
    %dma_wait3A_114 = arith.constant 0 : i32
    %dma_wait3A_115 = arith.constant 0 : i32
    %dma_wait3A_116 = tpu.memref_slice %arg15[%dma_wait3A_114, %dma_wait3A_115] : memref<10112x128xf32, #tpu.memory_space<vmem_shared>> -> memref<80x128xf32, #tpu.memory_space<vmem_shared>>
    %dma_wait3A_117 = arith.constant 0 : i32
    %dma_wait3A_118 = arith.constant 0 : i32
    %dma_wait3A_119 = tpu.memref_slice %arg14[%dma_wait3A_117, %dma_wait3A_118] : memref<80x128xf32, #tpu.memory_space<vmem>> -> memref<80x128xf32, #tpu.memory_space<vmem>>
    tpu.wait_dma2 semaphore(%arg19 : memref<!tpu.dma_semaphore, #tpu.memory_space<semaphore_mem>>) src(%dma_wait3A_119 : memref<80x128xf32, #tpu.memory_space<vmem>>) dst(%dma_wait3A_116 : memref<80x128xf32, #tpu.memory_space<vmem_shared>>)
    %barrier3A_120 = arith.constant 0 : index
    tpu.barrier barrier_id(%barrier3A_120)
    "tpu.region"() ({
      %run_scoped3A = tpu.sem_alloc : memref<!tpu.dma_semaphore, #tpu.memory_space<semaphore_mem>>
      %dma_start3A_121 = arith.constant 0 : i32
      %dma_start3A_122 = tpu.memref_slice %arg6[%arg0, %mul3A_2, %dma_start3A_121] : memref<2x10112x128xf32, #tpu.memory_space<hbm>> -> memref<1x632x128xf32, #tpu.memory_space<hbm>>
      %dma_start3A_123 = tpu.memref_squeeze %dma_start3A_122 : memref<1x632x128xf32, #tpu.memory_space<hbm>> -> memref<632x128xf32, #tpu.memory_space<hbm>>
      %dma_start3A_124 = arith.constant 0 : i32
      %dma_start3A_125 = tpu.memref_slice %arg15[%mul3A_2, %dma_start3A_124] : memref<10112x128xf32, #tpu.memory_space<vmem_shared>> -> memref<632x128xf32, #tpu.memory_space<vmem_shared>>
      tpu.enqueue_dma source(%dma_start3A_125 : memref<632x128xf32, #tpu.memory_space<vmem_shared>>) target(%dma_start3A_123 : memref<632x128xf32, #tpu.memory_space<hbm>>) target_semaphore(%run_scoped3A : memref<!tpu.dma_semaphore, #tpu.memory_space<semaphore_mem>>)
      %dma_wait3A_126 = arith.constant 0 : i32
      %dma_wait3A_127 = tpu.memref_slice %arg6[%arg0, %mul3A_2, %dma_wait3A_126] : memref<2x10112x128xf32, #tpu.memory_space<hbm>> -> memref<1x632x128xf32, #tpu.memory_space<hbm>>
      %dma_wait3A_128 = tpu.memref_squeeze %dma_wait3A_127 : memref<1x632x128xf32, #tpu.memory_space<hbm>> -> memref<632x128xf32, #tpu.memory_space<hbm>>
      %dma_wait3A_129 = arith.constant 0 : i32
      %dma_wait3A_130 = tpu.memref_slice %arg15[%mul3A_2, %dma_wait3A_129] : memref<10112x128xf32, #tpu.memory_space<vmem_shared>> -> memref<632x128xf32, #tpu.memory_space<vmem_shared>>
      tpu.wait_dma2 semaphore(%run_scoped3A : memref<!tpu.dma_semaphore, #tpu.memory_space<semaphore_mem>>) src(%dma_wait3A_130 : memref<632x128xf32, #tpu.memory_space<vmem_shared>>) dst(%dma_wait3A_128 : memref<632x128xf32, #tpu.memory_space<hbm>>)
      tpu.yield
    }) : () -> ()
    return
  }
}

#map = affine_map<(d0, d1) -> (0, 0)>
#map1 = affine_map<(d0, d1) -> (0, 0, 0)>
#map2 = affine_map<(d0, d1) -> (0)>
module attributes {stable_mosaic.version = 14 : i64} {
  func.func @body(%arg0: i32, %arg1: i32, %arg2: memref<10000x128xf32, #tpu.memory_space<hbm>>, %arg3: memref<4000x1x80xi32, #tpu.memory_space<hbm>>, %arg4: memref<4000x1x80xi32, #tpu.memory_space<hbm>>, %arg5: memref<5120000xf32, #tpu.memory_space<hbm>>, %arg6: memref<2x10112x128xf32, #tpu.memory_space<hbm>>, %arg7: memref<1x1x80xi32, #tpu.memory_space<vmem>>, %arg8: memref<1x1x80xi32, #tpu.memory_space<vmem>>, %arg9: memref<1x1x80xi32, #tpu.memory_space<vmem>>, %arg10: memref<1x1x80xi32, #tpu.memory_space<vmem>>, %arg11: memref<1280xf32, #tpu.memory_space<vmem>>, %arg12: memref<1280xf32, #tpu.memory_space<vmem>>, %arg13: memref<80x128xf32, #tpu.memory_space<vmem>>, %arg14: memref<80x128xf32, #tpu.memory_space<vmem>>, %arg15: memref<10112x128xf32, #tpu.memory_space<vmem_shared>>, %arg16: memref<!tpu.dma_semaphore, #tpu.memory_space<semaphore_mem>>, %arg17: memref<!tpu.dma_semaphore, #tpu.memory_space<semaphore_mem>>, %arg18: memref<!tpu.dma_semaphore, #tpu.memory_space<semaphore_mem>>, %arg19: memref<!tpu.dma_semaphore, #tpu.memory_space<semaphore_mem>>) attributes {dimension_semantics = [#tpu.dimension_semantics<core_parallel>, #tpu.dimension_semantics<subcore_parallel>], iteration_bounds = array<i64: 2, 16>, scalar_prefetch = 0 : i64, scratch_operands = 13 : i64, tpu.core_type = #tpu.core_type<sc_vector_subcore>, window_params = [{transform_indices = #map}, {transform_indices = #map1}, {transform_indices = #map1}, {transform_indices = #map2}, {transform_indices = #map1}]} {
    %mul3A = arith.constant 2 : i32
    %mul3A_0 = arith.muli %arg1, %mul3A : i32
    %add3A = arith.addi %mul3A_0, %arg0 : i32
    %mul3A_1 = arith.constant 632 : i32
    %mul3A_2 = arith.muli %arg1, %mul3A_1 : i32
    %broadcast_in_dim3A = arith.constant 0.000000e+00 : f32
    %broadcast_in_dim3A_3 = vector.broadcast %broadcast_in_dim3A : f32 to vector<16xf32>
    %scan3A = arith.constant 0 : i32
    %scan3A_4 = arith.constant 0 : i32
    %scan3A_5 = arith.constant 80 : i32
    %scan3A_6 = arith.addi %scan3A_4, %scan3A_5 : i32
    %scan3A_7 = arith.constant 1 : i32
    %scan3A_8 = scf.for %scan3A_121 = %scan3A_4 to %scan3A_6 step %scan3A_7 iter_args(%scan3A_122 = %scan3A) -> (i32)  : i32 {
      %swap3A = arith.index_cast %scan3A_121 : i32 to index
      %swap3A_123 = arith.constant 0 : index
      %swap3A_124 = tpu.vector_load %arg13[%swap3A, %swap3A_123] {strides = array<i32>} : memref<80x128xf32, #tpu.memory_space<vmem>>, vector<1x16xf32>,
      %swap3A_125 = vector.shape_cast %swap3A_124 : vector<1x16xf32> to vector<16xf32>
      %swap3A_126 = vector.shape_cast %broadcast_in_dim3A_3 : vector<16xf32> to vector<1x16xf32>
      tpu.vector_store %arg13[%swap3A, %swap3A_123], %swap3A_126 {strides = array<i32>} : memref<80x128xf32, #tpu.memory_space<vmem>>, vector<1x16xf32>,
      %swap3A_127 = arith.index_cast %scan3A_121 : i32 to index
      %swap3A_128 = arith.constant 16 : index
      %swap3A_129 = tpu.vector_load %arg13[%swap3A_127, %swap3A_128] {strides = array<i32>} : memref<80x128xf32, #tpu.memory_space<vmem>>, vector<1x16xf32>,
      %swap3A_130 = vector.shape_cast %swap3A_129 : vector<1x16xf32> to vector<16xf32>
      %swap3A_131 = vector.shape_cast %broadcast_in_dim3A_3 : vector<16xf32> to vector<1x16xf32>
      tpu.vector_store %arg13[%swap3A_127, %swap3A_128], %swap3A_131 {strides = array<i32>} : memref<80x128xf32, #tpu.memory_space<vmem>>, vector<1x16xf32>,
      %swap3A_132 = arith.index_cast %scan3A_121 : i32 to index
      %swap3A_133 = arith.constant 32 : index
      %swap3A_134 = tpu.vector_load %arg13[%swap3A_132, %swap3A_133] {strides = array<i32>} : memref<80x128xf32, #tpu.memory_space<vmem>>, vector<1x16xf32>,
      %swap3A_135 = vector.shape_cast %swap3A_134 : vector<1x16xf32> to vector<16xf32>
      %swap3A_136 = vector.shape_cast %broadcast_in_dim3A_3 : vector<16xf32> to vector<1x16xf32>
      tpu.vector_store %arg13[%swap3A_132, %swap3A_133], %swap3A_136 {strides = array<i32>} : memref<80x128xf32, #tpu.memory_space<vmem>>, vector<1x16xf32>,
      %swap3A_137 = arith.index_cast %scan3A_121 : i32 to index
      %swap3A_138 = arith.constant 48 : index
      %swap3A_139 = tpu.vector_load %arg13[%swap3A_137, %swap3A_138] {strides = array<i32>} : memref<80x128xf32, #tpu.memory_space<vmem>>, vector<1x16xf32>,
      %swap3A_140 = vector.shape_cast %swap3A_139 : vector<1x16xf32> to vector<16xf32>
      %swap3A_141 = vector.shape_cast %broadcast_in_dim3A_3 : vector<16xf32> to vector<1x16xf32>
      tpu.vector_store %arg13[%swap3A_137, %swap3A_138], %swap3A_141 {strides = array<i32>} : memref<80x128xf32, #tpu.memory_space<vmem>>, vector<1x16xf32>,
      %swap3A_142 = arith.index_cast %scan3A_121 : i32 to index
      %swap3A_143 = arith.constant 64 : index
      %swap3A_144 = tpu.vector_load %arg13[%swap3A_142, %swap3A_143] {strides = array<i32>} : memref<80x128xf32, #tpu.memory_space<vmem>>, vector<1x16xf32>,
      %swap3A_145 = vector.shape_cast %swap3A_144 : vector<1x16xf32> to vector<16xf32>
      %swap3A_146 = vector.shape_cast %broadcast_in_dim3A_3 : vector<16xf32> to vector<1x16xf32>
      tpu.vector_store %arg13[%swap3A_142, %swap3A_143], %swap3A_146 {strides = array<i32>} : memref<80x128xf32, #tpu.memory_space<vmem>>, vector<1x16xf32>,
      %swap3A_147 = arith.index_cast %scan3A_121 : i32 to index
      %swap3A_148 = arith.constant 80 : index
      %swap3A_149 = tpu.vector_load %arg13[%swap3A_147, %swap3A_148] {strides = array<i32>} : memref<80x128xf32, #tpu.memory_space<vmem>>, vector<1x16xf32>,
      %swap3A_150 = vector.shape_cast %swap3A_149 : vector<1x16xf32> to vector<16xf32>
      %swap3A_151 = vector.shape_cast %broadcast_in_dim3A_3 : vector<16xf32> to vector<1x16xf32>
      tpu.vector_store %arg13[%swap3A_147, %swap3A_148], %swap3A_151 {strides = array<i32>} : memref<80x128xf32, #tpu.memory_space<vmem>>, vector<1x16xf32>,
      %swap3A_152 = arith.index_cast %scan3A_121 : i32 to index
      %swap3A_153 = arith.constant 96 : index
      %swap3A_154 = tpu.vector_load %arg13[%swap3A_152, %swap3A_153] {strides = array<i32>} : memref<80x128xf32, #tpu.memory_space<vmem>>, vector<1x16xf32>,
      %swap3A_155 = vector.shape_cast %swap3A_154 : vector<1x16xf32> to vector<16xf32>
      %swap3A_156 = vector.shape_cast %broadcast_in_dim3A_3 : vector<16xf32> to vector<1x16xf32>
      tpu.vector_store %arg13[%swap3A_152, %swap3A_153], %swap3A_156 {strides = array<i32>} : memref<80x128xf32, #tpu.memory_space<vmem>>, vector<1x16xf32>,
      %swap3A_157 = arith.index_cast %scan3A_121 : i32 to index
      %swap3A_158 = arith.constant 112 : index
      %swap3A_159 = tpu.vector_load %arg13[%swap3A_157, %swap3A_158] {strides = array<i32>} : memref<80x128xf32, #tpu.memory_space<vmem>>, vector<1x16xf32>,
      %swap3A_160 = vector.shape_cast %swap3A_159 : vector<1x16xf32> to vector<16xf32>
      %swap3A_161 = vector.shape_cast %broadcast_in_dim3A_3 : vector<16xf32> to vector<1x16xf32>
      tpu.vector_store %arg13[%swap3A_157, %swap3A_158], %swap3A_161 {strides = array<i32>} : memref<80x128xf32, #tpu.memory_space<vmem>>, vector<1x16xf32>,
      %scan3A_162 = arith.constant 0 : i32
      scf.yield %scan3A_162 : i32
    }
    %scan3A_9 = arith.constant 80 : i32
    %mul3A_10 = arith.constant 632 : i32
    %mul3A_11 = arith.muli %arg1, %mul3A_10 : i32
    %add3A_12 = arith.constant 0 : i32
    %add3A_13 = arith.addi %mul3A_11, %add3A_12 : i32
    "tpu.region"() ({
      %run_scoped3A = tpu.sem_alloc : memref<!tpu.dma_semaphore, #tpu.memory_space<semaphore_mem>>
      %dma_start3A_121 = arith.constant 0 : i32
      %dma_start3A_122 = tpu.memref_slice %arg15[%add3A_13, %dma_start3A_121] : memref<10112x128xf32, #tpu.memory_space<vmem_shared>> -> memref<80x128xf32, #tpu.memory_space<vmem_shared>>
      %dma_start3A_123 = arith.constant 0 : i32
      %dma_start3A_124 = tpu.memref_slice %arg15[%add3A_13, %dma_start3A_123] : memref<10112x128xf32, #tpu.memory_space<vmem_shared>> -> memref<80x128xf32, #tpu.memory_space<vmem_shared>>
      tpu.enqueue_dma source(%arg13 : memref<80x128xf32, #tpu.memory_space<vmem>>) target(%dma_start3A_124 : memref<80x128xf32, #tpu.memory_space<vmem_shared>>) target_semaphore(%run_scoped3A : memref<!tpu.dma_semaphore, #tpu.memory_space<semaphore_mem>>)
      %dma_wait3A_125 = arith.constant 0 : i32
      %dma_wait3A_126 = tpu.memref_slice %arg15[%add3A_13, %dma_wait3A_125] : memref<10112x128xf32, #tpu.memory_space<vmem_shared>> -> memref<80x128xf32, #tpu.memory_space<vmem_shared>>
      %dma_wait3A_127 = arith.constant 0 : i32
      %dma_wait3A_128 = tpu.memref_slice %arg15[%add3A_13, %dma_wait3A_127] : memref<10112x128xf32, #tpu.memory_space<vmem_shared>> -> memref<80x128xf32, #tpu.memory_space<vmem_shared>>
      tpu.wait_dma2 semaphore(%run_scoped3A : memref<!tpu.dma_semaphore, #tpu.memory_space<semaphore_mem>>) src(%arg13 : memref<80x128xf32, #tpu.memory_space<vmem>>) dst(%dma_wait3A_128 : memref<80x128xf32, #tpu.memory_space<vmem_shared>>)
      tpu.yield
    }) : () -> ()
    %mul3A_14 = arith.constant 632 : i32
    %mul3A_15 = arith.muli %arg1, %mul3A_14 : i32
    %add3A_16 = arith.constant 80 : i32
    %add3A_17 = arith.addi %mul3A_15, %add3A_16 : i32
    "tpu.region"() ({
      %run_scoped3A = tpu.sem_alloc : memref<!tpu.dma_semaphore, #tpu.memory_space<semaphore_mem>>
      %dma_start3A_121 = arith.constant 0 : i32
      %dma_start3A_122 = tpu.memref_slice %arg15[%add3A_17, %dma_start3A_121] : memref<10112x128xf32, #tpu.memory_space<vmem_shared>> -> memref<80x128xf32, #tpu.memory_space<vmem_shared>>
      %dma_start3A_123 = arith.constant 0 : i32
      %dma_start3A_124 = tpu.memref_slice %arg15[%add3A_17, %dma_start3A_123] : memref<10112x128xf32, #tpu.memory_space<vmem_shared>> -> memref<80x128xf32, #tpu.memory_space<vmem_shared>>
      tpu.enqueue_dma source(%arg13 : memref<80x128xf32, #tpu.memory_space<vmem>>) target(%dma_start3A_124 : memref<80x128xf32, #tpu.memory_space<vmem_shared>>) target_semaphore(%run_scoped3A : memref<!tpu.dma_semaphore, #tpu.memory_space<semaphore_mem>>)
      %dma_wait3A_125 = arith.constant 0 : i32
      %dma_wait3A_126 = tpu.memref_slice %arg15[%add3A_17, %dma_wait3A_125] : memref<10112x128xf32, #tpu.memory_space<vmem_shared>> -> memref<80x128xf32, #tpu.memory_space<vmem_shared>>
      %dma_wait3A_127 = arith.constant 0 : i32
      %dma_wait3A_128 = tpu.memref_slice %arg15[%add3A_17, %dma_wait3A_127] : memref<10112x128xf32, #tpu.memory_space<vmem_shared>> -> memref<80x128xf32, #tpu.memory_space<vmem_shared>>
      tpu.wait_dma2 semaphore(%run_scoped3A : memref<!tpu.dma_semaphore, #tpu.memory_space<semaphore_mem>>) src(%arg13 : memref<80x128xf32, #tpu.memory_space<vmem>>) dst(%dma_wait3A_128 : memref<80x128xf32, #tpu.memory_space<vmem_shared>>)
      tpu.yield
    }) : () -> ()
    %mul3A_18 = arith.constant 632 : i32
    %mul3A_19 = arith.muli %arg1, %mul3A_18 : i32
    %add3A_20 = arith.constant 160 : i32
    %add3A_21 = arith.addi %mul3A_19, %add3A_20 : i32
    "tpu.region"() ({
      %run_scoped3A = tpu.sem_alloc : memref<!tpu.dma_semaphore, #tpu.memory_space<semaphore_mem>>
      %dma_start3A_121 = arith.constant 0 : i32
      %dma_start3A_122 = tpu.memref_slice %arg15[%add3A_21, %dma_start3A_121] : memref<10112x128xf32, #tpu.memory_space<vmem_shared>> -> memref<80x128xf32, #tpu.memory_space<vmem_shared>>
      %dma_start3A_123 = arith.constant 0 : i32
      %dma_start3A_124 = tpu.memref_slice %arg15[%add3A_21, %dma_start3A_123] : memref<10112x128xf32, #tpu.memory_space<vmem_shared>> -> memref<80x128xf32, #tpu.memory_space<vmem_shared>>
      tpu.enqueue_dma source(%arg13 : memref<80x128xf32, #tpu.memory_space<vmem>>) target(%dma_start3A_124 : memref<80x128xf32, #tpu.memory_space<vmem_shared>>) target_semaphore(%run_scoped3A : memref<!tpu.dma_semaphore, #tpu.memory_space<semaphore_mem>>)
      %dma_wait3A_125 = arith.constant 0 : i32
      %dma_wait3A_126 = tpu.memref_slice %arg15[%add3A_21, %dma_wait3A_125] : memref<10112x128xf32, #tpu.memory_space<vmem_shared>> -> memref<80x128xf32, #tpu.memory_space<vmem_shared>>
      %dma_wait3A_127 = arith.constant 0 : i32
      %dma_wait3A_128 = tpu.memref_slice %arg15[%add3A_21, %dma_wait3A_127] : memref<10112x128xf32, #tpu.memory_space<vmem_shared>> -> memref<80x128xf32, #tpu.memory_space<vmem_shared>>
      tpu.wait_dma2 semaphore(%run_scoped3A : memref<!tpu.dma_semaphore, #tpu.memory_space<semaphore_mem>>) src(%arg13 : memref<80x128xf32, #tpu.memory_space<vmem>>) dst(%dma_wait3A_128 : memref<80x128xf32, #tpu.memory_space<vmem_shared>>)
      tpu.yield
    }) : () -> ()
    %mul3A_22 = arith.constant 632 : i32
    %mul3A_23 = arith.muli %arg1, %mul3A_22 : i32
    %add3A_24 = arith.constant 240 : i32
    %add3A_25 = arith.addi %mul3A_23, %add3A_24 : i32
    "tpu.region"() ({
      %run_scoped3A = tpu.sem_alloc : memref<!tpu.dma_semaphore, #tpu.memory_space<semaphore_mem>>
      %dma_start3A_121 = arith.constant 0 : i32
      %dma_start3A_122 = tpu.memref_slice %arg15[%add3A_25, %dma_start3A_121] : memref<10112x128xf32, #tpu.memory_space<vmem_shared>> -> memref<80x128xf32, #tpu.memory_space<vmem_shared>>
      %dma_start3A_123 = arith.constant 0 : i32
      %dma_start3A_124 = tpu.memref_slice %arg15[%add3A_25, %dma_start3A_123] : memref<10112x128xf32, #tpu.memory_space<vmem_shared>> -> memref<80x128xf32, #tpu.memory_space<vmem_shared>>
      tpu.enqueue_dma source(%arg13 : memref<80x128xf32, #tpu.memory_space<vmem>>) target(%dma_start3A_124 : memref<80x128xf32, #tpu.memory_space<vmem_shared>>) target_semaphore(%run_scoped3A : memref<!tpu.dma_semaphore, #tpu.memory_space<semaphore_mem>>)
      %dma_wait3A_125 = arith.constant 0 : i32
      %dma_wait3A_126 = tpu.memref_slice %arg15[%add3A_25, %dma_wait3A_125] : memref<10112x128xf32, #tpu.memory_space<vmem_shared>> -> memref<80x128xf32, #tpu.memory_space<vmem_shared>>
      %dma_wait3A_127 = arith.constant 0 : i32
      %dma_wait3A_128 = tpu.memref_slice %arg15[%add3A_25, %dma_wait3A_127] : memref<10112x128xf32, #tpu.memory_space<vmem_shared>> -> memref<80x128xf32, #tpu.memory_space<vmem_shared>>
      tpu.wait_dma2 semaphore(%run_scoped3A : memref<!tpu.dma_semaphore, #tpu.memory_space<semaphore_mem>>) src(%arg13 : memref<80x128xf32, #tpu.memory_space<vmem>>) dst(%dma_wait3A_128 : memref<80x128xf32, #tpu.memory_space<vmem_shared>>)
      tpu.yield
    }) : () -> ()
    %mul3A_26 = arith.constant 632 : i32
    %mul3A_27 = arith.muli %arg1, %mul3A_26 : i32
    %add3A_28 = arith.constant 320 : i32
    %add3A_29 = arith.addi %mul3A_27, %add3A_28 : i32
    "tpu.region"() ({
      %run_scoped3A = tpu.sem_alloc : memref<!tpu.dma_semaphore, #tpu.memory_space<semaphore_mem>>
      %dma_start3A_121 = arith.constant 0 : i32
      %dma_start3A_122 = tpu.memref_slice %arg15[%add3A_29, %dma_start3A_121] : memref<10112x128xf32, #tpu.memory_space<vmem_shared>> -> memref<80x128xf32, #tpu.memory_space<vmem_shared>>
      %dma_start3A_123 = arith.constant 0 : i32
      %dma_start3A_124 = tpu.memref_slice %arg15[%add3A_29, %dma_start3A_123] : memref<10112x128xf32, #tpu.memory_space<vmem_shared>> -> memref<80x128xf32, #tpu.memory_space<vmem_shared>>
      tpu.enqueue_dma source(%arg13 : memref<80x128xf32, #tpu.memory_space<vmem>>) target(%dma_start3A_124 : memref<80x128xf32, #tpu.memory_space<vmem_shared>>) target_semaphore(%run_scoped3A : memref<!tpu.dma_semaphore, #tpu.memory_space<semaphore_mem>>)
      %dma_wait3A_125 = arith.constant 0 : i32
      %dma_wait3A_126 = tpu.memref_slice %arg15[%add3A_29, %dma_wait3A_125] : memref<10112x128xf32, #tpu.memory_space<vmem_shared>> -> memref<80x128xf32, #tpu.memory_space<vmem_shared>>
      %dma_wait3A_127 = arith.constant 0 : i32
      %dma_wait3A_128 = tpu.memref_slice %arg15[%add3A_29, %dma_wait3A_127] : memref<10112x128xf32, #tpu.memory_space<vmem_shared>> -> memref<80x128xf32, #tpu.memory_space<vmem_shared>>
      tpu.wait_dma2 semaphore(%run_scoped3A : memref<!tpu.dma_semaphore, #tpu.memory_space<semaphore_mem>>) src(%arg13 : memref<80x128xf32, #tpu.memory_space<vmem>>) dst(%dma_wait3A_128 : memref<80x128xf32, #tpu.memory_space<vmem_shared>>)
      tpu.yield
    }) : () -> ()
    %mul3A_30 = arith.constant 632 : i32
    %mul3A_31 = arith.muli %arg1, %mul3A_30 : i32
    %add3A_32 = arith.constant 400 : i32
    %add3A_33 = arith.addi %mul3A_31, %add3A_32 : i32
    "tpu.region"() ({
      %run_scoped3A = tpu.sem_alloc : memref<!tpu.dma_semaphore, #tpu.memory_space<semaphore_mem>>
      %dma_start3A_121 = arith.constant 0 : i32
      %dma_start3A_122 = tpu.memref_slice %arg15[%add3A_33, %dma_start3A_121] : memref<10112x128xf32, #tpu.memory_space<vmem_shared>> -> memref<80x128xf32, #tpu.memory_space<vmem_shared>>
      %dma_start3A_123 = arith.constant 0 : i32
      %dma_start3A_124 = tpu.memref_slice %arg15[%add3A_33, %dma_start3A_123] : memref<10112x128xf32, #tpu.memory_space<vmem_shared>> -> memref<80x128xf32, #tpu.memory_space<vmem_shared>>
      tpu.enqueue_dma source(%arg13 : memref<80x128xf32, #tpu.memory_space<vmem>>) target(%dma_start3A_124 : memref<80x128xf32, #tpu.memory_space<vmem_shared>>) target_semaphore(%run_scoped3A : memref<!tpu.dma_semaphore, #tpu.memory_space<semaphore_mem>>)
      %dma_wait3A_125 = arith.constant 0 : i32
      %dma_wait3A_126 = tpu.memref_slice %arg15[%add3A_33, %dma_wait3A_125] : memref<10112x128xf32, #tpu.memory_space<vmem_shared>> -> memref<80x128xf32, #tpu.memory_space<vmem_shared>>
      %dma_wait3A_127 = arith.constant 0 : i32
      %dma_wait3A_128 = tpu.memref_slice %arg15[%add3A_33, %dma_wait3A_127] : memref<10112x128xf32, #tpu.memory_space<vmem_shared>> -> memref<80x128xf32, #tpu.memory_space<vmem_shared>>
      tpu.wait_dma2 semaphore(%run_scoped3A : memref<!tpu.dma_semaphore, #tpu.memory_space<semaphore_mem>>) src(%arg13 : memref<80x128xf32, #tpu.memory_space<vmem>>) dst(%dma_wait3A_128 : memref<80x128xf32, #tpu.memory_space<vmem_shared>>)
      tpu.yield
    }) : () -> ()
    %mul3A_34 = arith.constant 632 : i32
    %mul3A_35 = arith.muli %arg1, %mul3A_34 : i32
    %add3A_36 = arith.constant 480 : i32
    %add3A_37 = arith.addi %mul3A_35, %add3A_36 : i32
    "tpu.region"() ({
      %run_scoped3A = tpu.sem_alloc : memref<!tpu.dma_semaphore, #tpu.memory_space<semaphore_mem>>
      %dma_start3A_121 = arith.constant 0 : i32
      %dma_start3A_122 = tpu.memref_slice %arg15[%add3A_37, %dma_start3A_121] : memref<10112x128xf32, #tpu.memory_space<vmem_shared>> -> memref<80x128xf32, #tpu.memory_space<vmem_shared>>
      %dma_start3A_123 = arith.constant 0 : i32
      %dma_start3A_124 = tpu.memref_slice %arg15[%add3A_37, %dma_start3A_123] : memref<10112x128xf32, #tpu.memory_space<vmem_shared>> -> memref<80x128xf32, #tpu.memory_space<vmem_shared>>
      tpu.enqueue_dma source(%arg13 : memref<80x128xf32, #tpu.memory_space<vmem>>) target(%dma_start3A_124 : memref<80x128xf32, #tpu.memory_space<vmem_shared>>) target_semaphore(%run_scoped3A : memref<!tpu.dma_semaphore, #tpu.memory_space<semaphore_mem>>)
      %dma_wait3A_125 = arith.constant 0 : i32
      %dma_wait3A_126 = tpu.memref_slice %arg15[%add3A_37, %dma_wait3A_125] : memref<10112x128xf32, #tpu.memory_space<vmem_shared>> -> memref<80x128xf32, #tpu.memory_space<vmem_shared>>
      %dma_wait3A_127 = arith.constant 0 : i32
      %dma_wait3A_128 = tpu.memref_slice %arg15[%add3A_37, %dma_wait3A_127] : memref<10112x128xf32, #tpu.memory_space<vmem_shared>> -> memref<80x128xf32, #tpu.memory_space<vmem_shared>>
      tpu.wait_dma2 semaphore(%run_scoped3A : memref<!tpu.dma_semaphore, #tpu.memory_space<semaphore_mem>>) src(%arg13 : memref<80x128xf32, #tpu.memory_space<vmem>>) dst(%dma_wait3A_128 : memref<80x128xf32, #tpu.memory_space<vmem_shared>>)
      tpu.yield
    }) : () -> ()
    %mul3A_38 = arith.constant 632 : i32
    %mul3A_39 = arith.muli %arg1, %mul3A_38 : i32
    %add3A_40 = arith.constant 560 : i32
    %add3A_41 = arith.addi %mul3A_39, %add3A_40 : i32
    "tpu.region"() ({
      %run_scoped3A = tpu.sem_alloc : memref<!tpu.dma_semaphore, #tpu.memory_space<semaphore_mem>>
      %dma_start3A_121 = arith.constant 0 : i32
      %dma_start3A_122 = arith.constant 0 : i32
      %dma_start3A_123 = tpu.memref_slice %arg13[%dma_start3A_121, %dma_start3A_122] : memref<80x128xf32, #tpu.memory_space<vmem>> -> memref<72x128xf32, #tpu.memory_space<vmem>>
      %dma_start3A_124 = arith.constant 0 : i32
      %dma_start3A_125 = tpu.memref_slice %arg15[%add3A_41, %dma_start3A_124] : memref<10112x128xf32, #tpu.memory_space<vmem_shared>> -> memref<72x128xf32, #tpu.memory_space<vmem_shared>>
      %dma_start3A_126 = arith.constant 0 : i32
      %dma_start3A_127 = tpu.memref_slice %arg15[%add3A_41, %dma_start3A_126] : memref<10112x128xf32, #tpu.memory_space<vmem_shared>> -> memref<72x128xf32, #tpu.memory_space<vmem_shared>>
      %dma_start3A_128 = arith.constant 0 : i32
      %dma_start3A_129 = arith.constant 0 : i32
      %dma_start3A_130 = tpu.memref_slice %arg13[%dma_start3A_128, %dma_start3A_129] : memref<80x128xf32, #tpu.memory_space<vmem>> -> memref<72x128xf32, #tpu.memory_space<vmem>>
      tpu.enqueue_dma source(%dma_start3A_130 : memref<72x128xf32, #tpu.memory_space<vmem>>) target(%dma_start3A_127 : memref<72x128xf32, #tpu.memory_space<vmem_shared>>) target_semaphore(%run_scoped3A : memref<!tpu.dma_semaphore, #tpu.memory_space<semaphore_mem>>)
      %dma_wait3A_131 = arith.constant 0 : i32
      %dma_wait3A_132 = arith.constant 0 : i32
      %dma_wait3A_133 = tpu.memref_slice %arg13[%dma_wait3A_131, %dma_wait3A_132] : memref<80x128xf32, #tpu.memory_space<vmem>> -> memref<72x128xf32, #tpu.memory_space<vmem>>
      %dma_wait3A_134 = arith.constant 0 : i32
      %dma_wait3A_135 = tpu.memref_slice %arg15[%add3A_41, %dma_wait3A_134] : memref<10112x128xf32, #tpu.memory_space<vmem_shared>> -> memref<72x128xf32, #tpu.memory_space<vmem_shared>>
      %dma_wait3A_136 = arith.constant 0 : i32
      %dma_wait3A_137 = tpu.memref_slice %arg15[%add3A_41, %dma_wait3A_136] : memref<10112x128xf32, #tpu.memory_space<vmem_shared>> -> memref<72x128xf32, #tpu.memory_space<vmem_shared>>
      %dma_wait3A_138 = arith.constant 0 : i32
      %dma_wait3A_139 = arith.constant 0 : i32
      %dma_wait3A_140 = tpu.memref_slice %arg13[%dma_wait3A_138, %dma_wait3A_139] : memref<80x128xf32, #tpu.memory_space<vmem>> -> memref<72x128xf32, #tpu.memory_space<vmem>>
      tpu.wait_dma2 semaphore(%run_scoped3A : memref<!tpu.dma_semaphore, #tpu.memory_space<semaphore_mem>>) src(%dma_wait3A_140 : memref<72x128xf32, #tpu.memory_space<vmem>>) dst(%dma_wait3A_137 : memref<72x128xf32, #tpu.memory_space<vmem_shared>>)
      tpu.yield
    }) : () -> ()
    %barrier3A = arith.constant 0 : index
    tpu.barrier barrier_id(%barrier3A)
    %mul3A_42 = arith.constant 125 : i32
    %mul3A_43 = arith.muli %add3A, %mul3A_42 : i32
    %add3A_44 = arith.constant 0 : i32
    %add3A_45 = arith.addi %mul3A_43, %add3A_44 : i32
    "tpu.region"() ({
      %run_scoped3A = tpu.sem_alloc : memref<!tpu.dma_semaphore, #tpu.memory_space<semaphore_mem>>
      %dma_start3A_121 = arith.constant 0 : i32
      %dma_start3A_122 = arith.constant 0 : i32
      %dma_start3A_123 = tpu.memref_slice %arg3[%add3A_45, %dma_start3A_121, %dma_start3A_122] : memref<4000x1x80xi32, #tpu.memory_space<hbm>> -> memref<1x1x80xi32, #tpu.memory_space<hbm>>
      %dma_start3A_124 = arith.constant 0 : i32
      %dma_start3A_125 = arith.constant 0 : i32
      %dma_start3A_126 = tpu.memref_slice %arg3[%add3A_45, %dma_start3A_124, %dma_start3A_125] : memref<4000x1x80xi32, #tpu.memory_space<hbm>> -> memref<1x1x80xi32, #tpu.memory_space<hbm>>
      tpu.enqueue_dma source(%dma_start3A_126 : memref<1x1x80xi32, #tpu.memory_space<hbm>>) target(%arg7 : memref<1x1x80xi32, #tpu.memory_space<vmem>>) target_semaphore(%run_scoped3A : memref<!tpu.dma_semaphore, #tpu.memory_space<semaphore_mem>>)
      %dma_wait3A_127 = arith.constant 0 : i32
      %dma_wait3A_128 = arith.constant 0 : i32
      %dma_wait3A_129 = tpu.memref_slice %arg3[%add3A_45, %dma_wait3A_127, %dma_wait3A_128] : memref<4000x1x80xi32, #tpu.memory_space<hbm>> -> memref<1x1x80xi32, #tpu.memory_space<hbm>>
      %dma_wait3A_130 = arith.constant 0 : i32
      %dma_wait3A_131 = arith.constant 0 : i32
      %dma_wait3A_132 = tpu.memref_slice %arg3[%add3A_45, %dma_wait3A_130, %dma_wait3A_131] : memref<4000x1x80xi32, #tpu.memory_space<hbm>> -> memref<1x1x80xi32, #tpu.memory_space<hbm>>
      tpu.wait_dma2 semaphore(%run_scoped3A : memref<!tpu.dma_semaphore, #tpu.memory_space<semaphore_mem>>) src(%dma_wait3A_132 : memref<1x1x80xi32, #tpu.memory_space<hbm>>) dst(%arg7 : memref<1x1x80xi32, #tpu.memory_space<vmem>>)
      tpu.yield
    }) : () -> ()
    "tpu.region"() ({
      %run_scoped3A = tpu.sem_alloc : memref<!tpu.dma_semaphore, #tpu.memory_space<semaphore_mem>>
      %dma_start3A_121 = arith.constant 0 : i32
      %dma_start3A_122 = arith.constant 0 : i32
      %dma_start3A_123 = tpu.memref_slice %arg4[%add3A_45, %dma_start3A_121, %dma_start3A_122] : memref<4000x1x80xi32, #tpu.memory_space<hbm>> -> memref<1x1x80xi32, #tpu.memory_space<hbm>>
      %dma_start3A_124 = arith.constant 0 : i32
      %dma_start3A_125 = arith.constant 0 : i32
      %dma_start3A_126 = tpu.memref_slice %arg4[%add3A_45, %dma_start3A_124, %dma_start3A_125] : memref<4000x1x80xi32, #tpu.memory_space<hbm>> -> memref<1x1x80xi32, #tpu.memory_space<hbm>>
      tpu.enqueue_dma source(%dma_start3A_126 : memref<1x1x80xi32, #tpu.memory_space<hbm>>) target(%arg9 : memref<1x1x80xi32, #tpu.memory_space<vmem>>) target_semaphore(%run_scoped3A : memref<!tpu.dma_semaphore, #tpu.memory_space<semaphore_mem>>)
      %dma_wait3A_127 = arith.constant 0 : i32
      %dma_wait3A_128 = arith.constant 0 : i32
      %dma_wait3A_129 = tpu.memref_slice %arg4[%add3A_45, %dma_wait3A_127, %dma_wait3A_128] : memref<4000x1x80xi32, #tpu.memory_space<hbm>> -> memref<1x1x80xi32, #tpu.memory_space<hbm>>
      %dma_wait3A_130 = arith.constant 0 : i32
      %dma_wait3A_131 = arith.constant 0 : i32
      %dma_wait3A_132 = tpu.memref_slice %arg4[%add3A_45, %dma_wait3A_130, %dma_wait3A_131] : memref<4000x1x80xi32, #tpu.memory_space<hbm>> -> memref<1x1x80xi32, #tpu.memory_space<hbm>>
      tpu.wait_dma2 semaphore(%run_scoped3A : memref<!tpu.dma_semaphore, #tpu.memory_space<semaphore_mem>>) src(%dma_wait3A_132 : memref<1x1x80xi32, #tpu.memory_space<hbm>>) dst(%arg9 : memref<1x1x80xi32, #tpu.memory_space<vmem>>)
      tpu.yield
    }) : () -> ()
    %mul3A_46 = arith.constant 10000 : i32
    %mul3A_47 = arith.muli %add3A, %mul3A_46 : i32
    %add3A_48 = arith.constant 0 : i32
    %add3A_49 = arith.addi %mul3A_47, %add3A_48 : i32
    %mul3A_50 = arith.constant 16 : i32
    %mul3A_51 = arith.muli %add3A_49, %mul3A_50 : i32
    "tpu.region"() ({
      %run_scoped3A = tpu.sem_alloc : memref<!tpu.dma_semaphore, #tpu.memory_space<semaphore_mem>>
      %dma_start3A_121 = tpu.memref_slice %arg5[%mul3A_51] : memref<5120000xf32, #tpu.memory_space<hbm>> -> memref<1280xf32, #tpu.memory_space<hbm>>
      %dma_start3A_122 = tpu.memref_slice %arg5[%mul3A_51] : memref<5120000xf32, #tpu.memory_space<hbm>> -> memref<1280xf32, #tpu.memory_space<hbm>>
      tpu.enqueue_dma source(%dma_start3A_122 : memref<1280xf32, #tpu.memory_space<hbm>>) target(%arg11 : memref<1280xf32, #tpu.memory_space<vmem>>) target_semaphore(%run_scoped3A : memref<!tpu.dma_semaphore, #tpu.memory_space<semaphore_mem>>)
      %dma_wait3A_123 = tpu.memref_slice %arg5[%mul3A_51] : memref<5120000xf32, #tpu.memory_space<hbm>> -> memref<1280xf32, #tpu.memory_space<hbm>>
      %dma_wait3A_124 = tpu.memref_slice %arg5[%mul3A_51] : memref<5120000xf32, #tpu.memory_space<hbm>> -> memref<1280xf32, #tpu.memory_space<hbm>>
      tpu.wait_dma2 semaphore(%run_scoped3A : memref<!tpu.dma_semaphore, #tpu.memory_space<semaphore_mem>>) src(%dma_wait3A_124 : memref<1280xf32, #tpu.memory_space<hbm>>) dst(%arg11 : memref<1280xf32, #tpu.memory_space<vmem>>)
      tpu.yield
    }) : () -> ()
    %dma_start3A = arith.constant 0 : i32
    %dma_start3A_52 = arith.constant 0 : i32
    %dma_start3A_53 = arith.constant 0 : i32
    %dma_start3A_54 = arith.constant 0 : i32
    %dma_start3A_55 = tpu.memref_slice %arg13[%dma_start3A_53, %dma_start3A_54] : memref<80x128xf32, #tpu.memory_space<vmem>> -> memref<80x128xf32, #tpu.memory_space<vmem>>
    %dma_start3A_56 = arith.constant 0 : i32
    %dma_start3A_57 = tpu.memref_slice %arg7[%dma_start3A, %dma_start3A_52, %dma_start3A_56] : memref<1x1x80xi32, #tpu.memory_space<vmem>> -> memref<1x1x80xi32, #tpu.memory_space<vmem>>
    %dma_start3A_58 = tpu.memref_squeeze %dma_start3A_57 : memref<1x1x80xi32, #tpu.memory_space<vmem>> -> memref<80xi32, #tpu.memory_space<vmem>>
    %dma_start3A_59 = arith.constant 0 : i32
    %dma_start3A_60 = arith.constant 0 : i32
    %dma_start3A_61 = tpu.memref_slice %arg2[%dma_start3A_59, %dma_start3A_60] : memref<10000x128xf32, #tpu.memory_space<hbm>> -> memref<10000x128xf32, #tpu.memory_space<hbm>>
    tpu.enqueue_indirect_dma source(%dma_start3A_61 : memref<10000x128xf32, #tpu.memory_space<hbm>>) target(%dma_start3A_55 : memref<80x128xf32, #tpu.memory_space<vmem>>) offsets(%dma_start3A_58 : memref<80xi32, #tpu.memory_space<vmem>>) semaphore(%arg16 : memref<!tpu.dma_semaphore, #tpu.memory_space<semaphore_mem>>)
    %scan3A_62 = arith.constant 0 : i32
    %scan3A_63 = arith.constant 62 : i32
    %scan3A_64 = arith.addi %scan3A_62, %scan3A_63 : i32
    %scan3A_65 = arith.constant 1 : i32
    scf.for %scan3A_121 = %scan3A_62 to %scan3A_64 step %scan3A_65  : i32 {
      %mul3A_122 = arith.constant 2 : i32
      %mul3A_123 = arith.muli %scan3A_121, %mul3A_122 : i32
      %add3A_124 = arith.constant 0 : i32
      %add3A_125 = arith.addi %add3A_124, %mul3A_123 : i32
      %add3A_126 = arith.constant 0 : i32
      %add3A_127 = arith.addi %add3A_125, %add3A_126 : i32
      %ge3A = arith.constant 1 : i32
      %ge3A_128 = arith.cmpi sge, %add3A_127, %ge3A : i32
      %convert_element_type3A = arith.extui %ge3A_128 : i1 to i32
      %cond3A = arith.constant 0 : i32
      %cond3A_129 = arith.cmpi ne, %convert_element_type3A, %cond3A : i32
      scf.if %cond3A_129 {
        %dma_wait3A_243 = arith.constant 0 : i32
        %dma_wait3A_244 = arith.constant 0 : i32
        %dma_wait3A_245 = tpu.memref_slice %arg14[%dma_wait3A_243, %dma_wait3A_244] : memref<80x128xf32, #tpu.memory_space<vmem>> -> memref<80x128xf32, #tpu.memory_space<vmem>>
        %dma_wait3A_246 = arith.constant 0 : i32
        %dma_wait3A_247 = arith.constant 0 : i32
        %dma_wait3A_248 = tpu.memref_slice %arg15[%dma_wait3A_246, %dma_wait3A_247] : memref<10112x128xf32, #tpu.memory_space<vmem_shared>> -> memref<80x128xf32, #tpu.memory_space<vmem_shared>>
        %dma_wait3A_249 = arith.constant 0 : i32
        %dma_wait3A_250 = arith.constant 0 : i32
        %dma_wait3A_251 = tpu.memref_slice %arg15[%dma_wait3A_249, %dma_wait3A_250] : memref<10112x128xf32, #tpu.memory_space<vmem_shared>> -> memref<80x128xf32, #tpu.memory_space<vmem_shared>>
        %dma_wait3A_252 = arith.constant 0 : i32
        %dma_wait3A_253 = arith.constant 0 : i32
        %dma_wait3A_254 = tpu.memref_slice %arg14[%dma_wait3A_252, %dma_wait3A_253] : memref<80x128xf32, #tpu.memory_space<vmem>> -> memref<80x128xf32, #tpu.memory_space<vmem>>
        tpu.wait_dma2 semaphore(%arg19 : memref<!tpu.dma_semaphore, #tpu.memory_space<semaphore_mem>>) src(%dma_wait3A_254 : memref<80x128xf32, #tpu.memory_space<vmem>>) dst(%dma_wait3A_251 : memref<80x128xf32, #tpu.memory_space<vmem_shared>>)
      } else {
      }
      %add3A_130 = arith.constant 1 : i32
      %add3A_131 = arith.addi %add3A_127, %add3A_130 : i32
      %mul3A_132 = arith.constant 125 : i32
      %mul3A_133 = arith.muli %add3A, %mul3A_132 : i32
      %add3A_134 = arith.addi %mul3A_133, %add3A_131 : i32
      "tpu.region"() ({
        %run_scoped3A = tpu.sem_alloc : memref<!tpu.dma_semaphore, #tpu.memory_space<semaphore_mem>>
        %dma_start3A_243 = arith.constant 0 : i32
        %dma_start3A_244 = arith.constant 0 : i32
        %dma_start3A_245 = tpu.memref_slice %arg3[%add3A_134, %dma_start3A_243, %dma_start3A_244] : memref<4000x1x80xi32, #tpu.memory_space<hbm>> -> memref<1x1x80xi32, #tpu.memory_space<hbm>>
        %dma_start3A_246 = arith.constant 0 : i32
        %dma_start3A_247 = arith.constant 0 : i32
        %dma_start3A_248 = tpu.memref_slice %arg3[%add3A_134, %dma_start3A_246, %dma_start3A_247] : memref<4000x1x80xi32, #tpu.memory_space<hbm>> -> memref<1x1x80xi32, #tpu.memory_space<hbm>>
        tpu.enqueue_dma source(%dma_start3A_248 : memref<1x1x80xi32, #tpu.memory_space<hbm>>) target(%arg8 : memref<1x1x80xi32, #tpu.memory_space<vmem>>) target_semaphore(%run_scoped3A : memref<!tpu.dma_semaphore, #tpu.memory_space<semaphore_mem>>)
        %dma_wait3A_249 = arith.constant 0 : i32
        %dma_wait3A_250 = arith.constant 0 : i32
        %dma_wait3A_251 = tpu.memref_slice %arg3[%add3A_134, %dma_wait3A_249, %dma_wait3A_250] : memref<4000x1x80xi32, #tpu.memory_space<hbm>> -> memref<1x1x80xi32, #tpu.memory_space<hbm>>
        %dma_wait3A_252 = arith.constant 0 : i32
        %dma_wait3A_253 = arith.constant 0 : i32
        %dma_wait3A_254 = tpu.memref_slice %arg3[%add3A_134, %dma_wait3A_252, %dma_wait3A_253] : memref<4000x1x80xi32, #tpu.memory_space<hbm>> -> memref<1x1x80xi32, #tpu.memory_space<hbm>>
        tpu.wait_dma2 semaphore(%run_scoped3A : memref<!tpu.dma_semaphore, #tpu.memory_space<semaphore_mem>>) src(%dma_wait3A_254 : memref<1x1x80xi32, #tpu.memory_space<hbm>>) dst(%arg8 : memref<1x1x80xi32, #tpu.memory_space<vmem>>)
        tpu.yield
      }) : () -> ()
      "tpu.region"() ({
        %run_scoped3A = tpu.sem_alloc : memref<!tpu.dma_semaphore, #tpu.memory_space<semaphore_mem>>
        %dma_start3A_243 = arith.constant 0 : i32
        %dma_start3A_244 = arith.constant 0 : i32
        %dma_start3A_245 = tpu.memref_slice %arg4[%add3A_134, %dma_start3A_243, %dma_start3A_244] : memref<4000x1x80xi32, #tpu.memory_space<hbm>> -> memref<1x1x80xi32, #tpu.memory_space<hbm>>
        %dma_start3A_246 = arith.constant 0 : i32
        %dma_start3A_247 = arith.constant 0 : i32
        %dma_start3A_248 = tpu.memref_slice %arg4[%add3A_134, %dma_start3A_246, %dma_start3A_247] : memref<4000x1x80xi32, #tpu.memory_space<hbm>> -> memref<1x1x80xi32, #tpu.memory_space<hbm>>
        tpu.enqueue_dma source(%dma_start3A_248 : memref<1x1x80xi32, #tpu.memory_space<hbm>>) target(%arg10 : memref<1x1x80xi32, #tpu.memory_space<vmem>>) target_semaphore(%run_scoped3A : memref<!tpu.dma_semaphore, #tpu.memory_space<semaphore_mem>>)
        %dma_wait3A_249 = arith.constant 0 : i32
        %dma_wait3A_250 = arith.constant 0 : i32
        %dma_wait3A_251 = tpu.memref_slice %arg4[%add3A_134, %dma_wait3A_249, %dma_wait3A_250] : memref<4000x1x80xi32, #tpu.memory_space<hbm>> -> memref<1x1x80xi32, #tpu.memory_space<hbm>>
        %dma_wait3A_252 = arith.constant 0 : i32
        %dma_wait3A_253 = arith.constant 0 : i32
        %dma_wait3A_254 = tpu.memref_slice %arg4[%add3A_134, %dma_wait3A_252, %dma_wait3A_253] : memref<4000x1x80xi32, #tpu.memory_space<hbm>> -> memref<1x1x80xi32, #tpu.memory_space<hbm>>
        tpu.wait_dma2 semaphore(%run_scoped3A : memref<!tpu.dma_semaphore, #tpu.memory_space<semaphore_mem>>) src(%dma_wait3A_254 : memref<1x1x80xi32, #tpu.memory_space<hbm>>) dst(%arg10 : memref<1x1x80xi32, #tpu.memory_space<vmem>>)
        tpu.yield
      }) : () -> ()
      %mul3A_135 = arith.constant 10000 : i32
      %mul3A_136 = arith.muli %add3A, %mul3A_135 : i32
      %mul3A_137 = arith.constant 80 : i32
      %mul3A_138 = arith.muli %add3A_131, %mul3A_137 : i32
      %add3A_139 = arith.addi %mul3A_136, %mul3A_138 : i32
      %mul3A_140 = arith.constant 16 : i32
      %mul3A_141 = arith.muli %add3A_139, %mul3A_140 : i32
      "tpu.region"() ({
        %run_scoped3A = tpu.sem_alloc : memref<!tpu.dma_semaphore, #tpu.memory_space<semaphore_mem>>
        %dma_start3A_243 = tpu.memref_slice %arg5[%mul3A_141] : memref<5120000xf32, #tpu.memory_space<hbm>> -> memref<1280xf32, #tpu.memory_space<hbm>>
        %dma_start3A_244 = tpu.memref_slice %arg5[%mul3A_141] : memref<5120000xf32, #tpu.memory_space<hbm>> -> memref<1280xf32, #tpu.memory_space<hbm>>
        tpu.enqueue_dma source(%dma_start3A_244 : memref<1280xf32, #tpu.memory_space<hbm>>) target(%arg12 : memref<1280xf32, #tpu.memory_space<vmem>>) target_semaphore(%run_scoped3A : memref<!tpu.dma_semaphore, #tpu.memory_space<semaphore_mem>>)
        %dma_wait3A_245 = tpu.memref_slice %arg5[%mul3A_141] : memref<5120000xf32, #tpu.memory_space<hbm>> -> memref<1280xf32, #tpu.memory_space<hbm>>
        %dma_wait3A_246 = tpu.memref_slice %arg5[%mul3A_141] : memref<5120000xf32, #tpu.memory_space<hbm>> -> memref<1280xf32, #tpu.memory_space<hbm>>
        tpu.wait_dma2 semaphore(%run_scoped3A : memref<!tpu.dma_semaphore, #tpu.memory_space<semaphore_mem>>) src(%dma_wait3A_246 : memref<1280xf32, #tpu.memory_space<hbm>>) dst(%arg12 : memref<1280xf32, #tpu.memory_space<vmem>>)
        tpu.yield
      }) : () -> ()
      %dma_start3A_142 = arith.constant 0 : i32
      %dma_start3A_143 = arith.constant 0 : i32
      %dma_start3A_144 = arith.constant 0 : i32
      %dma_start3A_145 = arith.constant 0 : i32
      %dma_start3A_146 = tpu.memref_slice %arg14[%dma_start3A_144, %dma_start3A_145] : memref<80x128xf32, #tpu.memory_space<vmem>> -> memref<80x128xf32, #tpu.memory_space<vmem>>
      %dma_start3A_147 = arith.constant 0 : i32
      %dma_start3A_148 = tpu.memref_slice %arg8[%dma_start3A_142, %dma_start3A_143, %dma_start3A_147] : memref<1x1x80xi32, #tpu.memory_space<vmem>> -> memref<1x1x80xi32, #tpu.memory_space<vmem>>
      %dma_start3A_149 = tpu.memref_squeeze %dma_start3A_148 : memref<1x1x80xi32, #tpu.memory_space<vmem>> -> memref<80xi32, #tpu.memory_space<vmem>>
      %dma_start3A_150 = arith.constant 0 : i32
      %dma_start3A_151 = arith.constant 0 : i32
      %dma_start3A_152 = tpu.memref_slice %arg2[%dma_start3A_150, %dma_start3A_151] : memref<10000x128xf32, #tpu.memory_space<hbm>> -> memref<10000x128xf32, #tpu.memory_space<hbm>>
      tpu.enqueue_indirect_dma source(%dma_start3A_152 : memref<10000x128xf32, #tpu.memory_space<hbm>>) target(%dma_start3A_146 : memref<80x128xf32, #tpu.memory_space<vmem>>) offsets(%dma_start3A_149 : memref<80xi32, #tpu.memory_space<vmem>>) semaphore(%arg17 : memref<!tpu.dma_semaphore, #tpu.memory_space<semaphore_mem>>)
      %dma_wait3A_153 = arith.constant 0 : i32
      %dma_wait3A_154 = arith.constant 0 : i32
      %dma_wait3A_155 = tpu.memref_slice %arg13[%dma_wait3A_153, %dma_wait3A_154] : memref<80x128xf32, #tpu.memory_space<vmem>> -> memref<80x128xf32, #tpu.memory_space<vmem>>
      %dma_wait3A_156 = arith.constant 0 : i32
      %dma_wait3A_157 = arith.constant 0 : i32
      %dma_wait3A_158 = tpu.memref_slice %arg2[%dma_wait3A_156, %dma_wait3A_157] : memref<10000x128xf32, #tpu.memory_space<hbm>> -> memref<80x128xf32, #tpu.memory_space<hbm>>
      %dma_wait3A_159 = arith.constant 0 : i32
      %dma_wait3A_160 = arith.constant 0 : i32
      %dma_wait3A_161 = tpu.memref_slice %arg13[%dma_wait3A_159, %dma_wait3A_160] : memref<80x128xf32, #tpu.memory_space<vmem>> -> memref<80x128xf32, #tpu.memory_space<vmem>>
      %dma_wait3A_162 = arith.constant 0 : i32
      %dma_wait3A_163 = arith.constant 0 : i32
      %dma_wait3A_164 = tpu.memref_slice %arg2[%dma_wait3A_162, %dma_wait3A_163] : memref<10000x128xf32, #tpu.memory_space<hbm>> -> memref<80x128xf32, #tpu.memory_space<hbm>>
      tpu.wait_dma2 semaphore(%arg16 : memref<!tpu.dma_semaphore, #tpu.memory_space<semaphore_mem>>) src(%dma_wait3A_164 : memref<80x128xf32, #tpu.memory_space<hbm>>) dst(%dma_wait3A_161 : memref<80x128xf32, #tpu.memory_space<vmem>>)
      %scan3A_165 = arith.constant 0 : i32
      %scan3A_166 = arith.constant 0 : i32
      %scan3A_167 = arith.constant 80 : i32
      %scan3A_168 = arith.addi %scan3A_166, %scan3A_167 : i32
      %scan3A_169 = arith.constant 1 : i32
      %scan3A_170 = scf.for %scan3A_243 = %scan3A_166 to %scan3A_168 step %scan3A_169 iter_args(%scan3A_244 = %scan3A_165) -> (i32)  : i32 {
        %mul3A_245 = arith.constant 16 : i32
        %mul3A_246 = arith.muli %scan3A_243, %mul3A_245 : i32
        %get3A = arith.index_cast %mul3A_246 : i32 to index
        %get3A_247 = tpu.vector_load %arg11[%get3A] {strides = array<i32>} : memref<1280xf32, #tpu.memory_space<vmem>>, vector<16xf32>,
        %get3A_248 = vector.shape_cast %get3A_247 : vector<16xf32> to vector<16xf32>
        %get3A_249 = arith.index_cast %scan3A_243 : i32 to index
        %get3A_250 = arith.constant 0 : index
        %get3A_251 = tpu.vector_load %arg13[%get3A_249, %get3A_250] {strides = array<i32>} : memref<80x128xf32, #tpu.memory_space<vmem>>, vector<1x16xf32>,
        %get3A_252 = vector.shape_cast %get3A_251 : vector<1x16xf32> to vector<16xf32>
        %mul3A_253 = arith.mulf %get3A_252, %get3A_248 : vector<16xf32>
        %swap3A = arith.index_cast %scan3A_243 : i32 to index
        %swap3A_254 = arith.constant 0 : index
        %swap3A_255 = tpu.vector_load %arg13[%swap3A, %swap3A_254] {strides = array<i32>} : memref<80x128xf32, #tpu.memory_space<vmem>>, vector<1x16xf32>,
        %swap3A_256 = vector.shape_cast %swap3A_255 : vector<1x16xf32> to vector<16xf32>
        %swap3A_257 = vector.shape_cast %mul3A_253 : vector<16xf32> to vector<1x16xf32>
        tpu.vector_store %arg13[%swap3A, %swap3A_254], %swap3A_257 {strides = array<i32>} : memref<80x128xf32, #tpu.memory_space<vmem>>, vector<1x16xf32>,
        %get3A_258 = arith.index_cast %scan3A_243 : i32 to index
        %get3A_259 = arith.constant 16 : index
        %get3A_260 = tpu.vector_load %arg13[%get3A_258, %get3A_259] {strides = array<i32>} : memref<80x128xf32, #tpu.memory_space<vmem>>, vector<1x16xf32>,
        %get3A_261 = vector.shape_cast %get3A_260 : vector<1x16xf32> to vector<16xf32>
        %mul3A_262 = arith.mulf %get3A_261, %get3A_248 : vector<16xf32>
        %swap3A_263 = arith.index_cast %scan3A_243 : i32 to index
        %swap3A_264 = arith.constant 16 : index
        %swap3A_265 = tpu.vector_load %arg13[%swap3A_263, %swap3A_264] {strides = array<i32>} : memref<80x128xf32, #tpu.memory_space<vmem>>, vector<1x16xf32>,
        %swap3A_266 = vector.shape_cast %swap3A_265 : vector<1x16xf32> to vector<16xf32>
        %swap3A_267 = vector.shape_cast %mul3A_262 : vector<16xf32> to vector<1x16xf32>
        tpu.vector_store %arg13[%swap3A_263, %swap3A_264], %swap3A_267 {strides = array<i32>} : memref<80x128xf32, #tpu.memory_space<vmem>>, vector<1x16xf32>,
        %get3A_268 = arith.index_cast %scan3A_243 : i32 to index
        %get3A_269 = arith.constant 32 : index
        %get3A_270 = tpu.vector_load %arg13[%get3A_268, %get3A_269] {strides = array<i32>} : memref<80x128xf32, #tpu.memory_space<vmem>>, vector<1x16xf32>,
        %get3A_271 = vector.shape_cast %get3A_270 : vector<1x16xf32> to vector<16xf32>
        %mul3A_272 = arith.mulf %get3A_271, %get3A_248 : vector<16xf32>
        %swap3A_273 = arith.index_cast %scan3A_243 : i32 to index
        %swap3A_274 = arith.constant 32 : index
        %swap3A_275 = tpu.vector_load %arg13[%swap3A_273, %swap3A_274] {strides = array<i32>} : memref<80x128xf32, #tpu.memory_space<vmem>>, vector<1x16xf32>,
        %swap3A_276 = vector.shape_cast %swap3A_275 : vector<1x16xf32> to vector<16xf32>
        %swap3A_277 = vector.shape_cast %mul3A_272 : vector<16xf32> to vector<1x16xf32>
        tpu.vector_store %arg13[%swap3A_273, %swap3A_274], %swap3A_277 {strides = array<i32>} : memref<80x128xf32, #tpu.memory_space<vmem>>, vector<1x16xf32>,
        %get3A_278 = arith.index_cast %scan3A_243 : i32 to index
        %get3A_279 = arith.constant 48 : index
        %get3A_280 = tpu.vector_load %arg13[%get3A_278, %get3A_279] {strides = array<i32>} : memref<80x128xf32, #tpu.memory_space<vmem>>, vector<1x16xf32>,
        %get3A_281 = vector.shape_cast %get3A_280 : vector<1x16xf32> to vector<16xf32>
        %mul3A_282 = arith.mulf %get3A_281, %get3A_248 : vector<16xf32>
        %swap3A_283 = arith.index_cast %scan3A_243 : i32 to index
        %swap3A_284 = arith.constant 48 : index
        %swap3A_285 = tpu.vector_load %arg13[%swap3A_283, %swap3A_284] {strides = array<i32>} : memref<80x128xf32, #tpu.memory_space<vmem>>, vector<1x16xf32>,
        %swap3A_286 = vector.shape_cast %swap3A_285 : vector<1x16xf32> to vector<16xf32>
        %swap3A_287 = vector.shape_cast %mul3A_282 : vector<16xf32> to vector<1x16xf32>
        tpu.vector_store %arg13[%swap3A_283, %swap3A_284], %swap3A_287 {strides = array<i32>} : memref<80x128xf32, #tpu.memory_space<vmem>>, vector<1x16xf32>,
        %get3A_288 = arith.index_cast %scan3A_243 : i32 to index
        %get3A_289 = arith.constant 64 : index
        %get3A_290 = tpu.vector_load %arg13[%get3A_288, %get3A_289] {strides = array<i32>} : memref<80x128xf32, #tpu.memory_space<vmem>>, vector<1x16xf32>,
        %get3A_291 = vector.shape_cast %get3A_290 : vector<1x16xf32> to vector<16xf32>
        %mul3A_292 = arith.mulf %get3A_291, %get3A_248 : vector<16xf32>
        %swap3A_293 = arith.index_cast %scan3A_243 : i32 to index
        %swap3A_294 = arith.constant 64 : index
        %swap3A_295 = tpu.vector_load %arg13[%swap3A_293, %swap3A_294] {strides = array<i32>} : memref<80x128xf32, #tpu.memory_space<vmem>>, vector<1x16xf32>,
        %swap3A_296 = vector.shape_cast %swap3A_295 : vector<1x16xf32> to vector<16xf32>
        %swap3A_297 = vector.shape_cast %mul3A_292 : vector<16xf32> to vector<1x16xf32>
        tpu.vector_store %arg13[%swap3A_293, %swap3A_294], %swap3A_297 {strides = array<i32>} : memref<80x128xf32, #tpu.memory_space<vmem>>, vector<1x16xf32>,
        %get3A_298 = arith.index_cast %scan3A_243 : i32 to index
        %get3A_299 = arith.constant 80 : index
        %get3A_300 = tpu.vector_load %arg13[%get3A_298, %get3A_299] {strides = array<i32>} : memref<80x128xf32, #tpu.memory_space<vmem>>, vector<1x16xf32>,
        %get3A_301 = vector.shape_cast %get3A_300 : vector<1x16xf32> to vector<16xf32>
        %mul3A_302 = arith.mulf %get3A_301, %get3A_248 : vector<16xf32>
        %swap3A_303 = arith.index_cast %scan3A_243 : i32 to index
        %swap3A_304 = arith.constant 80 : index
        %swap3A_305 = tpu.vector_load %arg13[%swap3A_303, %swap3A_304] {strides = array<i32>} : memref<80x128xf32, #tpu.memory_space<vmem>>, vector<1x16xf32>,
        %swap3A_306 = vector.shape_cast %swap3A_305 : vector<1x16xf32> to vector<16xf32>
        %swap3A_307 = vector.shape_cast %mul3A_302 : vector<16xf32> to vector<1x16xf32>
        tpu.vector_store %arg13[%swap3A_303, %swap3A_304], %swap3A_307 {strides = array<i32>} : memref<80x128xf32, #tpu.memory_space<vmem>>, vector<1x16xf32>,
        %get3A_308 = arith.index_cast %scan3A_243 : i32 to index
        %get3A_309 = arith.constant 96 : index
        %get3A_310 = tpu.vector_load %arg13[%get3A_308, %get3A_309] {strides = array<i32>} : memref<80x128xf32, #tpu.memory_space<vmem>>, vector<1x16xf32>,
        %get3A_311 = vector.shape_cast %get3A_310 : vector<1x16xf32> to vector<16xf32>
        %mul3A_312 = arith.mulf %get3A_311, %get3A_248 : vector<16xf32>
        %swap3A_313 = arith.index_cast %scan3A_243 : i32 to index
        %swap3A_314 = arith.constant 96 : index
        %swap3A_315 = tpu.vector_load %arg13[%swap3A_313, %swap3A_314] {strides = array<i32>} : memref<80x128xf32, #tpu.memory_space<vmem>>, vector<1x16xf32>,
        %swap3A_316 = vector.shape_cast %swap3A_315 : vector<1x16xf32> to vector<16xf32>
        %swap3A_317 = vector.shape_cast %mul3A_312 : vector<16xf32> to vector<1x16xf32>
        tpu.vector_store %arg13[%swap3A_313, %swap3A_314], %swap3A_317 {strides = array<i32>} : memref<80x128xf32, #tpu.memory_space<vmem>>, vector<1x16xf32>,
        %get3A_318 = arith.index_cast %scan3A_243 : i32 to index
        %get3A_319 = arith.constant 112 : index
        %get3A_320 = tpu.vector_load %arg13[%get3A_318, %get3A_319] {strides = array<i32>} : memref<80x128xf32, #tpu.memory_space<vmem>>, vector<1x16xf32>,
        %get3A_321 = vector.shape_cast %get3A_320 : vector<1x16xf32> to vector<16xf32>
        %mul3A_322 = arith.mulf %get3A_321, %get3A_248 : vector<16xf32>
        %swap3A_323 = arith.index_cast %scan3A_243 : i32 to index
        %swap3A_324 = arith.constant 112 : index
        %swap3A_325 = tpu.vector_load %arg13[%swap3A_323, %swap3A_324] {strides = array<i32>} : memref<80x128xf32, #tpu.memory_space<vmem>>, vector<1x16xf32>,
        %swap3A_326 = vector.shape_cast %swap3A_325 : vector<1x16xf32> to vector<16xf32>
        %swap3A_327 = vector.shape_cast %mul3A_322 : vector<16xf32> to vector<1x16xf32>
        tpu.vector_store %arg13[%swap3A_323, %swap3A_324], %swap3A_327 {strides = array<i32>} : memref<80x128xf32, #tpu.memory_space<vmem>>, vector<1x16xf32>,
        %scan3A_328 = arith.constant 0 : i32
        scf.yield %scan3A_328 : i32
      }
      %scan3A_171 = arith.constant 80 : i32
      %dma_start3A_172 = arith.constant 0 : i32
      %dma_start3A_173 = arith.constant 0 : i32
      %dma_start3A_174 = arith.constant 0 : i32
      %dma_start3A_175 = arith.constant 0 : i32
      %dma_start3A_176 = tpu.memref_slice %arg13[%dma_start3A_174, %dma_start3A_175] : memref<80x128xf32, #tpu.memory_space<vmem>> -> memref<80x128xf32, #tpu.memory_space<vmem>>
      %dma_start3A_177 = arith.constant 0 : i32
      %dma_start3A_178 = tpu.memref_slice %arg9[%dma_start3A_172, %dma_start3A_173, %dma_start3A_177] : memref<1x1x80xi32, #tpu.memory_space<vmem>> -> memref<1x1x80xi32, #tpu.memory_space<vmem>>
      %dma_start3A_179 = tpu.memref_squeeze %dma_start3A_178 : memref<1x1x80xi32, #tpu.memory_space<vmem>> -> memref<80xi32, #tpu.memory_space<vmem>>
      %dma_start3A_180 = arith.constant 0 : i32
      %dma_start3A_181 = arith.constant 0 : i32
      %dma_start3A_182 = tpu.memref_slice %arg15[%dma_start3A_180, %dma_start3A_181] : memref<10112x128xf32, #tpu.memory_space<vmem_shared>> -> memref<10112x128xf32, #tpu.memory_space<vmem_shared>>
      tpu.enqueue_indirect_dma source(%dma_start3A_176 : memref<80x128xf32, #tpu.memory_space<vmem>>) target(%dma_start3A_182 : memref<10112x128xf32, #tpu.memory_space<vmem_shared>>) offsets(%dma_start3A_179 : memref<80xi32, #tpu.memory_space<vmem>>) semaphore(%arg18 : memref<!tpu.dma_semaphore, #tpu.memory_space<semaphore_mem>>) {add = true}
      %add3A_183 = arith.constant 1 : i32
      %add3A_184 = arith.addi %add3A_125, %add3A_183 : i32
      %ge3A_185 = arith.constant 1 : i32
      %ge3A_186 = arith.cmpi sge, %add3A_184, %ge3A_185 : i32
      %convert_element_type3A_187 = arith.extui %ge3A_186 : i1 to i32
      %cond3A_188 = arith.constant 0 : i32
      %cond3A_189 = arith.cmpi ne, %convert_element_type3A_187, %cond3A_188 : i32
      scf.if %cond3A_189 {
        %dma_wait3A_243 = arith.constant 0 : i32
        %dma_wait3A_244 = arith.constant 0 : i32
        %dma_wait3A_245 = tpu.memref_slice %arg13[%dma_wait3A_243, %dma_wait3A_244] : memref<80x128xf32, #tpu.memory_space<vmem>> -> memref<80x128xf32, #tpu.memory_space<vmem>>
        %dma_wait3A_246 = arith.constant 0 : i32
        %dma_wait3A_247 = arith.constant 0 : i32
        %dma_wait3A_248 = tpu.memref_slice %arg15[%dma_wait3A_246, %dma_wait3A_247] : memref<10112x128xf32, #tpu.memory_space<vmem_shared>> -> memref<80x128xf32, #tpu.memory_space<vmem_shared>>
        %dma_wait3A_249 = arith.constant 0 : i32
        %dma_wait3A_250 = arith.constant 0 : i32
        %dma_wait3A_251 = tpu.memref_slice %arg15[%dma_wait3A_249, %dma_wait3A_250] : memref<10112x128xf32, #tpu.memory_space<vmem_shared>> -> memref<80x128xf32, #tpu.memory_space<vmem_shared>>
        %dma_wait3A_252 = arith.constant 0 : i32
        %dma_wait3A_253 = arith.constant 0 : i32
        %dma_wait3A_254 = tpu.memref_slice %arg13[%dma_wait3A_252, %dma_wait3A_253] : memref<80x128xf32, #tpu.memory_space<vmem>> -> memref<80x128xf32, #tpu.memory_space<vmem>>
        tpu.wait_dma2 semaphore(%arg18 : memref<!tpu.dma_semaphore, #tpu.memory_space<semaphore_mem>>) src(%dma_wait3A_254 : memref<80x128xf32, #tpu.memory_space<vmem>>) dst(%dma_wait3A_251 : memref<80x128xf32, #tpu.memory_space<vmem_shared>>)
      } else {
      }
      %add3A_190 = arith.constant 1 : i32
      %add3A_191 = arith.addi %add3A_184, %add3A_190 : i32
      %mul3A_192 = arith.constant 125 : i32
      %mul3A_193 = arith.muli %add3A, %mul3A_192 : i32
      %add3A_194 = arith.addi %mul3A_193, %add3A_191 : i32
      "tpu.region"() ({
        %run_scoped3A = tpu.sem_alloc : memref<!tpu.dma_semaphore, #tpu.memory_space<semaphore_mem>>
        %dma_start3A_243 = arith.constant 0 : i32
        %dma_start3A_244 = arith.constant 0 : i32
        %dma_start3A_245 = tpu.memref_slice %arg3[%add3A_194, %dma_start3A_243, %dma_start3A_244] : memref<4000x1x80xi32, #tpu.memory_space<hbm>> -> memref<1x1x80xi32, #tpu.memory_space<hbm>>
        %dma_start3A_246 = arith.constant 0 : i32
        %dma_start3A_247 = arith.constant 0 : i32
        %dma_start3A_248 = tpu.memref_slice %arg3[%add3A_194, %dma_start3A_246, %dma_start3A_247] : memref<4000x1x80xi32, #tpu.memory_space<hbm>> -> memref<1x1x80xi32, #tpu.memory_space<hbm>>
        tpu.enqueue_dma source(%dma_start3A_248 : memref<1x1x80xi32, #tpu.memory_space<hbm>>) target(%arg7 : memref<1x1x80xi32, #tpu.memory_space<vmem>>) target_semaphore(%run_scoped3A : memref<!tpu.dma_semaphore, #tpu.memory_space<semaphore_mem>>)
        %dma_wait3A_249 = arith.constant 0 : i32
        %dma_wait3A_250 = arith.constant 0 : i32
        %dma_wait3A_251 = tpu.memref_slice %arg3[%add3A_194, %dma_wait3A_249, %dma_wait3A_250] : memref<4000x1x80xi32, #tpu.memory_space<hbm>> -> memref<1x1x80xi32, #tpu.memory_space<hbm>>
        %dma_wait3A_252 = arith.constant 0 : i32
        %dma_wait3A_253 = arith.constant 0 : i32
        %dma_wait3A_254 = tpu.memref_slice %arg3[%add3A_194, %dma_wait3A_252, %dma_wait3A_253] : memref<4000x1x80xi32, #tpu.memory_space<hbm>> -> memref<1x1x80xi32, #tpu.memory_space<hbm>>
        tpu.wait_dma2 semaphore(%run_scoped3A : memref<!tpu.dma_semaphore, #tpu.memory_space<semaphore_mem>>) src(%dma_wait3A_254 : memref<1x1x80xi32, #tpu.memory_space<hbm>>) dst(%arg7 : memref<1x1x80xi32, #tpu.memory_space<vmem>>)
        tpu.yield
      }) : () -> ()
      "tpu.region"() ({
        %run_scoped3A = tpu.sem_alloc : memref<!tpu.dma_semaphore, #tpu.memory_space<semaphore_mem>>
        %dma_start3A_243 = arith.constant 0 : i32
        %dma_start3A_244 = arith.constant 0 : i32
        %dma_start3A_245 = tpu.memref_slice %arg4[%add3A_194, %dma_start3A_243, %dma_start3A_244] : memref<4000x1x80xi32, #tpu.memory_space<hbm>> -> memref<1x1x80xi32, #tpu.memory_space<hbm>>
        %dma_start3A_246 = arith.constant 0 : i32
        %dma_start3A_247 = arith.constant 0 : i32
        %dma_start3A_248 = tpu.memref_slice %arg4[%add3A_194, %dma_start3A_246, %dma_start3A_247] : memref<4000x1x80xi32, #tpu.memory_space<hbm>> -> memref<1x1x80xi32, #tpu.memory_space<hbm>>
        tpu.enqueue_dma source(%dma_start3A_248 : memref<1x1x80xi32, #tpu.memory_space<hbm>>) target(%arg9 : memref<1x1x80xi32, #tpu.memory_space<vmem>>) target_semaphore(%run_scoped3A : memref<!tpu.dma_semaphore, #tpu.memory_space<semaphore_mem>>)
        %dma_wait3A_249 = arith.constant 0 : i32
        %dma_wait3A_250 = arith.constant 0 : i32
        %dma_wait3A_251 = tpu.memref_slice %arg4[%add3A_194, %dma_wait3A_249, %dma_wait3A_250] : memref<4000x1x80xi32, #tpu.memory_space<hbm>> -> memref<1x1x80xi32, #tpu.memory_space<hbm>>
        %dma_wait3A_252 = arith.constant 0 : i32
        %dma_wait3A_253 = arith.constant 0 : i32
        %dma_wait3A_254 = tpu.memref_slice %arg4[%add3A_194, %dma_wait3A_252, %dma_wait3A_253] : memref<4000x1x80xi32, #tpu.memory_space<hbm>> -> memref<1x1x80xi32, #tpu.memory_space<hbm>>
        tpu.wait_dma2 semaphore(%run_scoped3A : memref<!tpu.dma_semaphore, #tpu.memory_space<semaphore_mem>>) src(%dma_wait3A_254 : memref<1x1x80xi32, #tpu.memory_space<hbm>>) dst(%arg9 : memref<1x1x80xi32, #tpu.memory_space<vmem>>)
        tpu.yield
      }) : () -> ()
      %mul3A_195 = arith.constant 10000 : i32
      %mul3A_196 = arith.muli %add3A, %mul3A_195 : i32
      %mul3A_197 = arith.constant 80 : i32
      %mul3A_198 = arith.muli %add3A_191, %mul3A_197 : i32
      %add3A_199 = arith.addi %mul3A_196, %mul3A_198 : i32
      %mul3A_200 = arith.constant 16 : i32
      %mul3A_201 = arith.muli %add3A_199, %mul3A_200 : i32
      "tpu.region"() ({
        %run_scoped3A = tpu.sem_alloc : memref<!tpu.dma_semaphore, #tpu.memory_space<semaphore_mem>>
        %dma_start3A_243 = tpu.memref_slice %arg5[%mul3A_201] : memref<5120000xf32, #tpu.memory_space<hbm>> -> memref<1280xf32, #tpu.memory_space<hbm>>
        %dma_start3A_244 = tpu.memref_slice %arg5[%mul3A_201] : memref<5120000xf32, #tpu.memory_space<hbm>> -> memref<1280xf32, #tpu.memory_space<hbm>>
        tpu.enqueue_dma source(%dma_start3A_244 : memref<1280xf32, #tpu.memory_space<hbm>>) target(%arg11 : memref<1280xf32, #tpu.memory_space<vmem>>) target_semaphore(%run_scoped3A : memref<!tpu.dma_semaphore, #tpu.memory_space<semaphore_mem>>)
        %dma_wait3A_245 = tpu.memref_slice %arg5[%mul3A_201] : memref<5120000xf32, #tpu.memory_space<hbm>> -> memref<1280xf32, #tpu.memory_space<hbm>>
        %dma_wait3A_246 = tpu.memref_slice %arg5[%mul3A_201] : memref<5120000xf32, #tpu.memory_space<hbm>> -> memref<1280xf32, #tpu.memory_space<hbm>>
        tpu.wait_dma2 semaphore(%run_scoped3A : memref<!tpu.dma_semaphore, #tpu.memory_space<semaphore_mem>>) src(%dma_wait3A_246 : memref<1280xf32, #tpu.memory_space<hbm>>) dst(%arg11 : memref<1280xf32, #tpu.memory_space<vmem>>)
        tpu.yield
      }) : () -> ()
      %dma_start3A_202 = arith.constant 0 : i32
      %dma_start3A_203 = arith.constant 0 : i32
      %dma_start3A_204 = arith.constant 0 : i32
      %dma_start3A_205 = arith.constant 0 : i32
      %dma_start3A_206 = tpu.memref_slice %arg13[%dma_start3A_204, %dma_start3A_205] : memref<80x128xf32, #tpu.memory_space<vmem>> -> memref<80x128xf32, #tpu.memory_space<vmem>>
      %dma_start3A_207 = arith.constant 0 : i32
      %dma_start3A_208 = tpu.memref_slice %arg7[%dma_start3A_202, %dma_start3A_203, %dma_start3A_207] : memref<1x1x80xi32, #tpu.memory_space<vmem>> -> memref<1x1x80xi32, #tpu.memory_space<vmem>>
      %dma_start3A_209 = tpu.memref_squeeze %dma_start3A_208 : memref<1x1x80xi32, #tpu.memory_space<vmem>> -> memref<80xi32, #tpu.memory_space<vmem>>
      %dma_start3A_210 = arith.constant 0 : i32
      %dma_start3A_211 = arith.constant 0 : i32
      %dma_start3A_212 = tpu.memref_slice %arg2[%dma_start3A_210, %dma_start3A_211] : memref<10000x128xf32, #tpu.memory_space<hbm>> -> memref<10000x128xf32, #tpu.memory_space<hbm>>
      tpu.enqueue_indirect_dma source(%dma_start3A_212 : memref<10000x128xf32, #tpu.memory_space<hbm>>) target(%dma_start3A_206 : memref<80x128xf32, #tpu.memory_space<vmem>>) offsets(%dma_start3A_209 : memref<80xi32, #tpu.memory_space<vmem>>) semaphore(%arg16 : memref<!tpu.dma_semaphore, #tpu.memory_space<semaphore_mem>>)
      %dma_wait3A_213 = arith.constant 0 : i32
      %dma_wait3A_214 = arith.constant 0 : i32
      %dma_wait3A_215 = tpu.memref_slice %arg14[%dma_wait3A_213, %dma_wait3A_214] : memref<80x128xf32, #tpu.memory_space<vmem>> -> memref<80x128xf32, #tpu.memory_space<vmem>>
      %dma_wait3A_216 = arith.constant 0 : i32
      %dma_wait3A_217 = arith.constant 0 : i32
      %dma_wait3A_218 = tpu.memref_slice %arg2[%dma_wait3A_216, %dma_wait3A_217] : memref<10000x128xf32, #tpu.memory_space<hbm>> -> memref<80x128xf32, #tpu.memory_space<hbm>>
      %dma_wait3A_219 = arith.constant 0 : i32
      %dma_wait3A_220 = arith.constant 0 : i32
      %dma_wait3A_221 = tpu.memref_slice %arg14[%dma_wait3A_219, %dma_wait3A_220] : memref<80x128xf32, #tpu.memory_space<vmem>> -> memref<80x128xf32, #tpu.memory_space<vmem>>
      %dma_wait3A_222 = arith.constant 0 : i32
      %dma_wait3A_223 = arith.constant 0 : i32
      %dma_wait3A_224 = tpu.memref_slice %arg2[%dma_wait3A_222, %dma_wait3A_223] : memref<10000x128xf32, #tpu.memory_space<hbm>> -> memref<80x128xf32, #tpu.memory_space<hbm>>
      tpu.wait_dma2 semaphore(%arg17 : memref<!tpu.dma_semaphore, #tpu.memory_space<semaphore_mem>>) src(%dma_wait3A_224 : memref<80x128xf32, #tpu.memory_space<hbm>>) dst(%dma_wait3A_221 : memref<80x128xf32, #tpu.memory_space<vmem>>)
      %scan3A_225 = arith.constant 0 : i32
      %scan3A_226 = arith.constant 0 : i32
      %scan3A_227 = arith.constant 80 : i32
      %scan3A_228 = arith.addi %scan3A_226, %scan3A_227 : i32
      %scan3A_229 = arith.constant 1 : i32
      %scan3A_230 = scf.for %scan3A_243 = %scan3A_226 to %scan3A_228 step %scan3A_229 iter_args(%scan3A_244 = %scan3A_225) -> (i32)  : i32 {
        %mul3A_245 = arith.constant 16 : i32
        %mul3A_246 = arith.muli %scan3A_243, %mul3A_245 : i32
        %get3A = arith.index_cast %mul3A_246 : i32 to index
        %get3A_247 = tpu.vector_load %arg12[%get3A] {strides = array<i32>} : memref<1280xf32, #tpu.memory_space<vmem>>, vector<16xf32>,
        %get3A_248 = vector.shape_cast %get3A_247 : vector<16xf32> to vector<16xf32>
        %get3A_249 = arith.index_cast %scan3A_243 : i32 to index
        %get3A_250 = arith.constant 0 : index
        %get3A_251 = tpu.vector_load %arg14[%get3A_249, %get3A_250] {strides = array<i32>} : memref<80x128xf32, #tpu.memory_space<vmem>>, vector<1x16xf32>,
        %get3A_252 = vector.shape_cast %get3A_251 : vector<1x16xf32> to vector<16xf32>
        %mul3A_253 = arith.mulf %get3A_252, %get3A_248 : vector<16xf32>
        %swap3A = arith.index_cast %scan3A_243 : i32 to index
        %swap3A_254 = arith.constant 0 : index
        %swap3A_255 = tpu.vector_load %arg14[%swap3A, %swap3A_254] {strides = array<i32>} : memref<80x128xf32, #tpu.memory_space<vmem>>, vector<1x16xf32>,
        %swap3A_256 = vector.shape_cast %swap3A_255 : vector<1x16xf32> to vector<16xf32>
        %swap3A_257 = vector.shape_cast %mul3A_253 : vector<16xf32> to vector<1x16xf32>
        tpu.vector_store %arg14[%swap3A, %swap3A_254], %swap3A_257 {strides = array<i32>} : memref<80x128xf32, #tpu.memory_space<vmem>>, vector<1x16xf32>,
        %get3A_258 = arith.index_cast %scan3A_243 : i32 to index
        %get3A_259 = arith.constant 16 : index
        %get3A_260 = tpu.vector_load %arg14[%get3A_258, %get3A_259] {strides = array<i32>} : memref<80x128xf32, #tpu.memory_space<vmem>>, vector<1x16xf32>,
        %get3A_261 = vector.shape_cast %get3A_260 : vector<1x16xf32> to vector<16xf32>
        %mul3A_262 = arith.mulf %get3A_261, %get3A_248 : vector<16xf32>
        %swap3A_263 = arith.index_cast %scan3A_243 : i32 to index
        %swap3A_264 = arith.constant 16 : index
        %swap3A_265 = tpu.vector_load %arg14[%swap3A_263, %swap3A_264] {strides = array<i32>} : memref<80x128xf32, #tpu.memory_space<vmem>>, vector<1x16xf32>,
        %swap3A_266 = vector.shape_cast %swap3A_265 : vector<1x16xf32> to vector<16xf32>
        %swap3A_267 = vector.shape_cast %mul3A_262 : vector<16xf32> to vector<1x16xf32>
        tpu.vector_store %arg14[%swap3A_263, %swap3A_264], %swap3A_267 {strides = array<i32>} : memref<80x128xf32, #tpu.memory_space<vmem>>, vector<1x16xf32>,
        %get3A_268 = arith.index_cast %scan3A_243 : i32 to index
        %get3A_269 = arith.constant 32 : index
        %get3A_270 = tpu.vector_load %arg14[%get3A_268, %get3A_269] {strides = array<i32>} : memref<80x128xf32, #tpu.memory_space<vmem>>, vector<1x16xf32>,
        %get3A_271 = vector.shape_cast %get3A_270 : vector<1x16xf32> to vector<16xf32>
        %mul3A_272 = arith.mulf %get3A_271, %get3A_248 : vector<16xf32>
        %swap3A_273 = arith.index_cast %scan3A_243 : i32 to index
        %swap3A_274 = arith.constant 32 : index
        %swap3A_275 = tpu.vector_load %arg14[%swap3A_273, %swap3A_274] {strides = array<i32>} : memref<80x128xf32, #tpu.memory_space<vmem>>, vector<1x16xf32>,
        %swap3A_276 = vector.shape_cast %swap3A_275 : vector<1x16xf32> to vector<16xf32>
        %swap3A_277 = vector.shape_cast %mul3A_272 : vector<16xf32> to vector<1x16xf32>
        tpu.vector_store %arg14[%swap3A_273, %swap3A_274], %swap3A_277 {strides = array<i32>} : memref<80x128xf32, #tpu.memory_space<vmem>>, vector<1x16xf32>,
        %get3A_278 = arith.index_cast %scan3A_243 : i32 to index
        %get3A_279 = arith.constant 48 : index
        %get3A_280 = tpu.vector_load %arg14[%get3A_278, %get3A_279] {strides = array<i32>} : memref<80x128xf32, #tpu.memory_space<vmem>>, vector<1x16xf32>,
        %get3A_281 = vector.shape_cast %get3A_280 : vector<1x16xf32> to vector<16xf32>
        %mul3A_282 = arith.mulf %get3A_281, %get3A_248 : vector<16xf32>
        %swap3A_283 = arith.index_cast %scan3A_243 : i32 to index
        %swap3A_284 = arith.constant 48 : index
        %swap3A_285 = tpu.vector_load %arg14[%swap3A_283, %swap3A_284] {strides = array<i32>} : memref<80x128xf32, #tpu.memory_space<vmem>>, vector<1x16xf32>,
        %swap3A_286 = vector.shape_cast %swap3A_285 : vector<1x16xf32> to vector<16xf32>
        %swap3A_287 = vector.shape_cast %mul3A_282 : vector<16xf32> to vector<1x16xf32>
        tpu.vector_store %arg14[%swap3A_283, %swap3A_284], %swap3A_287 {strides = array<i32>} : memref<80x128xf32, #tpu.memory_space<vmem>>, vector<1x16xf32>,
        %get3A_288 = arith.index_cast %scan3A_243 : i32 to index
        %get3A_289 = arith.constant 64 : index
        %get3A_290 = tpu.vector_load %arg14[%get3A_288, %get3A_289] {strides = array<i32>} : memref<80x128xf32, #tpu.memory_space<vmem>>, vector<1x16xf32>,
        %get3A_291 = vector.shape_cast %get3A_290 : vector<1x16xf32> to vector<16xf32>
        %mul3A_292 = arith.mulf %get3A_291, %get3A_248 : vector<16xf32>
        %swap3A_293 = arith.index_cast %scan3A_243 : i32 to index
        %swap3A_294 = arith.constant 64 : index
        %swap3A_295 = tpu.vector_load %arg14[%swap3A_293, %swap3A_294] {strides = array<i32>} : memref<80x128xf32, #tpu.memory_space<vmem>>, vector<1x16xf32>,
        %swap3A_296 = vector.shape_cast %swap3A_295 : vector<1x16xf32> to vector<16xf32>
        %swap3A_297 = vector.shape_cast %mul3A_292 : vector<16xf32> to vector<1x16xf32>
        tpu.vector_store %arg14[%swap3A_293, %swap3A_294], %swap3A_297 {strides = array<i32>} : memref<80x128xf32, #tpu.memory_space<vmem>>, vector<1x16xf32>,
        %get3A_298 = arith.index_cast %scan3A_243 : i32 to index
        %get3A_299 = arith.constant 80 : index
        %get3A_300 = tpu.vector_load %arg14[%get3A_298, %get3A_299] {strides = array<i32>} : memref<80x128xf32, #tpu.memory_space<vmem>>, vector<1x16xf32>,
        %get3A_301 = vector.shape_cast %get3A_300 : vector<1x16xf32> to vector<16xf32>
        %mul3A_302 = arith.mulf %get3A_301, %get3A_248 : vector<16xf32>
        %swap3A_303 = arith.index_cast %scan3A_243 : i32 to index
        %swap3A_304 = arith.constant 80 : index
        %swap3A_305 = tpu.vector_load %arg14[%swap3A_303, %swap3A_304] {strides = array<i32>} : memref<80x128xf32, #tpu.memory_space<vmem>>, vector<1x16xf32>,
        %swap3A_306 = vector.shape_cast %swap3A_305 : vector<1x16xf32> to vector<16xf32>
        %swap3A_307 = vector.shape_cast %mul3A_302 : vector<16xf32> to vector<1x16xf32>
        tpu.vector_store %arg14[%swap3A_303, %swap3A_304], %swap3A_307 {strides = array<i32>} : memref<80x128xf32, #tpu.memory_space<vmem>>, vector<1x16xf32>,
        %get3A_308 = arith.index_cast %scan3A_243 : i32 to index
        %get3A_309 = arith.constant 96 : index
        %get3A_310 = tpu.vector_load %arg14[%get3A_308, %get3A_309] {strides = array<i32>} : memref<80x128xf32, #tpu.memory_space<vmem>>, vector<1x16xf32>,
        %get3A_311 = vector.shape_cast %get3A_310 : vector<1x16xf32> to vector<16xf32>
        %mul3A_312 = arith.mulf %get3A_311, %get3A_248 : vector<16xf32>
        %swap3A_313 = arith.index_cast %scan3A_243 : i32 to index
        %swap3A_314 = arith.constant 96 : index
        %swap3A_315 = tpu.vector_load %arg14[%swap3A_313, %swap3A_314] {strides = array<i32>} : memref<80x128xf32, #tpu.memory_space<vmem>>, vector<1x16xf32>,
        %swap3A_316 = vector.shape_cast %swap3A_315 : vector<1x16xf32> to vector<16xf32>
        %swap3A_317 = vector.shape_cast %mul3A_312 : vector<16xf32> to vector<1x16xf32>
        tpu.vector_store %arg14[%swap3A_313, %swap3A_314], %swap3A_317 {strides = array<i32>} : memref<80x128xf32, #tpu.memory_space<vmem>>, vector<1x16xf32>,
        %get3A_318 = arith.index_cast %scan3A_243 : i32 to index
        %get3A_319 = arith.constant 112 : index
        %get3A_320 = tpu.vector_load %arg14[%get3A_318, %get3A_319] {strides = array<i32>} : memref<80x128xf32, #tpu.memory_space<vmem>>, vector<1x16xf32>,
        %get3A_321 = vector.shape_cast %get3A_320 : vector<1x16xf32> to vector<16xf32>
        %mul3A_322 = arith.mulf %get3A_321, %get3A_248 : vector<16xf32>
        %swap3A_323 = arith.index_cast %scan3A_243 : i32 to index
        %swap3A_324 = arith.constant 112 : index
        %swap3A_325 = tpu.vector_load %arg14[%swap3A_323, %swap3A_324] {strides = array<i32>} : memref<80x128xf32, #tpu.memory_space<vmem>>, vector<1x16xf32>,
        %swap3A_326 = vector.shape_cast %swap3A_325 : vector<1x16xf32> to vector<16xf32>
        %swap3A_327 = vector.shape_cast %mul3A_322 : vector<16xf32> to vector<1x16xf32>
        tpu.vector_store %arg14[%swap3A_323, %swap3A_324], %swap3A_327 {strides = array<i32>} : memref<80x128xf32, #tpu.memory_space<vmem>>, vector<1x16xf32>,
        %scan3A_328 = arith.constant 0 : i32
        scf.yield %scan3A_328 : i32
      }
      %scan3A_231 = arith.constant 80 : i32
      %dma_start3A_232 = arith.constant 0 : i32
      %dma_start3A_233 = arith.constant 0 : i32
      %dma_start3A_234 = arith.constant 0 : i32
      %dma_start3A_235 = arith.constant 0 : i32
      %dma_start3A_236 = tpu.memref_slice %arg14[%dma_start3A_234, %dma_start3A_235] : memref<80x128xf32, #tpu.memory_space<vmem>> -> memref<80x128xf32, #tpu.memory_space<vmem>>
      %dma_start3A_237 = arith.constant 0 : i32
      %dma_start3A_238 = tpu.memref_slice %arg10[%dma_start3A_232, %dma_start3A_233, %dma_start3A_237] : memref<1x1x80xi32, #tpu.memory_space<vmem>> -> memref<1x1x80xi32, #tpu.memory_space<vmem>>
      %dma_start3A_239 = tpu.memref_squeeze %dma_start3A_238 : memref<1x1x80xi32, #tpu.memory_space<vmem>> -> memref<80xi32, #tpu.memory_space<vmem>>
      %dma_start3A_240 = arith.constant 0 : i32
      %dma_start3A_241 = arith.constant 0 : i32
      %dma_start3A_242 = tpu.memref_slice %arg15[%dma_start3A_240, %dma_start3A_241] : memref<10112x128xf32, #tpu.memory_space<vmem_shared>> -> memref<10112x128xf32, #tpu.memory_space<vmem_shared>>
      tpu.enqueue_indirect_dma source(%dma_start3A_236 : memref<80x128xf32, #tpu.memory_space<vmem>>) target(%dma_start3A_242 : memref<10112x128xf32, #tpu.memory_space<vmem_shared>>) offsets(%dma_start3A_239 : memref<80xi32, #tpu.memory_space<vmem>>) semaphore(%arg19 : memref<!tpu.dma_semaphore, #tpu.memory_space<semaphore_mem>>) {add = true}
    }
    %scan3A_66 = arith.constant 62 : i32
    %dma_wait3A = arith.constant 0 : i32
    %dma_wait3A_67 = arith.constant 0 : i32
    %dma_wait3A_68 = tpu.memref_slice %arg13[%dma_wait3A, %dma_wait3A_67] : memref<80x128xf32, #tpu.memory_space<vmem>> -> memref<80x128xf32, #tpu.memory_space<vmem>>
    %dma_wait3A_69 = arith.constant 0 : i32
    %dma_wait3A_70 = arith.constant 0 : i32
    %dma_wait3A_71 = tpu.memref_slice %arg2[%dma_wait3A_69, %dma_wait3A_70] : memref<10000x128xf32, #tpu.memory_space<hbm>> -> memref<80x128xf32, #tpu.memory_space<hbm>>
    %dma_wait3A_72 = arith.constant 0 : i32
    %dma_wait3A_73 = arith.constant 0 : i32
    %dma_wait3A_74 = tpu.memref_slice %arg13[%dma_wait3A_72, %dma_wait3A_73] : memref<80x128xf32, #tpu.memory_space<vmem>> -> memref<80x128xf32, #tpu.memory_space<vmem>>
    %dma_wait3A_75 = arith.constant 0 : i32
    %dma_wait3A_76 = arith.constant 0 : i32
    %dma_wait3A_77 = tpu.memref_slice %arg2[%dma_wait3A_75, %dma_wait3A_76] : memref<10000x128xf32, #tpu.memory_space<hbm>> -> memref<80x128xf32, #tpu.memory_space<hbm>>
    tpu.wait_dma2 semaphore(%arg16 : memref<!tpu.dma_semaphore, #tpu.memory_space<semaphore_mem>>) src(%dma_wait3A_77 : memref<80x128xf32, #tpu.memory_space<hbm>>) dst(%dma_wait3A_74 : memref<80x128xf32, #tpu.memory_space<vmem>>)
    %scan3A_78 = arith.constant 0 : i32
    %scan3A_79 = arith.constant 0 : i32
    %scan3A_80 = arith.constant 80 : i32
    %scan3A_81 = arith.addi %scan3A_79, %scan3A_80 : i32
    %scan3A_82 = arith.constant 1 : i32
    %scan3A_83 = scf.for %scan3A_121 = %scan3A_79 to %scan3A_81 step %scan3A_82 iter_args(%scan3A_122 = %scan3A_78) -> (i32)  : i32 {
      %mul3A_123 = arith.constant 16 : i32
      %mul3A_124 = arith.muli %scan3A_121, %mul3A_123 : i32
      %get3A = arith.index_cast %mul3A_124 : i32 to index
      %get3A_125 = tpu.vector_load %arg11[%get3A] {strides = array<i32>} : memref<1280xf32, #tpu.memory_space<vmem>>, vector<16xf32>,
      %get3A_126 = vector.shape_cast %get3A_125 : vector<16xf32> to vector<16xf32>
      %get3A_127 = arith.index_cast %scan3A_121 : i32 to index
      %get3A_128 = arith.constant 0 : index
      %get3A_129 = tpu.vector_load %arg13[%get3A_127, %get3A_128] {strides = array<i32>} : memref<80x128xf32, #tpu.memory_space<vmem>>, vector<1x16xf32>,
      %get3A_130 = vector.shape_cast %get3A_129 : vector<1x16xf32> to vector<16xf32>
      %mul3A_131 = arith.mulf %get3A_130, %get3A_126 : vector<16xf32>
      %swap3A = arith.index_cast %scan3A_121 : i32 to index
      %swap3A_132 = arith.constant 0 : index
      %swap3A_133 = tpu.vector_load %arg13[%swap3A, %swap3A_132] {strides = array<i32>} : memref<80x128xf32, #tpu.memory_space<vmem>>, vector<1x16xf32>,
      %swap3A_134 = vector.shape_cast %swap3A_133 : vector<1x16xf32> to vector<16xf32>
      %swap3A_135 = vector.shape_cast %mul3A_131 : vector<16xf32> to vector<1x16xf32>
      tpu.vector_store %arg13[%swap3A, %swap3A_132], %swap3A_135 {strides = array<i32>} : memref<80x128xf32, #tpu.memory_space<vmem>>, vector<1x16xf32>,
      %get3A_136 = arith.index_cast %scan3A_121 : i32 to index
      %get3A_137 = arith.constant 16 : index
      %get3A_138 = tpu.vector_load %arg13[%get3A_136, %get3A_137] {strides = array<i32>} : memref<80x128xf32, #tpu.memory_space<vmem>>, vector<1x16xf32>,
      %get3A_139 = vector.shape_cast %get3A_138 : vector<1x16xf32> to vector<16xf32>
      %mul3A_140 = arith.mulf %get3A_139, %get3A_126 : vector<16xf32>
      %swap3A_141 = arith.index_cast %scan3A_121 : i32 to index
      %swap3A_142 = arith.constant 16 : index
      %swap3A_143 = tpu.vector_load %arg13[%swap3A_141, %swap3A_142] {strides = array<i32>} : memref<80x128xf32, #tpu.memory_space<vmem>>, vector<1x16xf32>,
      %swap3A_144 = vector.shape_cast %swap3A_143 : vector<1x16xf32> to vector<16xf32>
      %swap3A_145 = vector.shape_cast %mul3A_140 : vector<16xf32> to vector<1x16xf32>
      tpu.vector_store %arg13[%swap3A_141, %swap3A_142], %swap3A_145 {strides = array<i32>} : memref<80x128xf32, #tpu.memory_space<vmem>>, vector<1x16xf32>,
      %get3A_146 = arith.index_cast %scan3A_121 : i32 to index
      %get3A_147 = arith.constant 32 : index
      %get3A_148 = tpu.vector_load %arg13[%get3A_146, %get3A_147] {strides = array<i32>} : memref<80x128xf32, #tpu.memory_space<vmem>>, vector<1x16xf32>,
      %get3A_149 = vector.shape_cast %get3A_148 : vector<1x16xf32> to vector<16xf32>
      %mul3A_150 = arith.mulf %get3A_149, %get3A_126 : vector<16xf32>
      %swap3A_151 = arith.index_cast %scan3A_121 : i32 to index
      %swap3A_152 = arith.constant 32 : index
      %swap3A_153 = tpu.vector_load %arg13[%swap3A_151, %swap3A_152] {strides = array<i32>} : memref<80x128xf32, #tpu.memory_space<vmem>>, vector<1x16xf32>,
      %swap3A_154 = vector.shape_cast %swap3A_153 : vector<1x16xf32> to vector<16xf32>
      %swap3A_155 = vector.shape_cast %mul3A_150 : vector<16xf32> to vector<1x16xf32>
      tpu.vector_store %arg13[%swap3A_151, %swap3A_152], %swap3A_155 {strides = array<i32>} : memref<80x128xf32, #tpu.memory_space<vmem>>, vector<1x16xf32>,
      %get3A_156 = arith.index_cast %scan3A_121 : i32 to index
      %get3A_157 = arith.constant 48 : index
      %get3A_158 = tpu.vector_load %arg13[%get3A_156, %get3A_157] {strides = array<i32>} : memref<80x128xf32, #tpu.memory_space<vmem>>, vector<1x16xf32>,
      %get3A_159 = vector.shape_cast %get3A_158 : vector<1x16xf32> to vector<16xf32>
      %mul3A_160 = arith.mulf %get3A_159, %get3A_126 : vector<16xf32>
      %swap3A_161 = arith.index_cast %scan3A_121 : i32 to index
      %swap3A_162 = arith.constant 48 : index
      %swap3A_163 = tpu.vector_load %arg13[%swap3A_161, %swap3A_162] {strides = array<i32>} : memref<80x128xf32, #tpu.memory_space<vmem>>, vector<1x16xf32>,
      %swap3A_164 = vector.shape_cast %swap3A_163 : vector<1x16xf32> to vector<16xf32>
      %swap3A_165 = vector.shape_cast %mul3A_160 : vector<16xf32> to vector<1x16xf32>
      tpu.vector_store %arg13[%swap3A_161, %swap3A_162], %swap3A_165 {strides = array<i32>} : memref<80x128xf32, #tpu.memory_space<vmem>>, vector<1x16xf32>,
      %get3A_166 = arith.index_cast %scan3A_121 : i32 to index
      %get3A_167 = arith.constant 64 : index
      %get3A_168 = tpu.vector_load %arg13[%get3A_166, %get3A_167] {strides = array<i32>} : memref<80x128xf32, #tpu.memory_space<vmem>>, vector<1x16xf32>,
      %get3A_169 = vector.shape_cast %get3A_168 : vector<1x16xf32> to vector<16xf32>
      %mul3A_170 = arith.mulf %get3A_169, %get3A_126 : vector<16xf32>
      %swap3A_171 = arith.index_cast %scan3A_121 : i32 to index
      %swap3A_172 = arith.constant 64 : index
      %swap3A_173 = tpu.vector_load %arg13[%swap3A_171, %swap3A_172] {strides = array<i32>} : memref<80x128xf32, #tpu.memory_space<vmem>>, vector<1x16xf32>,
      %swap3A_174 = vector.shape_cast %swap3A_173 : vector<1x16xf32> to vector<16xf32>
      %swap3A_175 = vector.shape_cast %mul3A_170 : vector<16xf32> to vector<1x16xf32>
      tpu.vector_store %arg13[%swap3A_171, %swap3A_172], %swap3A_175 {strides = array<i32>} : memref<80x128xf32, #tpu.memory_space<vmem>>, vector<1x16xf32>,
      %get3A_176 = arith.index_cast %scan3A_121 : i32 to index
      %get3A_177 = arith.constant 80 : index
      %get3A_178 = tpu.vector_load %arg13[%get3A_176, %get3A_177] {strides = array<i32>} : memref<80x128xf32, #tpu.memory_space<vmem>>, vector<1x16xf32>,
      %get3A_179 = vector.shape_cast %get3A_178 : vector<1x16xf32> to vector<16xf32>
      %mul3A_180 = arith.mulf %get3A_179, %get3A_126 : vector<16xf32>
      %swap3A_181 = arith.index_cast %scan3A_121 : i32 to index
      %swap3A_182 = arith.constant 80 : index
      %swap3A_183 = tpu.vector_load %arg13[%swap3A_181, %swap3A_182] {strides = array<i32>} : memref<80x128xf32, #tpu.memory_space<vmem>>, vector<1x16xf32>,
      %swap3A_184 = vector.shape_cast %swap3A_183 : vector<1x16xf32> to vector<16xf32>
      %swap3A_185 = vector.shape_cast %mul3A_180 : vector<16xf32> to vector<1x16xf32>
      tpu.vector_store %arg13[%swap3A_181, %swap3A_182], %swap3A_185 {strides = array<i32>} : memref<80x128xf32, #tpu.memory_space<vmem>>, vector<1x16xf32>,
      %get3A_186 = arith.index_cast %scan3A_121 : i32 to index
      %get3A_187 = arith.constant 96 : index
      %get3A_188 = tpu.vector_load %arg13[%get3A_186, %get3A_187] {strides = array<i32>} : memref<80x128xf32, #tpu.memory_space<vmem>>, vector<1x16xf32>,
      %get3A_189 = vector.shape_cast %get3A_188 : vector<1x16xf32> to vector<16xf32>
      %mul3A_190 = arith.mulf %get3A_189, %get3A_126 : vector<16xf32>
      %swap3A_191 = arith.index_cast %scan3A_121 : i32 to index
      %swap3A_192 = arith.constant 96 : index
      %swap3A_193 = tpu.vector_load %arg13[%swap3A_191, %swap3A_192] {strides = array<i32>} : memref<80x128xf32, #tpu.memory_space<vmem>>, vector<1x16xf32>,
      %swap3A_194 = vector.shape_cast %swap3A_193 : vector<1x16xf32> to vector<16xf32>
      %swap3A_195 = vector.shape_cast %mul3A_190 : vector<16xf32> to vector<1x16xf32>
      tpu.vector_store %arg13[%swap3A_191, %swap3A_192], %swap3A_195 {strides = array<i32>} : memref<80x128xf32, #tpu.memory_space<vmem>>, vector<1x16xf32>,
      %get3A_196 = arith.index_cast %scan3A_121 : i32 to index
      %get3A_197 = arith.constant 112 : index
      %get3A_198 = tpu.vector_load %arg13[%get3A_196, %get3A_197] {strides = array<i32>} : memref<80x128xf32, #tpu.memory_space<vmem>>, vector<1x16xf32>,
      %get3A_199 = vector.shape_cast %get3A_198 : vector<1x16xf32> to vector<16xf32>
      %mul3A_200 = arith.mulf %get3A_199, %get3A_126 : vector<16xf32>
      %swap3A_201 = arith.index_cast %scan3A_121 : i32 to index
      %swap3A_202 = arith.constant 112 : index
      %swap3A_203 = tpu.vector_load %arg13[%swap3A_201, %swap3A_202] {strides = array<i32>} : memref<80x128xf32, #tpu.memory_space<vmem>>, vector<1x16xf32>,
      %swap3A_204 = vector.shape_cast %swap3A_203 : vector<1x16xf32> to vector<16xf32>
      %swap3A_205 = vector.shape_cast %mul3A_200 : vector<16xf32> to vector<1x16xf32>
      tpu.vector_store %arg13[%swap3A_201, %swap3A_202], %swap3A_205 {strides = array<i32>} : memref<80x128xf32, #tpu.memory_space<vmem>>, vector<1x16xf32>,
      %scan3A_206 = arith.constant 0 : i32
      scf.yield %scan3A_206 : i32
    }
    %scan3A_84 = arith.constant 80 : i32
    %dma_start3A_85 = arith.constant 0 : i32
    %dma_start3A_86 = arith.constant 0 : i32
    %dma_start3A_87 = arith.constant 0 : i32
    %dma_start3A_88 = arith.constant 0 : i32
    %dma_start3A_89 = tpu.memref_slice %arg13[%dma_start3A_87, %dma_start3A_88] : memref<80x128xf32, #tpu.memory_space<vmem>> -> memref<80x128xf32, #tpu.memory_space<vmem>>
    %dma_start3A_90 = arith.constant 0 : i32
    %dma_start3A_91 = tpu.memref_slice %arg9[%dma_start3A_85, %dma_start3A_86, %dma_start3A_90] : memref<1x1x80xi32, #tpu.memory_space<vmem>> -> memref<1x1x80xi32, #tpu.memory_space<vmem>>
    %dma_start3A_92 = tpu.memref_squeeze %dma_start3A_91 : memref<1x1x80xi32, #tpu.memory_space<vmem>> -> memref<80xi32, #tpu.memory_space<vmem>>
    %dma_start3A_93 = arith.constant 0 : i32
    %dma_start3A_94 = arith.constant 0 : i32
    %dma_start3A_95 = tpu.memref_slice %arg15[%dma_start3A_93, %dma_start3A_94] : memref<10112x128xf32, #tpu.memory_space<vmem_shared>> -> memref<10112x128xf32, #tpu.memory_space<vmem_shared>>
    tpu.enqueue_indirect_dma source(%dma_start3A_89 : memref<80x128xf32, #tpu.memory_space<vmem>>) target(%dma_start3A_95 : memref<10112x128xf32, #tpu.memory_space<vmem_shared>>) offsets(%dma_start3A_92 : memref<80xi32, #tpu.memory_space<vmem>>) semaphore(%arg18 : memref<!tpu.dma_semaphore, #tpu.memory_space<semaphore_mem>>) {add = true}
    %dma_wait3A_96 = arith.constant 0 : i32
    %dma_wait3A_97 = arith.constant 0 : i32
    %dma_wait3A_98 = tpu.memref_slice %arg13[%dma_wait3A_96, %dma_wait3A_97] : memref<80x128xf32, #tpu.memory_space<vmem>> -> memref<80x128xf32, #tpu.memory_space<vmem>>
    %dma_wait3A_99 = arith.constant 0 : i32
    %dma_wait3A_100 = arith.constant 0 : i32
    %dma_wait3A_101 = tpu.memref_slice %arg15[%dma_wait3A_99, %dma_wait3A_100] : memref<10112x128xf32, #tpu.memory_space<vmem_shared>> -> memref<80x128xf32, #tpu.memory_space<vmem_shared>>
    %dma_wait3A_102 = arith.constant 0 : i32
    %dma_wait3A_103 = arith.constant 0 : i32
    %dma_wait3A_104 = tpu.memref_slice %arg15[%dma_wait3A_102, %dma_wait3A_103] : memref<10112x128xf32, #tpu.memory_space<vmem_shared>> -> memref<80x128xf32, #tpu.memory_space<vmem_shared>>
    %dma_wait3A_105 = arith.constant 0 : i32
    %dma_wait3A_106 = arith.constant 0 : i32
    %dma_wait3A_107 = tpu.memref_slice %arg13[%dma_wait3A_105, %dma_wait3A_106] : memref<80x128xf32, #tpu.memory_space<vmem>> -> memref<80x128xf32, #tpu.memory_space<vmem>>
    tpu.wait_dma2 semaphore(%arg18 : memref<!tpu.dma_semaphore, #tpu.memory_space<semaphore_mem>>) src(%dma_wait3A_107 : memref<80x128xf32, #tpu.memory_space<vmem>>) dst(%dma_wait3A_104 : memref<80x128xf32, #tpu.memory_space<vmem_shared>>)
    %dma_wait3A_108 = arith.constant 0 : i32
    %dma_wait3A_109 = arith.constant 0 : i32
    %dma_wait3A_110 = tpu.memref_slice %arg14[%dma_wait3A_108, %dma_wait3A_109] : memref<80x128xf32, #tpu.memory_space<vmem>> -> memref<80x128xf32, #tpu.memory_space<vmem>>
    %dma_wait3A_111 = arith.constant 0 : i32
    %dma_wait3A_112 = arith.constant 0 : i32
    %dma_wait3A_113 = tpu.memref_slice %arg15[%dma_wait3A_111, %dma_wait3A_112] : memref<10112x128xf32, #tpu.memory_space<vmem_shared>> -> memref<80x128xf32, #tpu.memory_space<vmem_shared>>
    %dma_wait3A_114 = arith.constant 0 : i32
    %dma_wait3A_115 = arith.constant 0 : i32
    %dma_wait3A_116 = tpu.memref_slice %arg15[%dma_wait3A_114, %dma_wait3A_115] : memref<10112x128xf32, #tpu.memory_space<vmem_shared>> -> memref<80x128xf32, #tpu.memory_space<vmem_shared>>
    %dma_wait3A_117 = arith.constant 0 : i32
    %dma_wait3A_118 = arith.constant 0 : i32
    %dma_wait3A_119 = tpu.memref_slice %arg14[%dma_wait3A_117, %dma_wait3A_118] : memref<80x128xf32, #tpu.memory_space<vmem>> -> memref<80x128xf32, #tpu.memory_space<vmem>>
    tpu.wait_dma2 semaphore(%arg19 : memref<!tpu.dma_semaphore, #tpu.memory_space<semaphore_mem>>) src(%dma_wait3A_119 : memref<80x128xf32, #tpu.memory_space<vmem>>) dst(%dma_wait3A_116 : memref<80x128xf32, #tpu.memory_space<vmem_shared>>)
    %barrier3A_120 = arith.constant 0 : index
    tpu.barrier barrier_id(%barrier3A_120)
    "tpu.region"() ({
      %run_scoped3A = tpu.sem_alloc : memref<!tpu.dma_semaphore, #tpu.memory_space<semaphore_mem>>
      %dma_start3A_121 = arith.constant 0 : i32
      %dma_start3A_122 = tpu.memref_slice %arg6[%arg0, %mul3A_2, %dma_start3A_121] : memref<2x10112x128xf32, #tpu.memory_space<hbm>> -> memref<1x632x128xf32, #tpu.memory_space<hbm>>
      %dma_start3A_123 = tpu.memref_squeeze %dma_start3A_122 : memref<1x632x128xf32, #tpu.memory_space<hbm>> -> memref<632x128xf32, #tpu.memory_space<hbm>>
      %dma_start3A_124 = arith.constant 0 : i32
      %dma_start3A_125 = tpu.memref_slice %arg15[%mul3A_2, %dma_start3A_124] : memref<10112x128xf32, #tpu.memory_space<vmem_shared>> -> memref<632x128xf32, #tpu.memory_space<vmem_shared>>
      tpu.enqueue_dma source(%dma_start3A_125 : memref<632x128xf32, #tpu.memory_space<vmem_shared>>) target(%dma_start3A_123 : memref<632x128xf32, #tpu.memory_space<hbm>>) target_semaphore(%run_scoped3A : memref<!tpu.dma_semaphore, #tpu.memory_space<semaphore_mem>>)
      %dma_wait3A_126 = arith.constant 0 : i32
      %dma_wait3A_127 = tpu.memref_slice %arg6[%arg0, %mul3A_2, %dma_wait3A_126] : memref<2x10112x128xf32, #tpu.memory_space<hbm>> -> memref<1x632x128xf32, #tpu.memory_space<hbm>>
      %dma_wait3A_128 = tpu.memref_squeeze %dma_wait3A_127 : memref<1x632x128xf32, #tpu.memory_space<hbm>> -> memref<632x128xf32, #tpu.memory_space<hbm>>
      %dma_wait3A_129 = arith.constant 0 : i32
      %dma_wait3A_130 = tpu.memref_slice %arg15[%mul3A_2, %dma_wait3A_129] : memref<10112x128xf32, #tpu.memory_space<vmem_shared>> -> memref<632x128xf32, #tpu.memory_space<vmem_shared>>
      tpu.wait_dma2 semaphore(%run_scoped3A : memref<!tpu.dma_semaphore, #tpu.memory_space<semaphore_mem>>) src(%dma_wait3A_130 : memref<632x128xf32, #tpu.memory_space<vmem_shared>>) dst(%dma_wait3A_128 : memref<632x128xf32, #tpu.memory_space<hbm>>)
      tpu.yield
    }) : () -> ()
    return
  }
}

#map = affine_map<(d0, d1) -> (0, 0)>
#map1 = affine_map<(d0, d1) -> (0, 0, 0)>
module attributes {stable_mosaic.version = 14 : i64} {
  func.func @body(%arg0: i32, %arg1: i32, %arg2: memref<10000x128xf32, #tpu.memory_space<hbm>>, %arg3: memref<800x5x80xi32, #tpu.memory_space<hbm>>, %arg4: memref<800x5x80xi32, #tpu.memory_space<hbm>>, %arg5: memref<320000x128xf32, #tpu.memory_space<hbm>>, %arg6: memref<320000x128xf32, #tpu.memory_space<hbm>>, %arg7: memref<1x5x80xi32, #tpu.memory_space<vmem>>, %arg8: memref<1x5x80xi32, #tpu.memory_space<vmem>>, %arg9: memref<400x128xf32, #tpu.memory_space<vmem>>, %arg10: memref<400x128xf32, #tpu.memory_space<vmem>>, %arg11: memref<!tpu.dma_semaphore, #tpu.memory_space<semaphore_mem>>, %arg12: memref<!tpu.dma_semaphore, #tpu.memory_space<semaphore_mem>>, %arg13: memref<!tpu.dma_semaphore, #tpu.memory_space<semaphore_mem>>, %arg14: memref<!tpu.dma_semaphore, #tpu.memory_space<semaphore_mem>>) attributes {dimension_semantics = [#tpu.dimension_semantics<core_parallel>, #tpu.dimension_semantics<subcore_parallel>], iteration_bounds = array<i64: 2, 16>, scalar_prefetch = 0 : i64, scratch_operands = 8 : i64, tpu.core_type = #tpu.core_type<sc_vector_subcore>, window_params = [{transform_indices = #map}, {transform_indices = #map1}, {transform_indices = #map1}, {transform_indices = #map}, {transform_indices = #map}]} {
    %mul3A = arith.constant 2 : i32
    %mul3A_0 = arith.muli %arg1, %mul3A : i32
    %add3A = arith.addi %mul3A_0, %arg0 : i32
    %mul3A_1 = arith.constant 25 : i32
    %mul3A_2 = arith.muli %add3A, %mul3A_1 : i32
    %add3A_3 = arith.constant 0 : i32
    %add3A_4 = arith.addi %mul3A_2, %add3A_3 : i32
    "tpu.region"() ({
      %run_scoped3A = tpu.sem_alloc : memref<!tpu.dma_semaphore, #tpu.memory_space<semaphore_mem>>
      %dma_start3A_294 = arith.constant 0 : i32
      %dma_start3A_295 = arith.constant 0 : i32
      %dma_start3A_296 = tpu.memref_slice %arg3[%add3A_4, %dma_start3A_294, %dma_start3A_295] : memref<800x5x80xi32, #tpu.memory_space<hbm>> -> memref<1x5x80xi32, #tpu.memory_space<hbm>>
      %dma_start3A_297 = arith.constant 0 : i32
      %dma_start3A_298 = arith.constant 0 : i32
      %dma_start3A_299 = tpu.memref_slice %arg3[%add3A_4, %dma_start3A_297, %dma_start3A_298] : memref<800x5x80xi32, #tpu.memory_space<hbm>> -> memref<1x5x80xi32, #tpu.memory_space<hbm>>
      tpu.enqueue_dma source(%dma_start3A_299 : memref<1x5x80xi32, #tpu.memory_space<hbm>>) target(%arg7 : memref<1x5x80xi32, #tpu.memory_space<vmem>>) target_semaphore(%run_scoped3A : memref<!tpu.dma_semaphore, #tpu.memory_space<semaphore_mem>>)
      %dma_wait3A_300 = arith.constant 0 : i32
      %dma_wait3A_301 = arith.constant 0 : i32
      %dma_wait3A_302 = tpu.memref_slice %arg3[%add3A_4, %dma_wait3A_300, %dma_wait3A_301] : memref<800x5x80xi32, #tpu.memory_space<hbm>> -> memref<1x5x80xi32, #tpu.memory_space<hbm>>
      %dma_wait3A_303 = arith.constant 0 : i32
      %dma_wait3A_304 = arith.constant 0 : i32
      %dma_wait3A_305 = tpu.memref_slice %arg3[%add3A_4, %dma_wait3A_303, %dma_wait3A_304] : memref<800x5x80xi32, #tpu.memory_space<hbm>> -> memref<1x5x80xi32, #tpu.memory_space<hbm>>
      tpu.wait_dma2 semaphore(%run_scoped3A : memref<!tpu.dma_semaphore, #tpu.memory_space<semaphore_mem>>) src(%dma_wait3A_305 : memref<1x5x80xi32, #tpu.memory_space<hbm>>) dst(%arg7 : memref<1x5x80xi32, #tpu.memory_space<vmem>>)
      tpu.yield
    }) : () -> ()
    %dma_start3A = arith.constant 0 : i32
    %dma_start3A_5 = arith.constant 0 : i32
    %dma_start3A_6 = arith.constant 0 : i32
    %dma_start3A_7 = arith.constant 0 : i32
    %dma_start3A_8 = tpu.memref_slice %arg9[%dma_start3A_6, %dma_start3A_7] : memref<400x128xf32, #tpu.memory_space<vmem>> -> memref<80x128xf32, #tpu.memory_space<vmem>>
    %dma_start3A_9 = arith.constant 0 : i32
    %dma_start3A_10 = tpu.memref_slice %arg7[%dma_start3A, %dma_start3A_5, %dma_start3A_9] : memref<1x5x80xi32, #tpu.memory_space<vmem>> -> memref<1x1x80xi32, #tpu.memory_space<vmem>>
    %dma_start3A_11 = tpu.memref_squeeze %dma_start3A_10 : memref<1x1x80xi32, #tpu.memory_space<vmem>> -> memref<80xi32, #tpu.memory_space<vmem>>
    %dma_start3A_12 = arith.constant 0 : i32
    %dma_start3A_13 = arith.constant 0 : i32
    %dma_start3A_14 = tpu.memref_slice %arg2[%dma_start3A_12, %dma_start3A_13] : memref<10000x128xf32, #tpu.memory_space<hbm>> -> memref<10000x128xf32, #tpu.memory_space<hbm>>
    tpu.enqueue_indirect_dma source(%dma_start3A_14 : memref<10000x128xf32, #tpu.memory_space<hbm>>) target(%dma_start3A_8 : memref<80x128xf32, #tpu.memory_space<vmem>>) offsets(%dma_start3A_11 : memref<80xi32, #tpu.memory_space<vmem>>) semaphore(%arg11 : memref<!tpu.dma_semaphore, #tpu.memory_space<semaphore_mem>>)
    %dma_start3A_15 = arith.constant 0 : i32
    %dma_start3A_16 = arith.constant 1 : i32
    %dma_start3A_17 = arith.constant 80 : i32
    %dma_start3A_18 = arith.constant 0 : i32
    %dma_start3A_19 = tpu.memref_slice %arg9[%dma_start3A_17, %dma_start3A_18] : memref<400x128xf32, #tpu.memory_space<vmem>> -> memref<80x128xf32, #tpu.memory_space<vmem>>
    %dma_start3A_20 = arith.constant 0 : i32
    %dma_start3A_21 = tpu.memref_slice %arg7[%dma_start3A_15, %dma_start3A_16, %dma_start3A_20] : memref<1x5x80xi32, #tpu.memory_space<vmem>> -> memref<1x1x80xi32, #tpu.memory_space<vmem>>
    %dma_start3A_22 = tpu.memref_squeeze %dma_start3A_21 : memref<1x1x80xi32, #tpu.memory_space<vmem>> -> memref<80xi32, #tpu.memory_space<vmem>>
    %dma_start3A_23 = arith.constant 0 : i32
    %dma_start3A_24 = arith.constant 0 : i32
    %dma_start3A_25 = tpu.memref_slice %arg2[%dma_start3A_23, %dma_start3A_24] : memref<10000x128xf32, #tpu.memory_space<hbm>> -> memref<10000x128xf32, #tpu.memory_space<hbm>>
    tpu.enqueue_indirect_dma source(%dma_start3A_25 : memref<10000x128xf32, #tpu.memory_space<hbm>>) target(%dma_start3A_19 : memref<80x128xf32, #tpu.memory_space<vmem>>) offsets(%dma_start3A_22 : memref<80xi32, #tpu.memory_space<vmem>>) semaphore(%arg11 : memref<!tpu.dma_semaphore, #tpu.memory_space<semaphore_mem>>)
    %dma_start3A_26 = arith.constant 0 : i32
    %dma_start3A_27 = arith.constant 2 : i32
    %dma_start3A_28 = arith.constant 160 : i32
    %dma_start3A_29 = arith.constant 0 : i32
    %dma_start3A_30 = tpu.memref_slice %arg9[%dma_start3A_28, %dma_start3A_29] : memref<400x128xf32, #tpu.memory_space<vmem>> -> memref<80x128xf32, #tpu.memory_space<vmem>>
    %dma_start3A_31 = arith.constant 0 : i32
    %dma_start3A_32 = tpu.memref_slice %arg7[%dma_start3A_26, %dma_start3A_27, %dma_start3A_31] : memref<1x5x80xi32, #tpu.memory_space<vmem>> -> memref<1x1x80xi32, #tpu.memory_space<vmem>>
    %dma_start3A_33 = tpu.memref_squeeze %dma_start3A_32 : memref<1x1x80xi32, #tpu.memory_space<vmem>> -> memref<80xi32, #tpu.memory_space<vmem>>
    %dma_start3A_34 = arith.constant 0 : i32
    %dma_start3A_35 = arith.constant 0 : i32
    %dma_start3A_36 = tpu.memref_slice %arg2[%dma_start3A_34, %dma_start3A_35] : memref<10000x128xf32, #tpu.memory_space<hbm>> -> memref<10000x128xf32, #tpu.memory_space<hbm>>
    tpu.enqueue_indirect_dma source(%dma_start3A_36 : memref<10000x128xf32, #tpu.memory_space<hbm>>) target(%dma_start3A_30 : memref<80x128xf32, #tpu.memory_space<vmem>>) offsets(%dma_start3A_33 : memref<80xi32, #tpu.memory_space<vmem>>) semaphore(%arg11 : memref<!tpu.dma_semaphore, #tpu.memory_space<semaphore_mem>>)
    %dma_start3A_37 = arith.constant 0 : i32
    %dma_start3A_38 = arith.constant 3 : i32
    %dma_start3A_39 = arith.constant 240 : i32
    %dma_start3A_40 = arith.constant 0 : i32
    %dma_start3A_41 = tpu.memref_slice %arg9[%dma_start3A_39, %dma_start3A_40] : memref<400x128xf32, #tpu.memory_space<vmem>> -> memref<80x128xf32, #tpu.memory_space<vmem>>
    %dma_start3A_42 = arith.constant 0 : i32
    %dma_start3A_43 = tpu.memref_slice %arg7[%dma_start3A_37, %dma_start3A_38, %dma_start3A_42] : memref<1x5x80xi32, #tpu.memory_space<vmem>> -> memref<1x1x80xi32, #tpu.memory_space<vmem>>
    %dma_start3A_44 = tpu.memref_squeeze %dma_start3A_43 : memref<1x1x80xi32, #tpu.memory_space<vmem>> -> memref<80xi32, #tpu.memory_space<vmem>>
    %dma_start3A_45 = arith.constant 0 : i32
    %dma_start3A_46 = arith.constant 0 : i32
    %dma_start3A_47 = tpu.memref_slice %arg2[%dma_start3A_45, %dma_start3A_46] : memref<10000x128xf32, #tpu.memory_space<hbm>> -> memref<10000x128xf32, #tpu.memory_space<hbm>>
    tpu.enqueue_indirect_dma source(%dma_start3A_47 : memref<10000x128xf32, #tpu.memory_space<hbm>>) target(%dma_start3A_41 : memref<80x128xf32, #tpu.memory_space<vmem>>) offsets(%dma_start3A_44 : memref<80xi32, #tpu.memory_space<vmem>>) semaphore(%arg11 : memref<!tpu.dma_semaphore, #tpu.memory_space<semaphore_mem>>)
    %dma_start3A_48 = arith.constant 0 : i32
    %dma_start3A_49 = arith.constant 4 : i32
    %dma_start3A_50 = arith.constant 320 : i32
    %dma_start3A_51 = arith.constant 0 : i32
    %dma_start3A_52 = tpu.memref_slice %arg9[%dma_start3A_50, %dma_start3A_51] : memref<400x128xf32, #tpu.memory_space<vmem>> -> memref<80x128xf32, #tpu.memory_space<vmem>>
    %dma_start3A_53 = arith.constant 0 : i32
    %dma_start3A_54 = tpu.memref_slice %arg7[%dma_start3A_48, %dma_start3A_49, %dma_start3A_53] : memref<1x5x80xi32, #tpu.memory_space<vmem>> -> memref<1x1x80xi32, #tpu.memory_space<vmem>>
    %dma_start3A_55 = tpu.memref_squeeze %dma_start3A_54 : memref<1x1x80xi32, #tpu.memory_space<vmem>> -> memref<80xi32, #tpu.memory_space<vmem>>
    %dma_start3A_56 = arith.constant 0 : i32
    %dma_start3A_57 = arith.constant 0 : i32
    %dma_start3A_58 = tpu.memref_slice %arg2[%dma_start3A_56, %dma_start3A_57] : memref<10000x128xf32, #tpu.memory_space<hbm>> -> memref<10000x128xf32, #tpu.memory_space<hbm>>
    tpu.enqueue_indirect_dma source(%dma_start3A_58 : memref<10000x128xf32, #tpu.memory_space<hbm>>) target(%dma_start3A_52 : memref<80x128xf32, #tpu.memory_space<vmem>>) offsets(%dma_start3A_55 : memref<80xi32, #tpu.memory_space<vmem>>) semaphore(%arg11 : memref<!tpu.dma_semaphore, #tpu.memory_space<semaphore_mem>>)
    %scan3A = arith.constant 0 : i32
    %scan3A_59 = arith.constant 12 : i32
    %scan3A_60 = arith.addi %scan3A, %scan3A_59 : i32
    %scan3A_61 = arith.constant 1 : i32
    scf.for %scan3A_294 = %scan3A to %scan3A_60 step %scan3A_61  : i32 {
      %mul3A_295 = arith.constant 2 : i32
      %mul3A_296 = arith.muli %scan3A_294, %mul3A_295 : i32
      %add3A_297 = arith.constant 0 : i32
      %add3A_298 = arith.addi %add3A_297, %mul3A_296 : i32
      %add3A_299 = arith.constant 0 : i32
      %add3A_300 = arith.addi %add3A_298, %add3A_299 : i32
      %ge3A = arith.constant 1 : i32
      %ge3A_301 = arith.cmpi sge, %add3A_300, %ge3A : i32
      %convert_element_type3A = arith.extui %ge3A_301 : i1 to i32
      %cond3A = arith.constant 0 : i32
      %cond3A_302 = arith.cmpi ne, %convert_element_type3A, %cond3A : i32
      scf.if %cond3A_302 {
        %sub3A = arith.constant 1 : i32
        %sub3A_568 = arith.subi %add3A_300, %sub3A : i32
        %mul3A_569 = arith.constant 10000 : i32
        %mul3A_570 = arith.muli %add3A, %mul3A_569 : i32
        %mul3A_571 = arith.constant 400 : i32
        %mul3A_572 = arith.muli %sub3A_568, %mul3A_571 : i32
        %add3A_573 = arith.addi %mul3A_570, %mul3A_572 : i32
        %dma_wait3A_574 = arith.constant 0 : i32
        %dma_wait3A_575 = tpu.memref_slice %arg5[%add3A_573, %dma_wait3A_574] : memref<320000x128xf32, #tpu.memory_space<hbm>> -> memref<400x128xf32, #tpu.memory_space<hbm>>
        %dma_wait3A_576 = arith.constant 0 : i32
        %dma_wait3A_577 = tpu.memref_slice %arg5[%add3A_573, %dma_wait3A_576] : memref<320000x128xf32, #tpu.memory_space<hbm>> -> memref<400x128xf32, #tpu.memory_space<hbm>>
        tpu.wait_dma2 semaphore(%arg14 : memref<!tpu.dma_semaphore, #tpu.memory_space<semaphore_mem>>) src(%arg10 : memref<400x128xf32, #tpu.memory_space<vmem>>) dst(%dma_wait3A_577 : memref<400x128xf32, #tpu.memory_space<hbm>>)
      } else {
      }
      %add3A_303 = arith.constant 1 : i32
      %add3A_304 = arith.addi %add3A_300, %add3A_303 : i32
      %mul3A_305 = arith.constant 25 : i32
      %mul3A_306 = arith.muli %add3A, %mul3A_305 : i32
      %add3A_307 = arith.addi %mul3A_306, %add3A_304 : i32
      "tpu.region"() ({
        %run_scoped3A = tpu.sem_alloc : memref<!tpu.dma_semaphore, #tpu.memory_space<semaphore_mem>>
        %dma_start3A_568 = arith.constant 0 : i32
        %dma_start3A_569 = arith.constant 0 : i32
        %dma_start3A_570 = tpu.memref_slice %arg3[%add3A_307, %dma_start3A_568, %dma_start3A_569] : memref<800x5x80xi32, #tpu.memory_space<hbm>> -> memref<1x5x80xi32, #tpu.memory_space<hbm>>
        %dma_start3A_571 = arith.constant 0 : i32
        %dma_start3A_572 = arith.constant 0 : i32
        %dma_start3A_573 = tpu.memref_slice %arg3[%add3A_307, %dma_start3A_571, %dma_start3A_572] : memref<800x5x80xi32, #tpu.memory_space<hbm>> -> memref<1x5x80xi32, #tpu.memory_space<hbm>>
        tpu.enqueue_dma source(%dma_start3A_573 : memref<1x5x80xi32, #tpu.memory_space<hbm>>) target(%arg8 : memref<1x5x80xi32, #tpu.memory_space<vmem>>) target_semaphore(%run_scoped3A : memref<!tpu.dma_semaphore, #tpu.memory_space<semaphore_mem>>)
        %dma_wait3A_574 = arith.constant 0 : i32
        %dma_wait3A_575 = arith.constant 0 : i32
        %dma_wait3A_576 = tpu.memref_slice %arg3[%add3A_307, %dma_wait3A_574, %dma_wait3A_575] : memref<800x5x80xi32, #tpu.memory_space<hbm>> -> memref<1x5x80xi32, #tpu.memory_space<hbm>>
        %dma_wait3A_577 = arith.constant 0 : i32
        %dma_wait3A_578 = arith.constant 0 : i32
        %dma_wait3A_579 = tpu.memref_slice %arg3[%add3A_307, %dma_wait3A_577, %dma_wait3A_578] : memref<800x5x80xi32, #tpu.memory_space<hbm>> -> memref<1x5x80xi32, #tpu.memory_space<hbm>>
        tpu.wait_dma2 semaphore(%run_scoped3A : memref<!tpu.dma_semaphore, #tpu.memory_space<semaphore_mem>>) src(%dma_wait3A_579 : memref<1x5x80xi32, #tpu.memory_space<hbm>>) dst(%arg8 : memref<1x5x80xi32, #tpu.memory_space<vmem>>)
        tpu.yield
      }) : () -> ()
      %dma_start3A_308 = arith.constant 0 : i32
      %dma_start3A_309 = arith.constant 0 : i32
      %dma_start3A_310 = arith.constant 0 : i32
      %dma_start3A_311 = arith.constant 0 : i32
      %dma_start3A_312 = tpu.memref_slice %arg10[%dma_start3A_310, %dma_start3A_311] : memref<400x128xf32, #tpu.memory_space<vmem>> -> memref<80x128xf32, #tpu.memory_space<vmem>>
      %dma_start3A_313 = arith.constant 0 : i32
      %dma_start3A_314 = tpu.memref_slice %arg8[%dma_start3A_308, %dma_start3A_309, %dma_start3A_313] : memref<1x5x80xi32, #tpu.memory_space<vmem>> -> memref<1x1x80xi32, #tpu.memory_space<vmem>>
      %dma_start3A_315 = tpu.memref_squeeze %dma_start3A_314 : memref<1x1x80xi32, #tpu.memory_space<vmem>> -> memref<80xi32, #tpu.memory_space<vmem>>
      %dma_start3A_316 = arith.constant 0 : i32
      %dma_start3A_317 = arith.constant 0 : i32
      %dma_start3A_318 = tpu.memref_slice %arg2[%dma_start3A_316, %dma_start3A_317] : memref<10000x128xf32, #tpu.memory_space<hbm>> -> memref<10000x128xf32, #tpu.memory_space<hbm>>
      tpu.enqueue_indirect_dma source(%dma_start3A_318 : memref<10000x128xf32, #tpu.memory_space<hbm>>) target(%dma_start3A_312 : memref<80x128xf32, #tpu.memory_space<vmem>>) offsets(%dma_start3A_315 : memref<80xi32, #tpu.memory_space<vmem>>) semaphore(%arg12 : memref<!tpu.dma_semaphore, #tpu.memory_space<semaphore_mem>>)
      %dma_start3A_319 = arith.constant 0 : i32
      %dma_start3A_320 = arith.constant 1 : i32
      %dma_start3A_321 = arith.constant 80 : i32
      %dma_start3A_322 = arith.constant 0 : i32
      %dma_start3A_323 = tpu.memref_slice %arg10[%dma_start3A_321, %dma_start3A_322] : memref<400x128xf32, #tpu.memory_space<vmem>> -> memref<80x128xf32, #tpu.memory_space<vmem>>
      %dma_start3A_324 = arith.constant 0 : i32
      %dma_start3A_325 = tpu.memref_slice %arg8[%dma_start3A_319, %dma_start3A_320, %dma_start3A_324] : memref<1x5x80xi32, #tpu.memory_space<vmem>> -> memref<1x1x80xi32, #tpu.memory_space<vmem>>
      %dma_start3A_326 = tpu.memref_squeeze %dma_start3A_325 : memref<1x1x80xi32, #tpu.memory_space<vmem>> -> memref<80xi32, #tpu.memory_space<vmem>>
      %dma_start3A_327 = arith.constant 0 : i32
      %dma_start3A_328 = arith.constant 0 : i32
      %dma_start3A_329 = tpu.memref_slice %arg2[%dma_start3A_327, %dma_start3A_328] : memref<10000x128xf32, #tpu.memory_space<hbm>> -> memref<10000x128xf32, #tpu.memory_space<hbm>>
      tpu.enqueue_indirect_dma source(%dma_start3A_329 : memref<10000x128xf32, #tpu.memory_space<hbm>>) target(%dma_start3A_323 : memref<80x128xf32, #tpu.memory_space<vmem>>) offsets(%dma_start3A_326 : memref<80xi32, #tpu.memory_space<vmem>>) semaphore(%arg12 : memref<!tpu.dma_semaphore, #tpu.memory_space<semaphore_mem>>)
      %dma_start3A_330 = arith.constant 0 : i32
      %dma_start3A_331 = arith.constant 2 : i32
      %dma_start3A_332 = arith.constant 160 : i32
      %dma_start3A_333 = arith.constant 0 : i32
      %dma_start3A_334 = tpu.memref_slice %arg10[%dma_start3A_332, %dma_start3A_333] : memref<400x128xf32, #tpu.memory_space<vmem>> -> memref<80x128xf32, #tpu.memory_space<vmem>>
      %dma_start3A_335 = arith.constant 0 : i32
      %dma_start3A_336 = tpu.memref_slice %arg8[%dma_start3A_330, %dma_start3A_331, %dma_start3A_335] : memref<1x5x80xi32, #tpu.memory_space<vmem>> -> memref<1x1x80xi32, #tpu.memory_space<vmem>>
      %dma_start3A_337 = tpu.memref_squeeze %dma_start3A_336 : memref<1x1x80xi32, #tpu.memory_space<vmem>> -> memref<80xi32, #tpu.memory_space<vmem>>
      %dma_start3A_338 = arith.constant 0 : i32
      %dma_start3A_339 = arith.constant 0 : i32
      %dma_start3A_340 = tpu.memref_slice %arg2[%dma_start3A_338, %dma_start3A_339] : memref<10000x128xf32, #tpu.memory_space<hbm>> -> memref<10000x128xf32, #tpu.memory_space<hbm>>
      tpu.enqueue_indirect_dma source(%dma_start3A_340 : memref<10000x128xf32, #tpu.memory_space<hbm>>) target(%dma_start3A_334 : memref<80x128xf32, #tpu.memory_space<vmem>>) offsets(%dma_start3A_337 : memref<80xi32, #tpu.memory_space<vmem>>) semaphore(%arg12 : memref<!tpu.dma_semaphore, #tpu.memory_space<semaphore_mem>>)
      %dma_start3A_341 = arith.constant 0 : i32
      %dma_start3A_342 = arith.constant 3 : i32
      %dma_start3A_343 = arith.constant 240 : i32
      %dma_start3A_344 = arith.constant 0 : i32
      %dma_start3A_345 = tpu.memref_slice %arg10[%dma_start3A_343, %dma_start3A_344] : memref<400x128xf32, #tpu.memory_space<vmem>> -> memref<80x128xf32, #tpu.memory_space<vmem>>
      %dma_start3A_346 = arith.constant 0 : i32
      %dma_start3A_347 = tpu.memref_slice %arg8[%dma_start3A_341, %dma_start3A_342, %dma_start3A_346] : memref<1x5x80xi32, #tpu.memory_space<vmem>> -> memref<1x1x80xi32, #tpu.memory_space<vmem>>
      %dma_start3A_348 = tpu.memref_squeeze %dma_start3A_347 : memref<1x1x80xi32, #tpu.memory_space<vmem>> -> memref<80xi32, #tpu.memory_space<vmem>>
      %dma_start3A_349 = arith.constant 0 : i32
      %dma_start3A_350 = arith.constant 0 : i32
      %dma_start3A_351 = tpu.memref_slice %arg2[%dma_start3A_349, %dma_start3A_350] : memref<10000x128xf32, #tpu.memory_space<hbm>> -> memref<10000x128xf32, #tpu.memory_space<hbm>>
      tpu.enqueue_indirect_dma source(%dma_start3A_351 : memref<10000x128xf32, #tpu.memory_space<hbm>>) target(%dma_start3A_345 : memref<80x128xf32, #tpu.memory_space<vmem>>) offsets(%dma_start3A_348 : memref<80xi32, #tpu.memory_space<vmem>>) semaphore(%arg12 : memref<!tpu.dma_semaphore, #tpu.memory_space<semaphore_mem>>)
      %dma_start3A_352 = arith.constant 0 : i32
      %dma_start3A_353 = arith.constant 4 : i32
      %dma_start3A_354 = arith.constant 320 : i32
      %dma_start3A_355 = arith.constant 0 : i32
      %dma_start3A_356 = tpu.memref_slice %arg10[%dma_start3A_354, %dma_start3A_355] : memref<400x128xf32, #tpu.memory_space<vmem>> -> memref<80x128xf32, #tpu.memory_space<vmem>>
      %dma_start3A_357 = arith.constant 0 : i32
      %dma_start3A_358 = tpu.memref_slice %arg8[%dma_start3A_352, %dma_start3A_353, %dma_start3A_357] : memref<1x5x80xi32, #tpu.memory_space<vmem>> -> memref<1x1x80xi32, #tpu.memory_space<vmem>>
      %dma_start3A_359 = tpu.memref_squeeze %dma_start3A_358 : memref<1x1x80xi32, #tpu.memory_space<vmem>> -> memref<80xi32, #tpu.memory_space<vmem>>
      %dma_start3A_360 = arith.constant 0 : i32
      %dma_start3A_361 = arith.constant 0 : i32
      %dma_start3A_362 = tpu.memref_slice %arg2[%dma_start3A_360, %dma_start3A_361] : memref<10000x128xf32, #tpu.memory_space<hbm>> -> memref<10000x128xf32, #tpu.memory_space<hbm>>
      tpu.enqueue_indirect_dma source(%dma_start3A_362 : memref<10000x128xf32, #tpu.memory_space<hbm>>) target(%dma_start3A_356 : memref<80x128xf32, #tpu.memory_space<vmem>>) offsets(%dma_start3A_359 : memref<80xi32, #tpu.memory_space<vmem>>) semaphore(%arg12 : memref<!tpu.dma_semaphore, #tpu.memory_space<semaphore_mem>>)
      %dma_wait3A_363 = arith.constant 0 : i32
      %dma_wait3A_364 = arith.constant 0 : i32
      %dma_wait3A_365 = tpu.memref_slice %arg9[%dma_wait3A_363, %dma_wait3A_364] : memref<400x128xf32, #tpu.memory_space<vmem>> -> memref<80x128xf32, #tpu.memory_space<vmem>>
      %dma_wait3A_366 = arith.constant 0 : i32
      %dma_wait3A_367 = arith.constant 0 : i32
      %dma_wait3A_368 = tpu.memref_slice %arg2[%dma_wait3A_366, %dma_wait3A_367] : memref<10000x128xf32, #tpu.memory_space<hbm>> -> memref<80x128xf32, #tpu.memory_space<hbm>>
      %dma_wait3A_369 = arith.constant 0 : i32
      %dma_wait3A_370 = arith.constant 0 : i32
      %dma_wait3A_371 = tpu.memref_slice %arg9[%dma_wait3A_369, %dma_wait3A_370] : memref<400x128xf32, #tpu.memory_space<vmem>> -> memref<80x128xf32, #tpu.memory_space<vmem>>
      %dma_wait3A_372 = arith.constant 0 : i32
      %dma_wait3A_373 = arith.constant 0 : i32
      %dma_wait3A_374 = tpu.memref_slice %arg2[%dma_wait3A_372, %dma_wait3A_373] : memref<10000x128xf32, #tpu.memory_space<hbm>> -> memref<80x128xf32, #tpu.memory_space<hbm>>
      tpu.wait_dma2 semaphore(%arg11 : memref<!tpu.dma_semaphore, #tpu.memory_space<semaphore_mem>>) src(%dma_wait3A_374 : memref<80x128xf32, #tpu.memory_space<hbm>>) dst(%dma_wait3A_371 : memref<80x128xf32, #tpu.memory_space<vmem>>)
      %dma_wait3A_375 = arith.constant 80 : i32
      %dma_wait3A_376 = arith.constant 0 : i32
      %dma_wait3A_377 = tpu.memref_slice %arg9[%dma_wait3A_375, %dma_wait3A_376] : memref<400x128xf32, #tpu.memory_space<vmem>> -> memref<80x128xf32, #tpu.memory_space<vmem>>
      %dma_wait3A_378 = arith.constant 0 : i32
      %dma_wait3A_379 = arith.constant 0 : i32
      %dma_wait3A_380 = tpu.memref_slice %arg2[%dma_wait3A_378, %dma_wait3A_379] : memref<10000x128xf32, #tpu.memory_space<hbm>> -> memref<80x128xf32, #tpu.memory_space<hbm>>
      %dma_wait3A_381 = arith.constant 80 : i32
      %dma_wait3A_382 = arith.constant 0 : i32
      %dma_wait3A_383 = tpu.memref_slice %arg9[%dma_wait3A_381, %dma_wait3A_382] : memref<400x128xf32, #tpu.memory_space<vmem>> -> memref<80x128xf32, #tpu.memory_space<vmem>>
      %dma_wait3A_384 = arith.constant 0 : i32
      %dma_wait3A_385 = arith.constant 0 : i32
      %dma_wait3A_386 = tpu.memref_slice %arg2[%dma_wait3A_384, %dma_wait3A_385] : memref<10000x128xf32, #tpu.memory_space<hbm>> -> memref<80x128xf32, #tpu.memory_space<hbm>>
      tpu.wait_dma2 semaphore(%arg11 : memref<!tpu.dma_semaphore, #tpu.memory_space<semaphore_mem>>) src(%dma_wait3A_386 : memref<80x128xf32, #tpu.memory_space<hbm>>) dst(%dma_wait3A_383 : memref<80x128xf32, #tpu.memory_space<vmem>>)
      %dma_wait3A_387 = arith.constant 160 : i32
      %dma_wait3A_388 = arith.constant 0 : i32
      %dma_wait3A_389 = tpu.memref_slice %arg9[%dma_wait3A_387, %dma_wait3A_388] : memref<400x128xf32, #tpu.memory_space<vmem>> -> memref<80x128xf32, #tpu.memory_space<vmem>>
      %dma_wait3A_390 = arith.constant 0 : i32
      %dma_wait3A_391 = arith.constant 0 : i32
      %dma_wait3A_392 = tpu.memref_slice %arg2[%dma_wait3A_390, %dma_wait3A_391] : memref<10000x128xf32, #tpu.memory_space<hbm>> -> memref<80x128xf32, #tpu.memory_space<hbm>>
      %dma_wait3A_393 = arith.constant 160 : i32
      %dma_wait3A_394 = arith.constant 0 : i32
      %dma_wait3A_395 = tpu.memref_slice %arg9[%dma_wait3A_393, %dma_wait3A_394] : memref<400x128xf32, #tpu.memory_space<vmem>> -> memref<80x128xf32, #tpu.memory_space<vmem>>
      %dma_wait3A_396 = arith.constant 0 : i32
      %dma_wait3A_397 = arith.constant 0 : i32
      %dma_wait3A_398 = tpu.memref_slice %arg2[%dma_wait3A_396, %dma_wait3A_397] : memref<10000x128xf32, #tpu.memory_space<hbm>> -> memref<80x128xf32, #tpu.memory_space<hbm>>
      tpu.wait_dma2 semaphore(%arg11 : memref<!tpu.dma_semaphore, #tpu.memory_space<semaphore_mem>>) src(%dma_wait3A_398 : memref<80x128xf32, #tpu.memory_space<hbm>>) dst(%dma_wait3A_395 : memref<80x128xf32, #tpu.memory_space<vmem>>)
      %dma_wait3A_399 = arith.constant 240 : i32
      %dma_wait3A_400 = arith.constant 0 : i32
      %dma_wait3A_401 = tpu.memref_slice %arg9[%dma_wait3A_399, %dma_wait3A_400] : memref<400x128xf32, #tpu.memory_space<vmem>> -> memref<80x128xf32, #tpu.memory_space<vmem>>
      %dma_wait3A_402 = arith.constant 0 : i32
      %dma_wait3A_403 = arith.constant 0 : i32
      %dma_wait3A_404 = tpu.memref_slice %arg2[%dma_wait3A_402, %dma_wait3A_403] : memref<10000x128xf32, #tpu.memory_space<hbm>> -> memref<80x128xf32, #tpu.memory_space<hbm>>
      %dma_wait3A_405 = arith.constant 240 : i32
      %dma_wait3A_406 = arith.constant 0 : i32
      %dma_wait3A_407 = tpu.memref_slice %arg9[%dma_wait3A_405, %dma_wait3A_406] : memref<400x128xf32, #tpu.memory_space<vmem>> -> memref<80x128xf32, #tpu.memory_space<vmem>>
      %dma_wait3A_408 = arith.constant 0 : i32
      %dma_wait3A_409 = arith.constant 0 : i32
      %dma_wait3A_410 = tpu.memref_slice %arg2[%dma_wait3A_408, %dma_wait3A_409] : memref<10000x128xf32, #tpu.memory_space<hbm>> -> memref<80x128xf32, #tpu.memory_space<hbm>>
      tpu.wait_dma2 semaphore(%arg11 : memref<!tpu.dma_semaphore, #tpu.memory_space<semaphore_mem>>) src(%dma_wait3A_410 : memref<80x128xf32, #tpu.memory_space<hbm>>) dst(%dma_wait3A_407 : memref<80x128xf32, #tpu.memory_space<vmem>>)
      %dma_wait3A_411 = arith.constant 320 : i32
      %dma_wait3A_412 = arith.constant 0 : i32
      %dma_wait3A_413 = tpu.memref_slice %arg9[%dma_wait3A_411, %dma_wait3A_412] : memref<400x128xf32, #tpu.memory_space<vmem>> -> memref<80x128xf32, #tpu.memory_space<vmem>>
      %dma_wait3A_414 = arith.constant 0 : i32
      %dma_wait3A_415 = arith.constant 0 : i32
      %dma_wait3A_416 = tpu.memref_slice %arg2[%dma_wait3A_414, %dma_wait3A_415] : memref<10000x128xf32, #tpu.memory_space<hbm>> -> memref<80x128xf32, #tpu.memory_space<hbm>>
      %dma_wait3A_417 = arith.constant 320 : i32
      %dma_wait3A_418 = arith.constant 0 : i32
      %dma_wait3A_419 = tpu.memref_slice %arg9[%dma_wait3A_417, %dma_wait3A_418] : memref<400x128xf32, #tpu.memory_space<vmem>> -> memref<80x128xf32, #tpu.memory_space<vmem>>
      %dma_wait3A_420 = arith.constant 0 : i32
      %dma_wait3A_421 = arith.constant 0 : i32
      %dma_wait3A_422 = tpu.memref_slice %arg2[%dma_wait3A_420, %dma_wait3A_421] : memref<10000x128xf32, #tpu.memory_space<hbm>> -> memref<80x128xf32, #tpu.memory_space<hbm>>
      tpu.wait_dma2 semaphore(%arg11 : memref<!tpu.dma_semaphore, #tpu.memory_space<semaphore_mem>>) src(%dma_wait3A_422 : memref<80x128xf32, #tpu.memory_space<hbm>>) dst(%dma_wait3A_419 : memref<80x128xf32, #tpu.memory_space<vmem>>)
      %mul3A_423 = arith.constant 10000 : i32
      %mul3A_424 = arith.muli %add3A, %mul3A_423 : i32
      %mul3A_425 = arith.constant 400 : i32
      %mul3A_426 = arith.muli %add3A_300, %mul3A_425 : i32
      %add3A_427 = arith.addi %mul3A_424, %mul3A_426 : i32
      %dma_start3A_428 = arith.constant 0 : i32
      %dma_start3A_429 = tpu.memref_slice %arg5[%add3A_427, %dma_start3A_428] : memref<320000x128xf32, #tpu.memory_space<hbm>> -> memref<400x128xf32, #tpu.memory_space<hbm>>
      %dma_start3A_430 = arith.constant 0 : i32
      %dma_start3A_431 = tpu.memref_slice %arg5[%add3A_427, %dma_start3A_430] : memref<320000x128xf32, #tpu.memory_space<hbm>> -> memref<400x128xf32, #tpu.memory_space<hbm>>
      tpu.enqueue_dma source(%arg9 : memref<400x128xf32, #tpu.memory_space<vmem>>) target(%dma_start3A_431 : memref<400x128xf32, #tpu.memory_space<hbm>>) target_semaphore(%arg13 : memref<!tpu.dma_semaphore, #tpu.memory_space<semaphore_mem>>)
      %add3A_432 = arith.constant 1 : i32
      %add3A_433 = arith.addi %add3A_298, %add3A_432 : i32
      %ge3A_434 = arith.constant 1 : i32
      %ge3A_435 = arith.cmpi sge, %add3A_433, %ge3A_434 : i32
      %convert_element_type3A_436 = arith.extui %ge3A_435 : i1 to i32
      %cond3A_437 = arith.constant 0 : i32
      %cond3A_438 = arith.cmpi ne, %convert_element_type3A_436, %cond3A_437 : i32
      scf.if %cond3A_438 {
        %sub3A = arith.constant 1 : i32
        %sub3A_568 = arith.subi %add3A_433, %sub3A : i32
        %mul3A_569 = arith.constant 10000 : i32
        %mul3A_570 = arith.muli %add3A, %mul3A_569 : i32
        %mul3A_571 = arith.constant 400 : i32
        %mul3A_572 = arith.muli %sub3A_568, %mul3A_571 : i32
        %add3A_573 = arith.addi %mul3A_570, %mul3A_572 : i32
        %dma_wait3A_574 = arith.constant 0 : i32
        %dma_wait3A_575 = tpu.memref_slice %arg5[%add3A_573, %dma_wait3A_574] : memref<320000x128xf32, #tpu.memory_space<hbm>> -> memref<400x128xf32, #tpu.memory_space<hbm>>
        %dma_wait3A_576 = arith.constant 0 : i32
        %dma_wait3A_577 = tpu.memref_slice %arg5[%add3A_573, %dma_wait3A_576] : memref<320000x128xf32, #tpu.memory_space<hbm>> -> memref<400x128xf32, #tpu.memory_space<hbm>>
        tpu.wait_dma2 semaphore(%arg13 : memref<!tpu.dma_semaphore, #tpu.memory_space<semaphore_mem>>) src(%arg9 : memref<400x128xf32, #tpu.memory_space<vmem>>) dst(%dma_wait3A_577 : memref<400x128xf32, #tpu.memory_space<hbm>>)
      } else {
      }
      %add3A_439 = arith.constant 1 : i32
      %add3A_440 = arith.addi %add3A_433, %add3A_439 : i32
      %mul3A_441 = arith.constant 25 : i32
      %mul3A_442 = arith.muli %add3A, %mul3A_441 : i32
      %add3A_443 = arith.addi %mul3A_442, %add3A_440 : i32
      "tpu.region"() ({
        %run_scoped3A = tpu.sem_alloc : memref<!tpu.dma_semaphore, #tpu.memory_space<semaphore_mem>>
        %dma_start3A_568 = arith.constant 0 : i32
        %dma_start3A_569 = arith.constant 0 : i32
        %dma_start3A_570 = tpu.memref_slice %arg3[%add3A_443, %dma_start3A_568, %dma_start3A_569] : memref<800x5x80xi32, #tpu.memory_space<hbm>> -> memref<1x5x80xi32, #tpu.memory_space<hbm>>
        %dma_start3A_571 = arith.constant 0 : i32
        %dma_start3A_572 = arith.constant 0 : i32
        %dma_start3A_573 = tpu.memref_slice %arg3[%add3A_443, %dma_start3A_571, %dma_start3A_572] : memref<800x5x80xi32, #tpu.memory_space<hbm>> -> memref<1x5x80xi32, #tpu.memory_space<hbm>>
        tpu.enqueue_dma source(%dma_start3A_573 : memref<1x5x80xi32, #tpu.memory_space<hbm>>) target(%arg7 : memref<1x5x80xi32, #tpu.memory_space<vmem>>) target_semaphore(%run_scoped3A : memref<!tpu.dma_semaphore, #tpu.memory_space<semaphore_mem>>)
        %dma_wait3A_574 = arith.constant 0 : i32
        %dma_wait3A_575 = arith.constant 0 : i32
        %dma_wait3A_576 = tpu.memref_slice %arg3[%add3A_443, %dma_wait3A_574, %dma_wait3A_575] : memref<800x5x80xi32, #tpu.memory_space<hbm>> -> memref<1x5x80xi32, #tpu.memory_space<hbm>>
        %dma_wait3A_577 = arith.constant 0 : i32
        %dma_wait3A_578 = arith.constant 0 : i32
        %dma_wait3A_579 = tpu.memref_slice %arg3[%add3A_443, %dma_wait3A_577, %dma_wait3A_578] : memref<800x5x80xi32, #tpu.memory_space<hbm>> -> memref<1x5x80xi32, #tpu.memory_space<hbm>>
        tpu.wait_dma2 semaphore(%run_scoped3A : memref<!tpu.dma_semaphore, #tpu.memory_space<semaphore_mem>>) src(%dma_wait3A_579 : memref<1x5x80xi32, #tpu.memory_space<hbm>>) dst(%arg7 : memref<1x5x80xi32, #tpu.memory_space<vmem>>)
        tpu.yield
      }) : () -> ()
      %dma_start3A_444 = arith.constant 0 : i32
      %dma_start3A_445 = arith.constant 0 : i32
      %dma_start3A_446 = arith.constant 0 : i32
      %dma_start3A_447 = arith.constant 0 : i32
      %dma_start3A_448 = tpu.memref_slice %arg9[%dma_start3A_446, %dma_start3A_447] : memref<400x128xf32, #tpu.memory_space<vmem>> -> memref<80x128xf32, #tpu.memory_space<vmem>>
      %dma_start3A_449 = arith.constant 0 : i32
      %dma_start3A_450 = tpu.memref_slice %arg7[%dma_start3A_444, %dma_start3A_445, %dma_start3A_449] : memref<1x5x80xi32, #tpu.memory_space<vmem>> -> memref<1x1x80xi32, #tpu.memory_space<vmem>>
      %dma_start3A_451 = tpu.memref_squeeze %dma_start3A_450 : memref<1x1x80xi32, #tpu.memory_space<vmem>> -> memref<80xi32, #tpu.memory_space<vmem>>
      %dma_start3A_452 = arith.constant 0 : i32
      %dma_start3A_453 = arith.constant 0 : i32
      %dma_start3A_454 = tpu.memref_slice %arg2[%dma_start3A_452, %dma_start3A_453] : memref<10000x128xf32, #tpu.memory_space<hbm>> -> memref<10000x128xf32, #tpu.memory_space<hbm>>
      tpu.enqueue_indirect_dma source(%dma_start3A_454 : memref<10000x128xf32, #tpu.memory_space<hbm>>) target(%dma_start3A_448 : memref<80x128xf32, #tpu.memory_space<vmem>>) offsets(%dma_start3A_451 : memref<80xi32, #tpu.memory_space<vmem>>) semaphore(%arg11 : memref<!tpu.dma_semaphore, #tpu.memory_space<semaphore_mem>>)
      %dma_start3A_455 = arith.constant 0 : i32
      %dma_start3A_456 = arith.constant 1 : i32
      %dma_start3A_457 = arith.constant 80 : i32
      %dma_start3A_458 = arith.constant 0 : i32
      %dma_start3A_459 = tpu.memref_slice %arg9[%dma_start3A_457, %dma_start3A_458] : memref<400x128xf32, #tpu.memory_space<vmem>> -> memref<80x128xf32, #tpu.memory_space<vmem>>
      %dma_start3A_460 = arith.constant 0 : i32
      %dma_start3A_461 = tpu.memref_slice %arg7[%dma_start3A_455, %dma_start3A_456, %dma_start3A_460] : memref<1x5x80xi32, #tpu.memory_space<vmem>> -> memref<1x1x80xi32, #tpu.memory_space<vmem>>
      %dma_start3A_462 = tpu.memref_squeeze %dma_start3A_461 : memref<1x1x80xi32, #tpu.memory_space<vmem>> -> memref<80xi32, #tpu.memory_space<vmem>>
      %dma_start3A_463 = arith.constant 0 : i32
      %dma_start3A_464 = arith.constant 0 : i32
      %dma_start3A_465 = tpu.memref_slice %arg2[%dma_start3A_463, %dma_start3A_464] : memref<10000x128xf32, #tpu.memory_space<hbm>> -> memref<10000x128xf32, #tpu.memory_space<hbm>>
      tpu.enqueue_indirect_dma source(%dma_start3A_465 : memref<10000x128xf32, #tpu.memory_space<hbm>>) target(%dma_start3A_459 : memref<80x128xf32, #tpu.memory_space<vmem>>) offsets(%dma_start3A_462 : memref<80xi32, #tpu.memory_space<vmem>>) semaphore(%arg11 : memref<!tpu.dma_semaphore, #tpu.memory_space<semaphore_mem>>)
      %dma_start3A_466 = arith.constant 0 : i32
      %dma_start3A_467 = arith.constant 2 : i32
      %dma_start3A_468 = arith.constant 160 : i32
      %dma_start3A_469 = arith.constant 0 : i32
      %dma_start3A_470 = tpu.memref_slice %arg9[%dma_start3A_468, %dma_start3A_469] : memref<400x128xf32, #tpu.memory_space<vmem>> -> memref<80x128xf32, #tpu.memory_space<vmem>>
      %dma_start3A_471 = arith.constant 0 : i32
      %dma_start3A_472 = tpu.memref_slice %arg7[%dma_start3A_466, %dma_start3A_467, %dma_start3A_471] : memref<1x5x80xi32, #tpu.memory_space<vmem>> -> memref<1x1x80xi32, #tpu.memory_space<vmem>>
      %dma_start3A_473 = tpu.memref_squeeze %dma_start3A_472 : memref<1x1x80xi32, #tpu.memory_space<vmem>> -> memref<80xi32, #tpu.memory_space<vmem>>
      %dma_start3A_474 = arith.constant 0 : i32
      %dma_start3A_475 = arith.constant 0 : i32
      %dma_start3A_476 = tpu.memref_slice %arg2[%dma_start3A_474, %dma_start3A_475] : memref<10000x128xf32, #tpu.memory_space<hbm>> -> memref<10000x128xf32, #tpu.memory_space<hbm>>
      tpu.enqueue_indirect_dma source(%dma_start3A_476 : memref<10000x128xf32, #tpu.memory_space<hbm>>) target(%dma_start3A_470 : memref<80x128xf32, #tpu.memory_space<vmem>>) offsets(%dma_start3A_473 : memref<80xi32, #tpu.memory_space<vmem>>) semaphore(%arg11 : memref<!tpu.dma_semaphore, #tpu.memory_space<semaphore_mem>>)
      %dma_start3A_477 = arith.constant 0 : i32
      %dma_start3A_478 = arith.constant 3 : i32
      %dma_start3A_479 = arith.constant 240 : i32
      %dma_start3A_480 = arith.constant 0 : i32
      %dma_start3A_481 = tpu.memref_slice %arg9[%dma_start3A_479, %dma_start3A_480] : memref<400x128xf32, #tpu.memory_space<vmem>> -> memref<80x128xf32, #tpu.memory_space<vmem>>
      %dma_start3A_482 = arith.constant 0 : i32
      %dma_start3A_483 = tpu.memref_slice %arg7[%dma_start3A_477, %dma_start3A_478, %dma_start3A_482] : memref<1x5x80xi32, #tpu.memory_space<vmem>> -> memref<1x1x80xi32, #tpu.memory_space<vmem>>
      %dma_start3A_484 = tpu.memref_squeeze %dma_start3A_483 : memref<1x1x80xi32, #tpu.memory_space<vmem>> -> memref<80xi32, #tpu.memory_space<vmem>>
      %dma_start3A_485 = arith.constant 0 : i32
      %dma_start3A_486 = arith.constant 0 : i32
      %dma_start3A_487 = tpu.memref_slice %arg2[%dma_start3A_485, %dma_start3A_486] : memref<10000x128xf32, #tpu.memory_space<hbm>> -> memref<10000x128xf32, #tpu.memory_space<hbm>>
      tpu.enqueue_indirect_dma source(%dma_start3A_487 : memref<10000x128xf32, #tpu.memory_space<hbm>>) target(%dma_start3A_481 : memref<80x128xf32, #tpu.memory_space<vmem>>) offsets(%dma_start3A_484 : memref<80xi32, #tpu.memory_space<vmem>>) semaphore(%arg11 : memref<!tpu.dma_semaphore, #tpu.memory_space<semaphore_mem>>)
      %dma_start3A_488 = arith.constant 0 : i32
      %dma_start3A_489 = arith.constant 4 : i32
      %dma_start3A_490 = arith.constant 320 : i32
      %dma_start3A_491 = arith.constant 0 : i32
      %dma_start3A_492 = tpu.memref_slice %arg9[%dma_start3A_490, %dma_start3A_491] : memref<400x128xf32, #tpu.memory_space<vmem>> -> memref<80x128xf32, #tpu.memory_space<vmem>>
      %dma_start3A_493 = arith.constant 0 : i32
      %dma_start3A_494 = tpu.memref_slice %arg7[%dma_start3A_488, %dma_start3A_489, %dma_start3A_493] : memref<1x5x80xi32, #tpu.memory_space<vmem>> -> memref<1x1x80xi32, #tpu.memory_space<vmem>>
      %dma_start3A_495 = tpu.memref_squeeze %dma_start3A_494 : memref<1x1x80xi32, #tpu.memory_space<vmem>> -> memref<80xi32, #tpu.memory_space<vmem>>
      %dma_start3A_496 = arith.constant 0 : i32
      %dma_start3A_497 = arith.constant 0 : i32
      %dma_start3A_498 = tpu.memref_slice %arg2[%dma_start3A_496, %dma_start3A_497] : memref<10000x128xf32, #tpu.memory_space<hbm>> -> memref<10000x128xf32, #tpu.memory_space<hbm>>
      tpu.enqueue_indirect_dma source(%dma_start3A_498 : memref<10000x128xf32, #tpu.memory_space<hbm>>) target(%dma_start3A_492 : memref<80x128xf32, #tpu.memory_space<vmem>>) offsets(%dma_start3A_495 : memref<80xi32, #tpu.memory_space<vmem>>) semaphore(%arg11 : memref<!tpu.dma_semaphore, #tpu.memory_space<semaphore_mem>>)
      %dma_wait3A_499 = arith.constant 0 : i32
      %dma_wait3A_500 = arith.constant 0 : i32
      %dma_wait3A_501 = tpu.memref_slice %arg10[%dma_wait3A_499, %dma_wait3A_500] : memref<400x128xf32, #tpu.memory_space<vmem>> -> memref<80x128xf32, #tpu.memory_space<vmem>>
      %dma_wait3A_502 = arith.constant 0 : i32
      %dma_wait3A_503 = arith.constant 0 : i32
      %dma_wait3A_504 = tpu.memref_slice %arg2[%dma_wait3A_502, %dma_wait3A_503] : memref<10000x128xf32, #tpu.memory_space<hbm>> -> memref<80x128xf32, #tpu.memory_space<hbm>>
      %dma_wait3A_505 = arith.constant 0 : i32
      %dma_wait3A_506 = arith.constant 0 : i32
      %dma_wait3A_507 = tpu.memref_slice %arg10[%dma_wait3A_505, %dma_wait3A_506] : memref<400x128xf32, #tpu.memory_space<vmem>> -> memref<80x128xf32, #tpu.memory_space<vmem>>
      %dma_wait3A_508 = arith.constant 0 : i32
      %dma_wait3A_509 = arith.constant 0 : i32
      %dma_wait3A_510 = tpu.memref_slice %arg2[%dma_wait3A_508, %dma_wait3A_509] : memref<10000x128xf32, #tpu.memory_space<hbm>> -> memref<80x128xf32, #tpu.memory_space<hbm>>
      tpu.wait_dma2 semaphore(%arg12 : memref<!tpu.dma_semaphore, #tpu.memory_space<semaphore_mem>>) src(%dma_wait3A_510 : memref<80x128xf32, #tpu.memory_space<hbm>>) dst(%dma_wait3A_507 : memref<80x128xf32, #tpu.memory_space<vmem>>)
      %dma_wait3A_511 = arith.constant 80 : i32
      %dma_wait3A_512 = arith.constant 0 : i32
      %dma_wait3A_513 = tpu.memref_slice %arg10[%dma_wait3A_511, %dma_wait3A_512] : memref<400x128xf32, #tpu.memory_space<vmem>> -> memref<80x128xf32, #tpu.memory_space<vmem>>
      %dma_wait3A_514 = arith.constant 0 : i32
      %dma_wait3A_515 = arith.constant 0 : i32
      %dma_wait3A_516 = tpu.memref_slice %arg2[%dma_wait3A_514, %dma_wait3A_515] : memref<10000x128xf32, #tpu.memory_space<hbm>> -> memref<80x128xf32, #tpu.memory_space<hbm>>
      %dma_wait3A_517 = arith.constant 80 : i32
      %dma_wait3A_518 = arith.constant 0 : i32
      %dma_wait3A_519 = tpu.memref_slice %arg10[%dma_wait3A_517, %dma_wait3A_518] : memref<400x128xf32, #tpu.memory_space<vmem>> -> memref<80x128xf32, #tpu.memory_space<vmem>>
      %dma_wait3A_520 = arith.constant 0 : i32
      %dma_wait3A_521 = arith.constant 0 : i32
      %dma_wait3A_522 = tpu.memref_slice %arg2[%dma_wait3A_520, %dma_wait3A_521] : memref<10000x128xf32, #tpu.memory_space<hbm>> -> memref<80x128xf32, #tpu.memory_space<hbm>>
      tpu.wait_dma2 semaphore(%arg12 : memref<!tpu.dma_semaphore, #tpu.memory_space<semaphore_mem>>) src(%dma_wait3A_522 : memref<80x128xf32, #tpu.memory_space<hbm>>) dst(%dma_wait3A_519 : memref<80x128xf32, #tpu.memory_space<vmem>>)
      %dma_wait3A_523 = arith.constant 160 : i32
      %dma_wait3A_524 = arith.constant 0 : i32
      %dma_wait3A_525 = tpu.memref_slice %arg10[%dma_wait3A_523, %dma_wait3A_524] : memref<400x128xf32, #tpu.memory_space<vmem>> -> memref<80x128xf32, #tpu.memory_space<vmem>>
      %dma_wait3A_526 = arith.constant 0 : i32
      %dma_wait3A_527 = arith.constant 0 : i32
      %dma_wait3A_528 = tpu.memref_slice %arg2[%dma_wait3A_526, %dma_wait3A_527] : memref<10000x128xf32, #tpu.memory_space<hbm>> -> memref<80x128xf32, #tpu.memory_space<hbm>>
      %dma_wait3A_529 = arith.constant 160 : i32
      %dma_wait3A_530 = arith.constant 0 : i32
      %dma_wait3A_531 = tpu.memref_slice %arg10[%dma_wait3A_529, %dma_wait3A_530] : memref<400x128xf32, #tpu.memory_space<vmem>> -> memref<80x128xf32, #tpu.memory_space<vmem>>
      %dma_wait3A_532 = arith.constant 0 : i32
      %dma_wait3A_533 = arith.constant 0 : i32
      %dma_wait3A_534 = tpu.memref_slice %arg2[%dma_wait3A_532, %dma_wait3A_533] : memref<10000x128xf32, #tpu.memory_space<hbm>> -> memref<80x128xf32, #tpu.memory_space<hbm>>
      tpu.wait_dma2 semaphore(%arg12 : memref<!tpu.dma_semaphore, #tpu.memory_space<semaphore_mem>>) src(%dma_wait3A_534 : memref<80x128xf32, #tpu.memory_space<hbm>>) dst(%dma_wait3A_531 : memref<80x128xf32, #tpu.memory_space<vmem>>)
      %dma_wait3A_535 = arith.constant 240 : i32
      %dma_wait3A_536 = arith.constant 0 : i32
      %dma_wait3A_537 = tpu.memref_slice %arg10[%dma_wait3A_535, %dma_wait3A_536] : memref<400x128xf32, #tpu.memory_space<vmem>> -> memref<80x128xf32, #tpu.memory_space<vmem>>
      %dma_wait3A_538 = arith.constant 0 : i32
      %dma_wait3A_539 = arith.constant 0 : i32
      %dma_wait3A_540 = tpu.memref_slice %arg2[%dma_wait3A_538, %dma_wait3A_539] : memref<10000x128xf32, #tpu.memory_space<hbm>> -> memref<80x128xf32, #tpu.memory_space<hbm>>
      %dma_wait3A_541 = arith.constant 240 : i32
      %dma_wait3A_542 = arith.constant 0 : i32
      %dma_wait3A_543 = tpu.memref_slice %arg10[%dma_wait3A_541, %dma_wait3A_542] : memref<400x128xf32, #tpu.memory_space<vmem>> -> memref<80x128xf32, #tpu.memory_space<vmem>>
      %dma_wait3A_544 = arith.constant 0 : i32
      %dma_wait3A_545 = arith.constant 0 : i32
      %dma_wait3A_546 = tpu.memref_slice %arg2[%dma_wait3A_544, %dma_wait3A_545] : memref<10000x128xf32, #tpu.memory_space<hbm>> -> memref<80x128xf32, #tpu.memory_space<hbm>>
      tpu.wait_dma2 semaphore(%arg12 : memref<!tpu.dma_semaphore, #tpu.memory_space<semaphore_mem>>) src(%dma_wait3A_546 : memref<80x128xf32, #tpu.memory_space<hbm>>) dst(%dma_wait3A_543 : memref<80x128xf32, #tpu.memory_space<vmem>>)
      %dma_wait3A_547 = arith.constant 320 : i32
      %dma_wait3A_548 = arith.constant 0 : i32
      %dma_wait3A_549 = tpu.memref_slice %arg10[%dma_wait3A_547, %dma_wait3A_548] : memref<400x128xf32, #tpu.memory_space<vmem>> -> memref<80x128xf32, #tpu.memory_space<vmem>>
      %dma_wait3A_550 = arith.constant 0 : i32
      %dma_wait3A_551 = arith.constant 0 : i32
      %dma_wait3A_552 = tpu.memref_slice %arg2[%dma_wait3A_550, %dma_wait3A_551] : memref<10000x128xf32, #tpu.memory_space<hbm>> -> memref<80x128xf32, #tpu.memory_space<hbm>>
      %dma_wait3A_553 = arith.constant 320 : i32
      %dma_wait3A_554 = arith.constant 0 : i32
      %dma_wait3A_555 = tpu.memref_slice %arg10[%dma_wait3A_553, %dma_wait3A_554] : memref<400x128xf32, #tpu.memory_space<vmem>> -> memref<80x128xf32, #tpu.memory_space<vmem>>
      %dma_wait3A_556 = arith.constant 0 : i32
      %dma_wait3A_557 = arith.constant 0 : i32
      %dma_wait3A_558 = tpu.memref_slice %arg2[%dma_wait3A_556, %dma_wait3A_557] : memref<10000x128xf32, #tpu.memory_space<hbm>> -> memref<80x128xf32, #tpu.memory_space<hbm>>
      tpu.wait_dma2 semaphore(%arg12 : memref<!tpu.dma_semaphore, #tpu.memory_space<semaphore_mem>>) src(%dma_wait3A_558 : memref<80x128xf32, #tpu.memory_space<hbm>>) dst(%dma_wait3A_555 : memref<80x128xf32, #tpu.memory_space<vmem>>)
      %mul3A_559 = arith.constant 10000 : i32
      %mul3A_560 = arith.muli %add3A, %mul3A_559 : i32
      %mul3A_561 = arith.constant 400 : i32
      %mul3A_562 = arith.muli %add3A_433, %mul3A_561 : i32
      %add3A_563 = arith.addi %mul3A_560, %mul3A_562 : i32
      %dma_start3A_564 = arith.constant 0 : i32
      %dma_start3A_565 = tpu.memref_slice %arg5[%add3A_563, %dma_start3A_564] : memref<320000x128xf32, #tpu.memory_space<hbm>> -> memref<400x128xf32, #tpu.memory_space<hbm>>
      %dma_start3A_566 = arith.constant 0 : i32
      %dma_start3A_567 = tpu.memref_slice %arg5[%add3A_563, %dma_start3A_566] : memref<320000x128xf32, #tpu.memory_space<hbm>> -> memref<400x128xf32, #tpu.memory_space<hbm>>
      tpu.enqueue_dma source(%arg10 : memref<400x128xf32, #tpu.memory_space<vmem>>) target(%dma_start3A_567 : memref<400x128xf32, #tpu.memory_space<hbm>>) target_semaphore(%arg14 : memref<!tpu.dma_semaphore, #tpu.memory_space<semaphore_mem>>)
    }
    %scan3A_62 = arith.constant 12 : i32
    %dma_wait3A = arith.constant 0 : i32
    %dma_wait3A_63 = arith.constant 0 : i32
    %dma_wait3A_64 = tpu.memref_slice %arg9[%dma_wait3A, %dma_wait3A_63] : memref<400x128xf32, #tpu.memory_space<vmem>> -> memref<80x128xf32, #tpu.memory_space<vmem>>
    %dma_wait3A_65 = arith.constant 0 : i32
    %dma_wait3A_66 = arith.constant 0 : i32
    %dma_wait3A_67 = tpu.memref_slice %arg2[%dma_wait3A_65, %dma_wait3A_66] : memref<10000x128xf32, #tpu.memory_space<hbm>> -> memref<80x128xf32, #tpu.memory_space<hbm>>
    %dma_wait3A_68 = arith.constant 0 : i32
    %dma_wait3A_69 = arith.constant 0 : i32
    %dma_wait3A_70 = tpu.memref_slice %arg9[%dma_wait3A_68, %dma_wait3A_69] : memref<400x128xf32, #tpu.memory_space<vmem>> -> memref<80x128xf32, #tpu.memory_space<vmem>>
    %dma_wait3A_71 = arith.constant 0 : i32
    %dma_wait3A_72 = arith.constant 0 : i32
    %dma_wait3A_73 = tpu.memref_slice %arg2[%dma_wait3A_71, %dma_wait3A_72] : memref<10000x128xf32, #tpu.memory_space<hbm>> -> memref<80x128xf32, #tpu.memory_space<hbm>>
    tpu.wait_dma2 semaphore(%arg11 : memref<!tpu.dma_semaphore, #tpu.memory_space<semaphore_mem>>) src(%dma_wait3A_73 : memref<80x128xf32, #tpu.memory_space<hbm>>) dst(%dma_wait3A_70 : memref<80x128xf32, #tpu.memory_space<vmem>>)
    %dma_wait3A_74 = arith.constant 80 : i32
    %dma_wait3A_75 = arith.constant 0 : i32
    %dma_wait3A_76 = tpu.memref_slice %arg9[%dma_wait3A_74, %dma_wait3A_75] : memref<400x128xf32, #tpu.memory_space<vmem>> -> memref<80x128xf32, #tpu.memory_space<vmem>>
    %dma_wait3A_77 = arith.constant 0 : i32
    %dma_wait3A_78 = arith.constant 0 : i32
    %dma_wait3A_79 = tpu.memref_slice %arg2[%dma_wait3A_77, %dma_wait3A_78] : memref<10000x128xf32, #tpu.memory_space<hbm>> -> memref<80x128xf32, #tpu.memory_space<hbm>>
    %dma_wait3A_80 = arith.constant 80 : i32
    %dma_wait3A_81 = arith.constant 0 : i32
    %dma_wait3A_82 = tpu.memref_slice %arg9[%dma_wait3A_80, %dma_wait3A_81] : memref<400x128xf32, #tpu.memory_space<vmem>> -> memref<80x128xf32, #tpu.memory_space<vmem>>
    %dma_wait3A_83 = arith.constant 0 : i32
    %dma_wait3A_84 = arith.constant 0 : i32
    %dma_wait3A_85 = tpu.memref_slice %arg2[%dma_wait3A_83, %dma_wait3A_84] : memref<10000x128xf32, #tpu.memory_space<hbm>> -> memref<80x128xf32, #tpu.memory_space<hbm>>
    tpu.wait_dma2 semaphore(%arg11 : memref<!tpu.dma_semaphore, #tpu.memory_space<semaphore_mem>>) src(%dma_wait3A_85 : memref<80x128xf32, #tpu.memory_space<hbm>>) dst(%dma_wait3A_82 : memref<80x128xf32, #tpu.memory_space<vmem>>)
    %dma_wait3A_86 = arith.constant 160 : i32
    %dma_wait3A_87 = arith.constant 0 : i32
    %dma_wait3A_88 = tpu.memref_slice %arg9[%dma_wait3A_86, %dma_wait3A_87] : memref<400x128xf32, #tpu.memory_space<vmem>> -> memref<80x128xf32, #tpu.memory_space<vmem>>
    %dma_wait3A_89 = arith.constant 0 : i32
    %dma_wait3A_90 = arith.constant 0 : i32
    %dma_wait3A_91 = tpu.memref_slice %arg2[%dma_wait3A_89, %dma_wait3A_90] : memref<10000x128xf32, #tpu.memory_space<hbm>> -> memref<80x128xf32, #tpu.memory_space<hbm>>
    %dma_wait3A_92 = arith.constant 160 : i32
    %dma_wait3A_93 = arith.constant 0 : i32
    %dma_wait3A_94 = tpu.memref_slice %arg9[%dma_wait3A_92, %dma_wait3A_93] : memref<400x128xf32, #tpu.memory_space<vmem>> -> memref<80x128xf32, #tpu.memory_space<vmem>>
    %dma_wait3A_95 = arith.constant 0 : i32
    %dma_wait3A_96 = arith.constant 0 : i32
    %dma_wait3A_97 = tpu.memref_slice %arg2[%dma_wait3A_95, %dma_wait3A_96] : memref<10000x128xf32, #tpu.memory_space<hbm>> -> memref<80x128xf32, #tpu.memory_space<hbm>>
    tpu.wait_dma2 semaphore(%arg11 : memref<!tpu.dma_semaphore, #tpu.memory_space<semaphore_mem>>) src(%dma_wait3A_97 : memref<80x128xf32, #tpu.memory_space<hbm>>) dst(%dma_wait3A_94 : memref<80x128xf32, #tpu.memory_space<vmem>>)
    %dma_wait3A_98 = arith.constant 240 : i32
    %dma_wait3A_99 = arith.constant 0 : i32
    %dma_wait3A_100 = tpu.memref_slice %arg9[%dma_wait3A_98, %dma_wait3A_99] : memref<400x128xf32, #tpu.memory_space<vmem>> -> memref<80x128xf32, #tpu.memory_space<vmem>>
    %dma_wait3A_101 = arith.constant 0 : i32
    %dma_wait3A_102 = arith.constant 0 : i32
    %dma_wait3A_103 = tpu.memref_slice %arg2[%dma_wait3A_101, %dma_wait3A_102] : memref<10000x128xf32, #tpu.memory_space<hbm>> -> memref<80x128xf32, #tpu.memory_space<hbm>>
    %dma_wait3A_104 = arith.constant 240 : i32
    %dma_wait3A_105 = arith.constant 0 : i32
    %dma_wait3A_106 = tpu.memref_slice %arg9[%dma_wait3A_104, %dma_wait3A_105] : memref<400x128xf32, #tpu.memory_space<vmem>> -> memref<80x128xf32, #tpu.memory_space<vmem>>
    %dma_wait3A_107 = arith.constant 0 : i32
    %dma_wait3A_108 = arith.constant 0 : i32
    %dma_wait3A_109 = tpu.memref_slice %arg2[%dma_wait3A_107, %dma_wait3A_108] : memref<10000x128xf32, #tpu.memory_space<hbm>> -> memref<80x128xf32, #tpu.memory_space<hbm>>
    tpu.wait_dma2 semaphore(%arg11 : memref<!tpu.dma_semaphore, #tpu.memory_space<semaphore_mem>>) src(%dma_wait3A_109 : memref<80x128xf32, #tpu.memory_space<hbm>>) dst(%dma_wait3A_106 : memref<80x128xf32, #tpu.memory_space<vmem>>)
    %dma_wait3A_110 = arith.constant 320 : i32
    %dma_wait3A_111 = arith.constant 0 : i32
    %dma_wait3A_112 = tpu.memref_slice %arg9[%dma_wait3A_110, %dma_wait3A_111] : memref<400x128xf32, #tpu.memory_space<vmem>> -> memref<80x128xf32, #tpu.memory_space<vmem>>
    %dma_wait3A_113 = arith.constant 0 : i32
    %dma_wait3A_114 = arith.constant 0 : i32
    %dma_wait3A_115 = tpu.memref_slice %arg2[%dma_wait3A_113, %dma_wait3A_114] : memref<10000x128xf32, #tpu.memory_space<hbm>> -> memref<80x128xf32, #tpu.memory_space<hbm>>
    %dma_wait3A_116 = arith.constant 320 : i32
    %dma_wait3A_117 = arith.constant 0 : i32
    %dma_wait3A_118 = tpu.memref_slice %arg9[%dma_wait3A_116, %dma_wait3A_117] : memref<400x128xf32, #tpu.memory_space<vmem>> -> memref<80x128xf32, #tpu.memory_space<vmem>>
    %dma_wait3A_119 = arith.constant 0 : i32
    %dma_wait3A_120 = arith.constant 0 : i32
    %dma_wait3A_121 = tpu.memref_slice %arg2[%dma_wait3A_119, %dma_wait3A_120] : memref<10000x128xf32, #tpu.memory_space<hbm>> -> memref<80x128xf32, #tpu.memory_space<hbm>>
    tpu.wait_dma2 semaphore(%arg11 : memref<!tpu.dma_semaphore, #tpu.memory_space<semaphore_mem>>) src(%dma_wait3A_121 : memref<80x128xf32, #tpu.memory_space<hbm>>) dst(%dma_wait3A_118 : memref<80x128xf32, #tpu.memory_space<vmem>>)
    %mul3A_122 = arith.constant 10000 : i32
    %mul3A_123 = arith.muli %add3A, %mul3A_122 : i32
    %add3A_124 = arith.constant 9600 : i32
    %add3A_125 = arith.addi %mul3A_123, %add3A_124 : i32
    %dma_start3A_126 = arith.constant 0 : i32
    %dma_start3A_127 = tpu.memref_slice %arg5[%add3A_125, %dma_start3A_126] : memref<320000x128xf32, #tpu.memory_space<hbm>> -> memref<400x128xf32, #tpu.memory_space<hbm>>
    %dma_start3A_128 = arith.constant 0 : i32
    %dma_start3A_129 = tpu.memref_slice %arg5[%add3A_125, %dma_start3A_128] : memref<320000x128xf32, #tpu.memory_space<hbm>> -> memref<400x128xf32, #tpu.memory_space<hbm>>
    tpu.enqueue_dma source(%arg9 : memref<400x128xf32, #tpu.memory_space<vmem>>) target(%dma_start3A_129 : memref<400x128xf32, #tpu.memory_space<hbm>>) target_semaphore(%arg13 : memref<!tpu.dma_semaphore, #tpu.memory_space<semaphore_mem>>)
    %mul3A_130 = arith.constant 10000 : i32
    %mul3A_131 = arith.muli %add3A, %mul3A_130 : i32
    %add3A_132 = arith.constant 9600 : i32
    %add3A_133 = arith.addi %mul3A_131, %add3A_132 : i32
    %dma_wait3A_134 = arith.constant 0 : i32
    %dma_wait3A_135 = tpu.memref_slice %arg5[%add3A_133, %dma_wait3A_134] : memref<320000x128xf32, #tpu.memory_space<hbm>> -> memref<400x128xf32, #tpu.memory_space<hbm>>
    %dma_wait3A_136 = arith.constant 0 : i32
    %dma_wait3A_137 = tpu.memref_slice %arg5[%add3A_133, %dma_wait3A_136] : memref<320000x128xf32, #tpu.memory_space<hbm>> -> memref<400x128xf32, #tpu.memory_space<hbm>>
    tpu.wait_dma2 semaphore(%arg13 : memref<!tpu.dma_semaphore, #tpu.memory_space<semaphore_mem>>) src(%arg9 : memref<400x128xf32, #tpu.memory_space<vmem>>) dst(%dma_wait3A_137 : memref<400x128xf32, #tpu.memory_space<hbm>>)
    %mul3A_138 = arith.constant 10000 : i32
    %mul3A_139 = arith.muli %add3A, %mul3A_138 : i32
    %add3A_140 = arith.constant 9200 : i32
    %add3A_141 = arith.addi %mul3A_139, %add3A_140 : i32
    %dma_wait3A_142 = arith.constant 0 : i32
    %dma_wait3A_143 = tpu.memref_slice %arg5[%add3A_141, %dma_wait3A_142] : memref<320000x128xf32, #tpu.memory_space<hbm>> -> memref<400x128xf32, #tpu.memory_space<hbm>>
    %dma_wait3A_144 = arith.constant 0 : i32
    %dma_wait3A_145 = tpu.memref_slice %arg5[%add3A_141, %dma_wait3A_144] : memref<320000x128xf32, #tpu.memory_space<hbm>> -> memref<400x128xf32, #tpu.memory_space<hbm>>
    tpu.wait_dma2 semaphore(%arg14 : memref<!tpu.dma_semaphore, #tpu.memory_space<semaphore_mem>>) src(%arg10 : memref<400x128xf32, #tpu.memory_space<vmem>>) dst(%dma_wait3A_145 : memref<400x128xf32, #tpu.memory_space<hbm>>)
    %mul3A_146 = arith.constant 25 : i32
    %mul3A_147 = arith.muli %add3A, %mul3A_146 : i32
    %add3A_148 = arith.constant 0 : i32
    %add3A_149 = arith.addi %mul3A_147, %add3A_148 : i32
    "tpu.region"() ({
      %run_scoped3A = tpu.sem_alloc : memref<!tpu.dma_semaphore, #tpu.memory_space<semaphore_mem>>
      %dma_start3A_294 = arith.constant 0 : i32
      %dma_start3A_295 = arith.constant 0 : i32
      %dma_start3A_296 = tpu.memref_slice %arg4[%add3A_149, %dma_start3A_294, %dma_start3A_295] : memref<800x5x80xi32, #tpu.memory_space<hbm>> -> memref<1x5x80xi32, #tpu.memory_space<hbm>>
      %dma_start3A_297 = arith.constant 0 : i32
      %dma_start3A_298 = arith.constant 0 : i32
      %dma_start3A_299 = tpu.memref_slice %arg4[%add3A_149, %dma_start3A_297, %dma_start3A_298] : memref<800x5x80xi32, #tpu.memory_space<hbm>> -> memref<1x5x80xi32, #tpu.memory_space<hbm>>
      tpu.enqueue_dma source(%dma_start3A_299 : memref<1x5x80xi32, #tpu.memory_space<hbm>>) target(%arg7 : memref<1x5x80xi32, #tpu.memory_space<vmem>>) target_semaphore(%run_scoped3A : memref<!tpu.dma_semaphore, #tpu.memory_space<semaphore_mem>>)
      %dma_wait3A_300 = arith.constant 0 : i32
      %dma_wait3A_301 = arith.constant 0 : i32
      %dma_wait3A_302 = tpu.memref_slice %arg4[%add3A_149, %dma_wait3A_300, %dma_wait3A_301] : memref<800x5x80xi32, #tpu.memory_space<hbm>> -> memref<1x5x80xi32, #tpu.memory_space<hbm>>
      %dma_wait3A_303 = arith.constant 0 : i32
      %dma_wait3A_304 = arith.constant 0 : i32
      %dma_wait3A_305 = tpu.memref_slice %arg4[%add3A_149, %dma_wait3A_303, %dma_wait3A_304] : memref<800x5x80xi32, #tpu.memory_space<hbm>> -> memref<1x5x80xi32, #tpu.memory_space<hbm>>
      tpu.wait_dma2 semaphore(%run_scoped3A : memref<!tpu.dma_semaphore, #tpu.memory_space<semaphore_mem>>) src(%dma_wait3A_305 : memref<1x5x80xi32, #tpu.memory_space<hbm>>) dst(%arg7 : memref<1x5x80xi32, #tpu.memory_space<vmem>>)
      tpu.yield
    }) : () -> ()
    %dma_start3A_150 = arith.constant 0 : i32
    %dma_start3A_151 = arith.constant 0 : i32
    %dma_start3A_152 = arith.constant 0 : i32
    %dma_start3A_153 = arith.constant 0 : i32
    %dma_start3A_154 = tpu.memref_slice %arg9[%dma_start3A_152, %dma_start3A_153] : memref<400x128xf32, #tpu.memory_space<vmem>> -> memref<80x128xf32, #tpu.memory_space<vmem>>
    %dma_start3A_155 = arith.constant 0 : i32
    %dma_start3A_156 = tpu.memref_slice %arg7[%dma_start3A_150, %dma_start3A_151, %dma_start3A_155] : memref<1x5x80xi32, #tpu.memory_space<vmem>> -> memref<1x1x80xi32, #tpu.memory_space<vmem>>
    %dma_start3A_157 = tpu.memref_squeeze %dma_start3A_156 : memref<1x1x80xi32, #tpu.memory_space<vmem>> -> memref<80xi32, #tpu.memory_space<vmem>>
    %dma_start3A_158 = arith.constant 0 : i32
    %dma_start3A_159 = arith.constant 0 : i32
    %dma_start3A_160 = tpu.memref_slice %arg2[%dma_start3A_158, %dma_start3A_159] : memref<10000x128xf32, #tpu.memory_space<hbm>> -> memref<10000x128xf32, #tpu.memory_space<hbm>>
    tpu.enqueue_indirect_dma source(%dma_start3A_160 : memref<10000x128xf32, #tpu.memory_space<hbm>>) target(%dma_start3A_154 : memref<80x128xf32, #tpu.memory_space<vmem>>) offsets(%dma_start3A_157 : memref<80xi32, #tpu.memory_space<vmem>>) semaphore(%arg11 : memref<!tpu.dma_semaphore, #tpu.memory_space<semaphore_mem>>)
    %dma_start3A_161 = arith.constant 0 : i32
    %dma_start3A_162 = arith.constant 1 : i32
    %dma_start3A_163 = arith.constant 80 : i32
    %dma_start3A_164 = arith.constant 0 : i32
    %dma_start3A_165 = tpu.memref_slice %arg9[%dma_start3A_163, %dma_start3A_164] : memref<400x128xf32, #tpu.memory_space<vmem>> -> memref<80x128xf32, #tpu.memory_space<vmem>>
    %dma_start3A_166 = arith.constant 0 : i32
    %dma_start3A_167 = tpu.memref_slice %arg7[%dma_start3A_161, %dma_start3A_162, %dma_start3A_166] : memref<1x5x80xi32, #tpu.memory_space<vmem>> -> memref<1x1x80xi32, #tpu.memory_space<vmem>>
    %dma_start3A_168 = tpu.memref_squeeze %dma_start3A_167 : memref<1x1x80xi32, #tpu.memory_space<vmem>> -> memref<80xi32, #tpu.memory_space<vmem>>
    %dma_start3A_169 = arith.constant 0 : i32
    %dma_start3A_170 = arith.constant 0 : i32
    %dma_start3A_171 = tpu.memref_slice %arg2[%dma_start3A_169, %dma_start3A_170] : memref<10000x128xf32, #tpu.memory_space<hbm>> -> memref<10000x128xf32, #tpu.memory_space<hbm>>
    tpu.enqueue_indirect_dma source(%dma_start3A_171 : memref<10000x128xf32, #tpu.memory_space<hbm>>) target(%dma_start3A_165 : memref<80x128xf32, #tpu.memory_space<vmem>>) offsets(%dma_start3A_168 : memref<80xi32, #tpu.memory_space<vmem>>) semaphore(%arg11 : memref<!tpu.dma_semaphore, #tpu.memory_space<semaphore_mem>>)
    %dma_start3A_172 = arith.constant 0 : i32
    %dma_start3A_173 = arith.constant 2 : i32
    %dma_start3A_174 = arith.constant 160 : i32
    %dma_start3A_175 = arith.constant 0 : i32
    %dma_start3A_176 = tpu.memref_slice %arg9[%dma_start3A_174, %dma_start3A_175] : memref<400x128xf32, #tpu.memory_space<vmem>> -> memref<80x128xf32, #tpu.memory_space<vmem>>
    %dma_start3A_177 = arith.constant 0 : i32
    %dma_start3A_178 = tpu.memref_slice %arg7[%dma_start3A_172, %dma_start3A_173, %dma_start3A_177] : memref<1x5x80xi32, #tpu.memory_space<vmem>> -> memref<1x1x80xi32, #tpu.memory_space<vmem>>
    %dma_start3A_179 = tpu.memref_squeeze %dma_start3A_178 : memref<1x1x80xi32, #tpu.memory_space<vmem>> -> memref<80xi32, #tpu.memory_space<vmem>>
    %dma_start3A_180 = arith.constant 0 : i32
    %dma_start3A_181 = arith.constant 0 : i32
    %dma_start3A_182 = tpu.memref_slice %arg2[%dma_start3A_180, %dma_start3A_181] : memref<10000x128xf32, #tpu.memory_space<hbm>> -> memref<10000x128xf32, #tpu.memory_space<hbm>>
    tpu.enqueue_indirect_dma source(%dma_start3A_182 : memref<10000x128xf32, #tpu.memory_space<hbm>>) target(%dma_start3A_176 : memref<80x128xf32, #tpu.memory_space<vmem>>) offsets(%dma_start3A_179 : memref<80xi32, #tpu.memory_space<vmem>>) semaphore(%arg11 : memref<!tpu.dma_semaphore, #tpu.memory_space<semaphore_mem>>)
    %dma_start3A_183 = arith.constant 0 : i32
    %dma_start3A_184 = arith.constant 3 : i32
    %dma_start3A_185 = arith.constant 240 : i32
    %dma_start3A_186 = arith.constant 0 : i32
    %dma_start3A_187 = tpu.memref_slice %arg9[%dma_start3A_185, %dma_start3A_186] : memref<400x128xf32, #tpu.memory_space<vmem>> -> memref<80x128xf32, #tpu.memory_space<vmem>>
    %dma_start3A_188 = arith.constant 0 : i32
    %dma_start3A_189 = tpu.memref_slice %arg7[%dma_start3A_183, %dma_start3A_184, %dma_start3A_188] : memref<1x5x80xi32, #tpu.memory_space<vmem>> -> memref<1x1x80xi32, #tpu.memory_space<vmem>>
    %dma_start3A_190 = tpu.memref_squeeze %dma_start3A_189 : memref<1x1x80xi32, #tpu.memory_space<vmem>> -> memref<80xi32, #tpu.memory_space<vmem>>
    %dma_start3A_191 = arith.constant 0 : i32
    %dma_start3A_192 = arith.constant 0 : i32
    %dma_start3A_193 = tpu.memref_slice %arg2[%dma_start3A_191, %dma_start3A_192] : memref<10000x128xf32, #tpu.memory_space<hbm>> -> memref<10000x128xf32, #tpu.memory_space<hbm>>
    tpu.enqueue_indirect_dma source(%dma_start3A_193 : memref<10000x128xf32, #tpu.memory_space<hbm>>) target(%dma_start3A_187 : memref<80x128xf32, #tpu.memory_space<vmem>>) offsets(%dma_start3A_190 : memref<80xi32, #tpu.memory_space<vmem>>) semaphore(%arg11 : memref<!tpu.dma_semaphore, #tpu.memory_space<semaphore_mem>>)
    %dma_start3A_194 = arith.constant 0 : i32
    %dma_start3A_195 = arith.constant 4 : i32
    %dma_start3A_196 = arith.constant 320 : i32
    %dma_start3A_197 = arith.constant 0 : i32
    %dma_start3A_198 = tpu.memref_slice %arg9[%dma_start3A_196, %dma_start3A_197] : memref<400x128xf32, #tpu.memory_space<vmem>> -> memref<80x128xf32, #tpu.memory_space<vmem>>
    %dma_start3A_199 = arith.constant 0 : i32
    %dma_start3A_200 = tpu.memref_slice %arg7[%dma_start3A_194, %dma_start3A_195, %dma_start3A_199] : memref<1x5x80xi32, #tpu.memory_space<vmem>> -> memref<1x1x80xi32, #tpu.memory_space<vmem>>
    %dma_start3A_201 = tpu.memref_squeeze %dma_start3A_200 : memref<1x1x80xi32, #tpu.memory_space<vmem>> -> memref<80xi32, #tpu.memory_space<vmem>>
    %dma_start3A_202 = arith.constant 0 : i32
    %dma_start3A_203 = arith.constant 0 : i32
    %dma_start3A_204 = tpu.memref_slice %arg2[%dma_start3A_202, %dma_start3A_203] : memref<10000x128xf32, #tpu.memory_space<hbm>> -> memref<10000x128xf32, #tpu.memory_space<hbm>>
    tpu.enqueue_indirect_dma source(%dma_start3A_204 : memref<10000x128xf32, #tpu.memory_space<hbm>>) target(%dma_start3A_198 : memref<80x128xf32, #tpu.memory_space<vmem>>) offsets(%dma_start3A_201 : memref<80xi32, #tpu.memory_space<vmem>>) semaphore(%arg11 : memref<!tpu.dma_semaphore, #tpu.memory_space<semaphore_mem>>)
    %scan3A_205 = arith.constant 0 : i32
    %scan3A_206 = arith.constant 12 : i32
    %scan3A_207 = arith.addi %scan3A_205, %scan3A_206 : i32
    %scan3A_208 = arith.constant 1 : i32
    scf.for %scan3A_294 = %scan3A_205 to %scan3A_207 step %scan3A_208  : i32 {
      %mul3A_295 = arith.constant 2 : i32
      %mul3A_296 = arith.muli %scan3A_294, %mul3A_295 : i32
      %add3A_297 = arith.constant 0 : i32
      %add3A_298 = arith.addi %add3A_297, %mul3A_296 : i32
      %add3A_299 = arith.constant 0 : i32
      %add3A_300 = arith.addi %add3A_298, %add3A_299 : i32
      %ge3A = arith.constant 1 : i32
      %ge3A_301 = arith.cmpi sge, %add3A_300, %ge3A : i32
      %convert_element_type3A = arith.extui %ge3A_301 : i1 to i32
      %cond3A = arith.constant 0 : i32
      %cond3A_302 = arith.cmpi ne, %convert_element_type3A, %cond3A : i32
      scf.if %cond3A_302 {
        %sub3A = arith.constant 1 : i32
        %sub3A_568 = arith.subi %add3A_300, %sub3A : i32
        %mul3A_569 = arith.constant 10000 : i32
        %mul3A_570 = arith.muli %add3A, %mul3A_569 : i32
        %mul3A_571 = arith.constant 400 : i32
        %mul3A_572 = arith.muli %sub3A_568, %mul3A_571 : i32
        %add3A_573 = arith.addi %mul3A_570, %mul3A_572 : i32
        %dma_wait3A_574 = arith.constant 0 : i32
        %dma_wait3A_575 = tpu.memref_slice %arg6[%add3A_573, %dma_wait3A_574] : memref<320000x128xf32, #tpu.memory_space<hbm>> -> memref<400x128xf32, #tpu.memory_space<hbm>>
        %dma_wait3A_576 = arith.constant 0 : i32
        %dma_wait3A_577 = tpu.memref_slice %arg6[%add3A_573, %dma_wait3A_576] : memref<320000x128xf32, #tpu.memory_space<hbm>> -> memref<400x128xf32, #tpu.memory_space<hbm>>
        tpu.wait_dma2 semaphore(%arg14 : memref<!tpu.dma_semaphore, #tpu.memory_space<semaphore_mem>>) src(%arg10 : memref<400x128xf32, #tpu.memory_space<vmem>>) dst(%dma_wait3A_577 : memref<400x128xf32, #tpu.memory_space<hbm>>)
      } else {
      }
      %add3A_303 = arith.constant 1 : i32
      %add3A_304 = arith.addi %add3A_300, %add3A_303 : i32
      %mul3A_305 = arith.constant 25 : i32
      %mul3A_306 = arith.muli %add3A, %mul3A_305 : i32
      %add3A_307 = arith.addi %mul3A_306, %add3A_304 : i32
      "tpu.region"() ({
        %run_scoped3A = tpu.sem_alloc : memref<!tpu.dma_semaphore, #tpu.memory_space<semaphore_mem>>
        %dma_start3A_568 = arith.constant 0 : i32
        %dma_start3A_569 = arith.constant 0 : i32
        %dma_start3A_570 = tpu.memref_slice %arg4[%add3A_307, %dma_start3A_568, %dma_start3A_569] : memref<800x5x80xi32, #tpu.memory_space<hbm>> -> memref<1x5x80xi32, #tpu.memory_space<hbm>>
        %dma_start3A_571 = arith.constant 0 : i32
        %dma_start3A_572 = arith.constant 0 : i32
        %dma_start3A_573 = tpu.memref_slice %arg4[%add3A_307, %dma_start3A_571, %dma_start3A_572] : memref<800x5x80xi32, #tpu.memory_space<hbm>> -> memref<1x5x80xi32, #tpu.memory_space<hbm>>
        tpu.enqueue_dma source(%dma_start3A_573 : memref<1x5x80xi32, #tpu.memory_space<hbm>>) target(%arg8 : memref<1x5x80xi32, #tpu.memory_space<vmem>>) target_semaphore(%run_scoped3A : memref<!tpu.dma_semaphore, #tpu.memory_space<semaphore_mem>>)
        %dma_wait3A_574 = arith.constant 0 : i32
        %dma_wait3A_575 = arith.constant 0 : i32
        %dma_wait3A_576 = tpu.memref_slice %arg4[%add3A_307, %dma_wait3A_574, %dma_wait3A_575] : memref<800x5x80xi32, #tpu.memory_space<hbm>> -> memref<1x5x80xi32, #tpu.memory_space<hbm>>
        %dma_wait3A_577 = arith.constant 0 : i32
        %dma_wait3A_578 = arith.constant 0 : i32
        %dma_wait3A_579 = tpu.memref_slice %arg4[%add3A_307, %dma_wait3A_577, %dma_wait3A_578] : memref<800x5x80xi32, #tpu.memory_space<hbm>> -> memref<1x5x80xi32, #tpu.memory_space<hbm>>
        tpu.wait_dma2 semaphore(%run_scoped3A : memref<!tpu.dma_semaphore, #tpu.memory_space<semaphore_mem>>) src(%dma_wait3A_579 : memref<1x5x80xi32, #tpu.memory_space<hbm>>) dst(%arg8 : memref<1x5x80xi32, #tpu.memory_space<vmem>>)
        tpu.yield
      }) : () -> ()
      %dma_start3A_308 = arith.constant 0 : i32
      %dma_start3A_309 = arith.constant 0 : i32
      %dma_start3A_310 = arith.constant 0 : i32
      %dma_start3A_311 = arith.constant 0 : i32
      %dma_start3A_312 = tpu.memref_slice %arg10[%dma_start3A_310, %dma_start3A_311] : memref<400x128xf32, #tpu.memory_space<vmem>> -> memref<80x128xf32, #tpu.memory_space<vmem>>
      %dma_start3A_313 = arith.constant 0 : i32
      %dma_start3A_314 = tpu.memref_slice %arg8[%dma_start3A_308, %dma_start3A_309, %dma_start3A_313] : memref<1x5x80xi32, #tpu.memory_space<vmem>> -> memref<1x1x80xi32, #tpu.memory_space<vmem>>
      %dma_start3A_315 = tpu.memref_squeeze %dma_start3A_314 : memref<1x1x80xi32, #tpu.memory_space<vmem>> -> memref<80xi32, #tpu.memory_space<vmem>>
      %dma_start3A_316 = arith.constant 0 : i32
      %dma_start3A_317 = arith.constant 0 : i32
      %dma_start3A_318 = tpu.memref_slice %arg2[%dma_start3A_316, %dma_start3A_317] : memref<10000x128xf32, #tpu.memory_space<hbm>> -> memref<10000x128xf32, #tpu.memory_space<hbm>>
      tpu.enqueue_indirect_dma source(%dma_start3A_318 : memref<10000x128xf32, #tpu.memory_space<hbm>>) target(%dma_start3A_312 : memref<80x128xf32, #tpu.memory_space<vmem>>) offsets(%dma_start3A_315 : memref<80xi32, #tpu.memory_space<vmem>>) semaphore(%arg12 : memref<!tpu.dma_semaphore, #tpu.memory_space<semaphore_mem>>)
      %dma_start3A_319 = arith.constant 0 : i32
      %dma_start3A_320 = arith.constant 1 : i32
      %dma_start3A_321 = arith.constant 80 : i32
      %dma_start3A_322 = arith.constant 0 : i32
      %dma_start3A_323 = tpu.memref_slice %arg10[%dma_start3A_321, %dma_start3A_322] : memref<400x128xf32, #tpu.memory_space<vmem>> -> memref<80x128xf32, #tpu.memory_space<vmem>>
      %dma_start3A_324 = arith.constant 0 : i32
      %dma_start3A_325 = tpu.memref_slice %arg8[%dma_start3A_319, %dma_start3A_320, %dma_start3A_324] : memref<1x5x80xi32, #tpu.memory_space<vmem>> -> memref<1x1x80xi32, #tpu.memory_space<vmem>>
      %dma_start3A_326 = tpu.memref_squeeze %dma_start3A_325 : memref<1x1x80xi32, #tpu.memory_space<vmem>> -> memref<80xi32, #tpu.memory_space<vmem>>
      %dma_start3A_327 = arith.constant 0 : i32
      %dma_start3A_328 = arith.constant 0 : i32
      %dma_start3A_329 = tpu.memref_slice %arg2[%dma_start3A_327, %dma_start3A_328] : memref<10000x128xf32, #tpu.memory_space<hbm>> -> memref<10000x128xf32, #tpu.memory_space<hbm>>
      tpu.enqueue_indirect_dma source(%dma_start3A_329 : memref<10000x128xf32, #tpu.memory_space<hbm>>) target(%dma_start3A_323 : memref<80x128xf32, #tpu.memory_space<vmem>>) offsets(%dma_start3A_326 : memref<80xi32, #tpu.memory_space<vmem>>) semaphore(%arg12 : memref<!tpu.dma_semaphore, #tpu.memory_space<semaphore_mem>>)
      %dma_start3A_330 = arith.constant 0 : i32
      %dma_start3A_331 = arith.constant 2 : i32
      %dma_start3A_332 = arith.constant 160 : i32
      %dma_start3A_333 = arith.constant 0 : i32
      %dma_start3A_334 = tpu.memref_slice %arg10[%dma_start3A_332, %dma_start3A_333] : memref<400x128xf32, #tpu.memory_space<vmem>> -> memref<80x128xf32, #tpu.memory_space<vmem>>
      %dma_start3A_335 = arith.constant 0 : i32
      %dma_start3A_336 = tpu.memref_slice %arg8[%dma_start3A_330, %dma_start3A_331, %dma_start3A_335] : memref<1x5x80xi32, #tpu.memory_space<vmem>> -> memref<1x1x80xi32, #tpu.memory_space<vmem>>
      %dma_start3A_337 = tpu.memref_squeeze %dma_start3A_336 : memref<1x1x80xi32, #tpu.memory_space<vmem>> -> memref<80xi32, #tpu.memory_space<vmem>>
      %dma_start3A_338 = arith.constant 0 : i32
      %dma_start3A_339 = arith.constant 0 : i32
      %dma_start3A_340 = tpu.memref_slice %arg2[%dma_start3A_338, %dma_start3A_339] : memref<10000x128xf32, #tpu.memory_space<hbm>> -> memref<10000x128xf32, #tpu.memory_space<hbm>>
      tpu.enqueue_indirect_dma source(%dma_start3A_340 : memref<10000x128xf32, #tpu.memory_space<hbm>>) target(%dma_start3A_334 : memref<80x128xf32, #tpu.memory_space<vmem>>) offsets(%dma_start3A_337 : memref<80xi32, #tpu.memory_space<vmem>>) semaphore(%arg12 : memref<!tpu.dma_semaphore, #tpu.memory_space<semaphore_mem>>)
      %dma_start3A_341 = arith.constant 0 : i32
      %dma_start3A_342 = arith.constant 3 : i32
      %dma_start3A_343 = arith.constant 240 : i32
      %dma_start3A_344 = arith.constant 0 : i32
      %dma_start3A_345 = tpu.memref_slice %arg10[%dma_start3A_343, %dma_start3A_344] : memref<400x128xf32, #tpu.memory_space<vmem>> -> memref<80x128xf32, #tpu.memory_space<vmem>>
      %dma_start3A_346 = arith.constant 0 : i32
      %dma_start3A_347 = tpu.memref_slice %arg8[%dma_start3A_341, %dma_start3A_342, %dma_start3A_346] : memref<1x5x80xi32, #tpu.memory_space<vmem>> -> memref<1x1x80xi32, #tpu.memory_space<vmem>>
      %dma_start3A_348 = tpu.memref_squeeze %dma_start3A_347 : memref<1x1x80xi32, #tpu.memory_space<vmem>> -> memref<80xi32, #tpu.memory_space<vmem>>
      %dma_start3A_349 = arith.constant 0 : i32
      %dma_start3A_350 = arith.constant 0 : i32
      %dma_start3A_351 = tpu.memref_slice %arg2[%dma_start3A_349, %dma_start3A_350] : memref<10000x128xf32, #tpu.memory_space<hbm>> -> memref<10000x128xf32, #tpu.memory_space<hbm>>
      tpu.enqueue_indirect_dma source(%dma_start3A_351 : memref<10000x128xf32, #tpu.memory_space<hbm>>) target(%dma_start3A_345 : memref<80x128xf32, #tpu.memory_space<vmem>>) offsets(%dma_start3A_348 : memref<80xi32, #tpu.memory_space<vmem>>) semaphore(%arg12 : memref<!tpu.dma_semaphore, #tpu.memory_space<semaphore_mem>>)
      %dma_start3A_352 = arith.constant 0 : i32
      %dma_start3A_353 = arith.constant 4 : i32
      %dma_start3A_354 = arith.constant 320 : i32
      %dma_start3A_355 = arith.constant 0 : i32
      %dma_start3A_356 = tpu.memref_slice %arg10[%dma_start3A_354, %dma_start3A_355] : memref<400x128xf32, #tpu.memory_space<vmem>> -> memref<80x128xf32, #tpu.memory_space<vmem>>
      %dma_start3A_357 = arith.constant 0 : i32
      %dma_start3A_358 = tpu.memref_slice %arg8[%dma_start3A_352, %dma_start3A_353, %dma_start3A_357] : memref<1x5x80xi32, #tpu.memory_space<vmem>> -> memref<1x1x80xi32, #tpu.memory_space<vmem>>
      %dma_start3A_359 = tpu.memref_squeeze %dma_start3A_358 : memref<1x1x80xi32, #tpu.memory_space<vmem>> -> memref<80xi32, #tpu.memory_space<vmem>>
      %dma_start3A_360 = arith.constant 0 : i32
      %dma_start3A_361 = arith.constant 0 : i32
      %dma_start3A_362 = tpu.memref_slice %arg2[%dma_start3A_360, %dma_start3A_361] : memref<10000x128xf32, #tpu.memory_space<hbm>> -> memref<10000x128xf32, #tpu.memory_space<hbm>>
      tpu.enqueue_indirect_dma source(%dma_start3A_362 : memref<10000x128xf32, #tpu.memory_space<hbm>>) target(%dma_start3A_356 : memref<80x128xf32, #tpu.memory_space<vmem>>) offsets(%dma_start3A_359 : memref<80xi32, #tpu.memory_space<vmem>>) semaphore(%arg12 : memref<!tpu.dma_semaphore, #tpu.memory_space<semaphore_mem>>)
      %dma_wait3A_363 = arith.constant 0 : i32
      %dma_wait3A_364 = arith.constant 0 : i32
      %dma_wait3A_365 = tpu.memref_slice %arg9[%dma_wait3A_363, %dma_wait3A_364] : memref<400x128xf32, #tpu.memory_space<vmem>> -> memref<80x128xf32, #tpu.memory_space<vmem>>
      %dma_wait3A_366 = arith.constant 0 : i32
      %dma_wait3A_367 = arith.constant 0 : i32
      %dma_wait3A_368 = tpu.memref_slice %arg2[%dma_wait3A_366, %dma_wait3A_367] : memref<10000x128xf32, #tpu.memory_space<hbm>> -> memref<80x128xf32, #tpu.memory_space<hbm>>
      %dma_wait3A_369 = arith.constant 0 : i32
      %dma_wait3A_370 = arith.constant 0 : i32
      %dma_wait3A_371 = tpu.memref_slice %arg9[%dma_wait3A_369, %dma_wait3A_370] : memref<400x128xf32, #tpu.memory_space<vmem>> -> memref<80x128xf32, #tpu.memory_space<vmem>>
      %dma_wait3A_372 = arith.constant 0 : i32
      %dma_wait3A_373 = arith.constant 0 : i32
      %dma_wait3A_374 = tpu.memref_slice %arg2[%dma_wait3A_372, %dma_wait3A_373] : memref<10000x128xf32, #tpu.memory_space<hbm>> -> memref<80x128xf32, #tpu.memory_space<hbm>>
      tpu.wait_dma2 semaphore(%arg11 : memref<!tpu.dma_semaphore, #tpu.memory_space<semaphore_mem>>) src(%dma_wait3A_374 : memref<80x128xf32, #tpu.memory_space<hbm>>) dst(%dma_wait3A_371 : memref<80x128xf32, #tpu.memory_space<vmem>>)
      %dma_wait3A_375 = arith.constant 80 : i32
      %dma_wait3A_376 = arith.constant 0 : i32
      %dma_wait3A_377 = tpu.memref_slice %arg9[%dma_wait3A_375, %dma_wait3A_376] : memref<400x128xf32, #tpu.memory_space<vmem>> -> memref<80x128xf32, #tpu.memory_space<vmem>>
      %dma_wait3A_378 = arith.constant 0 : i32
      %dma_wait3A_379 = arith.constant 0 : i32
      %dma_wait3A_380 = tpu.memref_slice %arg2[%dma_wait3A_378, %dma_wait3A_379] : memref<10000x128xf32, #tpu.memory_space<hbm>> -> memref<80x128xf32, #tpu.memory_space<hbm>>
      %dma_wait3A_381 = arith.constant 80 : i32
      %dma_wait3A_382 = arith.constant 0 : i32
      %dma_wait3A_383 = tpu.memref_slice %arg9[%dma_wait3A_381, %dma_wait3A_382] : memref<400x128xf32, #tpu.memory_space<vmem>> -> memref<80x128xf32, #tpu.memory_space<vmem>>
      %dma_wait3A_384 = arith.constant 0 : i32
      %dma_wait3A_385 = arith.constant 0 : i32
      %dma_wait3A_386 = tpu.memref_slice %arg2[%dma_wait3A_384, %dma_wait3A_385] : memref<10000x128xf32, #tpu.memory_space<hbm>> -> memref<80x128xf32, #tpu.memory_space<hbm>>
      tpu.wait_dma2 semaphore(%arg11 : memref<!tpu.dma_semaphore, #tpu.memory_space<semaphore_mem>>) src(%dma_wait3A_386 : memref<80x128xf32, #tpu.memory_space<hbm>>) dst(%dma_wait3A_383 : memref<80x128xf32, #tpu.memory_space<vmem>>)
      %dma_wait3A_387 = arith.constant 160 : i32
      %dma_wait3A_388 = arith.constant 0 : i32
      %dma_wait3A_389 = tpu.memref_slice %arg9[%dma_wait3A_387, %dma_wait3A_388] : memref<400x128xf32, #tpu.memory_space<vmem>> -> memref<80x128xf32, #tpu.memory_space<vmem>>
      %dma_wait3A_390 = arith.constant 0 : i32
      %dma_wait3A_391 = arith.constant 0 : i32
      %dma_wait3A_392 = tpu.memref_slice %arg2[%dma_wait3A_390, %dma_wait3A_391] : memref<10000x128xf32, #tpu.memory_space<hbm>> -> memref<80x128xf32, #tpu.memory_space<hbm>>
      %dma_wait3A_393 = arith.constant 160 : i32
      %dma_wait3A_394 = arith.constant 0 : i32
      %dma_wait3A_395 = tpu.memref_slice %arg9[%dma_wait3A_393, %dma_wait3A_394] : memref<400x128xf32, #tpu.memory_space<vmem>> -> memref<80x128xf32, #tpu.memory_space<vmem>>
      %dma_wait3A_396 = arith.constant 0 : i32
      %dma_wait3A_397 = arith.constant 0 : i32
      %dma_wait3A_398 = tpu.memref_slice %arg2[%dma_wait3A_396, %dma_wait3A_397] : memref<10000x128xf32, #tpu.memory_space<hbm>> -> memref<80x128xf32, #tpu.memory_space<hbm>>
      tpu.wait_dma2 semaphore(%arg11 : memref<!tpu.dma_semaphore, #tpu.memory_space<semaphore_mem>>) src(%dma_wait3A_398 : memref<80x128xf32, #tpu.memory_space<hbm>>) dst(%dma_wait3A_395 : memref<80x128xf32, #tpu.memory_space<vmem>>)
      %dma_wait3A_399 = arith.constant 240 : i32
      %dma_wait3A_400 = arith.constant 0 : i32
      %dma_wait3A_401 = tpu.memref_slice %arg9[%dma_wait3A_399, %dma_wait3A_400] : memref<400x128xf32, #tpu.memory_space<vmem>> -> memref<80x128xf32, #tpu.memory_space<vmem>>
      %dma_wait3A_402 = arith.constant 0 : i32
      %dma_wait3A_403 = arith.constant 0 : i32
      %dma_wait3A_404 = tpu.memref_slice %arg2[%dma_wait3A_402, %dma_wait3A_403] : memref<10000x128xf32, #tpu.memory_space<hbm>> -> memref<80x128xf32, #tpu.memory_space<hbm>>
      %dma_wait3A_405 = arith.constant 240 : i32
      %dma_wait3A_406 = arith.constant 0 : i32
      %dma_wait3A_407 = tpu.memref_slice %arg9[%dma_wait3A_405, %dma_wait3A_406] : memref<400x128xf32, #tpu.memory_space<vmem>> -> memref<80x128xf32, #tpu.memory_space<vmem>>
      %dma_wait3A_408 = arith.constant 0 : i32
      %dma_wait3A_409 = arith.constant 0 : i32
      %dma_wait3A_410 = tpu.memref_slice %arg2[%dma_wait3A_408, %dma_wait3A_409] : memref<10000x128xf32, #tpu.memory_space<hbm>> -> memref<80x128xf32, #tpu.memory_space<hbm>>
      tpu.wait_dma2 semaphore(%arg11 : memref<!tpu.dma_semaphore, #tpu.memory_space<semaphore_mem>>) src(%dma_wait3A_410 : memref<80x128xf32, #tpu.memory_space<hbm>>) dst(%dma_wait3A_407 : memref<80x128xf32, #tpu.memory_space<vmem>>)
      %dma_wait3A_411 = arith.constant 320 : i32
      %dma_wait3A_412 = arith.constant 0 : i32
      %dma_wait3A_413 = tpu.memref_slice %arg9[%dma_wait3A_411, %dma_wait3A_412] : memref<400x128xf32, #tpu.memory_space<vmem>> -> memref<80x128xf32, #tpu.memory_space<vmem>>
      %dma_wait3A_414 = arith.constant 0 : i32
      %dma_wait3A_415 = arith.constant 0 : i32
      %dma_wait3A_416 = tpu.memref_slice %arg2[%dma_wait3A_414, %dma_wait3A_415] : memref<10000x128xf32, #tpu.memory_space<hbm>> -> memref<80x128xf32, #tpu.memory_space<hbm>>
      %dma_wait3A_417 = arith.constant 320 : i32
      %dma_wait3A_418 = arith.constant 0 : i32
      %dma_wait3A_419 = tpu.memref_slice %arg9[%dma_wait3A_417, %dma_wait3A_418] : memref<400x128xf32, #tpu.memory_space<vmem>> -> memref<80x128xf32, #tpu.memory_space<vmem>>
      %dma_wait3A_420 = arith.constant 0 : i32
      %dma_wait3A_421 = arith.constant 0 : i32
      %dma_wait3A_422 = tpu.memref_slice %arg2[%dma_wait3A_420, %dma_wait3A_421] : memref<10000x128xf32, #tpu.memory_space<hbm>> -> memref<80x128xf32, #tpu.memory_space<hbm>>
      tpu.wait_dma2 semaphore(%arg11 : memref<!tpu.dma_semaphore, #tpu.memory_space<semaphore_mem>>) src(%dma_wait3A_422 : memref<80x128xf32, #tpu.memory_space<hbm>>) dst(%dma_wait3A_419 : memref<80x128xf32, #tpu.memory_space<vmem>>)
      %mul3A_423 = arith.constant 10000 : i32
      %mul3A_424 = arith.muli %add3A, %mul3A_423 : i32
      %mul3A_425 = arith.constant 400 : i32
      %mul3A_426 = arith.muli %add3A_300, %mul3A_425 : i32
      %add3A_427 = arith.addi %mul3A_424, %mul3A_426 : i32
      %dma_start3A_428 = arith.constant 0 : i32
      %dma_start3A_429 = tpu.memref_slice %arg6[%add3A_427, %dma_start3A_428] : memref<320000x128xf32, #tpu.memory_space<hbm>> -> memref<400x128xf32, #tpu.memory_space<hbm>>
      %dma_start3A_430 = arith.constant 0 : i32
      %dma_start3A_431 = tpu.memref_slice %arg6[%add3A_427, %dma_start3A_430] : memref<320000x128xf32, #tpu.memory_space<hbm>> -> memref<400x128xf32, #tpu.memory_space<hbm>>
      tpu.enqueue_dma source(%arg9 : memref<400x128xf32, #tpu.memory_space<vmem>>) target(%dma_start3A_431 : memref<400x128xf32, #tpu.memory_space<hbm>>) target_semaphore(%arg13 : memref<!tpu.dma_semaphore, #tpu.memory_space<semaphore_mem>>)
      %add3A_432 = arith.constant 1 : i32
      %add3A_433 = arith.addi %add3A_298, %add3A_432 : i32
      %ge3A_434 = arith.constant 1 : i32
      %ge3A_435 = arith.cmpi sge, %add3A_433, %ge3A_434 : i32
      %convert_element_type3A_436 = arith.extui %ge3A_435 : i1 to i32
      %cond3A_437 = arith.constant 0 : i32
      %cond3A_438 = arith.cmpi ne, %convert_element_type3A_436, %cond3A_437 : i32
      scf.if %cond3A_438 {
        %sub3A = arith.constant 1 : i32
        %sub3A_568 = arith.subi %add3A_433, %sub3A : i32
        %mul3A_569 = arith.constant 10000 : i32
        %mul3A_570 = arith.muli %add3A, %mul3A_569 : i32
        %mul3A_571 = arith.constant 400 : i32
        %mul3A_572 = arith.muli %sub3A_568, %mul3A_571 : i32
        %add3A_573 = arith.addi %mul3A_570, %mul3A_572 : i32
        %dma_wait3A_574 = arith.constant 0 : i32
        %dma_wait3A_575 = tpu.memref_slice %arg6[%add3A_573, %dma_wait3A_574] : memref<320000x128xf32, #tpu.memory_space<hbm>> -> memref<400x128xf32, #tpu.memory_space<hbm>>
        %dma_wait3A_576 = arith.constant 0 : i32
        %dma_wait3A_577 = tpu.memref_slice %arg6[%add3A_573, %dma_wait3A_576] : memref<320000x128xf32, #tpu.memory_space<hbm>> -> memref<400x128xf32, #tpu.memory_space<hbm>>
        tpu.wait_dma2 semaphore(%arg13 : memref<!tpu.dma_semaphore, #tpu.memory_space<semaphore_mem>>) src(%arg9 : memref<400x128xf32, #tpu.memory_space<vmem>>) dst(%dma_wait3A_577 : memref<400x128xf32, #tpu.memory_space<hbm>>)
      } else {
      }
      %add3A_439 = arith.constant 1 : i32
      %add3A_440 = arith.addi %add3A_433, %add3A_439 : i32
      %mul3A_441 = arith.constant 25 : i32
      %mul3A_442 = arith.muli %add3A, %mul3A_441 : i32
      %add3A_443 = arith.addi %mul3A_442, %add3A_440 : i32
      "tpu.region"() ({
        %run_scoped3A = tpu.sem_alloc : memref<!tpu.dma_semaphore, #tpu.memory_space<semaphore_mem>>
        %dma_start3A_568 = arith.constant 0 : i32
        %dma_start3A_569 = arith.constant 0 : i32
        %dma_start3A_570 = tpu.memref_slice %arg4[%add3A_443, %dma_start3A_568, %dma_start3A_569] : memref<800x5x80xi32, #tpu.memory_space<hbm>> -> memref<1x5x80xi32, #tpu.memory_space<hbm>>
        %dma_start3A_571 = arith.constant 0 : i32
        %dma_start3A_572 = arith.constant 0 : i32
        %dma_start3A_573 = tpu.memref_slice %arg4[%add3A_443, %dma_start3A_571, %dma_start3A_572] : memref<800x5x80xi32, #tpu.memory_space<hbm>> -> memref<1x5x80xi32, #tpu.memory_space<hbm>>
        tpu.enqueue_dma source(%dma_start3A_573 : memref<1x5x80xi32, #tpu.memory_space<hbm>>) target(%arg7 : memref<1x5x80xi32, #tpu.memory_space<vmem>>) target_semaphore(%run_scoped3A : memref<!tpu.dma_semaphore, #tpu.memory_space<semaphore_mem>>)
        %dma_wait3A_574 = arith.constant 0 : i32
        %dma_wait3A_575 = arith.constant 0 : i32
        %dma_wait3A_576 = tpu.memref_slice %arg4[%add3A_443, %dma_wait3A_574, %dma_wait3A_575] : memref<800x5x80xi32, #tpu.memory_space<hbm>> -> memref<1x5x80xi32, #tpu.memory_space<hbm>>
        %dma_wait3A_577 = arith.constant 0 : i32
        %dma_wait3A_578 = arith.constant 0 : i32
        %dma_wait3A_579 = tpu.memref_slice %arg4[%add3A_443, %dma_wait3A_577, %dma_wait3A_578] : memref<800x5x80xi32, #tpu.memory_space<hbm>> -> memref<1x5x80xi32, #tpu.memory_space<hbm>>
        tpu.wait_dma2 semaphore(%run_scoped3A : memref<!tpu.dma_semaphore, #tpu.memory_space<semaphore_mem>>) src(%dma_wait3A_579 : memref<1x5x80xi32, #tpu.memory_space<hbm>>) dst(%arg7 : memref<1x5x80xi32, #tpu.memory_space<vmem>>)
        tpu.yield
      }) : () -> ()
      %dma_start3A_444 = arith.constant 0 : i32
      %dma_start3A_445 = arith.constant 0 : i32
      %dma_start3A_446 = arith.constant 0 : i32
      %dma_start3A_447 = arith.constant 0 : i32
      %dma_start3A_448 = tpu.memref_slice %arg9[%dma_start3A_446, %dma_start3A_447] : memref<400x128xf32, #tpu.memory_space<vmem>> -> memref<80x128xf32, #tpu.memory_space<vmem>>
      %dma_start3A_449 = arith.constant 0 : i32
      %dma_start3A_450 = tpu.memref_slice %arg7[%dma_start3A_444, %dma_start3A_445, %dma_start3A_449] : memref<1x5x80xi32, #tpu.memory_space<vmem>> -> memref<1x1x80xi32, #tpu.memory_space<vmem>>
      %dma_start3A_451 = tpu.memref_squeeze %dma_start3A_450 : memref<1x1x80xi32, #tpu.memory_space<vmem>> -> memref<80xi32, #tpu.memory_space<vmem>>
      %dma_start3A_452 = arith.constant 0 : i32
      %dma_start3A_453 = arith.constant 0 : i32
      %dma_start3A_454 = tpu.memref_slice %arg2[%dma_start3A_452, %dma_start3A_453] : memref<10000x128xf32, #tpu.memory_space<hbm>> -> memref<10000x128xf32, #tpu.memory_space<hbm>>
      tpu.enqueue_indirect_dma source(%dma_start3A_454 : memref<10000x128xf32, #tpu.memory_space<hbm>>) target(%dma_start3A_448 : memref<80x128xf32, #tpu.memory_space<vmem>>) offsets(%dma_start3A_451 : memref<80xi32, #tpu.memory_space<vmem>>) semaphore(%arg11 : memref<!tpu.dma_semaphore, #tpu.memory_space<semaphore_mem>>)
      %dma_start3A_455 = arith.constant 0 : i32
      %dma_start3A_456 = arith.constant 1 : i32
      %dma_start3A_457 = arith.constant 80 : i32
      %dma_start3A_458 = arith.constant 0 : i32
      %dma_start3A_459 = tpu.memref_slice %arg9[%dma_start3A_457, %dma_start3A_458] : memref<400x128xf32, #tpu.memory_space<vmem>> -> memref<80x128xf32, #tpu.memory_space<vmem>>
      %dma_start3A_460 = arith.constant 0 : i32
      %dma_start3A_461 = tpu.memref_slice %arg7[%dma_start3A_455, %dma_start3A_456, %dma_start3A_460] : memref<1x5x80xi32, #tpu.memory_space<vmem>> -> memref<1x1x80xi32, #tpu.memory_space<vmem>>
      %dma_start3A_462 = tpu.memref_squeeze %dma_start3A_461 : memref<1x1x80xi32, #tpu.memory_space<vmem>> -> memref<80xi32, #tpu.memory_space<vmem>>
      %dma_start3A_463 = arith.constant 0 : i32
      %dma_start3A_464 = arith.constant 0 : i32
      %dma_start3A_465 = tpu.memref_slice %arg2[%dma_start3A_463, %dma_start3A_464] : memref<10000x128xf32, #tpu.memory_space<hbm>> -> memref<10000x128xf32, #tpu.memory_space<hbm>>
      tpu.enqueue_indirect_dma source(%dma_start3A_465 : memref<10000x128xf32, #tpu.memory_space<hbm>>) target(%dma_start3A_459 : memref<80x128xf32, #tpu.memory_space<vmem>>) offsets(%dma_start3A_462 : memref<80xi32, #tpu.memory_space<vmem>>) semaphore(%arg11 : memref<!tpu.dma_semaphore, #tpu.memory_space<semaphore_mem>>)
      %dma_start3A_466 = arith.constant 0 : i32
      %dma_start3A_467 = arith.constant 2 : i32
      %dma_start3A_468 = arith.constant 160 : i32
      %dma_start3A_469 = arith.constant 0 : i32
      %dma_start3A_470 = tpu.memref_slice %arg9[%dma_start3A_468, %dma_start3A_469] : memref<400x128xf32, #tpu.memory_space<vmem>> -> memref<80x128xf32, #tpu.memory_space<vmem>>
      %dma_start3A_471 = arith.constant 0 : i32
      %dma_start3A_472 = tpu.memref_slice %arg7[%dma_start3A_466, %dma_start3A_467, %dma_start3A_471] : memref<1x5x80xi32, #tpu.memory_space<vmem>> -> memref<1x1x80xi32, #tpu.memory_space<vmem>>
      %dma_start3A_473 = tpu.memref_squeeze %dma_start3A_472 : memref<1x1x80xi32, #tpu.memory_space<vmem>> -> memref<80xi32, #tpu.memory_space<vmem>>
      %dma_start3A_474 = arith.constant 0 : i32
      %dma_start3A_475 = arith.constant 0 : i32
      %dma_start3A_476 = tpu.memref_slice %arg2[%dma_start3A_474, %dma_start3A_475] : memref<10000x128xf32, #tpu.memory_space<hbm>> -> memref<10000x128xf32, #tpu.memory_space<hbm>>
      tpu.enqueue_indirect_dma source(%dma_start3A_476 : memref<10000x128xf32, #tpu.memory_space<hbm>>) target(%dma_start3A_470 : memref<80x128xf32, #tpu.memory_space<vmem>>) offsets(%dma_start3A_473 : memref<80xi32, #tpu.memory_space<vmem>>) semaphore(%arg11 : memref<!tpu.dma_semaphore, #tpu.memory_space<semaphore_mem>>)
      %dma_start3A_477 = arith.constant 0 : i32
      %dma_start3A_478 = arith.constant 3 : i32
      %dma_start3A_479 = arith.constant 240 : i32
      %dma_start3A_480 = arith.constant 0 : i32
      %dma_start3A_481 = tpu.memref_slice %arg9[%dma_start3A_479, %dma_start3A_480] : memref<400x128xf32, #tpu.memory_space<vmem>> -> memref<80x128xf32, #tpu.memory_space<vmem>>
      %dma_start3A_482 = arith.constant 0 : i32
      %dma_start3A_483 = tpu.memref_slice %arg7[%dma_start3A_477, %dma_start3A_478, %dma_start3A_482] : memref<1x5x80xi32, #tpu.memory_space<vmem>> -> memref<1x1x80xi32, #tpu.memory_space<vmem>>
      %dma_start3A_484 = tpu.memref_squeeze %dma_start3A_483 : memref<1x1x80xi32, #tpu.memory_space<vmem>> -> memref<80xi32, #tpu.memory_space<vmem>>
      %dma_start3A_485 = arith.constant 0 : i32
      %dma_start3A_486 = arith.constant 0 : i32
      %dma_start3A_487 = tpu.memref_slice %arg2[%dma_start3A_485, %dma_start3A_486] : memref<10000x128xf32, #tpu.memory_space<hbm>> -> memref<10000x128xf32, #tpu.memory_space<hbm>>
      tpu.enqueue_indirect_dma source(%dma_start3A_487 : memref<10000x128xf32, #tpu.memory_space<hbm>>) target(%dma_start3A_481 : memref<80x128xf32, #tpu.memory_space<vmem>>) offsets(%dma_start3A_484 : memref<80xi32, #tpu.memory_space<vmem>>) semaphore(%arg11 : memref<!tpu.dma_semaphore, #tpu.memory_space<semaphore_mem>>)
      %dma_start3A_488 = arith.constant 0 : i32
      %dma_start3A_489 = arith.constant 4 : i32
      %dma_start3A_490 = arith.constant 320 : i32
      %dma_start3A_491 = arith.constant 0 : i32
      %dma_start3A_492 = tpu.memref_slice %arg9[%dma_start3A_490, %dma_start3A_491] : memref<400x128xf32, #tpu.memory_space<vmem>> -> memref<80x128xf32, #tpu.memory_space<vmem>>
      %dma_start3A_493 = arith.constant 0 : i32
      %dma_start3A_494 = tpu.memref_slice %arg7[%dma_start3A_488, %dma_start3A_489, %dma_start3A_493] : memref<1x5x80xi32, #tpu.memory_space<vmem>> -> memref<1x1x80xi32, #tpu.memory_space<vmem>>
      %dma_start3A_495 = tpu.memref_squeeze %dma_start3A_494 : memref<1x1x80xi32, #tpu.memory_space<vmem>> -> memref<80xi32, #tpu.memory_space<vmem>>
      %dma_start3A_496 = arith.constant 0 : i32
      %dma_start3A_497 = arith.constant 0 : i32
      %dma_start3A_498 = tpu.memref_slice %arg2[%dma_start3A_496, %dma_start3A_497] : memref<10000x128xf32, #tpu.memory_space<hbm>> -> memref<10000x128xf32, #tpu.memory_space<hbm>>
      tpu.enqueue_indirect_dma source(%dma_start3A_498 : memref<10000x128xf32, #tpu.memory_space<hbm>>) target(%dma_start3A_492 : memref<80x128xf32, #tpu.memory_space<vmem>>) offsets(%dma_start3A_495 : memref<80xi32, #tpu.memory_space<vmem>>) semaphore(%arg11 : memref<!tpu.dma_semaphore, #tpu.memory_space<semaphore_mem>>)
      %dma_wait3A_499 = arith.constant 0 : i32
      %dma_wait3A_500 = arith.constant 0 : i32
      %dma_wait3A_501 = tpu.memref_slice %arg10[%dma_wait3A_499, %dma_wait3A_500] : memref<400x128xf32, #tpu.memory_space<vmem>> -> memref<80x128xf32, #tpu.memory_space<vmem>>
      %dma_wait3A_502 = arith.constant 0 : i32
      %dma_wait3A_503 = arith.constant 0 : i32
      %dma_wait3A_504 = tpu.memref_slice %arg2[%dma_wait3A_502, %dma_wait3A_503] : memref<10000x128xf32, #tpu.memory_space<hbm>> -> memref<80x128xf32, #tpu.memory_space<hbm>>
      %dma_wait3A_505 = arith.constant 0 : i32
      %dma_wait3A_506 = arith.constant 0 : i32
      %dma_wait3A_507 = tpu.memref_slice %arg10[%dma_wait3A_505, %dma_wait3A_506] : memref<400x128xf32, #tpu.memory_space<vmem>> -> memref<80x128xf32, #tpu.memory_space<vmem>>
      %dma_wait3A_508 = arith.constant 0 : i32
      %dma_wait3A_509 = arith.constant 0 : i32
      %dma_wait3A_510 = tpu.memref_slice %arg2[%dma_wait3A_508, %dma_wait3A_509] : memref<10000x128xf32, #tpu.memory_space<hbm>> -> memref<80x128xf32, #tpu.memory_space<hbm>>
      tpu.wait_dma2 semaphore(%arg12 : memref<!tpu.dma_semaphore, #tpu.memory_space<semaphore_mem>>) src(%dma_wait3A_510 : memref<80x128xf32, #tpu.memory_space<hbm>>) dst(%dma_wait3A_507 : memref<80x128xf32, #tpu.memory_space<vmem>>)
      %dma_wait3A_511 = arith.constant 80 : i32
      %dma_wait3A_512 = arith.constant 0 : i32
      %dma_wait3A_513 = tpu.memref_slice %arg10[%dma_wait3A_511, %dma_wait3A_512] : memref<400x128xf32, #tpu.memory_space<vmem>> -> memref<80x128xf32, #tpu.memory_space<vmem>>
      %dma_wait3A_514 = arith.constant 0 : i32
      %dma_wait3A_515 = arith.constant 0 : i32
      %dma_wait3A_516 = tpu.memref_slice %arg2[%dma_wait3A_514, %dma_wait3A_515] : memref<10000x128xf32, #tpu.memory_space<hbm>> -> memref<80x128xf32, #tpu.memory_space<hbm>>
      %dma_wait3A_517 = arith.constant 80 : i32
      %dma_wait3A_518 = arith.constant 0 : i32
      %dma_wait3A_519 = tpu.memref_slice %arg10[%dma_wait3A_517, %dma_wait3A_518] : memref<400x128xf32, #tpu.memory_space<vmem>> -> memref<80x128xf32, #tpu.memory_space<vmem>>
      %dma_wait3A_520 = arith.constant 0 : i32
      %dma_wait3A_521 = arith.constant 0 : i32
      %dma_wait3A_522 = tpu.memref_slice %arg2[%dma_wait3A_520, %dma_wait3A_521] : memref<10000x128xf32, #tpu.memory_space<hbm>> -> memref<80x128xf32, #tpu.memory_space<hbm>>
      tpu.wait_dma2 semaphore(%arg12 : memref<!tpu.dma_semaphore, #tpu.memory_space<semaphore_mem>>) src(%dma_wait3A_522 : memref<80x128xf32, #tpu.memory_space<hbm>>) dst(%dma_wait3A_519 : memref<80x128xf32, #tpu.memory_space<vmem>>)
      %dma_wait3A_523 = arith.constant 160 : i32
      %dma_wait3A_524 = arith.constant 0 : i32
      %dma_wait3A_525 = tpu.memref_slice %arg10[%dma_wait3A_523, %dma_wait3A_524] : memref<400x128xf32, #tpu.memory_space<vmem>> -> memref<80x128xf32, #tpu.memory_space<vmem>>
      %dma_wait3A_526 = arith.constant 0 : i32
      %dma_wait3A_527 = arith.constant 0 : i32
      %dma_wait3A_528 = tpu.memref_slice %arg2[%dma_wait3A_526, %dma_wait3A_527] : memref<10000x128xf32, #tpu.memory_space<hbm>> -> memref<80x128xf32, #tpu.memory_space<hbm>>
      %dma_wait3A_529 = arith.constant 160 : i32
      %dma_wait3A_530 = arith.constant 0 : i32
      %dma_wait3A_531 = tpu.memref_slice %arg10[%dma_wait3A_529, %dma_wait3A_530] : memref<400x128xf32, #tpu.memory_space<vmem>> -> memref<80x128xf32, #tpu.memory_space<vmem>>
      %dma_wait3A_532 = arith.constant 0 : i32
      %dma_wait3A_533 = arith.constant 0 : i32
      %dma_wait3A_534 = tpu.memref_slice %arg2[%dma_wait3A_532, %dma_wait3A_533] : memref<10000x128xf32, #tpu.memory_space<hbm>> -> memref<80x128xf32, #tpu.memory_space<hbm>>
      tpu.wait_dma2 semaphore(%arg12 : memref<!tpu.dma_semaphore, #tpu.memory_space<semaphore_mem>>) src(%dma_wait3A_534 : memref<80x128xf32, #tpu.memory_space<hbm>>) dst(%dma_wait3A_531 : memref<80x128xf32, #tpu.memory_space<vmem>>)
      %dma_wait3A_535 = arith.constant 240 : i32
      %dma_wait3A_536 = arith.constant 0 : i32
      %dma_wait3A_537 = tpu.memref_slice %arg10[%dma_wait3A_535, %dma_wait3A_536] : memref<400x128xf32, #tpu.memory_space<vmem>> -> memref<80x128xf32, #tpu.memory_space<vmem>>
      %dma_wait3A_538 = arith.constant 0 : i32
      %dma_wait3A_539 = arith.constant 0 : i32
      %dma_wait3A_540 = tpu.memref_slice %arg2[%dma_wait3A_538, %dma_wait3A_539] : memref<10000x128xf32, #tpu.memory_space<hbm>> -> memref<80x128xf32, #tpu.memory_space<hbm>>
      %dma_wait3A_541 = arith.constant 240 : i32
      %dma_wait3A_542 = arith.constant 0 : i32
      %dma_wait3A_543 = tpu.memref_slice %arg10[%dma_wait3A_541, %dma_wait3A_542] : memref<400x128xf32, #tpu.memory_space<vmem>> -> memref<80x128xf32, #tpu.memory_space<vmem>>
      %dma_wait3A_544 = arith.constant 0 : i32
      %dma_wait3A_545 = arith.constant 0 : i32
      %dma_wait3A_546 = tpu.memref_slice %arg2[%dma_wait3A_544, %dma_wait3A_545] : memref<10000x128xf32, #tpu.memory_space<hbm>> -> memref<80x128xf32, #tpu.memory_space<hbm>>
      tpu.wait_dma2 semaphore(%arg12 : memref<!tpu.dma_semaphore, #tpu.memory_space<semaphore_mem>>) src(%dma_wait3A_546 : memref<80x128xf32, #tpu.memory_space<hbm>>) dst(%dma_wait3A_543 : memref<80x128xf32, #tpu.memory_space<vmem>>)
      %dma_wait3A_547 = arith.constant 320 : i32
      %dma_wait3A_548 = arith.constant 0 : i32
      %dma_wait3A_549 = tpu.memref_slice %arg10[%dma_wait3A_547, %dma_wait3A_548] : memref<400x128xf32, #tpu.memory_space<vmem>> -> memref<80x128xf32, #tpu.memory_space<vmem>>
      %dma_wait3A_550 = arith.constant 0 : i32
      %dma_wait3A_551 = arith.constant 0 : i32
      %dma_wait3A_552 = tpu.memref_slice %arg2[%dma_wait3A_550, %dma_wait3A_551] : memref<10000x128xf32, #tpu.memory_space<hbm>> -> memref<80x128xf32, #tpu.memory_space<hbm>>
      %dma_wait3A_553 = arith.constant 320 : i32
      %dma_wait3A_554 = arith.constant 0 : i32
      %dma_wait3A_555 = tpu.memref_slice %arg10[%dma_wait3A_553, %dma_wait3A_554] : memref<400x128xf32, #tpu.memory_space<vmem>> -> memref<80x128xf32, #tpu.memory_space<vmem>>
      %dma_wait3A_556 = arith.constant 0 : i32
      %dma_wait3A_557 = arith.constant 0 : i32
      %dma_wait3A_558 = tpu.memref_slice %arg2[%dma_wait3A_556, %dma_wait3A_557] : memref<10000x128xf32, #tpu.memory_space<hbm>> -> memref<80x128xf32, #tpu.memory_space<hbm>>
      tpu.wait_dma2 semaphore(%arg12 : memref<!tpu.dma_semaphore, #tpu.memory_space<semaphore_mem>>) src(%dma_wait3A_558 : memref<80x128xf32, #tpu.memory_space<hbm>>) dst(%dma_wait3A_555 : memref<80x128xf32, #tpu.memory_space<vmem>>)
      %mul3A_559 = arith.constant 10000 : i32
      %mul3A_560 = arith.muli %add3A, %mul3A_559 : i32
      %mul3A_561 = arith.constant 400 : i32
      %mul3A_562 = arith.muli %add3A_433, %mul3A_561 : i32
      %add3A_563 = arith.addi %mul3A_560, %mul3A_562 : i32
      %dma_start3A_564 = arith.constant 0 : i32
      %dma_start3A_565 = tpu.memref_slice %arg6[%add3A_563, %dma_start3A_564] : memref<320000x128xf32, #tpu.memory_space<hbm>> -> memref<400x128xf32, #tpu.memory_space<hbm>>
      %dma_start3A_566 = arith.constant 0 : i32
      %dma_start3A_567 = tpu.memref_slice %arg6[%add3A_563, %dma_start3A_566] : memref<320000x128xf32, #tpu.memory_space<hbm>> -> memref<400x128xf32, #tpu.memory_space<hbm>>
      tpu.enqueue_dma source(%arg10 : memref<400x128xf32, #tpu.memory_space<vmem>>) target(%dma_start3A_567 : memref<400x128xf32, #tpu.memory_space<hbm>>) target_semaphore(%arg14 : memref<!tpu.dma_semaphore, #tpu.memory_space<semaphore_mem>>)
    }
    %scan3A_209 = arith.constant 12 : i32
    %dma_wait3A_210 = arith.constant 0 : i32
    %dma_wait3A_211 = arith.constant 0 : i32
    %dma_wait3A_212 = tpu.memref_slice %arg9[%dma_wait3A_210, %dma_wait3A_211] : memref<400x128xf32, #tpu.memory_space<vmem>> -> memref<80x128xf32, #tpu.memory_space<vmem>>
    %dma_wait3A_213 = arith.constant 0 : i32
    %dma_wait3A_214 = arith.constant 0 : i32
    %dma_wait3A_215 = tpu.memref_slice %arg2[%dma_wait3A_213, %dma_wait3A_214] : memref<10000x128xf32, #tpu.memory_space<hbm>> -> memref<80x128xf32, #tpu.memory_space<hbm>>
    %dma_wait3A_216 = arith.constant 0 : i32
    %dma_wait3A_217 = arith.constant 0 : i32
    %dma_wait3A_218 = tpu.memref_slice %arg9[%dma_wait3A_216, %dma_wait3A_217] : memref<400x128xf32, #tpu.memory_space<vmem>> -> memref<80x128xf32, #tpu.memory_space<vmem>>
    %dma_wait3A_219 = arith.constant 0 : i32
    %dma_wait3A_220 = arith.constant 0 : i32
    %dma_wait3A_221 = tpu.memref_slice %arg2[%dma_wait3A_219, %dma_wait3A_220] : memref<10000x128xf32, #tpu.memory_space<hbm>> -> memref<80x128xf32, #tpu.memory_space<hbm>>
    tpu.wait_dma2 semaphore(%arg11 : memref<!tpu.dma_semaphore, #tpu.memory_space<semaphore_mem>>) src(%dma_wait3A_221 : memref<80x128xf32, #tpu.memory_space<hbm>>) dst(%dma_wait3A_218 : memref<80x128xf32, #tpu.memory_space<vmem>>)
    %dma_wait3A_222 = arith.constant 80 : i32
    %dma_wait3A_223 = arith.constant 0 : i32
    %dma_wait3A_224 = tpu.memref_slice %arg9[%dma_wait3A_222, %dma_wait3A_223] : memref<400x128xf32, #tpu.memory_space<vmem>> -> memref<80x128xf32, #tpu.memory_space<vmem>>
    %dma_wait3A_225 = arith.constant 0 : i32
    %dma_wait3A_226 = arith.constant 0 : i32
    %dma_wait3A_227 = tpu.memref_slice %arg2[%dma_wait3A_225, %dma_wait3A_226] : memref<10000x128xf32, #tpu.memory_space<hbm>> -> memref<80x128xf32, #tpu.memory_space<hbm>>
    %dma_wait3A_228 = arith.constant 80 : i32
    %dma_wait3A_229 = arith.constant 0 : i32
    %dma_wait3A_230 = tpu.memref_slice %arg9[%dma_wait3A_228, %dma_wait3A_229] : memref<400x128xf32, #tpu.memory_space<vmem>> -> memref<80x128xf32, #tpu.memory_space<vmem>>
    %dma_wait3A_231 = arith.constant 0 : i32
    %dma_wait3A_232 = arith.constant 0 : i32
    %dma_wait3A_233 = tpu.memref_slice %arg2[%dma_wait3A_231, %dma_wait3A_232] : memref<10000x128xf32, #tpu.memory_space<hbm>> -> memref<80x128xf32, #tpu.memory_space<hbm>>
    tpu.wait_dma2 semaphore(%arg11 : memref<!tpu.dma_semaphore, #tpu.memory_space<semaphore_mem>>) src(%dma_wait3A_233 : memref<80x128xf32, #tpu.memory_space<hbm>>) dst(%dma_wait3A_230 : memref<80x128xf32, #tpu.memory_space<vmem>>)
    %dma_wait3A_234 = arith.constant 160 : i32
    %dma_wait3A_235 = arith.constant 0 : i32
    %dma_wait3A_236 = tpu.memref_slice %arg9[%dma_wait3A_234, %dma_wait3A_235] : memref<400x128xf32, #tpu.memory_space<vmem>> -> memref<80x128xf32, #tpu.memory_space<vmem>>
    %dma_wait3A_237 = arith.constant 0 : i32
    %dma_wait3A_238 = arith.constant 0 : i32
    %dma_wait3A_239 = tpu.memref_slice %arg2[%dma_wait3A_237, %dma_wait3A_238] : memref<10000x128xf32, #tpu.memory_space<hbm>> -> memref<80x128xf32, #tpu.memory_space<hbm>>
    %dma_wait3A_240 = arith.constant 160 : i32
    %dma_wait3A_241 = arith.constant 0 : i32
    %dma_wait3A_242 = tpu.memref_slice %arg9[%dma_wait3A_240, %dma_wait3A_241] : memref<400x128xf32, #tpu.memory_space<vmem>> -> memref<80x128xf32, #tpu.memory_space<vmem>>
    %dma_wait3A_243 = arith.constant 0 : i32
    %dma_wait3A_244 = arith.constant 0 : i32
    %dma_wait3A_245 = tpu.memref_slice %arg2[%dma_wait3A_243, %dma_wait3A_244] : memref<10000x128xf32, #tpu.memory_space<hbm>> -> memref<80x128xf32, #tpu.memory_space<hbm>>
    tpu.wait_dma2 semaphore(%arg11 : memref<!tpu.dma_semaphore, #tpu.memory_space<semaphore_mem>>) src(%dma_wait3A_245 : memref<80x128xf32, #tpu.memory_space<hbm>>) dst(%dma_wait3A_242 : memref<80x128xf32, #tpu.memory_space<vmem>>)
    %dma_wait3A_246 = arith.constant 240 : i32
    %dma_wait3A_247 = arith.constant 0 : i32
    %dma_wait3A_248 = tpu.memref_slice %arg9[%dma_wait3A_246, %dma_wait3A_247] : memref<400x128xf32, #tpu.memory_space<vmem>> -> memref<80x128xf32, #tpu.memory_space<vmem>>
    %dma_wait3A_249 = arith.constant 0 : i32
    %dma_wait3A_250 = arith.constant 0 : i32
    %dma_wait3A_251 = tpu.memref_slice %arg2[%dma_wait3A_249, %dma_wait3A_250] : memref<10000x128xf32, #tpu.memory_space<hbm>> -> memref<80x128xf32, #tpu.memory_space<hbm>>
    %dma_wait3A_252 = arith.constant 240 : i32
    %dma_wait3A_253 = arith.constant 0 : i32
    %dma_wait3A_254 = tpu.memref_slice %arg9[%dma_wait3A_252, %dma_wait3A_253] : memref<400x128xf32, #tpu.memory_space<vmem>> -> memref<80x128xf32, #tpu.memory_space<vmem>>
    %dma_wait3A_255 = arith.constant 0 : i32
    %dma_wait3A_256 = arith.constant 0 : i32
    %dma_wait3A_257 = tpu.memref_slice %arg2[%dma_wait3A_255, %dma_wait3A_256] : memref<10000x128xf32, #tpu.memory_space<hbm>> -> memref<80x128xf32, #tpu.memory_space<hbm>>
    tpu.wait_dma2 semaphore(%arg11 : memref<!tpu.dma_semaphore, #tpu.memory_space<semaphore_mem>>) src(%dma_wait3A_257 : memref<80x128xf32, #tpu.memory_space<hbm>>) dst(%dma_wait3A_254 : memref<80x128xf32, #tpu.memory_space<vmem>>)
    %dma_wait3A_258 = arith.constant 320 : i32
    %dma_wait3A_259 = arith.constant 0 : i32
    %dma_wait3A_260 = tpu.memref_slice %arg9[%dma_wait3A_258, %dma_wait3A_259] : memref<400x128xf32, #tpu.memory_space<vmem>> -> memref<80x128xf32, #tpu.memory_space<vmem>>
    %dma_wait3A_261 = arith.constant 0 : i32
    %dma_wait3A_262 = arith.constant 0 : i32
    %dma_wait3A_263 = tpu.memref_slice %arg2[%dma_wait3A_261, %dma_wait3A_262] : memref<10000x128xf32, #tpu.memory_space<hbm>> -> memref<80x128xf32, #tpu.memory_space<hbm>>
    %dma_wait3A_264 = arith.constant 320 : i32
    %dma_wait3A_265 = arith.constant 0 : i32
    %dma_wait3A_266 = tpu.memref_slice %arg9[%dma_wait3A_264, %dma_wait3A_265] : memref<400x128xf32, #tpu.memory_space<vmem>> -> memref<80x128xf32, #tpu.memory_space<vmem>>
    %dma_wait3A_267 = arith.constant 0 : i32
    %dma_wait3A_268 = arith.constant 0 : i32
    %dma_wait3A_269 = tpu.memref_slice %arg2[%dma_wait3A_267, %dma_wait3A_268] : memref<10000x128xf32, #tpu.memory_space<hbm>> -> memref<80x128xf32, #tpu.memory_space<hbm>>
    tpu.wait_dma2 semaphore(%arg11 : memref<!tpu.dma_semaphore, #tpu.memory_space<semaphore_mem>>) src(%dma_wait3A_269 : memref<80x128xf32, #tpu.memory_space<hbm>>) dst(%dma_wait3A_266 : memref<80x128xf32, #tpu.memory_space<vmem>>)
    %mul3A_270 = arith.constant 10000 : i32
    %mul3A_271 = arith.muli %add3A, %mul3A_270 : i32
    %add3A_272 = arith.constant 9600 : i32
    %add3A_273 = arith.addi %mul3A_271, %add3A_272 : i32
    %dma_start3A_274 = arith.constant 0 : i32
    %dma_start3A_275 = tpu.memref_slice %arg6[%add3A_273, %dma_start3A_274] : memref<320000x128xf32, #tpu.memory_space<hbm>> -> memref<400x128xf32, #tpu.memory_space<hbm>>
    %dma_start3A_276 = arith.constant 0 : i32
    %dma_start3A_277 = tpu.memref_slice %arg6[%add3A_273, %dma_start3A_276] : memref<320000x128xf32, #tpu.memory_space<hbm>> -> memref<400x128xf32, #tpu.memory_space<hbm>>
    tpu.enqueue_dma source(%arg9 : memref<400x128xf32, #tpu.memory_space<vmem>>) target(%dma_start3A_277 : memref<400x128xf32, #tpu.memory_space<hbm>>) target_semaphore(%arg13 : memref<!tpu.dma_semaphore, #tpu.memory_space<semaphore_mem>>)
    %mul3A_278 = arith.constant 10000 : i32
    %mul3A_279 = arith.muli %add3A, %mul3A_278 : i32
    %add3A_280 = arith.constant 9600 : i32
    %add3A_281 = arith.addi %mul3A_279, %add3A_280 : i32
    %dma_wait3A_282 = arith.constant 0 : i32
    %dma_wait3A_283 = tpu.memref_slice %arg6[%add3A_281, %dma_wait3A_282] : memref<320000x128xf32, #tpu.memory_space<hbm>> -> memref<400x128xf32, #tpu.memory_space<hbm>>
    %dma_wait3A_284 = arith.constant 0 : i32
    %dma_wait3A_285 = tpu.memref_slice %arg6[%add3A_281, %dma_wait3A_284] : memref<320000x128xf32, #tpu.memory_space<hbm>> -> memref<400x128xf32, #tpu.memory_space<hbm>>
    tpu.wait_dma2 semaphore(%arg13 : memref<!tpu.dma_semaphore, #tpu.memory_space<semaphore_mem>>) src(%arg9 : memref<400x128xf32, #tpu.memory_space<vmem>>) dst(%dma_wait3A_285 : memref<400x128xf32, #tpu.memory_space<hbm>>)
    %mul3A_286 = arith.constant 10000 : i32
    %mul3A_287 = arith.muli %add3A, %mul3A_286 : i32
    %add3A_288 = arith.constant 9200 : i32
    %add3A_289 = arith.addi %mul3A_287, %add3A_288 : i32
    %dma_wait3A_290 = arith.constant 0 : i32
    %dma_wait3A_291 = tpu.memref_slice %arg6[%add3A_289, %dma_wait3A_290] : memref<320000x128xf32, #tpu.memory_space<hbm>> -> memref<400x128xf32, #tpu.memory_space<hbm>>
    %dma_wait3A_292 = arith.constant 0 : i32
    %dma_wait3A_293 = tpu.memref_slice %arg6[%add3A_289, %dma_wait3A_292] : memref<320000x128xf32, #tpu.memory_space<hbm>> -> memref<400x128xf32, #tpu.memory_space<hbm>>
    tpu.wait_dma2 semaphore(%arg14 : memref<!tpu.dma_semaphore, #tpu.memory_space<semaphore_mem>>) src(%arg10 : memref<400x128xf32, #tpu.memory_space<vmem>>) dst(%dma_wait3A_293 : memref<400x128xf32, #tpu.memory_space<hbm>>)
    return
  }
}

#map = affine_map<(d0, d1) -> (0)>
#map1 = affine_map<(d0, d1) -> (0, 0, 0)>
module attributes {stable_mosaic.version = 14 : i64} {
  func.func @body(%arg0: i32, %arg1: i32, %arg2: memref<320000xi32, #tpu.memory_space<hbm>>, %arg3: memref<2x10112x128xf32, #tpu.memory_space<hbm>>, %arg4: memref<80xi32, #tpu.memory_space<vmem>>, %arg5: memref<80x128xf32, #tpu.memory_space<vmem>>, %arg6: memref<10112x128xf32, #tpu.memory_space<vmem_shared>>) attributes {dimension_semantics = [#tpu.dimension_semantics<core_parallel>, #tpu.dimension_semantics<subcore_parallel>], iteration_bounds = array<i64: 2, 16>, scalar_prefetch = 0 : i64, scratch_operands = 3 : i64, tpu.core_type = #tpu.core_type<sc_vector_subcore>, window_params = [{transform_indices = #map}, {transform_indices = #map1}]} {
    %mul3A = arith.constant 2 : i32
    %mul3A_0 = arith.muli %arg1, %mul3A : i32
    %add3A = arith.addi %mul3A_0, %arg0 : i32
    %mul3A_1 = arith.constant 632 : i32
    %mul3A_2 = arith.muli %arg1, %mul3A_1 : i32
    %broadcast_in_dim3A = arith.constant 0.000000e+00 : f32
    %broadcast_in_dim3A_3 = vector.broadcast %broadcast_in_dim3A : f32 to vector<16xf32>
    %scan3A = arith.constant 0 : i32
    %scan3A_4 = arith.constant 0 : i32
    %scan3A_5 = arith.constant 80 : i32
    %scan3A_6 = arith.addi %scan3A_4, %scan3A_5 : i32
    %scan3A_7 = arith.constant 1 : i32
    %scan3A_8 = scf.for %scan3A_62 = %scan3A_4 to %scan3A_6 step %scan3A_7 iter_args(%scan3A_63 = %scan3A) -> (i32)  : i32 {
      %swap3A = arith.index_cast %scan3A_62 : i32 to index
      %swap3A_64 = arith.constant 0 : index
      %swap3A_65 = tpu.vector_load %arg5[%swap3A, %swap3A_64] {strides = array<i32>} : memref<80x128xf32, #tpu.memory_space<vmem>>, vector<1x16xf32>,
      %swap3A_66 = vector.shape_cast %swap3A_65 : vector<1x16xf32> to vector<16xf32>
      %swap3A_67 = vector.shape_cast %broadcast_in_dim3A_3 : vector<16xf32> to vector<1x16xf32>
      tpu.vector_store %arg5[%swap3A, %swap3A_64], %swap3A_67 {strides = array<i32>} : memref<80x128xf32, #tpu.memory_space<vmem>>, vector<1x16xf32>,
      %swap3A_68 = arith.index_cast %scan3A_62 : i32 to index
      %swap3A_69 = arith.constant 16 : index
      %swap3A_70 = tpu.vector_load %arg5[%swap3A_68, %swap3A_69] {strides = array<i32>} : memref<80x128xf32, #tpu.memory_space<vmem>>, vector<1x16xf32>,
      %swap3A_71 = vector.shape_cast %swap3A_70 : vector<1x16xf32> to vector<16xf32>
      %swap3A_72 = vector.shape_cast %broadcast_in_dim3A_3 : vector<16xf32> to vector<1x16xf32>
      tpu.vector_store %arg5[%swap3A_68, %swap3A_69], %swap3A_72 {strides = array<i32>} : memref<80x128xf32, #tpu.memory_space<vmem>>, vector<1x16xf32>,
      %swap3A_73 = arith.index_cast %scan3A_62 : i32 to index
      %swap3A_74 = arith.constant 32 : index
      %swap3A_75 = tpu.vector_load %arg5[%swap3A_73, %swap3A_74] {strides = array<i32>} : memref<80x128xf32, #tpu.memory_space<vmem>>, vector<1x16xf32>,
      %swap3A_76 = vector.shape_cast %swap3A_75 : vector<1x16xf32> to vector<16xf32>
      %swap3A_77 = vector.shape_cast %broadcast_in_dim3A_3 : vector<16xf32> to vector<1x16xf32>
      tpu.vector_store %arg5[%swap3A_73, %swap3A_74], %swap3A_77 {strides = array<i32>} : memref<80x128xf32, #tpu.memory_space<vmem>>, vector<1x16xf32>,
      %swap3A_78 = arith.index_cast %scan3A_62 : i32 to index
      %swap3A_79 = arith.constant 48 : index
      %swap3A_80 = tpu.vector_load %arg5[%swap3A_78, %swap3A_79] {strides = array<i32>} : memref<80x128xf32, #tpu.memory_space<vmem>>, vector<1x16xf32>,
      %swap3A_81 = vector.shape_cast %swap3A_80 : vector<1x16xf32> to vector<16xf32>
      %swap3A_82 = vector.shape_cast %broadcast_in_dim3A_3 : vector<16xf32> to vector<1x16xf32>
      tpu.vector_store %arg5[%swap3A_78, %swap3A_79], %swap3A_82 {strides = array<i32>} : memref<80x128xf32, #tpu.memory_space<vmem>>, vector<1x16xf32>,
      %swap3A_83 = arith.index_cast %scan3A_62 : i32 to index
      %swap3A_84 = arith.constant 64 : index
      %swap3A_85 = tpu.vector_load %arg5[%swap3A_83, %swap3A_84] {strides = array<i32>} : memref<80x128xf32, #tpu.memory_space<vmem>>, vector<1x16xf32>,
      %swap3A_86 = vector.shape_cast %swap3A_85 : vector<1x16xf32> to vector<16xf32>
      %swap3A_87 = vector.shape_cast %broadcast_in_dim3A_3 : vector<16xf32> to vector<1x16xf32>
      tpu.vector_store %arg5[%swap3A_83, %swap3A_84], %swap3A_87 {strides = array<i32>} : memref<80x128xf32, #tpu.memory_space<vmem>>, vector<1x16xf32>,
      %swap3A_88 = arith.index_cast %scan3A_62 : i32 to index
      %swap3A_89 = arith.constant 80 : index
      %swap3A_90 = tpu.vector_load %arg5[%swap3A_88, %swap3A_89] {strides = array<i32>} : memref<80x128xf32, #tpu.memory_space<vmem>>, vector<1x16xf32>,
      %swap3A_91 = vector.shape_cast %swap3A_90 : vector<1x16xf32> to vector<16xf32>
      %swap3A_92 = vector.shape_cast %broadcast_in_dim3A_3 : vector<16xf32> to vector<1x16xf32>
      tpu.vector_store %arg5[%swap3A_88, %swap3A_89], %swap3A_92 {strides = array<i32>} : memref<80x128xf32, #tpu.memory_space<vmem>>, vector<1x16xf32>,
      %swap3A_93 = arith.index_cast %scan3A_62 : i32 to index
      %swap3A_94 = arith.constant 96 : index
      %swap3A_95 = tpu.vector_load %arg5[%swap3A_93, %swap3A_94] {strides = array<i32>} : memref<80x128xf32, #tpu.memory_space<vmem>>, vector<1x16xf32>,
      %swap3A_96 = vector.shape_cast %swap3A_95 : vector<1x16xf32> to vector<16xf32>
      %swap3A_97 = vector.shape_cast %broadcast_in_dim3A_3 : vector<16xf32> to vector<1x16xf32>
      tpu.vector_store %arg5[%swap3A_93, %swap3A_94], %swap3A_97 {strides = array<i32>} : memref<80x128xf32, #tpu.memory_space<vmem>>, vector<1x16xf32>,
      %swap3A_98 = arith.index_cast %scan3A_62 : i32 to index
      %swap3A_99 = arith.constant 112 : index
      %swap3A_100 = tpu.vector_load %arg5[%swap3A_98, %swap3A_99] {strides = array<i32>} : memref<80x128xf32, #tpu.memory_space<vmem>>, vector<1x16xf32>,
      %swap3A_101 = vector.shape_cast %swap3A_100 : vector<1x16xf32> to vector<16xf32>
      %swap3A_102 = vector.shape_cast %broadcast_in_dim3A_3 : vector<16xf32> to vector<1x16xf32>
      tpu.vector_store %arg5[%swap3A_98, %swap3A_99], %swap3A_102 {strides = array<i32>} : memref<80x128xf32, #tpu.memory_space<vmem>>, vector<1x16xf32>,
      %scan3A_103 = arith.constant 0 : i32
      scf.yield %scan3A_103 : i32
    }
    %scan3A_9 = arith.constant 80 : i32
    %mul3A_10 = arith.constant 632 : i32
    %mul3A_11 = arith.muli %arg1, %mul3A_10 : i32
    %add3A_12 = arith.constant 0 : i32
    %add3A_13 = arith.addi %mul3A_11, %add3A_12 : i32
    "tpu.region"() ({
      %run_scoped3A = tpu.sem_alloc : memref<!tpu.dma_semaphore, #tpu.memory_space<semaphore_mem>>
      %dma_start3A = arith.constant 0 : i32
      %dma_start3A_62 = tpu.memref_slice %arg6[%add3A_13, %dma_start3A] : memref<10112x128xf32, #tpu.memory_space<vmem_shared>> -> memref<80x128xf32, #tpu.memory_space<vmem_shared>>
      %dma_start3A_63 = arith.constant 0 : i32
      %dma_start3A_64 = tpu.memref_slice %arg6[%add3A_13, %dma_start3A_63] : memref<10112x128xf32, #tpu.memory_space<vmem_shared>> -> memref<80x128xf32, #tpu.memory_space<vmem_shared>>
      tpu.enqueue_dma source(%arg5 : memref<80x128xf32, #tpu.memory_space<vmem>>) target(%dma_start3A_64 : memref<80x128xf32, #tpu.memory_space<vmem_shared>>) target_semaphore(%run_scoped3A : memref<!tpu.dma_semaphore, #tpu.memory_space<semaphore_mem>>)
      %dma_wait3A = arith.constant 0 : i32
      %dma_wait3A_65 = tpu.memref_slice %arg6[%add3A_13, %dma_wait3A] : memref<10112x128xf32, #tpu.memory_space<vmem_shared>> -> memref<80x128xf32, #tpu.memory_space<vmem_shared>>
      %dma_wait3A_66 = arith.constant 0 : i32
      %dma_wait3A_67 = tpu.memref_slice %arg6[%add3A_13, %dma_wait3A_66] : memref<10112x128xf32, #tpu.memory_space<vmem_shared>> -> memref<80x128xf32, #tpu.memory_space<vmem_shared>>
      tpu.wait_dma2 semaphore(%run_scoped3A : memref<!tpu.dma_semaphore, #tpu.memory_space<semaphore_mem>>) src(%arg5 : memref<80x128xf32, #tpu.memory_space<vmem>>) dst(%dma_wait3A_67 : memref<80x128xf32, #tpu.memory_space<vmem_shared>>)
      tpu.yield
    }) : () -> ()
    %mul3A_14 = arith.constant 632 : i32
    %mul3A_15 = arith.muli %arg1, %mul3A_14 : i32
    %add3A_16 = arith.constant 80 : i32
    %add3A_17 = arith.addi %mul3A_15, %add3A_16 : i32
    "tpu.region"() ({
      %run_scoped3A = tpu.sem_alloc : memref<!tpu.dma_semaphore, #tpu.memory_space<semaphore_mem>>
      %dma_start3A = arith.constant 0 : i32
      %dma_start3A_62 = tpu.memref_slice %arg6[%add3A_17, %dma_start3A] : memref<10112x128xf32, #tpu.memory_space<vmem_shared>> -> memref<80x128xf32, #tpu.memory_space<vmem_shared>>
      %dma_start3A_63 = arith.constant 0 : i32
      %dma_start3A_64 = tpu.memref_slice %arg6[%add3A_17, %dma_start3A_63] : memref<10112x128xf32, #tpu.memory_space<vmem_shared>> -> memref<80x128xf32, #tpu.memory_space<vmem_shared>>
      tpu.enqueue_dma source(%arg5 : memref<80x128xf32, #tpu.memory_space<vmem>>) target(%dma_start3A_64 : memref<80x128xf32, #tpu.memory_space<vmem_shared>>) target_semaphore(%run_scoped3A : memref<!tpu.dma_semaphore, #tpu.memory_space<semaphore_mem>>)
      %dma_wait3A = arith.constant 0 : i32
      %dma_wait3A_65 = tpu.memref_slice %arg6[%add3A_17, %dma_wait3A] : memref<10112x128xf32, #tpu.memory_space<vmem_shared>> -> memref<80x128xf32, #tpu.memory_space<vmem_shared>>
      %dma_wait3A_66 = arith.constant 0 : i32
      %dma_wait3A_67 = tpu.memref_slice %arg6[%add3A_17, %dma_wait3A_66] : memref<10112x128xf32, #tpu.memory_space<vmem_shared>> -> memref<80x128xf32, #tpu.memory_space<vmem_shared>>
      tpu.wait_dma2 semaphore(%run_scoped3A : memref<!tpu.dma_semaphore, #tpu.memory_space<semaphore_mem>>) src(%arg5 : memref<80x128xf32, #tpu.memory_space<vmem>>) dst(%dma_wait3A_67 : memref<80x128xf32, #tpu.memory_space<vmem_shared>>)
      tpu.yield
    }) : () -> ()
    %mul3A_18 = arith.constant 632 : i32
    %mul3A_19 = arith.muli %arg1, %mul3A_18 : i32
    %add3A_20 = arith.constant 160 : i32
    %add3A_21 = arith.addi %mul3A_19, %add3A_20 : i32
    "tpu.region"() ({
      %run_scoped3A = tpu.sem_alloc : memref<!tpu.dma_semaphore, #tpu.memory_space<semaphore_mem>>
      %dma_start3A = arith.constant 0 : i32
      %dma_start3A_62 = tpu.memref_slice %arg6[%add3A_21, %dma_start3A] : memref<10112x128xf32, #tpu.memory_space<vmem_shared>> -> memref<80x128xf32, #tpu.memory_space<vmem_shared>>
      %dma_start3A_63 = arith.constant 0 : i32
      %dma_start3A_64 = tpu.memref_slice %arg6[%add3A_21, %dma_start3A_63] : memref<10112x128xf32, #tpu.memory_space<vmem_shared>> -> memref<80x128xf32, #tpu.memory_space<vmem_shared>>
      tpu.enqueue_dma source(%arg5 : memref<80x128xf32, #tpu.memory_space<vmem>>) target(%dma_start3A_64 : memref<80x128xf32, #tpu.memory_space<vmem_shared>>) target_semaphore(%run_scoped3A : memref<!tpu.dma_semaphore, #tpu.memory_space<semaphore_mem>>)
      %dma_wait3A = arith.constant 0 : i32
      %dma_wait3A_65 = tpu.memref_slice %arg6[%add3A_21, %dma_wait3A] : memref<10112x128xf32, #tpu.memory_space<vmem_shared>> -> memref<80x128xf32, #tpu.memory_space<vmem_shared>>
      %dma_wait3A_66 = arith.constant 0 : i32
      %dma_wait3A_67 = tpu.memref_slice %arg6[%add3A_21, %dma_wait3A_66] : memref<10112x128xf32, #tpu.memory_space<vmem_shared>> -> memref<80x128xf32, #tpu.memory_space<vmem_shared>>
      tpu.wait_dma2 semaphore(%run_scoped3A : memref<!tpu.dma_semaphore, #tpu.memory_space<semaphore_mem>>) src(%arg5 : memref<80x128xf32, #tpu.memory_space<vmem>>) dst(%dma_wait3A_67 : memref<80x128xf32, #tpu.memory_space<vmem_shared>>)
      tpu.yield
    }) : () -> ()
    %mul3A_22 = arith.constant 632 : i32
    %mul3A_23 = arith.muli %arg1, %mul3A_22 : i32
    %add3A_24 = arith.constant 240 : i32
    %add3A_25 = arith.addi %mul3A_23, %add3A_24 : i32
    "tpu.region"() ({
      %run_scoped3A = tpu.sem_alloc : memref<!tpu.dma_semaphore, #tpu.memory_space<semaphore_mem>>
      %dma_start3A = arith.constant 0 : i32
      %dma_start3A_62 = tpu.memref_slice %arg6[%add3A_25, %dma_start3A] : memref<10112x128xf32, #tpu.memory_space<vmem_shared>> -> memref<80x128xf32, #tpu.memory_space<vmem_shared>>
      %dma_start3A_63 = arith.constant 0 : i32
      %dma_start3A_64 = tpu.memref_slice %arg6[%add3A_25, %dma_start3A_63] : memref<10112x128xf32, #tpu.memory_space<vmem_shared>> -> memref<80x128xf32, #tpu.memory_space<vmem_shared>>
      tpu.enqueue_dma source(%arg5 : memref<80x128xf32, #tpu.memory_space<vmem>>) target(%dma_start3A_64 : memref<80x128xf32, #tpu.memory_space<vmem_shared>>) target_semaphore(%run_scoped3A : memref<!tpu.dma_semaphore, #tpu.memory_space<semaphore_mem>>)
      %dma_wait3A = arith.constant 0 : i32
      %dma_wait3A_65 = tpu.memref_slice %arg6[%add3A_25, %dma_wait3A] : memref<10112x128xf32, #tpu.memory_space<vmem_shared>> -> memref<80x128xf32, #tpu.memory_space<vmem_shared>>
      %dma_wait3A_66 = arith.constant 0 : i32
      %dma_wait3A_67 = tpu.memref_slice %arg6[%add3A_25, %dma_wait3A_66] : memref<10112x128xf32, #tpu.memory_space<vmem_shared>> -> memref<80x128xf32, #tpu.memory_space<vmem_shared>>
      tpu.wait_dma2 semaphore(%run_scoped3A : memref<!tpu.dma_semaphore, #tpu.memory_space<semaphore_mem>>) src(%arg5 : memref<80x128xf32, #tpu.memory_space<vmem>>) dst(%dma_wait3A_67 : memref<80x128xf32, #tpu.memory_space<vmem_shared>>)
      tpu.yield
    }) : () -> ()
    %mul3A_26 = arith.constant 632 : i32
    %mul3A_27 = arith.muli %arg1, %mul3A_26 : i32
    %add3A_28 = arith.constant 320 : i32
    %add3A_29 = arith.addi %mul3A_27, %add3A_28 : i32
    "tpu.region"() ({
      %run_scoped3A = tpu.sem_alloc : memref<!tpu.dma_semaphore, #tpu.memory_space<semaphore_mem>>
      %dma_start3A = arith.constant 0 : i32
      %dma_start3A_62 = tpu.memref_slice %arg6[%add3A_29, %dma_start3A] : memref<10112x128xf32, #tpu.memory_space<vmem_shared>> -> memref<80x128xf32, #tpu.memory_space<vmem_shared>>
      %dma_start3A_63 = arith.constant 0 : i32
      %dma_start3A_64 = tpu.memref_slice %arg6[%add3A_29, %dma_start3A_63] : memref<10112x128xf32, #tpu.memory_space<vmem_shared>> -> memref<80x128xf32, #tpu.memory_space<vmem_shared>>
      tpu.enqueue_dma source(%arg5 : memref<80x128xf32, #tpu.memory_space<vmem>>) target(%dma_start3A_64 : memref<80x128xf32, #tpu.memory_space<vmem_shared>>) target_semaphore(%run_scoped3A : memref<!tpu.dma_semaphore, #tpu.memory_space<semaphore_mem>>)
      %dma_wait3A = arith.constant 0 : i32
      %dma_wait3A_65 = tpu.memref_slice %arg6[%add3A_29, %dma_wait3A] : memref<10112x128xf32, #tpu.memory_space<vmem_shared>> -> memref<80x128xf32, #tpu.memory_space<vmem_shared>>
      %dma_wait3A_66 = arith.constant 0 : i32
      %dma_wait3A_67 = tpu.memref_slice %arg6[%add3A_29, %dma_wait3A_66] : memref<10112x128xf32, #tpu.memory_space<vmem_shared>> -> memref<80x128xf32, #tpu.memory_space<vmem_shared>>
      tpu.wait_dma2 semaphore(%run_scoped3A : memref<!tpu.dma_semaphore, #tpu.memory_space<semaphore_mem>>) src(%arg5 : memref<80x128xf32, #tpu.memory_space<vmem>>) dst(%dma_wait3A_67 : memref<80x128xf32, #tpu.memory_space<vmem_shared>>)
      tpu.yield
    }) : () -> ()
    %mul3A_30 = arith.constant 632 : i32
    %mul3A_31 = arith.muli %arg1, %mul3A_30 : i32
    %add3A_32 = arith.constant 400 : i32
    %add3A_33 = arith.addi %mul3A_31, %add3A_32 : i32
    "tpu.region"() ({
      %run_scoped3A = tpu.sem_alloc : memref<!tpu.dma_semaphore, #tpu.memory_space<semaphore_mem>>
      %dma_start3A = arith.constant 0 : i32
      %dma_start3A_62 = tpu.memref_slice %arg6[%add3A_33, %dma_start3A] : memref<10112x128xf32, #tpu.memory_space<vmem_shared>> -> memref<80x128xf32, #tpu.memory_space<vmem_shared>>
      %dma_start3A_63 = arith.constant 0 : i32
      %dma_start3A_64 = tpu.memref_slice %arg6[%add3A_33, %dma_start3A_63] : memref<10112x128xf32, #tpu.memory_space<vmem_shared>> -> memref<80x128xf32, #tpu.memory_space<vmem_shared>>
      tpu.enqueue_dma source(%arg5 : memref<80x128xf32, #tpu.memory_space<vmem>>) target(%dma_start3A_64 : memref<80x128xf32, #tpu.memory_space<vmem_shared>>) target_semaphore(%run_scoped3A : memref<!tpu.dma_semaphore, #tpu.memory_space<semaphore_mem>>)
      %dma_wait3A = arith.constant 0 : i32
      %dma_wait3A_65 = tpu.memref_slice %arg6[%add3A_33, %dma_wait3A] : memref<10112x128xf32, #tpu.memory_space<vmem_shared>> -> memref<80x128xf32, #tpu.memory_space<vmem_shared>>
      %dma_wait3A_66 = arith.constant 0 : i32
      %dma_wait3A_67 = tpu.memref_slice %arg6[%add3A_33, %dma_wait3A_66] : memref<10112x128xf32, #tpu.memory_space<vmem_shared>> -> memref<80x128xf32, #tpu.memory_space<vmem_shared>>
      tpu.wait_dma2 semaphore(%run_scoped3A : memref<!tpu.dma_semaphore, #tpu.memory_space<semaphore_mem>>) src(%arg5 : memref<80x128xf32, #tpu.memory_space<vmem>>) dst(%dma_wait3A_67 : memref<80x128xf32, #tpu.memory_space<vmem_shared>>)
      tpu.yield
    }) : () -> ()
    %mul3A_34 = arith.constant 632 : i32
    %mul3A_35 = arith.muli %arg1, %mul3A_34 : i32
    %add3A_36 = arith.constant 480 : i32
    %add3A_37 = arith.addi %mul3A_35, %add3A_36 : i32
    "tpu.region"() ({
      %run_scoped3A = tpu.sem_alloc : memref<!tpu.dma_semaphore, #tpu.memory_space<semaphore_mem>>
      %dma_start3A = arith.constant 0 : i32
      %dma_start3A_62 = tpu.memref_slice %arg6[%add3A_37, %dma_start3A] : memref<10112x128xf32, #tpu.memory_space<vmem_shared>> -> memref<80x128xf32, #tpu.memory_space<vmem_shared>>
      %dma_start3A_63 = arith.constant 0 : i32
      %dma_start3A_64 = tpu.memref_slice %arg6[%add3A_37, %dma_start3A_63] : memref<10112x128xf32, #tpu.memory_space<vmem_shared>> -> memref<80x128xf32, #tpu.memory_space<vmem_shared>>
      tpu.enqueue_dma source(%arg5 : memref<80x128xf32, #tpu.memory_space<vmem>>) target(%dma_start3A_64 : memref<80x128xf32, #tpu.memory_space<vmem_shared>>) target_semaphore(%run_scoped3A : memref<!tpu.dma_semaphore, #tpu.memory_space<semaphore_mem>>)
      %dma_wait3A = arith.constant 0 : i32
      %dma_wait3A_65 = tpu.memref_slice %arg6[%add3A_37, %dma_wait3A] : memref<10112x128xf32, #tpu.memory_space<vmem_shared>> -> memref<80x128xf32, #tpu.memory_space<vmem_shared>>
      %dma_wait3A_66 = arith.constant 0 : i32
      %dma_wait3A_67 = tpu.memref_slice %arg6[%add3A_37, %dma_wait3A_66] : memref<10112x128xf32, #tpu.memory_space<vmem_shared>> -> memref<80x128xf32, #tpu.memory_space<vmem_shared>>
      tpu.wait_dma2 semaphore(%run_scoped3A : memref<!tpu.dma_semaphore, #tpu.memory_space<semaphore_mem>>) src(%arg5 : memref<80x128xf32, #tpu.memory_space<vmem>>) dst(%dma_wait3A_67 : memref<80x128xf32, #tpu.memory_space<vmem_shared>>)
      tpu.yield
    }) : () -> ()
    %mul3A_38 = arith.constant 632 : i32
    %mul3A_39 = arith.muli %arg1, %mul3A_38 : i32
    %add3A_40 = arith.constant 560 : i32
    %add3A_41 = arith.addi %mul3A_39, %add3A_40 : i32
    "tpu.region"() ({
      %run_scoped3A = tpu.sem_alloc : memref<!tpu.dma_semaphore, #tpu.memory_space<semaphore_mem>>
      %dma_start3A = arith.constant 0 : i32
      %dma_start3A_62 = arith.constant 0 : i32
      %dma_start3A_63 = tpu.memref_slice %arg5[%dma_start3A, %dma_start3A_62] : memref<80x128xf32, #tpu.memory_space<vmem>> -> memref<72x128xf32, #tpu.memory_space<vmem>>
      %dma_start3A_64 = arith.constant 0 : i32
      %dma_start3A_65 = tpu.memref_slice %arg6[%add3A_41, %dma_start3A_64] : memref<10112x128xf32, #tpu.memory_space<vmem_shared>> -> memref<72x128xf32, #tpu.memory_space<vmem_shared>>
      %dma_start3A_66 = arith.constant 0 : i32
      %dma_start3A_67 = tpu.memref_slice %arg6[%add3A_41, %dma_start3A_66] : memref<10112x128xf32, #tpu.memory_space<vmem_shared>> -> memref<72x128xf32, #tpu.memory_space<vmem_shared>>
      %dma_start3A_68 = arith.constant 0 : i32
      %dma_start3A_69 = arith.constant 0 : i32
      %dma_start3A_70 = tpu.memref_slice %arg5[%dma_start3A_68, %dma_start3A_69] : memref<80x128xf32, #tpu.memory_space<vmem>> -> memref<72x128xf32, #tpu.memory_space<vmem>>
      tpu.enqueue_dma source(%dma_start3A_70 : memref<72x128xf32, #tpu.memory_space<vmem>>) target(%dma_start3A_67 : memref<72x128xf32, #tpu.memory_space<vmem_shared>>) target_semaphore(%run_scoped3A : memref<!tpu.dma_semaphore, #tpu.memory_space<semaphore_mem>>)
      %dma_wait3A = arith.constant 0 : i32
      %dma_wait3A_71 = arith.constant 0 : i32
      %dma_wait3A_72 = tpu.memref_slice %arg5[%dma_wait3A, %dma_wait3A_71] : memref<80x128xf32, #tpu.memory_space<vmem>> -> memref<72x128xf32, #tpu.memory_space<vmem>>
      %dma_wait3A_73 = arith.constant 0 : i32
      %dma_wait3A_74 = tpu.memref_slice %arg6[%add3A_41, %dma_wait3A_73] : memref<10112x128xf32, #tpu.memory_space<vmem_shared>> -> memref<72x128xf32, #tpu.memory_space<vmem_shared>>
      %dma_wait3A_75 = arith.constant 0 : i32
      %dma_wait3A_76 = tpu.memref_slice %arg6[%add3A_41, %dma_wait3A_75] : memref<10112x128xf32, #tpu.memory_space<vmem_shared>> -> memref<72x128xf32, #tpu.memory_space<vmem_shared>>
      %dma_wait3A_77 = arith.constant 0 : i32
      %dma_wait3A_78 = arith.constant 0 : i32
      %dma_wait3A_79 = tpu.memref_slice %arg5[%dma_wait3A_77, %dma_wait3A_78] : memref<80x128xf32, #tpu.memory_space<vmem>> -> memref<72x128xf32, #tpu.memory_space<vmem>>
      tpu.wait_dma2 semaphore(%run_scoped3A : memref<!tpu.dma_semaphore, #tpu.memory_space<semaphore_mem>>) src(%dma_wait3A_79 : memref<72x128xf32, #tpu.memory_space<vmem>>) dst(%dma_wait3A_76 : memref<72x128xf32, #tpu.memory_space<vmem_shared>>)
      tpu.yield
    }) : () -> ()
    %iota3A = tpu.iota {dimensions = array<i32: 0>} : vector<16xi32>
    %eq3A = arith.constant 0 : i32
    %eq3A_42 = vector.broadcast %eq3A : i32 to vector<16xi32>
    %eq3A_43 = arith.cmpi eq, %iota3A, %eq3A_42 : vector<16xi32>
    %jit3A = arith.constant 1.000000e+00 : f32
    %jit3A_44 = arith.constant 0.000000e+00 : f32
    %broadcast_in_dim3A_45 = vector.broadcast %jit3A : f32 to vector<16xf32>
    %broadcast_in_dim3A_46 = vector.broadcast %jit3A_44 : f32 to vector<16xf32>
    %select_n3A = arith.select %eq3A_43, %broadcast_in_dim3A_45, %broadcast_in_dim3A_46 : vector<16xi1>, vector<16xf32>
    %scan3A_47 = arith.constant 0 : i32
    %scan3A_48 = arith.constant 0 : i32
    %scan3A_49 = arith.constant 80 : i32
    %scan3A_50 = arith.addi %scan3A_48, %scan3A_49 : i32
    %scan3A_51 = arith.constant 1 : i32
    %scan3A_52 = scf.for %scan3A_62 = %scan3A_48 to %scan3A_50 step %scan3A_51 iter_args(%scan3A_63 = %scan3A_47) -> (i32)  : i32 {
      %swap3A = arith.index_cast %scan3A_62 : i32 to index
      %swap3A_64 = arith.constant 0 : index
      %swap3A_65 = tpu.vector_load %arg5[%swap3A, %swap3A_64] {strides = array<i32>} : memref<80x128xf32, #tpu.memory_space<vmem>>, vector<1x16xf32>,
      %swap3A_66 = vector.shape_cast %swap3A_65 : vector<1x16xf32> to vector<16xf32>
      %swap3A_67 = vector.shape_cast %select_n3A : vector<16xf32> to vector<1x16xf32>
      tpu.vector_store %arg5[%swap3A, %swap3A_64], %swap3A_67 {strides = array<i32>} : memref<80x128xf32, #tpu.memory_space<vmem>>, vector<1x16xf32>,
      %scan3A_68 = arith.constant 0 : i32
      scf.yield %scan3A_68 : i32
    }
    %scan3A_53 = arith.constant 80 : i32
    %barrier3A = arith.constant 0 : index
    tpu.barrier barrier_id(%barrier3A)
    %scan3A_54 = arith.constant 0 : i32
    %scan3A_55 = arith.constant 0 : i32
    %scan3A_56 = arith.constant 125 : i32
    %scan3A_57 = arith.addi %scan3A_55, %scan3A_56 : i32
    %scan3A_58 = arith.constant 1 : i32
    %scan3A_59 = scf.for %scan3A_62 = %scan3A_55 to %scan3A_57 step %scan3A_58 iter_args(%scan3A_63 = %scan3A_54) -> (i32)  : i32 {
      %mul3A_64 = arith.constant 10000 : i32
      %mul3A_65 = arith.muli %add3A, %mul3A_64 : i32
      %mul3A_66 = arith.constant 80 : i32
      %mul3A_67 = arith.muli %scan3A_62, %mul3A_66 : i32
      %add3A_68 = arith.addi %mul3A_65, %mul3A_67 : i32
      "tpu.region"() ({
        %run_scoped3A = tpu.sem_alloc : memref<!tpu.dma_semaphore, #tpu.memory_space<semaphore_mem>>
        %dma_start3A = tpu.memref_slice %arg2[%add3A_68] : memref<320000xi32, #tpu.memory_space<hbm>> -> memref<80xi32, #tpu.memory_space<hbm>>
        %dma_start3A_70 = tpu.memref_slice %arg2[%add3A_68] : memref<320000xi32, #tpu.memory_space<hbm>> -> memref<80xi32, #tpu.memory_space<hbm>>
        tpu.enqueue_dma source(%dma_start3A_70 : memref<80xi32, #tpu.memory_space<hbm>>) target(%arg4 : memref<80xi32, #tpu.memory_space<vmem>>) target_semaphore(%run_scoped3A : memref<!tpu.dma_semaphore, #tpu.memory_space<semaphore_mem>>)
        %dma_wait3A = tpu.memref_slice %arg2[%add3A_68] : memref<320000xi32, #tpu.memory_space<hbm>> -> memref<80xi32, #tpu.memory_space<hbm>>
        %dma_wait3A_71 = tpu.memref_slice %arg2[%add3A_68] : memref<320000xi32, #tpu.memory_space<hbm>> -> memref<80xi32, #tpu.memory_space<hbm>>
        tpu.wait_dma2 semaphore(%run_scoped3A : memref<!tpu.dma_semaphore, #tpu.memory_space<semaphore_mem>>) src(%dma_wait3A_71 : memref<80xi32, #tpu.memory_space<hbm>>) dst(%arg4 : memref<80xi32, #tpu.memory_space<vmem>>)
        tpu.yield
      }) : () -> ()
      "tpu.region"() ({
        %run_scoped3A = tpu.sem_alloc : memref<!tpu.dma_semaphore, #tpu.memory_space<semaphore_mem>>
        %dma_start3A = arith.constant 0 : i32
        %dma_start3A_70 = arith.constant 0 : i32
        %dma_start3A_71 = tpu.memref_slice %arg6[%dma_start3A, %dma_start3A_70] : memref<10112x128xf32, #tpu.memory_space<vmem_shared>> -> memref<10112x128xf32, #tpu.memory_space<vmem_shared>>
        tpu.enqueue_indirect_dma source(%arg5 : memref<80x128xf32, #tpu.memory_space<vmem>>) target(%dma_start3A_71 : memref<10112x128xf32, #tpu.memory_space<vmem_shared>>) offsets(%arg4 : memref<80xi32, #tpu.memory_space<vmem>>) semaphore(%run_scoped3A : memref<!tpu.dma_semaphore, #tpu.memory_space<semaphore_mem>>) {add = true}
        %dma_wait3A = arith.constant 0 : i32
        %dma_wait3A_72 = arith.constant 0 : i32
        %dma_wait3A_73 = tpu.memref_slice %arg6[%dma_wait3A, %dma_wait3A_72] : memref<10112x128xf32, #tpu.memory_space<vmem_shared>> -> memref<10112x128xf32, #tpu.memory_space<vmem_shared>>
        tpu.wait_indirect_dma semaphore(%run_scoped3A : memref<!tpu.dma_semaphore, #tpu.memory_space<semaphore_mem>>) src(%arg5 : memref<80x128xf32, #tpu.memory_space<vmem>>) dst(%dma_wait3A_73 : memref<10112x128xf32, #tpu.memory_space<vmem_shared>>)
        tpu.yield
      }) : () -> ()
      %scan3A_69 = arith.constant 0 : i32
      scf.yield %scan3A_69 : i32
    }
    %scan3A_60 = arith.constant 125 : i32
    %barrier3A_61 = arith.constant 0 : index
    tpu.barrier barrier_id(%barrier3A_61)
    "tpu.region"() ({
      %run_scoped3A = tpu.sem_alloc : memref<!tpu.dma_semaphore, #tpu.memory_space<semaphore_mem>>
      %dma_start3A = arith.constant 0 : i32
      %dma_start3A_62 = tpu.memref_slice %arg3[%arg0, %mul3A_2, %dma_start3A] : memref<2x10112x128xf32, #tpu.memory_space<hbm>> -> memref<1x632x128xf32, #tpu.memory_space<hbm>>
      %dma_start3A_63 = tpu.memref_squeeze %dma_start3A_62 : memref<1x632x128xf32, #tpu.memory_space<hbm>> -> memref<632x128xf32, #tpu.memory_space<hbm>>
      %dma_start3A_64 = arith.constant 0 : i32
      %dma_start3A_65 = tpu.memref_slice %arg6[%mul3A_2, %dma_start3A_64] : memref<10112x128xf32, #tpu.memory_space<vmem_shared>> -> memref<632x128xf32, #tpu.memory_space<vmem_shared>>
      tpu.enqueue_dma source(%dma_start3A_65 : memref<632x128xf32, #tpu.memory_space<vmem_shared>>) target(%dma_start3A_63 : memref<632x128xf32, #tpu.memory_space<hbm>>) target_semaphore(%run_scoped3A : memref<!tpu.dma_semaphore, #tpu.memory_space<semaphore_mem>>)
      %dma_wait3A = arith.constant 0 : i32
      %dma_wait3A_66 = tpu.memref_slice %arg3[%arg0, %mul3A_2, %dma_wait3A] : memref<2x10112x128xf32, #tpu.memory_space<hbm>> -> memref<1x632x128xf32, #tpu.memory_space<hbm>>
      %dma_wait3A_67 = tpu.memref_squeeze %dma_wait3A_66 : memref<1x632x128xf32, #tpu.memory_space<hbm>> -> memref<632x128xf32, #tpu.memory_space<hbm>>
      %dma_wait3A_68 = arith.constant 0 : i32
      %dma_wait3A_69 = tpu.memref_slice %arg6[%mul3A_2, %dma_wait3A_68] : memref<10112x128xf32, #tpu.memory_space<vmem_shared>> -> memref<632x128xf32, #tpu.memory_space<vmem_shared>>
      tpu.wait_dma2 semaphore(%run_scoped3A : memref<!tpu.dma_semaphore, #tpu.memory_space<semaphore_mem>>) src(%dma_wait3A_69 : memref<632x128xf32, #tpu.memory_space<vmem_shared>>) dst(%dma_wait3A_67 : memref<632x128xf32, #tpu.memory_space<hbm>>)
      tpu.yield
    }) : () -> ()
    return
  }
}

module attributes {stable_mosaic.version = 14 : i64} {
  func.func @_edge_head_body(%arg0: i32, %arg1: memref<3200x128xf32, #tpu.memory_space<vmem>>, %arg2: memref<3200x128xf32, #tpu.memory_space<vmem>>, %arg3: memref<3200x1xf32, #tpu.memory_space<vmem>>, %arg4: memref<1x32xf32, #tpu.memory_space<vmem>>, %arg5: memref<1x32xf32, #tpu.memory_space<vmem>>, %arg6: memref<128x256xf32, #tpu.memory_space<vmem>>, %arg7: memref<128x256xf32, #tpu.memory_space<vmem>>, %arg8: memref<32x256xf32, #tpu.memory_space<vmem>>, %arg9: memref<1x256xf32, #tpu.memory_space<vmem>>, %arg10: memref<128x64xf32, #tpu.memory_space<vmem>>, %arg11: memref<1x64xf32, #tpu.memory_space<vmem>>, %arg12: memref<128x64xf32, #tpu.memory_space<vmem>>, %arg13: memref<1x64xf32, #tpu.memory_space<vmem>>, %arg14: memref<64x1xf32, #tpu.memory_space<vmem>>, %arg15: memref<1x1xf32, #tpu.memory_space<vmem>>, %arg16: memref<64x4xf32, #tpu.memory_space<vmem>>, %arg17: memref<1x4xf32, #tpu.memory_space<vmem>>, %arg18: memref<3200x1xf32, #tpu.memory_space<vmem>>, %arg19: memref<3200x4xf32, #tpu.memory_space<vmem>>) attributes {dimension_semantics = [#tpu.dimension_semantics<arbitrary>], iteration_bounds = array<i64: 100>, scalar_prefetch = 0 : i64, scratch_operands = 0 : i64, tpu.core_type = #tpu.core_type<tc>, window_params = [{transform_indices = @transform_0, window_bounds = array<i64: 3200, 128>}, {transform_indices = @transform_1, window_bounds = array<i64: 3200, 128>}, {transform_indices = @transform_2, window_bounds = array<i64: 3200, 1>}, {pipeline_mode = #tpu.pipeline_mode<synchronous>, transform_indices = @transform_3, window_bounds = array<i64: 1, 32>}, {pipeline_mode = #tpu.pipeline_mode<synchronous>, transform_indices = @transform_4, window_bounds = array<i64: 1, 32>}, {pipeline_mode = #tpu.pipeline_mode<synchronous>, transform_indices = @transform_5, window_bounds = array<i64: 128, 256>}, {pipeline_mode = #tpu.pipeline_mode<synchronous>, transform_indices = @transform_6, window_bounds = array<i64: 128, 256>}, {pipeline_mode = #tpu.pipeline_mode<synchronous>, transform_indices = @transform_7, window_bounds = array<i64: 32, 256>}, {pipeline_mode = #tpu.pipeline_mode<synchronous>, transform_indices = @transform_8, window_bounds = array<i64: 1, 256>}, {pipeline_mode = #tpu.pipeline_mode<synchronous>, transform_indices = @transform_9, window_bounds = array<i64: 128, 64>}, {pipeline_mode = #tpu.pipeline_mode<synchronous>, transform_indices = @transform_10, window_bounds = array<i64: 1, 64>}, {pipeline_mode = #tpu.pipeline_mode<synchronous>, transform_indices = @transform_11, window_bounds = array<i64: 128, 64>}, {pipeline_mode = #tpu.pipeline_mode<synchronous>, transform_indices = @transform_12, window_bounds = array<i64: 1, 64>}, {pipeline_mode = #tpu.pipeline_mode<synchronous>, transform_indices = @transform_13, window_bounds = array<i64: 64, 1>}, {pipeline_mode = #tpu.pipeline_mode<synchronous>, transform_indices = @transform_14, window_bounds = array<i64: 1, 1>}, {pipeline_mode = #tpu.pipeline_mode<synchronous>, transform_indices = @transform_15, window_bounds = array<i64: 64, 4>}, {pipeline_mode = #tpu.pipeline_mode<synchronous>, transform_indices = @transform_16, window_bounds = array<i64: 1, 4>}, {transform_indices = @transform_17, window_bounds = array<i64: 3200, 1>}, {transform_indices = @transform_18, window_bounds = array<i64: 3200, 4>}]} {
    %get3A = arith.constant 0 : index
    %get3A_0 = arith.constant 0 : index
    %get3A_1 = vector.load %arg1[%get3A, %get3A_0] : memref<3200x128xf32, #tpu.memory_space<vmem>>, vector<3200x128xf32>
    %get3A_2 = arith.constant 0 : index
    %get3A_3 = arith.constant 0 : index
    %get3A_4 = vector.load %arg2[%get3A_2, %get3A_3] : memref<3200x128xf32, #tpu.memory_space<vmem>>, vector<3200x128xf32>
    %get3A_5 = arith.constant 0 : index
    %get3A_6 = arith.constant 0 : index
    %get3A_7 = vector.load %arg3[%get3A_5, %get3A_6] : memref<3200x1xf32, #tpu.memory_space<vmem>>, vector<3200x1xf32>
    %get3A_8 = arith.constant 0 : index
    %get3A_9 = arith.constant 0 : index
    %get3A_10 = vector.load %arg4[%get3A_8, %get3A_9] : memref<1x32xf32, #tpu.memory_space<vmem>>, vector<1x32xf32>
    %mul3A = vector.broadcast %get3A_7 : vector<3200x1xf32> to vector<3200x32xf32>
    %mul3A_11 = vector.broadcast %get3A_10 : vector<1x32xf32> to vector<3200x32xf32>
    %mul3A_12 = arith.mulf %mul3A, %mul3A_11 : vector<3200x32xf32>
    %get3A_13 = arith.constant 0 : index
    %get3A_14 = arith.constant 0 : index
    %get3A_15 = vector.load %arg5[%get3A_13, %get3A_14] : memref<1x32xf32, #tpu.memory_space<vmem>>, vector<1x32xf32>
    %add3A = vector.broadcast %get3A_15 : vector<1x32xf32> to vector<3200x32xf32>
    %add3A_16 = arith.addf %mul3A_12, %add3A : vector<3200x32xf32>
    %max3A = arith.constant 0.000000e+00 : f32
    %max3A_17 = vector.broadcast %max3A : f32 to vector<3200x32xf32>
    %max3A_18 = arith.maximumf %add3A_16, %max3A_17 : vector<3200x32xf32>
    %get3A_19 = arith.constant 0 : index
    %get3A_20 = arith.constant 0 : index
    %get3A_21 = vector.load %arg6[%get3A_19, %get3A_20] : memref<128x256xf32, #tpu.memory_space<vmem>>, vector<128x256xf32>
    %dot_general3A = arith.constant dense<0.000000e+00> : vector<3200x256xf32>
    %dot_general3A_22 = tpu.matmul %get3A_1, %get3A_21, %dot_general3A {dimension_numbers = #tpu.dot_dimension_numbers<[1], [0], [0], [1], [0, 0, 1, 1], [], []>, transpose_lhs_hint = false} : vector<3200x128xf32>, vector<128x256xf32>, vector<3200x256xf32> -> vector<3200x256xf32>
    %get3A_23 = arith.constant 0 : index
    %get3A_24 = arith.constant 0 : index
    %get3A_25 = vector.load %arg7[%get3A_23, %get3A_24] : memref<128x256xf32, #tpu.memory_space<vmem>>, vector<128x256xf32>
    %dot_general3A_26 = arith.constant dense<0.000000e+00> : vector<3200x256xf32>
    %dot_general3A_27 = tpu.matmul %get3A_4, %get3A_25, %dot_general3A_26 {dimension_numbers = #tpu.dot_dimension_numbers<[1], [0], [0], [1], [0, 0, 1, 1], [], []>, transpose_lhs_hint = false} : vector<3200x128xf32>, vector<128x256xf32>, vector<3200x256xf32> -> vector<3200x256xf32>
    %add3A_28 = arith.addf %dot_general3A_22, %dot_general3A_27 : vector<3200x256xf32>
    %get3A_29 = arith.constant 0 : index
    %get3A_30 = arith.constant 0 : index
    %get3A_31 = vector.load %arg8[%get3A_29, %get3A_30] : memref<32x256xf32, #tpu.memory_space<vmem>>, vector<32x256xf32>
    %dot_general3A_32 = arith.constant dense<0.000000e+00> : vector<3200x256xf32>
    %dot_general3A_33 = tpu.matmul %max3A_18, %get3A_31, %dot_general3A_32 {dimension_numbers = #tpu.dot_dimension_numbers<[1], [0], [0], [1], [0, 0, 1, 1], [], []>, transpose_lhs_hint = false} : vector<3200x32xf32>, vector<32x256xf32>, vector<3200x256xf32> -> vector<3200x256xf32>
    %add3A_34 = arith.addf %add3A_28, %dot_general3A_33 : vector<3200x256xf32>
    %get3A_35 = arith.constant 0 : index
    %get3A_36 = arith.constant 0 : index
    %get3A_37 = vector.load %arg9[%get3A_35, %get3A_36] : memref<1x256xf32, #tpu.memory_space<vmem>>, vector<1x256xf32>
    %add3A_38 = vector.broadcast %get3A_37 : vector<1x256xf32> to vector<3200x256xf32>
    %add3A_39 = arith.addf %add3A_34, %add3A_38 : vector<3200x256xf32>
    %max3A_40 = arith.constant 0.000000e+00 : f32
    %max3A_41 = vector.broadcast %max3A_40 : f32 to vector<3200x256xf32>
    %max3A_42 = arith.maximumf %add3A_39, %max3A_41 : vector<3200x256xf32>
    %slice3A = vector.extract_strided_slice %max3A_42 {offsets = [0, 0], sizes = [3200, 128], strides = [1, 1]} : vector<3200x256xf32> to vector<3200x128xf32>
    %slice3A_43 = vector.extract_strided_slice %max3A_42 {offsets = [0, 128], sizes = [3200, 128], strides = [1, 1]} : vector<3200x256xf32> to vector<3200x128xf32>
    %get3A_44 = arith.constant 0 : index
    %get3A_45 = arith.constant 0 : index
    %get3A_46 = vector.load %arg10[%get3A_44, %get3A_45] : memref<128x64xf32, #tpu.memory_space<vmem>>, vector<128x64xf32>
    %dot_general3A_47 = arith.constant dense<0.000000e+00> : vector<3200x64xf32>
    %dot_general3A_48 = tpu.matmul %slice3A, %get3A_46, %dot_general3A_47 {dimension_numbers = #tpu.dot_dimension_numbers<[1], [0], [0], [1], [0, 0, 1, 1], [], []>, transpose_lhs_hint = false} : vector<3200x128xf32>, vector<128x64xf32>, vector<3200x64xf32> -> vector<3200x64xf32>
    %get3A_49 = arith.constant 0 : index
    %get3A_50 = arith.constant 0 : index
    %get3A_51 = vector.load %arg11[%get3A_49, %get3A_50] : memref<1x64xf32, #tpu.memory_space<vmem>>, vector<1x64xf32>
    %add3A_52 = vector.broadcast %get3A_51 : vector<1x64xf32> to vector<3200x64xf32>
    %add3A_53 = arith.addf %dot_general3A_48, %add3A_52 : vector<3200x64xf32>
    %max3A_54 = arith.constant 0.000000e+00 : f32
    %max3A_55 = vector.broadcast %max3A_54 : f32 to vector<3200x64xf32>
    %max3A_56 = arith.maximumf %add3A_53, %max3A_55 : vector<3200x64xf32>
    %get3A_57 = arith.constant 0 : index
    %get3A_58 = arith.constant 0 : index
    %get3A_59 = vector.load %arg12[%get3A_57, %get3A_58] : memref<128x64xf32, #tpu.memory_space<vmem>>, vector<128x64xf32>
    %dot_general3A_60 = arith.constant dense<0.000000e+00> : vector<3200x64xf32>
    %dot_general3A_61 = tpu.matmul %slice3A_43, %get3A_59, %dot_general3A_60 {dimension_numbers = #tpu.dot_dimension_numbers<[1], [0], [0], [1], [0, 0, 1, 1], [], []>, transpose_lhs_hint = false} : vector<3200x128xf32>, vector<128x64xf32>, vector<3200x64xf32> -> vector<3200x64xf32>
    %get3A_62 = arith.constant 0 : index
    %get3A_63 = arith.constant 0 : index
    %get3A_64 = vector.load %arg13[%get3A_62, %get3A_63] : memref<1x64xf32, #tpu.memory_space<vmem>>, vector<1x64xf32>
    %add3A_65 = vector.broadcast %get3A_64 : vector<1x64xf32> to vector<3200x64xf32>
    %add3A_66 = arith.addf %dot_general3A_61, %add3A_65 : vector<3200x64xf32>
    %max3A_67 = arith.constant 0.000000e+00 : f32
    %max3A_68 = vector.broadcast %max3A_67 : f32 to vector<3200x64xf32>
    %max3A_69 = arith.maximumf %add3A_66, %max3A_68 : vector<3200x64xf32>
    %get3A_70 = arith.constant 0 : index
    %get3A_71 = arith.constant 0 : index
    %get3A_72 = vector.load %arg14[%get3A_70, %get3A_71] : memref<64x1xf32, #tpu.memory_space<vmem>>, vector<64x1xf32>
    %dot_general3A_73 = arith.constant dense<0.000000e+00> : vector<3200x1xf32>
    %dot_general3A_74 = tpu.matmul %max3A_56, %get3A_72, %dot_general3A_73 {dimension_numbers = #tpu.dot_dimension_numbers<[1], [0], [0], [1], [0, 0, 1, 1], [], []>, transpose_lhs_hint = false} : vector<3200x64xf32>, vector<64x1xf32>, vector<3200x1xf32> -> vector<3200x1xf32>
    %get3A_75 = arith.constant 0 : index
    %get3A_76 = arith.constant 0 : index
    %get3A_77 = vector.load %arg15[%get3A_75, %get3A_76] : memref<1x1xf32, #tpu.memory_space<vmem>>, vector<1x1xf32>
    %add3A_78 = vector.broadcast %get3A_77 : vector<1x1xf32> to vector<3200x1xf32>
    %add3A_79 = arith.addf %dot_general3A_74, %add3A_78 : vector<3200x1xf32>
    %swap3A = arith.constant 0 : index
    %swap3A_80 = arith.constant 0 : index
    %swap3A_81 = vector.load %arg18[%swap3A, %swap3A_80] : memref<3200x1xf32, #tpu.memory_space<vmem>>, vector<3200x1xf32>
    tpu.vector_store %arg18[%swap3A, %swap3A_80], %add3A_79 {strides = array<i32>} : memref<3200x1xf32, #tpu.memory_space<vmem>>, vector<3200x1xf32>,
    %get3A_82 = arith.constant 0 : index
    %get3A_83 = arith.constant 0 : index
    %get3A_84 = vector.load %arg16[%get3A_82, %get3A_83] : memref<64x4xf32, #tpu.memory_space<vmem>>, vector<64x4xf32>
    %dot_general3A_85 = arith.constant dense<0.000000e+00> : vector<3200x4xf32>
    %dot_general3A_86 = tpu.matmul %max3A_69, %get3A_84, %dot_general3A_85 {dimension_numbers = #tpu.dot_dimension_numbers<[1], [0], [0], [1], [0, 0, 1, 1], [], []>, transpose_lhs_hint = false} : vector<3200x64xf32>, vector<64x4xf32>, vector<3200x4xf32> -> vector<3200x4xf32>
    %get3A_87 = arith.constant 0 : index
    %get3A_88 = arith.constant 0 : index
    %get3A_89 = vector.load %arg17[%get3A_87, %get3A_88] : memref<1x4xf32, #tpu.memory_space<vmem>>, vector<1x4xf32>
    %add3A_90 = vector.broadcast %get3A_89 : vector<1x4xf32> to vector<3200x4xf32>
    %add3A_91 = arith.addf %dot_general3A_86, %add3A_90 : vector<3200x4xf32>
    %custom_jvp_call3A = arith.constant 0.000000e+00 : f32
    %max3A_92 = vector.broadcast %custom_jvp_call3A : f32 to vector<3200x4xf32>
    %max3A_93 = arith.maximumf %add3A_91, %max3A_92 : vector<3200x4xf32>
    %sub3A = vector.broadcast %custom_jvp_call3A : f32 to vector<3200x4xf32>
    %sub3A_94 = arith.subf %add3A_91, %sub3A : vector<3200x4xf32>
    %ne3A = arith.cmpf one, %sub3A_94, %sub3A_94 : vector<3200x4xf32>
    %add3A_95 = vector.broadcast %custom_jvp_call3A : f32 to vector<3200x4xf32>
    %add3A_96 = arith.addf %add3A_91, %add3A_95 : vector<3200x4xf32>
    %abs3A = math.absf %sub3A_94 : vector<3200x4xf32>
    %neg3A = arith.constant 0.000000e+00 : f32
    %neg3A_97 = vector.broadcast %neg3A : f32 to vector<3200x4xf32>
    %neg3A_98 = arith.subf %neg3A_97, %abs3A : vector<3200x4xf32>
    %exp3A = math.exp %neg3A_98 : vector<3200x4xf32>
    %log1p3A = math.log1p %exp3A : vector<3200x4xf32>
    %add3A_99 = arith.addf %max3A_93, %log1p3A : vector<3200x4xf32>
    %select_n3A = arith.select %ne3A, %add3A_96, %add3A_99 : vector<3200x4xi1>, vector<3200x4xf32>
    %add3A_100 = arith.constant 9.99999997E-7 : f32
    %add3A_101 = vector.broadcast %add3A_100 : f32 to vector<3200x4xf32>
    %add3A_102 = arith.addf %select_n3A, %add3A_101 : vector<3200x4xf32>
    %swap3A_103 = arith.constant 0 : index
    %swap3A_104 = arith.constant 0 : index
    %swap3A_105 = vector.load %arg19[%swap3A_103, %swap3A_104] : memref<3200x4xf32, #tpu.memory_space<vmem>>, vector<3200x4xf32>
    tpu.vector_store %arg19[%swap3A_103, %swap3A_104], %add3A_102 {strides = array<i32>} : memref<3200x4xf32, #tpu.memory_space<vmem>>, vector<3200x4xf32>,
    return
  }
  func.func @transform_0(%arg0: i32) -> (i32, i32) {
    %c0_i32 = arith.constant 0 : i32
    %c0_i32_0 = arith.constant 0 : i32
    return %arg0, %c0_i32 : i32, i32
  }
  func.func @transform_1(%arg0: i32) -> (i32, i32) {
    %c0_i32 = arith.constant 0 : i32
    %c0_i32_0 = arith.constant 0 : i32
    return %arg0, %c0_i32 : i32, i32
  }
  func.func @transform_2(%arg0: i32) -> (i32, i32) {
    %c0_i32 = arith.constant 0 : i32
    %c0_i32_0 = arith.constant 0 : i32
    return %arg0, %c0_i32 : i32, i32
  }
  func.func @transform_3(%arg0: i32) -> (i32, i32) {
    %c0_i32 = arith.constant 0 : i32
    %c0_i32_0 = arith.constant 0 : i32
    %c0_i32_1 = arith.constant 0 : i32
    return %c0_i32, %c0_i32_0 : i32, i32
  }
  func.func @transform_4(%arg0: i32) -> (i32, i32) {
    %c0_i32 = arith.constant 0 : i32
    %c0_i32_0 = arith.constant 0 : i32
    %c0_i32_1 = arith.constant 0 : i32
    return %c0_i32, %c0_i32_0 : i32, i32
  }
  func.func @transform_5(%arg0: i32) -> (i32, i32) {
    %c0_i32 = arith.constant 0 : i32
    %c0_i32_0 = arith.constant 0 : i32
    %c0_i32_1 = arith.constant 0 : i32
    return %c0_i32, %c0_i32_0 : i32, i32
  }
  func.func @transform_6(%arg0: i32) -> (i32, i32) {
    %c0_i32 = arith.constant 0 : i32
    %c0_i32_0 = arith.constant 0 : i32
    %c0_i32_1 = arith.constant 0 : i32
    return %c0_i32, %c0_i32_0 : i32, i32
  }
  func.func @transform_7(%arg0: i32) -> (i32, i32) {
    %c0_i32 = arith.constant 0 : i32
    %c0_i32_0 = arith.constant 0 : i32
    %c0_i32_1 = arith.constant 0 : i32
    return %c0_i32, %c0_i32_0 : i32, i32
  }
  func.func @transform_8(%arg0: i32) -> (i32, i32) {
    %c0_i32 = arith.constant 0 : i32
    %c0_i32_0 = arith.constant 0 : i32
    %c0_i32_1 = arith.constant 0 : i32
    return %c0_i32, %c0_i32_0 : i32, i32
  }
  func.func @transform_9(%arg0: i32) -> (i32, i32) {
    %c0_i32 = arith.constant 0 : i32
    %c0_i32_0 = arith.constant 0 : i32
    %c0_i32_1 = arith.constant 0 : i32
    return %c0_i32, %c0_i32_0 : i32, i32
  }
  func.func @transform_10(%arg0: i32) -> (i32, i32) {
    %c0_i32 = arith.constant 0 : i32
    %c0_i32_0 = arith.constant 0 : i32
    %c0_i32_1 = arith.constant 0 : i32
    return %c0_i32, %c0_i32_0 : i32, i32
  }
  func.func @transform_11(%arg0: i32) -> (i32, i32) {
    %c0_i32 = arith.constant 0 : i32
    %c0_i32_0 = arith.constant 0 : i32
    %c0_i32_1 = arith.constant 0 : i32
    return %c0_i32, %c0_i32_0 : i32, i32
  }
  func.func @transform_12(%arg0: i32) -> (i32, i32) {
    %c0_i32 = arith.constant 0 : i32
    %c0_i32_0 = arith.constant 0 : i32
    %c0_i32_1 = arith.constant 0 : i32
    return %c0_i32, %c0_i32_0 : i32, i32
  }
  func.func @transform_13(%arg0: i32) -> (i32, i32) {
    %c0_i32 = arith.constant 0 : i32
    %c0_i32_0 = arith.constant 0 : i32
    %c0_i32_1 = arith.constant 0 : i32
    return %c0_i32, %c0_i32_0 : i32, i32
  }
  func.func @transform_14(%arg0: i32) -> (i32, i32) {
    %c0_i32 = arith.constant 0 : i32
    %c0_i32_0 = arith.constant 0 : i32
    %c0_i32_1 = arith.constant 0 : i32
    return %c0_i32, %c0_i32_0 : i32, i32
  }
  func.func @transform_15(%arg0: i32) -> (i32, i32) {
    %c0_i32 = arith.constant 0 : i32
    %c0_i32_0 = arith.constant 0 : i32
    %c0_i32_1 = arith.constant 0 : i32
    return %c0_i32, %c0_i32_0 : i32, i32
  }
  func.func @transform_16(%arg0: i32) -> (i32, i32) {
    %c0_i32 = arith.constant 0 : i32
    %c0_i32_0 = arith.constant 0 : i32
    %c0_i32_1 = arith.constant 0 : i32
    return %c0_i32, %c0_i32_0 : i32, i32
  }
  func.func @transform_17(%arg0: i32) -> (i32, i32) {
    %c0_i32 = arith.constant 0 : i32
    %c0_i32_0 = arith.constant 0 : i32
    return %arg0, %c0_i32 : i32, i32
  }
  func.func @transform_18(%arg0: i32) -> (i32, i32) {
    %c0_i32 = arith.constant 0 : i32
    %c0_i32_0 = arith.constant 0 : i32
    return %arg0, %c0_i32 : i32, i32
  }
}

</mosaic_0001>

<sc_bundles>
// kernel: kernel.10.cloned.1.call-start
scs
__scs_entry_jumppad:
0x0: {  	(pc) =	sbr.rel $0x88, $3  }
0x1: {  	(tag) =	ssettag $0x0;
	lr =	simm.s32 $0x1  }
0x2: {  	[smem:$0x3F72] =	sst lr;
	_ =	strace $0xD0000000  }
0x3: {  	_ = 	snop  }
0x4: {  	_ = 	snop  }
0x5: {  	_ = 	snop  }
0x6: {  	_ = 	snop  }
0x7: {  	_ = 	snop  }
__scs_overlays_trampoline_lowered:
0x8: {  	[smem:$0x3F81] =	sst s0  }
0x9: {  	[smem:$0x3F82] =	sst s1  }
0xa: {  	[smem:$0x3F83] =	sst s2  }
0xb: {  	[smem:$0x3F84] =	sst s3  }
0xc: {  	[smem:$0x3F85] =	sst s4  }
0xd: {  	[smem:$0x3F86] =	sst s5  }
0xe: {  	[smem:$0x3F87] =	sst s6  }
0xf: {  	[smem:$0x3F88] =	sst s7  }
0x10: {  	[smem:$0x3F89] =	sst s8  }
0x11: {  	[smem:$0x3F8A] =	sst s9;
	s0 =	simm.s32 @!p0 $0x0  }
0x12: {  	s1 =	sld [smem:$0x3F70];
	s0 =	simm.s32 @p0 $0x1  }
0x13: {  	[smem:$0x3F8B] =	sst s0;
	s0 =	simm.s32 @!p1 $0x0  }
0x14: {  	s2 =	sld [smem:$0x3F6F];
	s0 =	simm.s32 @p1 $0x1  }
0x15: {  	[smem:$0x3F8C] =	sst s0;
	s0 =	simm.s32 @!p2 $0x0  }
0x16: {  	s3 =	sld [smem:$0x3FDB];
	s0 =	simm.s32 @p2 $0x1  }
0x17: {  	s4 =	simm.s32 $0x1BF5;
	[smem:$0x3F8E] =	sst s0  }
0x18: {  	s0 =	sld [smem:$0x3F71];
	_ =	swait.ge [sflag:s4], $0x0  }
0x19: {  	s7 =	sld [smem:$0x3F72]  }
0x1a: {  	s8 =	sadd.s32 $0xFFFFE003, lr  }
0x1b: {  	s9 =	sadd.s32 $0xFFFFFEF7, lr;
	s5 =	simm.s32 $0xFFFFFFFF;
	p2 =	slt.u32 s8, $0xFFFFF086  }
0x1c: {  	p1 =	slt.u32 s9, $0xF7A;
	s5 =	simm.s32 @!p2 $0x0  }
0x1d: {  	s5 =	simm.s32 @p1 $0x1;
	p0 =	seq.s32 s7, s2  }
0x1e: {  	s7 =	smul.u32 @!p0 $0xF7A, s2;
	p2 =	seq.s32 @!p0 s5, $0x0  }
0x1f: {  	s9 =	smul.u32 $0xF7A, s1;
	s8 =	simm.s32 @!p0 $0x1BF5;
	p2 =	por !p2, p0  }
0x20: {  	[sflag:s8] =	ssyncset.s32 @!p0 $0xFFFFF086;
	s6 =	sadd.s32 @!p0 s3, s7;
	s7 =	simm.s32 @!p0 $0x108  }
0x21: {  	s3 =	sadd.s32 s3, s9;
	s6 =	sadd.s32 @!p0 $0x88, s6;
	s7 =	simm.s32 @p2 $0x1082  }
0x22: {  	[simem:s7], [sflag:s8] =	dma.local @!p0 [hbm:s6], $0xF7A  }
0x23: {  	s9 =	sor.u32 $0xD0000000, s2;
	s6 =	simm.s32 $0x108;
	_ =	swait.ge @!p0 [sflag:s8], $0x0  }
0x24: {  	s3 =	sadd.s32 $0x88, s3;
	s6 =	simm.s32 @!p1 $0x1082;
	[sflag:s4] =	ssyncset.s32 $0xFFFFF086  }
0x25: {  	[simem:s6], [sflag:s4] =	dma.local [hbm:s3], $0xF7A  }
0x26: {  	[smem:$0x3F72] =	sst s1;
	(tag) =	ssettag s2;
	_ =	strace s9  }
0x27: {  	s1 =	sld [smem:$0x3F82]  }
0x28: {  	s2 =	sld [smem:$0x3F83]  }
0x29: {  	s4 =	sld [smem:$0x3F85]  }
0x2a: {  	p0 =	seq.s32 s5, $0x0;
	s5 =	sld [smem:$0x3F86]  }
0x2b: {  	s6 =	sld [smem:$0x3F87]  }
0x2c: {  	s7 =	sld [smem:$0x3F88]  }
0x2d: {  	s3 =	simm.s32 $0x108;
	s8 =	sld [smem:$0x3F89]  }
0x2e: {  	s3 =	simm.s32 @!p0 $0x1082;
	s9 =	sld [smem:$0x3F8A]  }
0x2f: {  	lr =	sadd.s32 s0, s3;
	s0 =	sld [smem:$0x3F81]  }
0x30: {  	s3 =	sld [smem:$0x3F84]  }
0x31: {  	[smem:$0x3F8D] =	sst s10  }
0x32: {  	s10 =	sld [smem:$0x3F8B];
	_ =	sdelay $0x3  }
0x33: {  	p0 =	seq.s32 s10, $0x1;
	s10 =	sld [smem:$0x3F8D];
	_ =	sdelay $0x3  }
0x34: {  	[smem:$0x3F8D] =	sst s10  }
0x35: {  	s10 =	sld [smem:$0x3F8C];
	_ =	sdelay $0x3  }
0x36: {  	p1 =	seq.s32 s10, $0x1;
	s10 =	sld [smem:$0x3F8D];
	_ =	sdelay $0x3  }
0x37: {  	[smem:$0x3F8D] =	sst s10  }
0x38: {  	s10 =	sld [smem:$0x3F8E]  }
0x39: {  	_ = 	snop;
	(pc) =	sbr.ind lr, $3  }
0x3a: {  	_ = 	snop  }
0x3b: {  	_ = 	snop  }
0x3c: {  	p2 =	seq.s32 s10, $0x1;
	s10 =	sld [smem:$0x3F8D]  }
0x3d: {  	_ =	shalt  }
0x3e: {  	_ =	shalt  }
0x3f: {  	_ =	shalt  }
0x40: {  	_ =	shalt  }
0x41: {  	_ =	shalt  }
0x42: {  	_ =	shalt  }
0x43: {  	_ =	shalt  }
0x44: {  	_ =	shalt  }
0x45: {  	_ =	shalt  }
0x46: {  	_ =	shalt  }
0x47: {  	_ =	shalt  }
0x48: {  	_ =	shalt  }
0x49: {  	_ =	shalt  }
0x4a: {  	_ =	shalt  }
0x4b: {  	_ =	shalt  }
0x4c: {  	_ =	shalt  }
0x4d: {  	_ =	shalt  }
0x4e: {  	_ =	shalt  }
0x4f: {  	_ =	shalt  }
0x50: {  	_ =	shalt  }
0x51: {  	_ =	shalt  }
0x52: {  	_ =	shalt  }
0x53: {  	_ =	shalt  }
0x54: {  	_ =	shalt  }
0x55: {  	_ =	shalt  }
0x56: {  	_ =	shalt  }
0x57: {  	_ =	shalt  }
0x58: {  	_ =	shalt  }
0x59: {  	_ =	shalt  }
0x5a: {  	_ =	shalt  }
0x5b: {  	_ =	shalt  }
0x5c: {  	_ =	shalt  }
0x5d: {  	_ =	shalt  }
0x5e: {  	_ =	shalt  }
0x5f: {  	_ =	shalt  }
0x60: {  	_ =	shalt  }
0x61: {  	_ =	shalt  }
0x62: {  	_ =	shalt  }
0x63: {  	_ =	shalt  }
0x64: {  	_ =	shalt  }
0x65: {  	_ =	shalt  }
0x66: {  	_ =	shalt  }
0x67: {  	_ =	shalt  }
0x68: {  	_ =	shalt  }
0x69: {  	_ =	shalt  }
0x6a: {  	_ =	shalt  }
0x6b: {  	_ =	shalt  }
0x6c: {  	_ =	shalt  }
0x6d: {  	_ =	shalt  }
0x6e: {  	_ =	shalt  }
0x6f: {  	_ =	shalt  }
0x70: {  	_ =	shalt  }
0x71: {  	_ =	shalt  }
0x72: {  	_ =	shalt  }
0x73: {  	_ =	shalt  }
0x74: {  	_ =	shalt  }
0x75: {  	_ =	shalt  }
0x76: {  	_ =	shalt  }
0x77: {  	_ =	shalt  }
0x78: {  	_ =	shalt  }
0x79: {  	_ =	shalt  }
0x7a: {  	_ =	shalt  }
0x7b: {  	_ =	shalt  }
0x7c: {  	_ =	shalt  }
0x7d: {  	_ =	shalt  }
0x7e: {  	_ =	shalt  }
0x7f: {  	_ =	shalt  }
0x80: {  	_ =	shalt  }
0x81: {  	_ =	shalt  }
0x82: {  	_ =	shalt  }
0x83: {  	_ =	shalt  }
0x84: {  	_ =	shalt  }
0x85: {  	_ =	shalt  }
0x86: {  	_ =	shalt  }
0x87: {  	_ =	shalt  }
.Lfunc_end0:
.L_simem_size_0:
called_computation.1_lowered:
.L_overlay_start_0:
0x88: {  	s2 =	sld [smem:$0x3FD9]  }
0x89: {  	s3 =	sld [smem:$0x3FFE];
	_ =	sdelay $0x1  }
0x8a: {  	s1 =	srdreg.scid  }
0x8b: {  	s0 =	sand.u32 $0x1, s1  }
0x8c: {  	s14 =	sshll.u32 s0, $0xA;
	s2 =	sadd.s32 s3, s2  }
0x8d: {  	s2 =	sadd.s32 s2, s14  }
0x8e: {  	[smem:$0x3F99] =	sst s2  }
0x8f: {  	_ = 	snop  }
0x90: {  	s2 =	sld [smem:$0x3FD0];
	_ =	sdelay $0x2  }
0x91: {  	s15 =	simm.s32 $0xB;
	s4 =	simm.s32 $0x10  }
0x92: {  	[smem:s4], [sflag:s15] =	dma.local [hbm:s2], $0x1  }
0x93: {  	_ =	swait.eq [sflag:s15], $0x1  }
0x94: {  	[sflag:s15] =	ssyncset.done $0x0  }
0x95: {  	[sflag:s15] =	ssyncadd.s32 $0xFFFFFFFF  }
0x96: {  	s16 =	sld [smem:$0x11];
	(tm) =	ssettm $0x1  }
0x97: {  	s17 =	sld [smem:$0x3FFB];
	_ =	sdelay $0x3  }
0x98: {  	_ =	strace s17  }
0x99: {  	s3 =	sld [smem:$0x3FFC];
	_ =	sdelay $0x3  }
0x9a: {  	_ =	strace s3  }
0x9b: {  	s3 =	sld [smem:$0x3FFD];
	_ =	sdelay $0x3  }
0x9c: {  	_ =	strace s3  }
0x9d: {  	_ =	strace $0x8FFFFFFF  }
0x9e: {  	s18 =	sld [smem:$0x3FDB];
	_ =	sdelay $0x1  }
0x9f: {  	s19 =	simm.s32 $_scs_section_size  }
0xa0: {  	s5 =	simm.s32 $_size__tile_overlayer_lowered;
	s6 =	simm.s32 $_tile_overlayer_lowered  }
0xa1: {  	s22 =	simm.s32 $0x1BFF;
	s21 =	sshll.u32 s6, $0x1;
	s3 =	sadd.s32 s19, s18  }
0xa2: {  	s7 =	simm.s32 $0x0;
	s20 =	sshll.u32 s5, $0x1;
	s5 =	sadd.s32 s21, s3  }
0xa3: {  	[timem:s7], [sflag:s22] =	dma.local [hbm:s5], s20  }
0xa4: {  	_ =	swait.ge [sflag:s22], s20  }
0xa5: {  	s4 =	ssub.s32 $0x0, s20;
	[sflag:s22] =	ssyncset.done $0x0  }
0xa6: {  	[sflag:s22] =	ssyncadd.s32 s4;
	_ =	sdelay $0x1  }
0xa7: {  	s23 =	simm.s32 $0x1B8B  }
0xa8: {  	_ =	swait.ge [sflag:s23], $0x1  }
0xa9: {  	[sflag:s23] =	ssyncset.done $0x0  }
0xaa: {  	s25 =	simm.s32 $0x1B8E;
	s24 =	sld [smem:$0x3FFE];
	[sflag:s23] =	ssyncadd.s32 $0xFFFFFFFF  }
0xab: {  	s26 =	simm.s32 $execute0_lowered;
	[smem:$0x3FD2] =	sst s25  }
0xac: {  	s5 =	sshll.u32 s26, $0x1;
	_ =	strace $0x80000046;
	[dreg:$0x1] =	wrdreg $0xFFFFFFFF  }
0xad: {  	s28 =	simm.s32 $_size_execute0_lowered;
	s3 =	sadd.s32 s3, s5;
	[dreg:$0x0] =	wrdreg $0x0  }
0xae: {  	s5 =	sshll.u32 s28, $0x1;
	[dreg:$0x2] =	wrdreg s3  }
0xaf: {  	[dreg:$0x3] =	wrdreg s5  }
0xb0: {  	[dreg:$0x4] =	wrdreg $0xC0  }
0xb1: {  	_ =	task [dreg:s7], $0x5FFFF  }
0xb2: {  	[dreg:$0x1] =	wrdreg $0xFFFFFFFF  }
0xb3: {  	[dreg:$0x0] =	wrdreg $0x60  }
0xb4: {  	[dreg:$0x2] =	wrdreg s16  }
0xb5: {  	[dreg:$0x3] =	wrdreg s24  }
0xb6: {  	[dreg:$0x4] =	wrdreg $0x5C000  }
0xb7: {  	[dreg:$0x5] =	wrdreg $0xA  }
0xb8: {  	_ =	task.clear_ibuf [dreg:s7], $0x6FFFF;
	_ =	strace $0x90000046  }
0xb9: {  	s29 =	simm.s32 $0xA;
	_ =	strace $0x80000048  }
0xba: {  	_ =	swait.ge [sflag:s29], $0x1  }
0xbb: {  	[sflag:s29] =	ssyncadd.s32 $0xFFFFFFFF  }
0xbc: {  	_ =	strace $0x90000048  }
0xbd: {  	_ =	sfence  }
0xbe: {  	s30 =	sld [smem:$0x0];
	_ =	sdelay $0x2  }
0xbf: {  	s31 =	sshll.u32 s1, $0xD;
	s1 =	sshrl.u32 s1, $0x2  }
0xc0: {  	s3 =	sand.u32 $0x4000, s31;
	s1 =	sadd.s32 s1, s30  }
0xc1: {  	s0 =	sor.u32 s3, s0;
	s1 =	sshll.u32 s1, $0x11  }
0xc2: {  	s0 =	sor.u32 s1, s0  }
0xc3: {  	s0 =	sadd.s32 $0x8F2B, s0  }
0xc4: {  	[sflag:s0] =	ssyncadd.remote.s32 $0x1  }
0xc5: {  	_ =	sfence.sel $0xFFFF  }
0xc6: {  	[dreg:$0x0] =	wrdreg $0xFFFFFFFF;
	(pc) =	sbr.abs _section_cstart, $3  }
0xc7: {  	[dreg:$0x1] =	wrdreg $0xFFFFFFFF  }
0xc8: {  	_ =	task.clear_ibuf [dreg:s7], $0x2FFFF;
	_ =	strace $0x9FFFFFFF  }
0xc9: {  	(tm) =	ssettm $0x7FFFFFFF  }
tec
execute0_lowered:
.L_overlay_start_1:
0x0: {  	(tag) =	ssettag $0x1  }
0x1: {  	s1 =	rddreg [dreg:$0x0]  }
0x2: {  	s0 =	rddreg [dreg:$0x1]  }
0x3: {  	s2 =	rddreg [dreg:$0x2];
	s3 =	srdreg.scid  }
0x4: {  	s4 =	simm.s32 $0x0;
	s11 =	stileid.u32;
	s28 =	simm.s32 $0x50  }
0x5: {  	s29 =	simm.s32 $0x80;
	s30 =	simm.s32 $0x180;
	s8 =	smul.u32 $0x13C00, s11  }
0x6: {  	s3 =	sand.u32 $0x1, s3;
	s9 =	smul.u32 $0x4F000, s11;
	s11 =	sshll.u32 s11, $0x1  }
0x7: {  	s7 =	smul.u32 $0x13C000, s3;
	s10 =	ssub.s32 $0x2, s3;
	s3 =	sor.u32 s3, s11  }
0x8: {  	[smem:$0x7FF] =	sst s4;
	s5 =	sadd.s32 $0xCA00, s0;
	s21 =	smul.u32 $0x7D0, s3  }
0x9: {  	s6 =	sadd.s32 $0x1C400, s0;
	_ =	strace $0x80000047;
	s24 =	smul.u32 $0x4E20, s3  }
0xa: {  	s9 =	sshrl.u32 s9, $0x2;
	s8 =	sadd.s32 s8, s7;
	s7 =	sadd.s32 $0x50DE00, s0  }
0xb: {  	s8 =	sshrl.u32 s8, $0x3;
	s25 =	sadd.s32 s5, s21;
	s26 =	sadd.s32 s7, s24  }
0xc: {  	s0 =	sadd.s32 s8, s0;
	s8 =	sadd.s32 s9, s2;
	[dreg:$0xb] =	wrdreg s25  }
0xd: {  	s31 =	simm.s32 $0x700;
	[dreg:$0xd] =	wrdreg s26;
	s9 =	sadd.s32 $0x2800, s8  }
0xe: {  	s11 =	simm.s32 $0x4;
	s18 =	sadd.s32 $0x5000, s8;
	[dreg:$0x4] =	wrdreg s9  }
0xf: {  	s17 =	sshrl.u32 s10, $0x1;
	s19 =	sadd.s32 $0x7800, s8;
	[dreg:$0x5] =	wrdreg s18  }
0x10: {  	s16 =	smul.u32 $0x7D, s3;
	s20 =	sadd.s32 $0xA000, s8;
	[dreg:$0x6] =	wrdreg s19  }
0x11: {  	s10 =	ssub.s32 s10, s17;
	s22 =	sadd.s32 $0xC800, s8;
	[dreg:$0x7] =	wrdreg s20  }
0x12: {  	s24 =	simm.s32 $0x5;
	s23 =	sadd.s32 $0xF000, s8;
	[dreg:$0x8] =	wrdreg s22  }
0x13: {  	s25 =	simm.s32 $0x100;
	s12 =	sadd.s32 $0x11800, s8;
	[dreg:$0x9] =	wrdreg s23  }
0x14: {  	s26 =	simm.s32 $0x200;
	[dreg:$0xa] =	wrdreg s12;
	s9 =	sadd.s32 s6, s21  }
0x15: {  	s20 =	smul.u32 $0x2710, s3;
	s21 =	sadd.s32 $0x2BE00, s0;
	s22 =	smax.u32 s10, $0x1  }
0x16: {  	s23 =	simm.s32 $0xC00;
	s0 =	simm.s32 $0x3400;
	s3 =	simm.s32 $0x1  }
0x17: {  	v0 =	vimm.f32 $0.0e+00;
	s10 =	simm.s32 $0x2;
	[dreg:$0xc] =	wrdreg s9;
	s9 =	simm.s32 $0x3  }
.LBB2_1:
0x18: {  	s12 =	simm.s32 $0x0;
	s13 =	simm.s32 $0x200  }
.LBB2_2:
0x19: {  	p0 =	sne.s32 s13, $0x9E00;
	[tilespmem:s12+$0xC70] =	vst v0  }
0x1a: {  	[tilespmem:s12+$0xC00] =	vst v0  }
0x1b: {  	[tilespmem:s12+$0xC10] =	vst v0  }
.Ltmp0:
0x1c: {  	[tilespmem:s12+$0xC20] =	vst v0;
	(pc) =	sbr.rel @p0 .LBB2_2-.Ltmp0, $4  }
0x1d: {  	[tilespmem:s12+$0xC30] =	vst v0  }
0x1e: {  	[tilespmem:s12+$0xC40] =	vst v0  }
0x1f: {  	[tilespmem:s12+$0xC50] =	vst v0  }
0x20: {  	[tilespmem:s12+$0xC60] =	vst v0;
	s12 =	sshra.s32 s13, $0x2;
	s13 =	sadd.s32 $0x200, s13  }
0x21: {  	[tilespmem:s12+$0xC70] =	vst v0  }
0x22: {  	[tilespmem:s12+$0xC00] =	vst v0  }
0x23: {  	[tilespmem:s12+$0xC10] =	vst v0  }
0x24: {  	[tilespmem:s12+$0xC20] =	vst v0  }
0x25: {  	[tilespmem:s12+$0xC30] =	vst v0  }
0x26: {  	[tilespmem:s12+$0xC40] =	vst v0  }
0x27: {  	[tilespmem:s12+$0xC50] =	vst v0  }
0x28: {  	[tilespmem:s12+$0xC60] =	vst v0  }
0x29: {  	[spmem:s8] =	stream.linear.scatter [tilespmem:s23], [sflag:$0x5], $0x2800, $0x38;
	[tilespmem:$0x19800] =	vst v63  }
0x2a: {  	_ =	swait.ge [sflag:s24], $0x2800  }
0x2b: {  	[sflag:s24] =	ssyncset.done $0x0  }
0x2c: {  	s17 =	rddreg [dreg:$0x4];
	[sflag:s24] =	ssyncadd.s32 $0xFFFFD800  }
0x2d: {  	[spmem:s17] =	stream.linear.scatter [tilespmem:s23], [sflag:$0x5], $0x2800, $0x38;
	[tilespmem:$0x19800] =	vst v63  }
0x2e: {  	_ =	swait.ge [sflag:s24], $0x2800  }
0x2f: {  	[sflag:s24] =	ssyncset.done $0x0  }
0x30: {  	s18 =	rddreg [dreg:$0x5];
	[sflag:s24] =	ssyncadd.s32 $0xFFFFD800  }
0x31: {  	[spmem:s18] =	stream.linear.scatter [tilespmem:s23], [sflag:$0x5], $0x2800, $0x38;
	[tilespmem:$0x19800] =	vst v63  }
0x32: {  	_ =	swait.ge [sflag:s24], $0x2800  }
0x33: {  	[sflag:s24] =	ssyncset.done $0x0  }
0x34: {  	s19 =	rddreg [dreg:$0x6];
	[sflag:s24] =	ssyncadd.s32 $0xFFFFD800  }
0x35: {  	[spmem:s19] =	stream.linear.scatter [tilespmem:s23], [sflag:$0x5], $0x2800, $0x38;
	[tilespmem:$0x19800] =	vst v63  }
0x36: {  	_ =	swait.ge [sflag:s24], $0x2800  }
0x37: {  	[sflag:s24] =	ssyncset.done $0x0  }
0x38: {  	s13 =	rddreg [dreg:$0x7];
	[sflag:s24] =	ssyncadd.s32 $0xFFFFD800  }
0x39: {  	[spmem:s13] =	stream.linear.scatter [tilespmem:s23], [sflag:$0x5], $0x2800, $0x38;
	[tilespmem:$0x19800] =	vst v63  }
0x3a: {  	_ =	swait.ge [sflag:s24], $0x2800  }
0x3b: {  	[sflag:s24] =	ssyncset.done $0x0  }
0x3c: {  	s14 =	rddreg [dreg:$0x8];
	[sflag:s24] =	ssyncadd.s32 $0xFFFFD800  }
0x3d: {  	[spmem:s14] =	stream.linear.scatter [tilespmem:s23], [sflag:$0x5], $0x2800, $0x38;
	[tilespmem:$0x19800] =	vst v63  }
0x3e: {  	_ =	swait.ge [sflag:s24], $0x2800  }
0x3f: {  	[sflag:s24] =	ssyncset.done $0x0  }
0x40: {  	s15 =	rddreg [dreg:$0x9];
	[sflag:s24] =	ssyncadd.s32 $0xFFFFD800  }
0x41: {  	[spmem:s15] =	stream.linear.scatter [tilespmem:s23], [sflag:$0x5], $0x2800, $0x38;
	[tilespmem:$0x19800] =	vst v63  }
0x42: {  	_ =	swait.ge [sflag:s24], $0x2800  }
0x43: {  	[sflag:s24] =	ssyncset.done $0x0  }
0x44: {  	s17 =	rddreg [dreg:$0xa];
	[sflag:s24] =	ssyncadd.s32 $0xFFFFD800  }
0x45: {  	[spmem:s17] =	stream.linear.scatter [tilespmem:s23], [sflag:$0x5], $0x2400, $0x38;
	[tilespmem:$0x19800] =	vst v63  }
0x46: {  	_ =	swait.ge [sflag:s24], $0x2400  }
0x47: {  	[sflag:s24] =	ssyncset.done $0x0  }
0x48: {  	[sflag:s24] =	ssyncadd.s32 $0xFFFFDC00  }
0x49: {  	[bflag:$0x0] =	sbarrier.arrive $0xFFFF  }
0x4a: {  	s12 =	simm.s32 $0x0;
	s13 =	rddreg [dreg:$0xb]  }
0x4b: {  	[tilespmem:s12], [sflag:$0x5] =	stream.linear.gather [hbm4b:s13+s12], $0x80, $0x38;
	[tilespmem:$0x19800] =	vst v63  }
0x4c: {  	_ =	swait.ge [sflag:s24], $0x80  }
0x4d: {  	[sflag:s24] =	ssyncset.done $0x0  }
0x4e: {  	s18 =	rddreg [dreg:$0xc];
	[sflag:s24] =	ssyncadd.s32 $0xFFFFFF80  }
0x4f: {  	[tilespmem:s25], [sflag:$0x5] =	stream.linear.gather [hbm4b:s18+s12], $0x80, $0x38;
	[tilespmem:$0x19800] =	vst v63  }
0x50: {  	_ =	swait.ge [sflag:s24], $0x80  }
0x51: {  	[sflag:s24] =	ssyncset.done $0x0  }
0x52: {  	s19 =	rddreg [dreg:$0xd];
	[sflag:s24] =	ssyncadd.s32 $0xFFFFFF80  }
0x53: {  	[tilespmem:s26], [sflag:$0x5] =	stream.linear.gather [hbm4b:s19+s12], $0x500, $0x38;
	[tilespmem:$0x19800] =	vst v63  }
0x54: {  	_ =	swait.ge [sflag:s24], $0x500  }
0x55: {  	[sflag:s24] =	ssyncset.done $0x0  }
0x56: {  	s13 =	simm.s32 $0x0;
	[sflag:s24] =	ssyncadd.s32 $0xFFFFFB00  }
0x57: {  	[tilespmem:s23], [sflag:$0x1] =	stream.indirect.gather [hbm4b:s1+s28], $0x80, s12, s28, $0xb8;
	[tilespmem:$0x19800] =	vst v63  }
.LBB2_4:
0x58: {  	s14 =	sshll.u32 s13, $0x1  }
0x59: {  	p0 =	seq.s32 s13, $0x0;
	s15 =	sor.u32 $0x1, s14  }
0x5a: {  	s17 =	simm.s32 @!p0 $0x4;
	s18 =	sadd.s32 s16, s15  }
0x5b: {  	_ =	swait.ge @!p0 [sflag:s17], $0x2800;
	s18 =	sshll.u32 s18, $0x4  }
0x5c: {  	[sflag:s17] =	ssyncset.done @!p0 $0x0;
	s18 =	sand.u32 $0x1FFFFFF0, s18  }
0x5d: {  	[sflag:s17] =	ssyncadd.s32 @!p0 $0xFFFFD800;
	s19 =	sadd.s32 s5, s18  }
0x5e: {  	[tilespmem:s29], [sflag:$0x5] =	stream.linear.gather [hbm4b:s19+s12], $0x80, $0x38;
	[tilespmem:$0x19800] =	vst v63  }
0x5f: {  	s15 =	smul.u32 $0x50, s15;
	_ =	swait.ge [sflag:s24], $0x80  }
0x60: {  	[sflag:s24] =	ssyncset.done $0x0  }
0x61: {  	s15 =	sadd.s32 s20, s15;
	s18 =	sadd.s32 s6, s18;
	[sflag:s24] =	ssyncadd.s32 $0xFFFFFF80  }
0x62: {  	[tilespmem:s30], [sflag:$0x5] =	stream.linear.gather [hbm4b:s18+s12], $0x80, $0x38;
	[tilespmem:$0x19800] =	vst v63  }
0x63: {  	s15 =	sshll.u32 s15, $0x1;
	_ =	swait.ge [sflag:s24], $0x80  }
0x64: {  	s15 =	sand.u32 $0x1FFFFFE0, s15;
	[sflag:s24] =	ssyncset.done $0x0  }
0x65: {  	s15 =	sadd.s32 s7, s15;
	[sflag:s24] =	ssyncadd.s32 $0xFFFFFF80  }
0x66: {  	[tilespmem:s31], [sflag:$0x5] =	stream.linear.gather [hbm4b:s15+s12], $0x500, $0x38;
	[tilespmem:$0x19800] =	vst v63  }
0x67: {  	_ =	swait.ge [sflag:s24], $0x500  }
0x68: {  	[sflag:s24] =	ssyncset.done $0x0  }
0x69: {  	[sflag:s24] =	ssyncadd.s32 $0xFFFFFB00  }
0x6a: {  	[tilespmem:s0], [sflag:$0x2] =	stream.indirect.gather [hbm4b:s1+s28], $0x80, s29, s28, $0xb8;
	[tilespmem:$0x19800] =	vst v63  }
0x6b: {  	_ =	swait.ge [sflag:s3], $0x2800  }
0x6c: {  	[sflag:s3] =	ssyncset.done $0x0  }
0x6d: {  	s15 =	simm.s32 $0xC40;
	[sflag:s3] =	ssyncadd.s32 $0xFFFFD800  }
0x6e: {  	v5 =	vld [tilespmem:s15+$0x30]  }
0x6f: {  	v8 =	vld [tilespmem:s15+$0x10]  }
0x70: {  	s19 =	simm.s32 $0x0;
	v6 =	vld [tilespmem:s15+$0xFFFFFFC0]  }
0x71: {  	v2 =	vld [tilespmem:s19+$0x200]  }
0x72: {  	v10 =	vld [tilespmem:s15+$0xFFFFFFE0]  }
0x73: {  	v1 =	vld [tilespmem:s15+$0xFFFFFFF0]  }
0x74: {  	v3 =	vld [tilespmem:s15+$0x20]  }
0x75: {  	v4 =	vld [tilespmem:s15+$0xFFFFFFD0]  }
0x76: {  	v9 =	vmul.f32 v5, v2;
	v5 =	vld [tilespmem:s15+$0x0]  }
0x77: {  	v7 =	vmul.f32 v6, v2  }
0x78: {  	s17 =	simm.s32 $0x40;
	s18 =	simm.s32 $0xC40;
	v6 =	vmul.f32 v10, v2;
	v8 =	vmul.f32 v8, v2  }
.LBB2_5:
0x79: {  	p0 =	sne.s32 s17, $0x13C0  }
0x7a: {  	v4 =	vmul.f32 v4, v2;
	v3 =	vmul.f32 v3, v2;
	[tilespmem:s15+$0x30] =	vst v9;
	s18 =	sadd.s32 $0x80, s18;
	s19 =	smov.u32 s17;
	s17 =	sadd.s32 $0x40, s17  }
0x7b: {  	[tilespmem:s15+$0xFFFFFFC0] =	vst v7;
	v7 =	vmul.f32 v1, v2;
	v2 =	vmul.f32 v5, v2  }
0x7c: {  	[tilespmem:s15+$0x10] =	vst v8  }
0x7d: {  	v1 =	vld [tilespmem:s18+$0xFFFFFFF0];
	[tilespmem:s15+$0xFFFFFFE0] =	vst v6  }
0x7e: {  	v6 =	vld [tilespmem:s18+$0x30];
	[tilespmem:s15+$0xFFFFFFF0] =	vst v7  }
0x7f: {  	v8 =	vld [tilespmem:s18+$0x10];
	[tilespmem:s15+$0x0] =	vst v2  }
0x80: {  	v7 =	vld [tilespmem:s18+$0xFFFFFFC0];
	[tilespmem:s15+$0x20] =	vst v3  }
0x81: {  	s19 =	sshra.s32 s19, $0x2;
	v10 =	vld [tilespmem:s18+$0xFFFFFFE0];
	[tilespmem:s15+$0xFFFFFFD0] =	vst v4;
	s15 =	smov.u32 s18  }
0x82: {  	v2 =	vld [tilespmem:s19+$0x200]  }
0x83: {  	v3 =	vld [tilespmem:s18+$0x20]  }
.Ltmp1:
0x84: {  	v4 =	vld [tilespmem:s18+$0xFFFFFFD0];
	(pc) =	sbr.rel @p0 .LBB2_5-.Ltmp1, $3  }
0x85: {  	v5 =	vld [tilespmem:s18+$0x0];
	_ =	sdelay $0x1  }
0x86: {  	v7 =	vmul.f32 v7, v2;
	v9 =	vmul.f32 v6, v2  }
0x87: {  	v6 =	vmul.f32 v10, v2;
	v8 =	vmul.f32 v8, v2  }
0x88: {  	[tilespmem:s15+$0x30] =	vst v9  }
0x89: {  	[tilespmem:s15+$0xFFFFFFC0] =	vst v7  }
0x8a: {  	v1 =	vmul.f32 v1, v2;
	[tilespmem:s15+$0x10] =	vst v8  }
0x8b: {  	v3 =	vmul.f32 v3, v2;
	[tilespmem:s15+$0xFFFFFFE0] =	vst v6  }
0x8c: {  	v5 =	vmul.f32 v5, v2;
	[tilespmem:s15+$0xFFFFFFF0] =	vst v1  }
0x8d: {  	v1 =	vmul.f32 v4, v2;
	[tilespmem:s15+$0x20] =	vst v3  }
0x8e: {  	s14 =	sadd.s32 $0x2, s14;
	[tilespmem:s15+$0x0] =	vst v5  }
0x8f: {  	s18 =	sadd.s32 s16, s14;
	[tilespmem:s15+$0xFFFFFFD0] =	vst v1  }
0x90: {  	[spmem:s2] =	stream.indirect.scatter.add.f32 [tilespmem:s23], [sflag:$0x3], $0x80, s25, s28, $0xb8;
	[tilespmem:$0x19800] =	vst v63  }
0x91: {  	s15 =	sshll.u32 s18, $0x4;
	_ =	swait.ge [sflag:s9], $0x2800  }
0x92: {  	s15 =	sand.u32 $0x1FFFFFF0, s15;
	[sflag:s9] =	ssyncset.done $0x0  }
0x93: {  	s18 =	simm.s32 $0x0;
	s17 =	sadd.s32 s5, s15;
	[sflag:s9] =	ssyncadd.s32 $0xFFFFD800  }
0x94: {  	[tilespmem:s18], [sflag:$0x5] =	stream.linear.gather [hbm4b:s17+s18], $0x80, $0x38;
	[tilespmem:$0x19800] =	vst v63  }
0x95: {  	s14 =	smul.u32 $0x50, s14;
	_ =	swait.ge [sflag:s24], $0x80  }
0x96: {  	[sflag:s24] =	ssyncset.done $0x0  }
0x97: {  	s14 =	sadd.s32 s20, s14;
	s15 =	sadd.s32 s6, s15;
	[sflag:s24] =	ssyncadd.s32 $0xFFFFFF80  }
0x98: {  	[tilespmem:s25], [sflag:$0x5] =	stream.linear.gather [hbm4b:s15+s18], $0x80, $0x38;
	[tilespmem:$0x19800] =	vst v63  }
0x99: {  	s14 =	sshll.u32 s14, $0x1;
	_ =	swait.ge [sflag:s24], $0x80  }
0x9a: {  	s14 =	sand.u32 $0x1FFFFFE0, s14;
	[sflag:s24] =	ssyncset.done $0x0  }
0x9b: {  	s14 =	sadd.s32 s7, s14;
	[sflag:s24] =	ssyncadd.s32 $0xFFFFFF80  }
0x9c: {  	[tilespmem:s26], [sflag:$0x5] =	stream.linear.gather [hbm4b:s14+s18], $0x500, $0x38;
	[tilespmem:$0x19800] =	vst v63  }
0x9d: {  	_ =	swait.ge [sflag:s24], $0x500  }
0x9e: {  	[sflag:s24] =	ssyncset.done $0x0  }
0x9f: {  	[sflag:s24] =	ssyncadd.s32 $0xFFFFFB00  }
0xa0: {  	[tilespmem:s23], [sflag:$0x1] =	stream.indirect.gather [hbm4b:s1+s28], $0x80, s18, s28, $0xb8;
	[tilespmem:$0x19800] =	vst v63  }
0xa1: {  	_ =	swait.ge [sflag:s10], $0x2800  }
0xa2: {  	[sflag:s10] =	ssyncset.done $0x0  }
0xa3: {  	s14 =	simm.s32 $0x3440;
	[sflag:s10] =	ssyncadd.s32 $0xFFFFD800  }
0xa4: {  	v5 =	vld [tilespmem:s14+$0x30]  }
0xa5: {  	v8 =	vld [tilespmem:s14+$0x10]  }
0xa6: {  	s19 =	simm.s32 $0x0;
	v6 =	vld [tilespmem:s14+$0xFFFFFFC0]  }
0xa7: {  	v2 =	vld [tilespmem:s19+$0x700]  }
0xa8: {  	v10 =	vld [tilespmem:s14+$0xFFFFFFE0]  }
0xa9: {  	v1 =	vld [tilespmem:s14+$0xFFFFFFF0]  }
0xaa: {  	v3 =	vld [tilespmem:s14+$0x20]  }
0xab: {  	v4 =	vld [tilespmem:s14+$0xFFFFFFD0]  }
0xac: {  	v9 =	vmul.f32 v5, v2;
	v5 =	vld [tilespmem:s14+$0x0]  }
0xad: {  	v7 =	vmul.f32 v6, v2  }
0xae: {  	s17 =	simm.s32 $0x3440;
	s15 =	simm.s32 $0x40;
	v6 =	vmul.f32 v10, v2;
	v8 =	vmul.f32 v8, v2  }
.LBB2_7:
0xaf: {  	p0 =	sne.s32 s15, $0x13C0  }
0xb0: {  	v4 =	vmul.f32 v4, v2;
	v3 =	vmul.f32 v3, v2;
	[tilespmem:s14+$0x30] =	vst v9;
	s17 =	sadd.s32 $0x80, s17;
	s18 =	smov.u32 s15;
	s15 =	sadd.s32 $0x40, s15  }
0xb1: {  	[tilespmem:s14+$0xFFFFFFC0] =	vst v7;
	v7 =	vmul.f32 v1, v2;
	v2 =	vmul.f32 v5, v2  }
0xb2: {  	[tilespmem:s14+$0x10] =	vst v8  }
0xb3: {  	v1 =	vld [tilespmem:s17+$0xFFFFFFF0];
	[tilespmem:s14+$0xFFFFFFE0] =	vst v6  }
0xb4: {  	v6 =	vld [tilespmem:s17+$0x30];
	[tilespmem:s14+$0xFFFFFFF0] =	vst v7  }
0xb5: {  	v8 =	vld [tilespmem:s17+$0x10];
	[tilespmem:s14+$0x0] =	vst v2  }
0xb6: {  	v7 =	vld [tilespmem:s17+$0xFFFFFFC0];
	[tilespmem:s14+$0x20] =	vst v3  }
0xb7: {  	s18 =	sshra.s32 s18, $0x2;
	v10 =	vld [tilespmem:s17+$0xFFFFFFE0];
	[tilespmem:s14+$0xFFFFFFD0] =	vst v4;
	s14 =	smov.u32 s17  }
0xb8: {  	v2 =	vld [tilespmem:s18+$0x700]  }
0xb9: {  	v3 =	vld [tilespmem:s17+$0x20]  }
.Ltmp2:
0xba: {  	v4 =	vld [tilespmem:s17+$0xFFFFFFD0];
	(pc) =	sbr.rel @p0 .LBB2_7-.Ltmp2, $3  }
0xbb: {  	v5 =	vld [tilespmem:s17+$0x0];
	_ =	sdelay $0x1  }
0xbc: {  	v7 =	vmul.f32 v7, v2;
	v9 =	vmul.f32 v6, v2  }
0xbd: {  	v6 =	vmul.f32 v10, v2;
	v8 =	vmul.f32 v8, v2  }
0xbe: {  	[tilespmem:s14+$0x30] =	vst v9  }
0xbf: {  	[tilespmem:s14+$0xFFFFFFC0] =	vst v7  }
0xc0: {  	v1 =	vmul.f32 v1, v2;
	s13 =	sadd.s32 $0x1, s13;
	[tilespmem:s14+$0x10] =	vst v8  }
0xc1: {  	v3 =	vmul.f32 v3, v2;
	[tilespmem:s14+$0xFFFFFFE0] =	vst v6;
	p0 =	sne.s32 s13, $0x3E  }
.Ltmp3:
0xc2: {  	v5 =	vmul.f32 v5, v2;
	[tilespmem:s14+$0xFFFFFFF0] =	vst v1;
	(pc) =	sbr.rel @p0 .LBB2_4-.Ltmp3, $4  }
0xc3: {  	v1 =	vmul.f32 v4, v2;
	[tilespmem:s14+$0x20] =	vst v3  }
0xc4: {  	[tilespmem:s14+$0x0] =	vst v5  }
0xc5: {  	[tilespmem:s14+$0xFFFFFFD0] =	vst v1  }
0xc6: {  	[spmem:s2] =	stream.indirect.scatter.add.f32 [tilespmem:s0], [sflag:$0x4], $0x80, s30, s28, $0xb8;
	[tilespmem:$0x19800] =	vst v63  }
0xc7: {  	_ =	swait.ge [sflag:s3], $0x2800  }
0xc8: {  	[sflag:s3] =	ssyncset.done $0x0  }
0xc9: {  	s12 =	simm.s32 $0xC40;
	[sflag:s3] =	ssyncadd.s32 $0xFFFFD800  }
0xca: {  	v5 =	vld [tilespmem:s12+$0x30]  }
0xcb: {  	v8 =	vld [tilespmem:s12+$0x10]  }
0xcc: {  	s13 =	simm.s32 $0x0;
	v6 =	vld [tilespmem:s12+$0xFFFFFFC0]  }
0xcd: {  	v2 =	vld [tilespmem:s13+$0x200]  }
0xce: {  	v10 =	vld [tilespmem:s12+$0xFFFFFFE0]  }
0xcf: {  	v1 =	vld [tilespmem:s12+$0xFFFFFFF0]  }
0xd0: {  	v3 =	vld [tilespmem:s12+$0x20]  }
0xd1: {  	v4 =	vld [tilespmem:s12+$0xFFFFFFD0]  }
0xd2: {  	v9 =	vmul.f32 v5, v2;
	v5 =	vld [tilespmem:s12+$0x0]  }
0xd3: {  	v7 =	vmul.f32 v6, v2  }
0xd4: {  	s14 =	simm.s32 $0xC40;
	s13 =	simm.s32 $0x40;
	v6 =	vmul.f32 v10, v2;
	v8 =	vmul.f32 v8, v2  }
.LBB2_10:
0xd5: {  	p0 =	sne.s32 s13, $0x13C0  }
0xd6: {  	v4 =	vmul.f32 v4, v2;
	v3 =	vmul.f32 v3, v2;
	[tilespmem:s12+$0x30] =	vst v9;
	s14 =	sadd.s32 $0x80, s14;
	s15 =	smov.u32 s13;
	s13 =	sadd.s32 $0x40, s13  }
0xd7: {  	[tilespmem:s12+$0xFFFFFFC0] =	vst v7;
	v7 =	vmul.f32 v1, v2;
	v2 =	vmul.f32 v5, v2  }
0xd8: {  	[tilespmem:s12+$0x10] =	vst v8  }
0xd9: {  	v1 =	vld [tilespmem:s14+$0xFFFFFFF0];
	[tilespmem:s12+$0xFFFFFFE0] =	vst v6  }
0xda: {  	v6 =	vld [tilespmem:s14+$0x30];
	[tilespmem:s12+$0xFFFFFFF0] =	vst v7  }
0xdb: {  	v8 =	vld [tilespmem:s14+$0x10];
	[tilespmem:s12+$0x0] =	vst v2  }
0xdc: {  	v7 =	vld [tilespmem:s14+$0xFFFFFFC0];
	[tilespmem:s12+$0x20] =	vst v3  }
0xdd: {  	s15 =	sshra.s32 s15, $0x2;
	v10 =	vld [tilespmem:s14+$0xFFFFFFE0];
	[tilespmem:s12+$0xFFFFFFD0] =	vst v4;
	s12 =	smov.u32 s14  }
0xde: {  	v2 =	vld [tilespmem:s15+$0x200]  }
0xdf: {  	v3 =	vld [tilespmem:s14+$0x20]  }
.Ltmp4:
0xe0: {  	v4 =	vld [tilespmem:s14+$0xFFFFFFD0];
	(pc) =	sbr.rel @p0 .LBB2_10-.Ltmp4, $3  }
0xe1: {  	v5 =	vld [tilespmem:s14+$0x0];
	_ =	sdelay $0x1  }
0xe2: {  	v7 =	vmul.f32 v7, v2;
	v9 =	vmul.f32 v6, v2  }
0xe3: {  	v6 =	vmul.f32 v10, v2;
	v8 =	vmul.f32 v8, v2  }
0xe4: {  	[tilespmem:s12+$0x30] =	vst v9  }
0xe5: {  	[tilespmem:s12+$0xFFFFFFC0] =	vst v7  }
0xe6: {  	v1 =	vmul.f32 v1, v2;
	[tilespmem:s12+$0x10] =	vst v8  }
0xe7: {  	v3 =	vmul.f32 v3, v2;
	[tilespmem:s12+$0xFFFFFFE0] =	vst v6  }
0xe8: {  	v5 =	vmul.f32 v5, v2;
	[tilespmem:s12+$0xFFFFFFF0] =	vst v1  }
0xe9: {  	v1 =	vmul.f32 v4, v2;
	[tilespmem:s12+$0x20] =	vst v3  }
0xea: {  	[tilespmem:s12+$0x0] =	vst v5  }
0xeb: {  	[tilespmem:s12+$0xFFFFFFD0] =	vst v1  }
0xec: {  	[spmem:s2] =	stream.indirect.scatter.add.f32 [tilespmem:s23], [sflag:$0x3], $0x80, s25, s28, $0xb8;
	[tilespmem:$0x19800] =	vst v63  }
0xed: {  	_ =	swait.ge [sflag:s9], $0x2800  }
0xee: {  	[sflag:s9] =	ssyncset.done $0x0  }
0xef: {  	[sflag:s9] =	ssyncadd.s32 $0xFFFFD800  }
0xf0: {  	s19 =	stileid.u32;
	_ =	swait.ge [sflag:s11], $0x2800  }
0xf1: {  	s13 =	sshrl.u32 s8, $0x3;
	s4 =	sadd.s32 $0x1, s4;
	[sflag:s11] =	ssyncset.done $0x0  }
0xf2: {  	p0 =	sne.s32 s4, s22;
	s12 =	sshll.u32 s19, $0x6;
	[sflag:s11] =	ssyncadd.s32 $0xFFFFD800  }
.Ltmp5:
0xf3: {  	s12 =	sor.u32 $0x1C05, s12;
	[bflag:$0x0] =	sbarrier.arrive $0xFFFF;
	(pc) =	sbr.rel @p0 .LBB2_1-.Ltmp5, $4  }
0xf4: {  	[hbm:s21], [sflag:s12] =	dma.local [spmem:s13], $0x2780  }
0xf5: {  	_ =	swait.ge [sflag:s24], $0x2780  }
0xf6: {  	[sflag:s24] =	ssyncset.done $0x0  }
0xf7: {  	[sflag:s24] =	ssyncadd.s32 $0xFFFFD880  }
0xf8: {  	_ =	sfence.sel $0x180000  }
0xf9: {  	[bflag:$0x0] =	sbarrier.arrive $0xFFFF  }
0xfa: {  	_ =	strace $0x90000047  }
0xfb: {  	s0 =	stileid.u32;
	[bflag:$0x2] =	sbarrier.arrive $0xFFFF  }
0xfc: {  	p0 =	sne.s32 s0, $0x0;
	s0 =	rddreg [dreg:$0x3]  }
0xfd: {  	s0 =	sadd.s32 @!p0 $0x100000, s0  }
0xfe: {  	[sflag:s0] =	ssyncadd.tile.s32 @!p0 $0x1;
	_ =	shalt  }
.Lfunc_end2:
_tile_overlayer_lowered:
.L_overlay_start_2:
0xff: {  	(tag) =	ssettag $0x2  }
0x100: {  	s0 =	rddreg [dreg:$0x0];
	s2 =	stileid.u32  }
0x101: {  	s1 =	rddreg [dreg:$0x1];
	p0 =	sne.s32 s2, $0x0  }
0x102: {  	s3 =	rddreg [dreg:$0x2];
	[bflag:$0x3] =	sbarrier.arrive $0xFFFF;
	s2 =	simm.s32 @!p0 $0x1C05  }
0x103: {  	[timem:s3], [sflag:s2] =	dma.local @!p0 [hbm:s0], s1  }
0x104: {  	s0 =	simm.s32 @!p0 $0x5  }
0x105: {  	_ =	swait.ge @!p0 [sflag:s0], s1  }
0x106: {  	s1 =	ssub.s32 @!p0 $0x0, s1;
	[sflag:s0] =	ssyncset.done @!p0 $0x0  }
0x107: {  	[sflag:s0] =	ssyncadd.s32 @!p0 s1  }
0x108: {  	[bflag:$0x3] =	sbarrier.arrive $0xFFFF  }
0x109: {  	_ =	shalt  }

// kernel: kernel.13.cloned.1.call-start
scs
__scs_entry_jumppad:
0x0: {  	(pc) =	sbr.rel $0x88, $3  }
0x1: {  	(tag) =	ssettag $0x0;
	lr =	simm.s32 $0x1  }
0x2: {  	[smem:$0x3F72] =	sst lr;
	_ =	strace $0xD0000000  }
0x3: {  	_ = 	snop  }
0x4: {  	_ = 	snop  }
0x5: {  	_ = 	snop  }
0x6: {  	_ = 	snop  }
0x7: {  	_ = 	snop  }
__scs_overlays_trampoline_lowered:
0x8: {  	[smem:$0x3F81] =	sst s0  }
0x9: {  	[smem:$0x3F82] =	sst s1  }
0xa: {  	[smem:$0x3F83] =	sst s2  }
0xb: {  	[smem:$0x3F84] =	sst s3  }
0xc: {  	[smem:$0x3F85] =	sst s4  }
0xd: {  	[smem:$0x3F86] =	sst s5  }
0xe: {  	[smem:$0x3F87] =	sst s6  }
0xf: {  	[smem:$0x3F88] =	sst s7  }
0x10: {  	[smem:$0x3F89] =	sst s8  }
0x11: {  	[smem:$0x3F8A] =	sst s9;
	s0 =	simm.s32 @!p0 $0x0  }
0x12: {  	s1 =	sld [smem:$0x3F70];
	s0 =	simm.s32 @p0 $0x1  }
0x13: {  	[smem:$0x3F8B] =	sst s0;
	s0 =	simm.s32 @!p1 $0x0  }
0x14: {  	s2 =	sld [smem:$0x3F6F];
	s0 =	simm.s32 @p1 $0x1  }
0x15: {  	[smem:$0x3F8C] =	sst s0;
	s0 =	simm.s32 @!p2 $0x0  }
0x16: {  	s3 =	sld [smem:$0x3FDB];
	s0 =	simm.s32 @p2 $0x1  }
0x17: {  	s4 =	simm.s32 $0x1BF5;
	[smem:$0x3F8E] =	sst s0  }
0x18: {  	s0 =	sld [smem:$0x3F71];
	_ =	swait.ge [sflag:s4], $0x0  }
0x19: {  	s7 =	sld [smem:$0x3F72]  }
0x1a: {  	s8 =	sadd.s32 $0xFFFFE003, lr  }
0x1b: {  	s9 =	sadd.s32 $0xFFFFFEF7, lr;
	s5 =	simm.s32 $0xFFFFFFFF;
	p2 =	slt.u32 s8, $0xFFFFF086  }
0x1c: {  	p1 =	slt.u32 s9, $0xF7A;
	s5 =	simm.s32 @!p2 $0x0  }
0x1d: {  	s5 =	simm.s32 @p1 $0x1;
	p0 =	seq.s32 s7, s2  }
0x1e: {  	s7 =	smul.u32 @!p0 $0xF7A, s2;
	p2 =	seq.s32 @!p0 s5, $0x0  }
0x1f: {  	s9 =	smul.u32 $0xF7A, s1;
	s8 =	simm.s32 @!p0 $0x1BF5;
	p2 =	por !p2, p0  }
0x20: {  	[sflag:s8] =	ssyncset.s32 @!p0 $0xFFFFF086;
	s6 =	sadd.s32 @!p0 s3, s7;
	s7 =	simm.s32 @!p0 $0x108  }
0x21: {  	s3 =	sadd.s32 s3, s9;
	s6 =	sadd.s32 @!p0 $0x88, s6;
	s7 =	simm.s32 @p2 $0x1082  }
0x22: {  	[simem:s7], [sflag:s8] =	dma.local @!p0 [hbm:s6], $0xF7A  }
0x23: {  	s9 =	sor.u32 $0xD0000000, s2;
	s6 =	simm.s32 $0x108;
	_ =	swait.ge @!p0 [sflag:s8], $0x0  }
0x24: {  	s3 =	sadd.s32 $0x88, s3;
	s6 =	simm.s32 @!p1 $0x1082;
	[sflag:s4] =	ssyncset.s32 $0xFFFFF086  }
0x25: {  	[simem:s6], [sflag:s4] =	dma.local [hbm:s3], $0xF7A  }
0x26: {  	[smem:$0x3F72] =	sst s1;
	(tag) =	ssettag s2;
	_ =	strace s9  }
0x27: {  	s1 =	sld [smem:$0x3F82]  }
0x28: {  	s2 =	sld [smem:$0x3F83]  }
0x29: {  	s4 =	sld [smem:$0x3F85]  }
0x2a: {  	p0 =	seq.s32 s5, $0x0;
	s5 =	sld [smem:$0x3F86]  }
0x2b: {  	s6 =	sld [smem:$0x3F87]  }
0x2c: {  	s7 =	sld [smem:$0x3F88]  }
0x2d: {  	s3 =	simm.s32 $0x108;
	s8 =	sld [smem:$0x3F89]  }
0x2e: {  	s3 =	simm.s32 @!p0 $0x1082;
	s9 =	sld [smem:$0x3F8A]  }
0x2f: {  	lr =	sadd.s32 s0, s3;
	s0 =	sld [smem:$0x3F81]  }
0x30: {  	s3 =	sld [smem:$0x3F84]  }
0x31: {  	[smem:$0x3F8D] =	sst s10  }
0x32: {  	s10 =	sld [smem:$0x3F8B];
	_ =	sdelay $0x3  }
0x33: {  	p0 =	seq.s32 s10, $0x1;
	s10 =	sld [smem:$0x3F8D];
	_ =	sdelay $0x3  }
0x34: {  	[smem:$0x3F8D] =	sst s10  }
0x35: {  	s10 =	sld [smem:$0x3F8C];
	_ =	sdelay $0x3  }
0x36: {  	p1 =	seq.s32 s10, $0x1;
	s10 =	sld [smem:$0x3F8D];
	_ =	sdelay $0x3  }
0x37: {  	[smem:$0x3F8D] =	sst s10  }
0x38: {  	s10 =	sld [smem:$0x3F8E]  }
0x39: {  	_ = 	snop;
	(pc) =	sbr.ind lr, $3  }
0x3a: {  	_ = 	snop  }
0x3b: {  	_ = 	snop  }
0x3c: {  	p2 =	seq.s32 s10, $0x1;
	s10 =	sld [smem:$0x3F8D]  }
0x3d: {  	_ =	shalt  }
0x3e: {  	_ =	shalt  }
0x3f: {  	_ =	shalt  }
0x40: {  	_ =	shalt  }
0x41: {  	_ =	shalt  }
0x42: {  	_ =	shalt  }
0x43: {  	_ =	shalt  }
0x44: {  	_ =	shalt  }
0x45: {  	_ =	shalt  }
0x46: {  	_ =	shalt  }
0x47: {  	_ =	shalt  }
0x48: {  	_ =	shalt  }
0x49: {  	_ =	shalt  }
0x4a: {  	_ =	shalt  }
0x4b: {  	_ =	shalt  }
0x4c: {  	_ =	shalt  }
0x4d: {  	_ =	shalt  }
0x4e: {  	_ =	shalt  }
0x4f: {  	_ =	shalt  }
0x50: {  	_ =	shalt  }
0x51: {  	_ =	shalt  }
0x52: {  	_ =	shalt  }
0x53: {  	_ =	shalt  }
0x54: {  	_ =	shalt  }
0x55: {  	_ =	shalt  }
0x56: {  	_ =	shalt  }
0x57: {  	_ =	shalt  }
0x58: {  	_ =	shalt  }
0x59: {  	_ =	shalt  }
0x5a: {  	_ =	shalt  }
0x5b: {  	_ =	shalt  }
0x5c: {  	_ =	shalt  }
0x5d: {  	_ =	shalt  }
0x5e: {  	_ =	shalt  }
0x5f: {  	_ =	shalt  }
0x60: {  	_ =	shalt  }
0x61: {  	_ =	shalt  }
0x62: {  	_ =	shalt  }
0x63: {  	_ =	shalt  }
0x64: {  	_ =	shalt  }
0x65: {  	_ =	shalt  }
0x66: {  	_ =	shalt  }
0x67: {  	_ =	shalt  }
0x68: {  	_ =	shalt  }
0x69: {  	_ =	shalt  }
0x6a: {  	_ =	shalt  }
0x6b: {  	_ =	shalt  }
0x6c: {  	_ =	shalt  }
0x6d: {  	_ =	shalt  }
0x6e: {  	_ =	shalt  }
0x6f: {  	_ =	shalt  }
0x70: {  	_ =	shalt  }
0x71: {  	_ =	shalt  }
0x72: {  	_ =	shalt  }
0x73: {  	_ =	shalt  }
0x74: {  	_ =	shalt  }
0x75: {  	_ =	shalt  }
0x76: {  	_ =	shalt  }
0x77: {  	_ =	shalt  }
0x78: {  	_ =	shalt  }
0x79: {  	_ =	shalt  }
0x7a: {  	_ =	shalt  }
0x7b: {  	_ =	shalt  }
0x7c: {  	_ =	shalt  }
0x7d: {  	_ =	shalt  }
0x7e: {  	_ =	shalt  }
0x7f: {  	_ =	shalt  }
0x80: {  	_ =	shalt  }
0x81: {  	_ =	shalt  }
0x82: {  	_ =	shalt  }
0x83: {  	_ =	shalt  }
0x84: {  	_ =	shalt  }
0x85: {  	_ =	shalt  }
0x86: {  	_ =	shalt  }
0x87: {  	_ =	shalt  }
.Lfunc_end0:
.L_simem_size_0:
called_computation.2_lowered:
.L_overlay_start_0:
0x88: {  	s2 =	sld [smem:$0x3FD9]  }
0x89: {  	s3 =	sld [smem:$0x3FFE];
	_ =	sdelay $0x1  }
0x8a: {  	s1 =	srdreg.scid  }
0x8b: {  	s0 =	sand.u32 $0x1, s1  }
0x8c: {  	s14 =	sshll.u32 s0, $0xA;
	s2 =	sadd.s32 s3, s2  }
0x8d: {  	s2 =	sadd.s32 s2, s14  }
0x8e: {  	[smem:$0x3F99] =	sst s2  }
0x8f: {  	_ = 	snop  }
0x90: {  	s2 =	sld [smem:$0x3FD0];
	_ =	sdelay $0x2  }
0x91: {  	s15 =	simm.s32 $0xB;
	s4 =	simm.s32 $0x10  }
0x92: {  	[smem:s4], [sflag:s15] =	dma.local [hbm:s2], $0x1  }
0x93: {  	_ =	swait.eq [sflag:s15], $0x1  }
0x94: {  	[sflag:s15] =	ssyncset.done $0x0  }
0x95: {  	[sflag:s15] =	ssyncadd.s32 $0xFFFFFFFF  }
0x96: {  	s16 =	sld [smem:$0x11];
	(tm) =	ssettm $0x1  }
0x97: {  	s17 =	sld [smem:$0x3FFB];
	_ =	sdelay $0x3  }
0x98: {  	_ =	strace s17  }
0x99: {  	s3 =	sld [smem:$0x3FFC];
	_ =	sdelay $0x3  }
0x9a: {  	_ =	strace s3  }
0x9b: {  	s3 =	sld [smem:$0x3FFD];
	_ =	sdelay $0x3  }
0x9c: {  	_ =	strace s3  }
0x9d: {  	_ =	strace $0x8FFFFFFF  }
0x9e: {  	s18 =	sld [smem:$0x3FDB];
	_ =	sdelay $0x1  }
0x9f: {  	s19 =	simm.s32 $_scs_section_size  }
0xa0: {  	s5 =	simm.s32 $_size__tile_overlayer_lowered;
	s6 =	simm.s32 $_tile_overlayer_lowered  }
0xa1: {  	s22 =	simm.s32 $0x1BFF;
	s21 =	sshll.u32 s6, $0x1;
	s3 =	sadd.s32 s19, s18  }
0xa2: {  	s7 =	simm.s32 $0x0;
	s20 =	sshll.u32 s5, $0x1;
	s5 =	sadd.s32 s21, s3  }
0xa3: {  	[timem:s7], [sflag:s22] =	dma.local [hbm:s5], s20  }
0xa4: {  	_ =	swait.ge [sflag:s22], s20  }
0xa5: {  	s4 =	ssub.s32 $0x0, s20;
	[sflag:s22] =	ssyncset.done $0x0  }
0xa6: {  	[sflag:s22] =	ssyncadd.s32 s4;
	_ =	sdelay $0x1  }
0xa7: {  	s23 =	simm.s32 $0x1B8B  }
0xa8: {  	_ =	swait.ge [sflag:s23], $0x1  }
0xa9: {  	[sflag:s23] =	ssyncset.done $0x0  }
0xaa: {  	s25 =	simm.s32 $0x1B8E;
	s24 =	sld [smem:$0x3FFE];
	[sflag:s23] =	ssyncadd.s32 $0xFFFFFFFF  }
0xab: {  	s26 =	simm.s32 $execute0_lowered;
	[smem:$0x3FD2] =	sst s25  }
0xac: {  	s5 =	sshll.u32 s26, $0x1;
	_ =	strace $0x8000004C;
	[dreg:$0x1] =	wrdreg $0xFFFFFFFF  }
0xad: {  	s28 =	simm.s32 $_size_execute0_lowered;
	s3 =	sadd.s32 s3, s5;
	[dreg:$0x0] =	wrdreg $0x0  }
0xae: {  	s5 =	sshll.u32 s28, $0x1;
	[dreg:$0x2] =	wrdreg s3  }
0xaf: {  	[dreg:$0x3] =	wrdreg s5  }
0xb0: {  	[dreg:$0x4] =	wrdreg $0xC0  }
0xb1: {  	_ =	task [dreg:s7], $0x5FFFF  }
0xb2: {  	[dreg:$0x1] =	wrdreg $0xFFFFFFFF  }
0xb3: {  	[dreg:$0x0] =	wrdreg $0x60  }
0xb4: {  	[dreg:$0x2] =	wrdreg s16  }
0xb5: {  	[dreg:$0x3] =	wrdreg s24  }
0xb6: {  	[dreg:$0x4] =	wrdreg $0x5C000  }
0xb7: {  	[dreg:$0x5] =	wrdreg $0x9  }
0xb8: {  	_ =	task.clear_ibuf [dreg:s7], $0x6FFFF;
	_ =	strace $0x9000004C  }
0xb9: {  	s29 =	simm.s32 $0x9;
	_ =	strace $0x8000004E  }
0xba: {  	_ =	swait.ge [sflag:s29], $0x1  }
0xbb: {  	[sflag:s29] =	ssyncadd.s32 $0xFFFFFFFF  }
0xbc: {  	_ =	strace $0x9000004E  }
0xbd: {  	_ =	sfence  }
0xbe: {  	s30 =	sld [smem:$0x0];
	_ =	sdelay $0x2  }
0xbf: {  	s31 =	sshll.u32 s1, $0xD;
	s1 =	sshrl.u32 s1, $0x2  }
0xc0: {  	s3 =	sand.u32 $0x4000, s31;
	s1 =	sadd.s32 s1, s30  }
0xc1: {  	s0 =	sor.u32 s3, s0;
	s1 =	sshll.u32 s1, $0x11  }
0xc2: {  	s0 =	sor.u32 s1, s0  }
0xc3: {  	s0 =	sadd.s32 $0x8F2B, s0  }
0xc4: {  	[sflag:s0] =	ssyncadd.remote.s32 $0x1  }
0xc5: {  	_ =	sfence.sel $0xFFFF  }
0xc6: {  	[dreg:$0x0] =	wrdreg $0xFFFFFFFF;
	(pc) =	sbr.abs _section_cstart, $3  }
0xc7: {  	[dreg:$0x1] =	wrdreg $0xFFFFFFFF  }
0xc8: {  	_ =	task.clear_ibuf [dreg:s7], $0x2FFFF;
	_ =	strace $0x9FFFFFFF  }
0xc9: {  	(tm) =	ssettm $0x7FFFFFFF  }
tec
execute0_lowered:
.L_overlay_start_1:
0x0: {  	(tag) =	ssettag $0x1  }
0x1: {  	s1 =	rddreg [dreg:$0x0]  }
0x2: {  	s0 =	rddreg [dreg:$0x1]  }
0x3: {  	s2 =	rddreg [dreg:$0x2];
	s3 =	srdreg.scid  }
0x4: {  	s4 =	simm.s32 $0x0;
	s11 =	stileid.u32;
	s28 =	simm.s32 $0x50  }
0x5: {  	s29 =	simm.s32 $0x80;
	s30 =	simm.s32 $0x180;
	s8 =	smul.u32 $0x13C00, s11  }
0x6: {  	s3 =	sand.u32 $0x1, s3;
	s9 =	smul.u32 $0x4F000, s11;
	s11 =	sshll.u32 s11, $0x1  }
0x7: {  	s7 =	smul.u32 $0x13C000, s3;
	s10 =	ssub.s32 $0x2, s3;
	s3 =	sor.u32 s3, s11  }
0x8: {  	[smem:$0x7FF] =	sst s4;
	s5 =	sadd.s32 $0xCA00, s0;
	s21 =	smul.u32 $0x7D0, s3  }
0x9: {  	s6 =	sadd.s32 $0x1C400, s0;
	_ =	strace $0x8000004D;
	s24 =	smul.u32 $0x4E20, s3  }
0xa: {  	s9 =	sshrl.u32 s9, $0x2;
	s8 =	sadd.s32 s8, s7;
	s7 =	sadd.s32 $0x50DE00, s0  }
0xb: {  	s8 =	sshrl.u32 s8, $0x3;
	s25 =	sadd.s32 s5, s21;
	s26 =	sadd.s32 s7, s24  }
0xc: {  	s0 =	sadd.s32 s8, s0;
	s8 =	sadd.s32 s9, s2;
	[dreg:$0xb] =	wrdreg s25  }
0xd: {  	s31 =	simm.s32 $0x700;
	[dreg:$0xd] =	wrdreg s26;
	s9 =	sadd.s32 $0x2800, s8  }
0xe: {  	s11 =	simm.s32 $0x4;
	s18 =	sadd.s32 $0x5000, s8;
	[dreg:$0x4] =	wrdreg s9  }
0xf: {  	s17 =	sshrl.u32 s10, $0x1;
	s19 =	sadd.s32 $0x7800, s8;
	[dreg:$0x5] =	wrdreg s18  }
0x10: {  	s16 =	smul.u32 $0x7D, s3;
	s20 =	sadd.s32 $0xA000, s8;
	[dreg:$0x6] =	wrdreg s19  }
0x11: {  	s10 =	ssub.s32 s10, s17;
	s22 =	sadd.s32 $0xC800, s8;
	[dreg:$0x7] =	wrdreg s20  }
0x12: {  	s24 =	simm.s32 $0x5;
	s23 =	sadd.s32 $0xF000, s8;
	[dreg:$0x8] =	wrdreg s22  }
0x13: {  	s25 =	simm.s32 $0x100;
	s12 =	sadd.s32 $0x11800, s8;
	[dreg:$0x9] =	wrdreg s23  }
0x14: {  	s26 =	simm.s32 $0x200;
	[dreg:$0xa] =	wrdreg s12;
	s9 =	sadd.s32 s6, s21  }
0x15: {  	s20 =	smul.u32 $0x2710, s3;
	s21 =	sadd.s32 $0x2BE00, s0;
	s22 =	smax.u32 s10, $0x1  }
0x16: {  	s23 =	simm.s32 $0xC00;
	s0 =	simm.s32 $0x3400;
	s3 =	simm.s32 $0x1  }
0x17: {  	v0 =	vimm.f32 $0.0e+00;
	s10 =	simm.s32 $0x2;
	[dreg:$0xc] =	wrdreg s9;
	s9 =	simm.s32 $0x3  }
.LBB2_1:
0x18: {  	s12 =	simm.s32 $0x0;
	s13 =	simm.s32 $0x200  }
.LBB2_2:
0x19: {  	p0 =	sne.s32 s13, $0x9E00;
	[tilespmem:s12+$0xC70] =	vst v0  }
0x1a: {  	[tilespmem:s12+$0xC00] =	vst v0  }
0x1b: {  	[tilespmem:s12+$0xC10] =	vst v0  }
.Ltmp0:
0x1c: {  	[tilespmem:s12+$0xC20] =	vst v0;
	(pc) =	sbr.rel @p0 .LBB2_2-.Ltmp0, $4  }
0x1d: {  	[tilespmem:s12+$0xC30] =	vst v0  }
0x1e: {  	[tilespmem:s12+$0xC40] =	vst v0  }
0x1f: {  	[tilespmem:s12+$0xC50] =	vst v0  }
0x20: {  	[tilespmem:s12+$0xC60] =	vst v0;
	s12 =	sshra.s32 s13, $0x2;
	s13 =	sadd.s32 $0x200, s13  }
0x21: {  	[tilespmem:s12+$0xC70] =	vst v0  }
0x22: {  	[tilespmem:s12+$0xC00] =	vst v0  }
0x23: {  	[tilespmem:s12+$0xC10] =	vst v0  }
0x24: {  	[tilespmem:s12+$0xC20] =	vst v0  }
0x25: {  	[tilespmem:s12+$0xC30] =	vst v0  }
0x26: {  	[tilespmem:s12+$0xC40] =	vst v0  }
0x27: {  	[tilespmem:s12+$0xC50] =	vst v0  }
0x28: {  	[tilespmem:s12+$0xC60] =	vst v0  }
0x29: {  	[spmem:s8] =	stream.linear.scatter [tilespmem:s23], [sflag:$0x5], $0x2800, $0x38;
	[tilespmem:$0x19800] =	vst v63  }
0x2a: {  	_ =	swait.ge [sflag:s24], $0x2800  }
0x2b: {  	[sflag:s24] =	ssyncset.done $0x0  }
0x2c: {  	s17 =	rddreg [dreg:$0x4];
	[sflag:s24] =	ssyncadd.s32 $0xFFFFD800  }
0x2d: {  	[spmem:s17] =	stream.linear.scatter [tilespmem:s23], [sflag:$0x5], $0x2800, $0x38;
	[tilespmem:$0x19800] =	vst v63  }
0x2e: {  	_ =	swait.ge [sflag:s24], $0x2800  }
0x2f: {  	[sflag:s24] =	ssyncset.done $0x0  }
0x30: {  	s18 =	rddreg [dreg:$0x5];
	[sflag:s24] =	ssyncadd.s32 $0xFFFFD800  }
0x31: {  	[spmem:s18] =	stream.linear.scatter [tilespmem:s23], [sflag:$0x5], $0x2800, $0x38;
	[tilespmem:$0x19800] =	vst v63  }
0x32: {  	_ =	swait.ge [sflag:s24], $0x2800  }
0x33: {  	[sflag:s24] =	ssyncset.done $0x0  }
0x34: {  	s19 =	rddreg [dreg:$0x6];
	[sflag:s24] =	ssyncadd.s32 $0xFFFFD800  }
0x35: {  	[spmem:s19] =	stream.linear.scatter [tilespmem:s23], [sflag:$0x5], $0x2800, $0x38;
	[tilespmem:$0x19800] =	vst v63  }
0x36: {  	_ =	swait.ge [sflag:s24], $0x2800  }
0x37: {  	[sflag:s24] =	ssyncset.done $0x0  }
0x38: {  	s13 =	rddreg [dreg:$0x7];
	[sflag:s24] =	ssyncadd.s32 $0xFFFFD800  }
0x39: {  	[spmem:s13] =	stream.linear.scatter [tilespmem:s23], [sflag:$0x5], $0x2800, $0x38;
	[tilespmem:$0x19800] =	vst v63  }
0x3a: {  	_ =	swait.ge [sflag:s24], $0x2800  }
0x3b: {  	[sflag:s24] =	ssyncset.done $0x0  }
0x3c: {  	s14 =	rddreg [dreg:$0x8];
	[sflag:s24] =	ssyncadd.s32 $0xFFFFD800  }
0x3d: {  	[spmem:s14] =	stream.linear.scatter [tilespmem:s23], [sflag:$0x5], $0x2800, $0x38;
	[tilespmem:$0x19800] =	vst v63  }
0x3e: {  	_ =	swait.ge [sflag:s24], $0x2800  }
0x3f: {  	[sflag:s24] =	ssyncset.done $0x0  }
0x40: {  	s15 =	rddreg [dreg:$0x9];
	[sflag:s24] =	ssyncadd.s32 $0xFFFFD800  }
0x41: {  	[spmem:s15] =	stream.linear.scatter [tilespmem:s23], [sflag:$0x5], $0x2800, $0x38;
	[tilespmem:$0x19800] =	vst v63  }
0x42: {  	_ =	swait.ge [sflag:s24], $0x2800  }
0x43: {  	[sflag:s24] =	ssyncset.done $0x0  }
0x44: {  	s17 =	rddreg [dreg:$0xa];
	[sflag:s24] =	ssyncadd.s32 $0xFFFFD800  }
0x45: {  	[spmem:s17] =	stream.linear.scatter [tilespmem:s23], [sflag:$0x5], $0x2400, $0x38;
	[tilespmem:$0x19800] =	vst v63  }
0x46: {  	_ =	swait.ge [sflag:s24], $0x2400  }
0x47: {  	[sflag:s24] =	ssyncset.done $0x0  }
0x48: {  	[sflag:s24] =	ssyncadd.s32 $0xFFFFDC00  }
0x49: {  	[bflag:$0x0] =	sbarrier.arrive $0xFFFF  }
0x4a: {  	s12 =	simm.s32 $0x0;
	s13 =	rddreg [dreg:$0xb]  }
0x4b: {  	[tilespmem:s12], [sflag:$0x5] =	stream.linear.gather [hbm4b:s13+s12], $0x80, $0x38;
	[tilespmem:$0x19800] =	vst v63  }
0x4c: {  	_ =	swait.ge [sflag:s24], $0x80  }
0x4d: {  	[sflag:s24] =	ssyncset.done $0x0  }
0x4e: {  	s18 =	rddreg [dreg:$0xc];
	[sflag:s24] =	ssyncadd.s32 $0xFFFFFF80  }
0x4f: {  	[tilespmem:s25], [sflag:$0x5] =	stream.linear.gather [hbm4b:s18+s12], $0x80, $0x38;
	[tilespmem:$0x19800] =	vst v63  }
0x50: {  	_ =	swait.ge [sflag:s24], $0x80  }
0x51: {  	[sflag:s24] =	ssyncset.done $0x0  }
0x52: {  	s19 =	rddreg [dreg:$0xd];
	[sflag:s24] =	ssyncadd.s32 $0xFFFFFF80  }
0x53: {  	[tilespmem:s26], [sflag:$0x5] =	stream.linear.gather [hbm4b:s19+s12], $0x500, $0x38;
	[tilespmem:$0x19800] =	vst v63  }
0x54: {  	_ =	swait.ge [sflag:s24], $0x500  }
0x55: {  	[sflag:s24] =	ssyncset.done $0x0  }
0x56: {  	s13 =	simm.s32 $0x0;
	[sflag:s24] =	ssyncadd.s32 $0xFFFFFB00  }
0x57: {  	[tilespmem:s23], [sflag:$0x1] =	stream.indirect.gather [hbm4b:s1+s28], $0x80, s12, s28, $0xb8;
	[tilespmem:$0x19800] =	vst v63  }
.LBB2_4:
0x58: {  	s14 =	sshll.u32 s13, $0x1  }
0x59: {  	p0 =	seq.s32 s13, $0x0;
	s15 =	sor.u32 $0x1, s14  }
0x5a: {  	s17 =	simm.s32 @!p0 $0x4;
	s18 =	sadd.s32 s16, s15  }
0x5b: {  	_ =	swait.ge @!p0 [sflag:s17], $0x2800;
	s18 =	sshll.u32 s18, $0x4  }
0x5c: {  	[sflag:s17] =	ssyncset.done @!p0 $0x0;
	s18 =	sand.u32 $0x1FFFFFF0, s18  }
0x5d: {  	[sflag:s17] =	ssyncadd.s32 @!p0 $0xFFFFD800;
	s19 =	sadd.s32 s5, s18  }
0x5e: {  	[tilespmem:s29], [sflag:$0x5] =	stream.linear.gather [hbm4b:s19+s12], $0x80, $0x38;
	[tilespmem:$0x19800] =	vst v63  }
0x5f: {  	s15 =	smul.u32 $0x50, s15;
	_ =	swait.ge [sflag:s24], $0x80  }
0x60: {  	[sflag:s24] =	ssyncset.done $0x0  }
0x61: {  	s15 =	sadd.s32 s20, s15;
	s18 =	sadd.s32 s6, s18;
	[sflag:s24] =	ssyncadd.s32 $0xFFFFFF80  }
0x62: {  	[tilespmem:s30], [sflag:$0x5] =	stream.linear.gather [hbm4b:s18+s12], $0x80, $0x38;
	[tilespmem:$0x19800] =	vst v63  }
0x63: {  	s15 =	sshll.u32 s15, $0x1;
	_ =	swait.ge [sflag:s24], $0x80  }
0x64: {  	s15 =	sand.u32 $0x1FFFFFE0, s15;
	[sflag:s24] =	ssyncset.done $0x0  }
0x65: {  	s15 =	sadd.s32 s7, s15;
	[sflag:s24] =	ssyncadd.s32 $0xFFFFFF80  }
0x66: {  	[tilespmem:s31], [sflag:$0x5] =	stream.linear.gather [hbm4b:s15+s12], $0x500, $0x38;
	[tilespmem:$0x19800] =	vst v63  }
0x67: {  	_ =	swait.ge [sflag:s24], $0x500  }
0x68: {  	[sflag:s24] =	ssyncset.done $0x0  }
0x69: {  	[sflag:s24] =	ssyncadd.s32 $0xFFFFFB00  }
0x6a: {  	[tilespmem:s0], [sflag:$0x2] =	stream.indirect.gather [hbm4b:s1+s28], $0x80, s29, s28, $0xb8;
	[tilespmem:$0x19800] =	vst v63  }
0x6b: {  	_ =	swait.ge [sflag:s3], $0x2800  }
0x6c: {  	[sflag:s3] =	ssyncset.done $0x0  }
0x6d: {  	s15 =	simm.s32 $0xC40;
	[sflag:s3] =	ssyncadd.s32 $0xFFFFD800  }
0x6e: {  	v5 =	vld [tilespmem:s15+$0x30]  }
0x6f: {  	v8 =	vld [tilespmem:s15+$0x10]  }
0x70: {  	s19 =	simm.s32 $0x0;
	v6 =	vld [tilespmem:s15+$0xFFFFFFC0]  }
0x71: {  	v2 =	vld [tilespmem:s19+$0x200]  }
0x72: {  	v10 =	vld [tilespmem:s15+$0xFFFFFFE0]  }
0x73: {  	v1 =	vld [tilespmem:s15+$0xFFFFFFF0]  }
0x74: {  	v3 =	vld [tilespmem:s15+$0x20]  }
0x75: {  	v4 =	vld [tilespmem:s15+$0xFFFFFFD0]  }
0x76: {  	v9 =	vmul.f32 v5, v2;
	v5 =	vld [tilespmem:s15+$0x0]  }
0x77: {  	v7 =	vmul.f32 v6, v2  }
0x78: {  	s17 =	simm.s32 $0x40;
	s18 =	simm.s32 $0xC40;
	v6 =	vmul.f32 v10, v2;
	v8 =	vmul.f32 v8, v2  }
.LBB2_5:
0x79: {  	p0 =	sne.s32 s17, $0x13C0  }
0x7a: {  	v4 =	vmul.f32 v4, v2;
	v3 =	vmul.f32 v3, v2;
	[tilespmem:s15+$0x30] =	vst v9;
	s18 =	sadd.s32 $0x80, s18;
	s19 =	smov.u32 s17;
	s17 =	sadd.s32 $0x40, s17  }
0x7b: {  	[tilespmem:s15+$0xFFFFFFC0] =	vst v7;
	v7 =	vmul.f32 v1, v2;
	v2 =	vmul.f32 v5, v2  }
0x7c: {  	[tilespmem:s15+$0x10] =	vst v8  }
0x7d: {  	v1 =	vld [tilespmem:s18+$0xFFFFFFF0];
	[tilespmem:s15+$0xFFFFFFE0] =	vst v6  }
0x7e: {  	v6 =	vld [tilespmem:s18+$0x30];
	[tilespmem:s15+$0xFFFFFFF0] =	vst v7  }
0x7f: {  	v8 =	vld [tilespmem:s18+$0x10];
	[tilespmem:s15+$0x0] =	vst v2  }
0x80: {  	v7 =	vld [tilespmem:s18+$0xFFFFFFC0];
	[tilespmem:s15+$0x20] =	vst v3  }
0x81: {  	s19 =	sshra.s32 s19, $0x2;
	v10 =	vld [tilespmem:s18+$0xFFFFFFE0];
	[tilespmem:s15+$0xFFFFFFD0] =	vst v4;
	s15 =	smov.u32 s18  }
0x82: {  	v2 =	vld [tilespmem:s19+$0x200]  }
0x83: {  	v3 =	vld [tilespmem:s18+$0x20]  }
.Ltmp1:
0x84: {  	v4 =	vld [tilespmem:s18+$0xFFFFFFD0];
	(pc) =	sbr.rel @p0 .LBB2_5-.Ltmp1, $3  }
0x85: {  	v5 =	vld [tilespmem:s18+$0x0];
	_ =	sdelay $0x1  }
0x86: {  	v7 =	vmul.f32 v7, v2;
	v9 =	vmul.f32 v6, v2  }
0x87: {  	v6 =	vmul.f32 v10, v2;
	v8 =	vmul.f32 v8, v2  }
0x88: {  	[tilespmem:s15+$0x30] =	vst v9  }
0x89: {  	[tilespmem:s15+$0xFFFFFFC0] =	vst v7  }
0x8a: {  	v1 =	vmul.f32 v1, v2;
	[tilespmem:s15+$0x10] =	vst v8  }
0x8b: {  	v3 =	vmul.f32 v3, v2;
	[tilespmem:s15+$0xFFFFFFE0] =	vst v6  }
0x8c: {  	v5 =	vmul.f32 v5, v2;
	[tilespmem:s15+$0xFFFFFFF0] =	vst v1  }
0x8d: {  	v1 =	vmul.f32 v4, v2;
	[tilespmem:s15+$0x20] =	vst v3  }
0x8e: {  	s14 =	sadd.s32 $0x2, s14;
	[tilespmem:s15+$0x0] =	vst v5  }
0x8f: {  	s18 =	sadd.s32 s16, s14;
	[tilespmem:s15+$0xFFFFFFD0] =	vst v1  }
0x90: {  	[spmem:s2] =	stream.indirect.scatter.add.f32 [tilespmem:s23], [sflag:$0x3], $0x80, s25, s28, $0xb8;
	[tilespmem:$0x19800] =	vst v63  }
0x91: {  	s15 =	sshll.u32 s18, $0x4;
	_ =	swait.ge [sflag:s9], $0x2800  }
0x92: {  	s15 =	sand.u32 $0x1FFFFFF0, s15;
	[sflag:s9] =	ssyncset.done $0x0  }
0x93: {  	s18 =	simm.s32 $0x0;
	s17 =	sadd.s32 s5, s15;
	[sflag:s9] =	ssyncadd.s32 $0xFFFFD800  }
0x94: {  	[tilespmem:s18], [sflag:$0x5] =	stream.linear.gather [hbm4b:s17+s18], $0x80, $0x38;
	[tilespmem:$0x19800] =	vst v63  }
0x95: {  	s14 =	smul.u32 $0x50, s14;
	_ =	swait.ge [sflag:s24], $0x80  }
0x96: {  	[sflag:s24] =	ssyncset.done $0x0  }
0x97: {  	s14 =	sadd.s32 s20, s14;
	s15 =	sadd.s32 s6, s15;
	[sflag:s24] =	ssyncadd.s32 $0xFFFFFF80  }
0x98: {  	[tilespmem:s25], [sflag:$0x5] =	stream.linear.gather [hbm4b:s15+s18], $0x80, $0x38;
	[tilespmem:$0x19800] =	vst v63  }
0x99: {  	s14 =	sshll.u32 s14, $0x1;
	_ =	swait.ge [sflag:s24], $0x80  }
0x9a: {  	s14 =	sand.u32 $0x1FFFFFE0, s14;
	[sflag:s24] =	ssyncset.done $0x0  }
0x9b: {  	s14 =	sadd.s32 s7, s14;
	[sflag:s24] =	ssyncadd.s32 $0xFFFFFF80  }
0x9c: {  	[tilespmem:s26], [sflag:$0x5] =	stream.linear.gather [hbm4b:s14+s18], $0x500, $0x38;
	[tilespmem:$0x19800] =	vst v63  }
0x9d: {  	_ =	swait.ge [sflag:s24], $0x500  }
0x9e: {  	[sflag:s24] =	ssyncset.done $0x0  }
0x9f: {  	[sflag:s24] =	ssyncadd.s32 $0xFFFFFB00  }
0xa0: {  	[tilespmem:s23], [sflag:$0x1] =	stream.indirect.gather [hbm4b:s1+s28], $0x80, s18, s28, $0xb8;
	[tilespmem:$0x19800] =	vst v63  }
0xa1: {  	_ =	swait.ge [sflag:s10], $0x2800  }
0xa2: {  	[sflag:s10] =	ssyncset.done $0x0  }
0xa3: {  	s14 =	simm.s32 $0x3440;
	[sflag:s10] =	ssyncadd.s32 $0xFFFFD800  }
0xa4: {  	v5 =	vld [tilespmem:s14+$0x30]  }
0xa5: {  	v8 =	vld [tilespmem:s14+$0x10]  }
0xa6: {  	s19 =	simm.s32 $0x0;
	v6 =	vld [tilespmem:s14+$0xFFFFFFC0]  }
0xa7: {  	v2 =	vld [tilespmem:s19+$0x700]  }
0xa8: {  	v10 =	vld [tilespmem:s14+$0xFFFFFFE0]  }
0xa9: {  	v1 =	vld [tilespmem:s14+$0xFFFFFFF0]  }
0xaa: {  	v3 =	vld [tilespmem:s14+$0x20]  }
0xab: {  	v4 =	vld [tilespmem:s14+$0xFFFFFFD0]  }
0xac: {  	v9 =	vmul.f32 v5, v2;
	v5 =	vld [tilespmem:s14+$0x0]  }
0xad: {  	v7 =	vmul.f32 v6, v2  }
0xae: {  	s17 =	simm.s32 $0x3440;
	s15 =	simm.s32 $0x40;
	v6 =	vmul.f32 v10, v2;
	v8 =	vmul.f32 v8, v2  }
.LBB2_7:
0xaf: {  	p0 =	sne.s32 s15, $0x13C0  }
0xb0: {  	v4 =	vmul.f32 v4, v2;
	v3 =	vmul.f32 v3, v2;
	[tilespmem:s14+$0x30] =	vst v9;
	s17 =	sadd.s32 $0x80, s17;
	s18 =	smov.u32 s15;
	s15 =	sadd.s32 $0x40, s15  }
0xb1: {  	[tilespmem:s14+$0xFFFFFFC0] =	vst v7;
	v7 =	vmul.f32 v1, v2;
	v2 =	vmul.f32 v5, v2  }
0xb2: {  	[tilespmem:s14+$0x10] =	vst v8  }
0xb3: {  	v1 =	vld [tilespmem:s17+$0xFFFFFFF0];
	[tilespmem:s14+$0xFFFFFFE0] =	vst v6  }
0xb4: {  	v6 =	vld [tilespmem:s17+$0x30];
	[tilespmem:s14+$0xFFFFFFF0] =	vst v7  }
0xb5: {  	v8 =	vld [tilespmem:s17+$0x10];
	[tilespmem:s14+$0x0] =	vst v2  }
0xb6: {  	v7 =	vld [tilespmem:s17+$0xFFFFFFC0];
	[tilespmem:s14+$0x20] =	vst v3  }
0xb7: {  	s18 =	sshra.s32 s18, $0x2;
	v10 =	vld [tilespmem:s17+$0xFFFFFFE0];
	[tilespmem:s14+$0xFFFFFFD0] =	vst v4;
	s14 =	smov.u32 s17  }
0xb8: {  	v2 =	vld [tilespmem:s18+$0x700]  }
0xb9: {  	v3 =	vld [tilespmem:s17+$0x20]  }
.Ltmp2:
0xba: {  	v4 =	vld [tilespmem:s17+$0xFFFFFFD0];
	(pc) =	sbr.rel @p0 .LBB2_7-.Ltmp2, $3  }
0xbb: {  	v5 =	vld [tilespmem:s17+$0x0];
	_ =	sdelay $0x1  }
0xbc: {  	v7 =	vmul.f32 v7, v2;
	v9 =	vmul.f32 v6, v2  }
0xbd: {  	v6 =	vmul.f32 v10, v2;
	v8 =	vmul.f32 v8, v2  }
0xbe: {  	[tilespmem:s14+$0x30] =	vst v9  }
0xbf: {  	[tilespmem:s14+$0xFFFFFFC0] =	vst v7  }
0xc0: {  	v1 =	vmul.f32 v1, v2;
	s13 =	sadd.s32 $0x1, s13;
	[tilespmem:s14+$0x10] =	vst v8  }
0xc1: {  	v3 =	vmul.f32 v3, v2;
	[tilespmem:s14+$0xFFFFFFE0] =	vst v6;
	p0 =	sne.s32 s13, $0x3E  }
.Ltmp3:
0xc2: {  	v5 =	vmul.f32 v5, v2;
	[tilespmem:s14+$0xFFFFFFF0] =	vst v1;
	(pc) =	sbr.rel @p0 .LBB2_4-.Ltmp3, $4  }
0xc3: {  	v1 =	vmul.f32 v4, v2;
	[tilespmem:s14+$0x20] =	vst v3  }
0xc4: {  	[tilespmem:s14+$0x0] =	vst v5  }
0xc5: {  	[tilespmem:s14+$0xFFFFFFD0] =	vst v1  }
0xc6: {  	[spmem:s2] =	stream.indirect.scatter.add.f32 [tilespmem:s0], [sflag:$0x4], $0x80, s30, s28, $0xb8;
	[tilespmem:$0x19800] =	vst v63  }
0xc7: {  	_ =	swait.ge [sflag:s3], $0x2800  }
0xc8: {  	[sflag:s3] =	ssyncset.done $0x0  }
0xc9: {  	s12 =	simm.s32 $0xC40;
	[sflag:s3] =	ssyncadd.s32 $0xFFFFD800  }
0xca: {  	v5 =	vld [tilespmem:s12+$0x30]  }
0xcb: {  	v8 =	vld [tilespmem:s12+$0x10]  }
0xcc: {  	s13 =	simm.s32 $0x0;
	v6 =	vld [tilespmem:s12+$0xFFFFFFC0]  }
0xcd: {  	v2 =	vld [tilespmem:s13+$0x200]  }
0xce: {  	v10 =	vld [tilespmem:s12+$0xFFFFFFE0]  }
0xcf: {  	v1 =	vld [tilespmem:s12+$0xFFFFFFF0]  }
0xd0: {  	v3 =	vld [tilespmem:s12+$0x20]  }
0xd1: {  	v4 =	vld [tilespmem:s12+$0xFFFFFFD0]  }
0xd2: {  	v9 =	vmul.f32 v5, v2;
	v5 =	vld [tilespmem:s12+$0x0]  }
0xd3: {  	v7 =	vmul.f32 v6, v2  }
0xd4: {  	s14 =	simm.s32 $0xC40;
	s13 =	simm.s32 $0x40;
	v6 =	vmul.f32 v10, v2;
	v8 =	vmul.f32 v8, v2  }
.LBB2_10:
0xd5: {  	p0 =	sne.s32 s13, $0x13C0  }
0xd6: {  	v4 =	vmul.f32 v4, v2;
	v3 =	vmul.f32 v3, v2;
	[tilespmem:s12+$0x30] =	vst v9;
	s14 =	sadd.s32 $0x80, s14;
	s15 =	smov.u32 s13;
	s13 =	sadd.s32 $0x40, s13  }
0xd7: {  	[tilespmem:s12+$0xFFFFFFC0] =	vst v7;
	v7 =	vmul.f32 v1, v2;
	v2 =	vmul.f32 v5, v2  }
0xd8: {  	[tilespmem:s12+$0x10] =	vst v8  }
0xd9: {  	v1 =	vld [tilespmem:s14+$0xFFFFFFF0];
	[tilespmem:s12+$0xFFFFFFE0] =	vst v6  }
0xda: {  	v6 =	vld [tilespmem:s14+$0x30];
	[tilespmem:s12+$0xFFFFFFF0] =	vst v7  }
0xdb: {  	v8 =	vld [tilespmem:s14+$0x10];
	[tilespmem:s12+$0x0] =	vst v2  }
0xdc: {  	v7 =	vld [tilespmem:s14+$0xFFFFFFC0];
	[tilespmem:s12+$0x20] =	vst v3  }
0xdd: {  	s15 =	sshra.s32 s15, $0x2;
	v10 =	vld [tilespmem:s14+$0xFFFFFFE0];
	[tilespmem:s12+$0xFFFFFFD0] =	vst v4;
	s12 =	smov.u32 s14  }
0xde: {  	v2 =	vld [tilespmem:s15+$0x200]  }
0xdf: {  	v3 =	vld [tilespmem:s14+$0x20]  }
.Ltmp4:
0xe0: {  	v4 =	vld [tilespmem:s14+$0xFFFFFFD0];
	(pc) =	sbr.rel @p0 .LBB2_10-.Ltmp4, $3  }
0xe1: {  	v5 =	vld [tilespmem:s14+$0x0];
	_ =	sdelay $0x1  }
0xe2: {  	v7 =	vmul.f32 v7, v2;
	v9 =	vmul.f32 v6, v2  }
0xe3: {  	v6 =	vmul.f32 v10, v2;
	v8 =	vmul.f32 v8, v2  }
0xe4: {  	[tilespmem:s12+$0x30] =	vst v9  }
0xe5: {  	[tilespmem:s12+$0xFFFFFFC0] =	vst v7  }
0xe6: {  	v1 =	vmul.f32 v1, v2;
	[tilespmem:s12+$0x10] =	vst v8  }
0xe7: {  	v3 =	vmul.f32 v3, v2;
	[tilespmem:s12+$0xFFFFFFE0] =	vst v6  }
0xe8: {  	v5 =	vmul.f32 v5, v2;
	[tilespmem:s12+$0xFFFFFFF0] =	vst v1  }
0xe9: {  	v1 =	vmul.f32 v4, v2;
	[tilespmem:s12+$0x20] =	vst v3  }
0xea: {  	[tilespmem:s12+$0x0] =	vst v5  }
0xeb: {  	[tilespmem:s12+$0xFFFFFFD0] =	vst v1  }
0xec: {  	[spmem:s2] =	stream.indirect.scatter.add.f32 [tilespmem:s23], [sflag:$0x3], $0x80, s25, s28, $0xb8;
	[tilespmem:$0x19800] =	vst v63  }
0xed: {  	_ =	swait.ge [sflag:s9], $0x2800  }
0xee: {  	[sflag:s9] =	ssyncset.done $0x0  }
0xef: {  	[sflag:s9] =	ssyncadd.s32 $0xFFFFD800  }
0xf0: {  	s19 =	stileid.u32;
	_ =	swait.ge [sflag:s11], $0x2800  }
0xf1: {  	s13 =	sshrl.u32 s8, $0x3;
	s4 =	sadd.s32 $0x1, s4;
	[sflag:s11] =	ssyncset.done $0x0  }
0xf2: {  	p0 =	sne.s32 s4, s22;
	s12 =	sshll.u32 s19, $0x6;
	[sflag:s11] =	ssyncadd.s32 $0xFFFFD800  }
.Ltmp5:
0xf3: {  	s12 =	sor.u32 $0x1C05, s12;
	[bflag:$0x0] =	sbarrier.arrive $0xFFFF;
	(pc) =	sbr.rel @p0 .LBB2_1-.Ltmp5, $4  }
0xf4: {  	[hbm:s21], [sflag:s12] =	dma.local [spmem:s13], $0x2780  }
0xf5: {  	_ =	swait.ge [sflag:s24], $0x2780  }
0xf6: {  	[sflag:s24] =	ssyncset.done $0x0  }
0xf7: {  	[sflag:s24] =	ssyncadd.s32 $0xFFFFD880  }
0xf8: {  	_ =	sfence.sel $0x180000  }
0xf9: {  	[bflag:$0x0] =	sbarrier.arrive $0xFFFF  }
0xfa: {  	_ =	strace $0x9000004D  }
0xfb: {  	s0 =	stileid.u32;
	[bflag:$0x2] =	sbarrier.arrive $0xFFFF  }
0xfc: {  	p0 =	sne.s32 s0, $0x0;
	s0 =	rddreg [dreg:$0x3]  }
0xfd: {  	s0 =	sadd.s32 @!p0 $0x100000, s0  }
0xfe: {  	[sflag:s0] =	ssyncadd.tile.s32 @!p0 $0x1;
	_ =	shalt  }
.Lfunc_end2:
_tile_overlayer_lowered:
.L_overlay_start_2:
0xff: {  	(tag) =	ssettag $0x2  }
0x100: {  	s0 =	rddreg [dreg:$0x0];
	s2 =	stileid.u32  }
0x101: {  	s1 =	rddreg [dreg:$0x1];
	p0 =	sne.s32 s2, $0x0  }
0x102: {  	s3 =	rddreg [dreg:$0x2];
	[bflag:$0x3] =	sbarrier.arrive $0xFFFF;
	s2 =	simm.s32 @!p0 $0x1C05  }
0x103: {  	[timem:s3], [sflag:s2] =	dma.local @!p0 [hbm:s0], s1  }
0x104: {  	s0 =	simm.s32 @!p0 $0x5  }
0x105: {  	_ =	swait.ge @!p0 [sflag:s0], s1  }
0x106: {  	s1 =	ssub.s32 @!p0 $0x0, s1;
	[sflag:s0] =	ssyncset.done @!p0 $0x0  }
0x107: {  	[sflag:s0] =	ssyncadd.s32 @!p0 s1  }
0x108: {  	[bflag:$0x3] =	sbarrier.arrive $0xFFFF  }
0x109: {  	_ =	shalt  }

// kernel: kernel.16.cloned.1.call-start
scs
__scs_entry_jumppad:
0x0: {  	(pc) =	sbr.rel $0x88, $3  }
0x1: {  	(tag) =	ssettag $0x0;
	lr =	simm.s32 $0x1  }
0x2: {  	[smem:$0x3F72] =	sst lr;
	_ =	strace $0xD0000000  }
0x3: {  	_ = 	snop  }
0x4: {  	_ = 	snop  }
0x5: {  	_ = 	snop  }
0x6: {  	_ = 	snop  }
0x7: {  	_ = 	snop  }
__scs_overlays_trampoline_lowered:
0x8: {  	[smem:$0x3F81] =	sst s0  }
0x9: {  	[smem:$0x3F82] =	sst s1  }
0xa: {  	[smem:$0x3F83] =	sst s2  }
0xb: {  	[smem:$0x3F84] =	sst s3  }
0xc: {  	[smem:$0x3F85] =	sst s4  }
0xd: {  	[smem:$0x3F86] =	sst s5  }
0xe: {  	[smem:$0x3F87] =	sst s6  }
0xf: {  	[smem:$0x3F88] =	sst s7  }
0x10: {  	[smem:$0x3F89] =	sst s8  }
0x11: {  	[smem:$0x3F8A] =	sst s9;
	s0 =	simm.s32 @!p0 $0x0  }
0x12: {  	s1 =	sld [smem:$0x3F70];
	s0 =	simm.s32 @p0 $0x1  }
0x13: {  	[smem:$0x3F8B] =	sst s0;
	s0 =	simm.s32 @!p1 $0x0  }
0x14: {  	s2 =	sld [smem:$0x3F6F];
	s0 =	simm.s32 @p1 $0x1  }
0x15: {  	[smem:$0x3F8C] =	sst s0;
	s0 =	simm.s32 @!p2 $0x0  }
0x16: {  	s3 =	sld [smem:$0x3FDB];
	s0 =	simm.s32 @p2 $0x1  }
0x17: {  	s4 =	simm.s32 $0x1BF5;
	[smem:$0x3F8E] =	sst s0  }
0x18: {  	s0 =	sld [smem:$0x3F71];
	_ =	swait.ge [sflag:s4], $0x0  }
0x19: {  	s7 =	sld [smem:$0x3F72]  }
0x1a: {  	s8 =	sadd.s32 $0xFFFFE003, lr  }
0x1b: {  	s9 =	sadd.s32 $0xFFFFFEF7, lr;
	s5 =	simm.s32 $0xFFFFFFFF;
	p2 =	slt.u32 s8, $0xFFFFF086  }
0x1c: {  	p1 =	slt.u32 s9, $0xF7A;
	s5 =	simm.s32 @!p2 $0x0  }
0x1d: {  	s5 =	simm.s32 @p1 $0x1;
	p0 =	seq.s32 s7, s2  }
0x1e: {  	s7 =	smul.u32 @!p0 $0xF7A, s2;
	p2 =	seq.s32 @!p0 s5, $0x0  }
0x1f: {  	s9 =	smul.u32 $0xF7A, s1;
	s8 =	simm.s32 @!p0 $0x1BF5;
	p2 =	por !p2, p0  }
0x20: {  	[sflag:s8] =	ssyncset.s32 @!p0 $0xFFFFF086;
	s6 =	sadd.s32 @!p0 s3, s7;
	s7 =	simm.s32 @!p0 $0x108  }
0x21: {  	s3 =	sadd.s32 s3, s9;
	s6 =	sadd.s32 @!p0 $0x88, s6;
	s7 =	simm.s32 @p2 $0x1082  }
0x22: {  	[simem:s7], [sflag:s8] =	dma.local @!p0 [hbm:s6], $0xF7A  }
0x23: {  	s9 =	sor.u32 $0xD0000000, s2;
	s6 =	simm.s32 $0x108;
	_ =	swait.ge @!p0 [sflag:s8], $0x0  }
0x24: {  	s3 =	sadd.s32 $0x88, s3;
	s6 =	simm.s32 @!p1 $0x1082;
	[sflag:s4] =	ssyncset.s32 $0xFFFFF086  }
0x25: {  	[simem:s6], [sflag:s4] =	dma.local [hbm:s3], $0xF7A  }
0x26: {  	[smem:$0x3F72] =	sst s1;
	(tag) =	ssettag s2;
	_ =	strace s9  }
0x27: {  	s1 =	sld [smem:$0x3F82]  }
0x28: {  	s2 =	sld [smem:$0x3F83]  }
0x29: {  	s4 =	sld [smem:$0x3F85]  }
0x2a: {  	p0 =	seq.s32 s5, $0x0;
	s5 =	sld [smem:$0x3F86]  }
0x2b: {  	s6 =	sld [smem:$0x3F87]  }
0x2c: {  	s7 =	sld [smem:$0x3F88]  }
0x2d: {  	s3 =	simm.s32 $0x108;
	s8 =	sld [smem:$0x3F89]  }
0x2e: {  	s3 =	simm.s32 @!p0 $0x1082;
	s9 =	sld [smem:$0x3F8A]  }
0x2f: {  	lr =	sadd.s32 s0, s3;
	s0 =	sld [smem:$0x3F81]  }
0x30: {  	s3 =	sld [smem:$0x3F84]  }
0x31: {  	[smem:$0x3F8D] =	sst s10  }
0x32: {  	s10 =	sld [smem:$0x3F8B];
	_ =	sdelay $0x3  }
0x33: {  	p0 =	seq.s32 s10, $0x1;
	s10 =	sld [smem:$0x3F8D];
	_ =	sdelay $0x3  }
0x34: {  	[smem:$0x3F8D] =	sst s10  }
0x35: {  	s10 =	sld [smem:$0x3F8C];
	_ =	sdelay $0x3  }
0x36: {  	p1 =	seq.s32 s10, $0x1;
	s10 =	sld [smem:$0x3F8D];
	_ =	sdelay $0x3  }
0x37: {  	[smem:$0x3F8D] =	sst s10  }
0x38: {  	s10 =	sld [smem:$0x3F8E]  }
0x39: {  	_ = 	snop;
	(pc) =	sbr.ind lr, $3  }
0x3a: {  	_ = 	snop  }
0x3b: {  	_ = 	snop  }
0x3c: {  	p2 =	seq.s32 s10, $0x1;
	s10 =	sld [smem:$0x3F8D]  }
0x3d: {  	_ =	shalt  }
0x3e: {  	_ =	shalt  }
0x3f: {  	_ =	shalt  }
0x40: {  	_ =	shalt  }
0x41: {  	_ =	shalt  }
0x42: {  	_ =	shalt  }
0x43: {  	_ =	shalt  }
0x44: {  	_ =	shalt  }
0x45: {  	_ =	shalt  }
0x46: {  	_ =	shalt  }
0x47: {  	_ =	shalt  }
0x48: {  	_ =	shalt  }
0x49: {  	_ =	shalt  }
0x4a: {  	_ =	shalt  }
0x4b: {  	_ =	shalt  }
0x4c: {  	_ =	shalt  }
0x4d: {  	_ =	shalt  }
0x4e: {  	_ =	shalt  }
0x4f: {  	_ =	shalt  }
0x50: {  	_ =	shalt  }
0x51: {  	_ =	shalt  }
0x52: {  	_ =	shalt  }
0x53: {  	_ =	shalt  }
0x54: {  	_ =	shalt  }
0x55: {  	_ =	shalt  }
0x56: {  	_ =	shalt  }
0x57: {  	_ =	shalt  }
0x58: {  	_ =	shalt  }
0x59: {  	_ =	shalt  }
0x5a: {  	_ =	shalt  }
0x5b: {  	_ =	shalt  }
0x5c: {  	_ =	shalt  }
0x5d: {  	_ =	shalt  }
0x5e: {  	_ =	shalt  }
0x5f: {  	_ =	shalt  }
0x60: {  	_ =	shalt  }
0x61: {  	_ =	shalt  }
0x62: {  	_ =	shalt  }
0x63: {  	_ =	shalt  }
0x64: {  	_ =	shalt  }
0x65: {  	_ =	shalt  }
0x66: {  	_ =	shalt  }
0x67: {  	_ =	shalt  }
0x68: {  	_ =	shalt  }
0x69: {  	_ =	shalt  }
0x6a: {  	_ =	shalt  }
0x6b: {  	_ =	shalt  }
0x6c: {  	_ =	shalt  }
0x6d: {  	_ =	shalt  }
0x6e: {  	_ =	shalt  }
0x6f: {  	_ =	shalt  }
0x70: {  	_ =	shalt  }
0x71: {  	_ =	shalt  }
0x72: {  	_ =	shalt  }
0x73: {  	_ =	shalt  }
0x74: {  	_ =	shalt  }
0x75: {  	_ =	shalt  }
0x76: {  	_ =	shalt  }
0x77: {  	_ =	shalt  }
0x78: {  	_ =	shalt  }
0x79: {  	_ =	shalt  }
0x7a: {  	_ =	shalt  }
0x7b: {  	_ =	shalt  }
0x7c: {  	_ =	shalt  }
0x7d: {  	_ =	shalt  }
0x7e: {  	_ =	shalt  }
0x7f: {  	_ =	shalt  }
0x80: {  	_ =	shalt  }
0x81: {  	_ =	shalt  }
0x82: {  	_ =	shalt  }
0x83: {  	_ =	shalt  }
0x84: {  	_ =	shalt  }
0x85: {  	_ =	shalt  }
0x86: {  	_ =	shalt  }
0x87: {  	_ =	shalt  }
.Lfunc_end0:
.L_simem_size_0:
called_computation.3_lowered:
.L_overlay_start_0:
0x88: {  	s2 =	sld [smem:$0x3FD9]  }
0x89: {  	s3 =	sld [smem:$0x3FFE];
	_ =	sdelay $0x1  }
0x8a: {  	s1 =	srdreg.scid  }
0x8b: {  	s0 =	sand.u32 $0x1, s1  }
0x8c: {  	s14 =	sshll.u32 s0, $0xA;
	s2 =	sadd.s32 s3, s2  }
0x8d: {  	s2 =	sadd.s32 s2, s14  }
0x8e: {  	[smem:$0x3F99] =	sst s2  }
0x8f: {  	_ = 	snop  }
0x90: {  	s2 =	sld [smem:$0x3FD0];
	_ =	sdelay $0x2  }
0x91: {  	s15 =	simm.s32 $0xB;
	s4 =	simm.s32 $0x10  }
0x92: {  	[smem:s4], [sflag:s15] =	dma.local [hbm:s2], $0x1  }
0x93: {  	_ =	swait.eq [sflag:s15], $0x1  }
0x94: {  	[sflag:s15] =	ssyncset.done $0x0  }
0x95: {  	[sflag:s15] =	ssyncadd.s32 $0xFFFFFFFF  }
0x96: {  	s16 =	sld [smem:$0x11];
	(tm) =	ssettm $0x1  }
0x97: {  	s17 =	sld [smem:$0x3FFB];
	_ =	sdelay $0x3  }
0x98: {  	_ =	strace s17  }
0x99: {  	s3 =	sld [smem:$0x3FFC];
	_ =	sdelay $0x3  }
0x9a: {  	_ =	strace s3  }
0x9b: {  	s3 =	sld [smem:$0x3FFD];
	_ =	sdelay $0x3  }
0x9c: {  	_ =	strace s3  }
0x9d: {  	_ =	strace $0x8FFFFFFF  }
0x9e: {  	s18 =	sld [smem:$0x3FDB];
	_ =	sdelay $0x1  }
0x9f: {  	s19 =	simm.s32 $_scs_section_size  }
0xa0: {  	s5 =	simm.s32 $_size__tile_overlayer_lowered;
	s6 =	simm.s32 $_tile_overlayer_lowered  }
0xa1: {  	s22 =	simm.s32 $0x1BFF;
	s21 =	sshll.u32 s6, $0x1;
	s3 =	sadd.s32 s19, s18  }
0xa2: {  	s7 =	simm.s32 $0x0;
	s20 =	sshll.u32 s5, $0x1;
	s5 =	sadd.s32 s21, s3  }
0xa3: {  	[timem:s7], [sflag:s22] =	dma.local [hbm:s5], s20  }
0xa4: {  	_ =	swait.ge [sflag:s22], s20  }
0xa5: {  	s4 =	ssub.s32 $0x0, s20;
	[sflag:s22] =	ssyncset.done $0x0  }
0xa6: {  	[sflag:s22] =	ssyncadd.s32 s4;
	_ =	sdelay $0x1  }
0xa7: {  	s23 =	simm.s32 $0x1B8B  }
0xa8: {  	_ =	swait.ge [sflag:s23], $0x1  }
0xa9: {  	[sflag:s23] =	ssyncset.done $0x0  }
0xaa: {  	s25 =	simm.s32 $0x1B8E;
	s24 =	sld [smem:$0x3FFE];
	[sflag:s23] =	ssyncadd.s32 $0xFFFFFFFF  }
0xab: {  	s26 =	simm.s32 $execute0_lowered;
	[smem:$0x3FD2] =	sst s25  }
0xac: {  	s5 =	sshll.u32 s26, $0x1;
	_ =	strace $0x8000004F;
	[dreg:$0x1] =	wrdreg $0xFFFFFFFF  }
0xad: {  	s28 =	simm.s32 $_size_execute0_lowered;
	s3 =	sadd.s32 s3, s5;
	[dreg:$0x0] =	wrdreg $0x0  }
0xae: {  	s5 =	sshll.u32 s28, $0x1;
	[dreg:$0x2] =	wrdreg s3  }
0xaf: {  	[dreg:$0x3] =	wrdreg s5  }
0xb0: {  	[dreg:$0x4] =	wrdreg $0xC0  }
0xb1: {  	_ =	task [dreg:s7], $0x5FFFF  }
0xb2: {  	[dreg:$0x1] =	wrdreg $0xFFFFFFFF  }
0xb3: {  	[dreg:$0x0] =	wrdreg $0x60  }
0xb4: {  	[dreg:$0x2] =	wrdreg s16  }
0xb5: {  	[dreg:$0x3] =	wrdreg s24  }
0xb6: {  	[dreg:$0x4] =	wrdreg $0x9  }
0xb7: {  	_ =	task.clear_ibuf [dreg:s7], $0x5FFFF;
	_ =	strace $0x9000004F  }
0xb8: {  	s29 =	simm.s32 $0x9;
	_ =	strace $0x80000051  }
0xb9: {  	_ =	swait.ge [sflag:s29], $0x1  }
0xba: {  	[sflag:s29] =	ssyncadd.s32 $0xFFFFFFFF  }
0xbb: {  	_ =	strace $0x90000051  }
0xbc: {  	_ =	sfence  }
0xbd: {  	s30 =	sld [smem:$0x0];
	_ =	sdelay $0x2  }
0xbe: {  	s31 =	sshll.u32 s1, $0xD;
	s1 =	sshrl.u32 s1, $0x2  }
0xbf: {  	s3 =	sand.u32 $0x4000, s31;
	s1 =	sadd.s32 s1, s30  }
0xc0: {  	s0 =	sor.u32 s3, s0;
	s1 =	sshll.u32 s1, $0x11  }
0xc1: {  	s0 =	sor.u32 s1, s0  }
0xc2: {  	s0 =	sadd.s32 $0x8F2B, s0  }
0xc3: {  	[sflag:s0] =	ssyncadd.remote.s32 $0x1  }
0xc4: {  	_ =	sfence.sel $0xFFFF  }
0xc5: {  	[dreg:$0x0] =	wrdreg $0xFFFFFFFF;
	(pc) =	sbr.abs _section_cstart, $3  }
0xc6: {  	[dreg:$0x1] =	wrdreg $0xFFFFFFFF  }
0xc7: {  	_ =	task.clear_ibuf [dreg:s7], $0x2FFFF;
	_ =	strace $0x9FFFFFFF  }
0xc8: {  	(tm) =	ssettm $0x7FFFFFFF  }
0xc9: {  	_ =	shalt  }
tec
execute0_lowered:
.L_overlay_start_1:
0x0: {  	(tag) =	ssettag $0x1  }
0x1: {  	s1 =	rddreg [dreg:$0x0]  }
0x2: {  	s0 =	rddreg [dreg:$0x1]  }
0x3: {  	s3 =	simm.s32 $0x0;
	s2 =	srdreg.scid;
	s12 =	stileid.u32  }
0x4: {  	s14 =	simm.s32 $0x50;
	s15 =	simm.s32 $0x800;
	s29 =	simm.s32 $0x480  }
0x5: {  	s30 =	simm.s32 $0xF800;
	s31 =	simm.s32 $0x500;
	[smem:$0x7FF] =	sst s3  }
0x6: {  	s2 =	sand.u32 $0x1, s2;
	s4 =	sshll.u32 s12, $0x1;
	s11 =	smul.u32 $0x32, s12  }
0x7: {  	s5 =	sadd.s32 $0x7AE00, s0;
	s6 =	sadd.s32 $0x93E00, s0;
	s12 =	smul.u32 $0x4E200, s12  }
0x8: {  	s7 =	sadd.s32 $0xACE00, s0;
	s4 =	sor.u32 s2, s4;
	s17 =	smul.u32 $0x19, s2  }
0x9: {  	s0 =	sadd.s32 $0x58EE00, s0;
	s9 =	ssub.s32 $0x2, s2;
	s8 =	smul.u32 $0x138800, s4  }
0xa: {  	_ =	strace $0x80000050;
	s4 =	smul.u32 $0xC80, s4;
	s10 =	sshrl.u32 s9, $0x1  }
0xb: {  	s2 =	smul.u32 $0x27100, s2;
	s9 =	ssub.s32 s9, s10;
	s19 =	sadd.s32 s17, s11  }
0xc: {  	s10 =	simm.s32 $0x0;
	s8 =	sshrl.u32 s8, $0x3;
	s13 =	sadd.s32 s5, s4  }
0xd: {  	s4 =	sadd.s32 s6, s4;
	s20 =	smax.u32 s9, $0x1;
	[dreg:$0x5] =	wrdreg s13  }
0xe: {  	s8 =	sadd.s32 $0x25800, s8;
	[dreg:$0x7] =	wrdreg s4;
	s4 =	sshll.u32 s19, $0x7  }
0xf: {  	[dreg:$0x9] =	wrdreg s20;
	s13 =	simm.s32 $0x5;
	s19 =	simm.s32 $0x17000  }
0x10: {  	s18 =	sadd.s32 s7, s8;
	s8 =	sadd.s32 s0, s8;
	s7 =	sadd.s32 s12, s7  }
0x11: {  	s21 =	sadd.s32 s4, s5;
	s0 =	sadd.s32 s12, s0;
	[dreg:$0x6] =	wrdreg s18  }
0x12: {  	s23 =	sadd.s32 $0x80, s4;
	[dreg:$0x8] =	wrdreg s8;
	s7 =	sadd.s32 s2, s7  }
0x13: {  	s24 =	sadd.s32 s4, s6;
	s22 =	sadd.s32 $0x100, s21;
	[dreg:$0x3] =	wrdreg s7  }
0x14: {  	s4 =	simm.s32 $0x14800;
	s25 =	sadd.s32 s23, s5;
	[dreg:$0xa] =	wrdreg s22  }
0x15: {  	s0 =	sadd.s32 s2, s0;
	s26 =	sadd.s32 $0x100, s24;
	[dreg:$0xb] =	wrdreg s25  }
0x16: {  	s28 =	sadd.s32 s23, s6;
	s24 =	simm.s32 $0x400;
	[dreg:$0x4] =	wrdreg s0  }
0x17: {  	s2 =	simm.s32 $0x580;
	s18 =	simm.s32 $0x600;
	[dreg:$0xc] =	wrdreg s26  }
0x18: {  	s5 =	simm.s32 $0x1;
	s6 =	simm.s32 $0x3;
	[dreg:$0xd] =	wrdreg s28  }
0x19: {  	s25 =	simm.s32 $0xD000;
	s0 =	simm.s32 $0x12000;
	s7 =	simm.s32 $0x2  }
.LBB2_1:
0x1a: {  	[dreg:$0xe] =	wrdreg s10  }
0x1b: {  	s8 =	rddreg [dreg:$0x5]  }
0x1c: {  	[tilespmem:s3], [sflag:$0x5] =	stream.linear.gather [hbm4b:s8+s3], $0x280, $0x38;
	[tilespmem:$0x19800] =	vst v63  }
0x1d: {  	_ =	swait.ge [sflag:s13], $0x280  }
0x1e: {  	[sflag:s13] =	ssyncset.done $0x0  }
0x1f: {  	[sflag:s13] =	ssyncadd.s32 $0xFFFFFD80  }
0x20: {  	[tilespmem:s15], [sflag:$0x1] =	stream.indirect.gather [hbm4b:s1+s14], $0x80, s3, s14, $0xb8;
	[tilespmem:$0x19800] =	vst v63  }
0x21: {  	s20 =	simm.s32 $0x80;
	s16 =	simm.s32 $0x3000  }
0x22: {  	[tilespmem:s16], [sflag:$0x1] =	stream.indirect.gather [hbm4b:s1+s14], $0x80, s20, s14, $0xb8;
	[tilespmem:$0x19800] =	vst v63  }
0x23: {  	s22 =	simm.s32 $0x100;
	s11 =	simm.s32 $0x5800  }
0x24: {  	[tilespmem:s11], [sflag:$0x1] =	stream.indirect.gather [hbm4b:s1+s14], $0x80, s22, s14, $0xb8;
	[tilespmem:$0x19800] =	vst v63  }
0x25: {  	s26 =	simm.s32 $0x180;
	s17 =	simm.s32 $0x8000;
	p0 =	por $0x1, $0x1  }
0x26: {  	[tilespmem:s17], [sflag:$0x1] =	stream.indirect.gather [hbm4b:s1+s14], $0x80, s26, s14, $0xb8;
	[tilespmem:$0x19800] =	vst v63  }
0x27: {  	s23 =	simm.s32 $0x200;
	s9 =	simm.s32 $0xA800;
	s8 =	simm.s32 @!p0 $0x4  }
0x28: {  	[tilespmem:s9], [sflag:$0x1] =	stream.indirect.gather [hbm4b:s1+s14], $0x80, s23, s14, $0xb8;
	[tilespmem:$0x19800] =	vst v63  }
0x29: {  	_ =	swait.ge @!p0 [sflag:s8], $0xC800  }
0x2a: {  	[sflag:s8] =	ssyncset.done @!p0 $0x0  }
0x2b: {  	s12 =	rddreg [dreg:$0xb];
	[sflag:s8] =	ssyncadd.s32 @!p0 $0xFFFF3800  }
0x2c: {  	[tilespmem:s24], [sflag:$0x5] =	stream.linear.gather [hbm4b:s12+s3], $0x280, $0x38;
	[tilespmem:$0x19800] =	vst v63  }
0x2d: {  	_ =	swait.ge [sflag:s13], $0x280  }
0x2e: {  	[sflag:s13] =	ssyncset.done $0x0  }
0x2f: {  	[sflag:s13] =	ssyncadd.s32 $0xFFFFFD80  }
0x30: {  	[tilespmem:s25], [sflag:$0x2] =	stream.indirect.gather [hbm4b:s1+s14], $0x80, s24, s14, $0xb8;
	[tilespmem:$0x19800] =	vst v63  }
0x31: {  	_ = 	snop  }
0x32: {  	[tilespmem:s30], [sflag:$0x2] =	stream.indirect.gather [hbm4b:s1+s14], $0x80, s29, s14, $0xb8;
	[tilespmem:$0x19800] =	vst v63  }
0x33: {  	_ = 	snop  }
0x34: {  	[tilespmem:s0], [sflag:$0x2] =	stream.indirect.gather [hbm4b:s1+s14], $0x80, s31, s14, $0xb8;
	[tilespmem:$0x19800] =	vst v63  }
0x35: {  	_ = 	snop  }
0x36: {  	[tilespmem:s4], [sflag:$0x2] =	stream.indirect.gather [hbm4b:s1+s14], $0x80, s2, s14, $0xb8;
	[tilespmem:$0x19800] =	vst v63  }
0x37: {  	_ = 	snop  }
0x38: {  	[tilespmem:s19], [sflag:$0x2] =	stream.indirect.gather [hbm4b:s1+s14], $0x80, s18, s14, $0xb8;
	[tilespmem:$0x19800] =	vst v63  }
0x39: {  	_ =	swait.ge [sflag:s5], $0x2800  }
0x3a: {  	[sflag:s5] =	ssyncset.done $0x0  }
0x3b: {  	[sflag:s5] =	ssyncadd.s32 $0xFFFFD800  }
0x3c: {  	_ =	swait.ge [sflag:s5], $0x2800  }
0x3d: {  	[sflag:s5] =	ssyncset.done $0x0  }
0x3e: {  	[sflag:s5] =	ssyncadd.s32 $0xFFFFD800  }
0x3f: {  	_ =	swait.ge [sflag:s5], $0x2800  }
0x40: {  	[sflag:s5] =	ssyncset.done $0x0  }
0x41: {  	[sflag:s5] =	ssyncadd.s32 $0xFFFFD800  }
0x42: {  	_ =	swait.ge [sflag:s5], $0x2800  }
0x43: {  	[sflag:s5] =	ssyncset.done $0x0  }
0x44: {  	[sflag:s5] =	ssyncadd.s32 $0xFFFFD800  }
0x45: {  	_ =	swait.ge [sflag:s5], $0x2800  }
0x46: {  	s10 =	rddreg [dreg:$0x3];
	[sflag:s5] =	ssyncset.done $0x0  }
0x47: {  	[sflag:s5] =	ssyncadd.s32 $0xFFFFD800;
	s9 =	sadd.s32 $0x0, s10  }
0x48: {  	[hbm4b:s9+s3] =	stream.linear.scatter [tilespmem:s15], [sflag:$0x3], $0xC800, $0x38;
	[tilespmem:$0x19800] =	vst v63  }
0x49: {  	_ =	swait.ge [sflag:s6], $0xC800  }
0x4a: {  	[sflag:s6] =	ssyncset.done $0x0  }
0x4b: {  	s10 =	rddreg [dreg:$0xa];
	[sflag:s6] =	ssyncadd.s32 $0xFFFF3800  }
0x4c: {  	[tilespmem:s3], [sflag:$0x5] =	stream.linear.gather [hbm4b:s10+s3], $0x280, $0x38;
	[tilespmem:$0x19800] =	vst v63  }
0x4d: {  	_ =	swait.ge [sflag:s13], $0x280  }
0x4e: {  	[sflag:s13] =	ssyncset.done $0x0  }
0x4f: {  	[sflag:s13] =	ssyncadd.s32 $0xFFFFFD80  }
0x50: {  	[tilespmem:s15], [sflag:$0x1] =	stream.indirect.gather [hbm4b:s1+s14], $0x80, s3, s14, $0xb8;
	[tilespmem:$0x19800] =	vst v63  }
0x51: {  	_ = 	snop  }
0x52: {  	[tilespmem:s16], [sflag:$0x1] =	stream.indirect.gather [hbm4b:s1+s14], $0x80, s20, s14, $0xb8;
	[tilespmem:$0x19800] =	vst v63  }
0x53: {  	_ = 	snop  }
0x54: {  	[tilespmem:s11], [sflag:$0x1] =	stream.indirect.gather [hbm4b:s1+s14], $0x80, s22, s14, $0xb8;
	[tilespmem:$0x19800] =	vst v63  }
0x55: {  	_ = 	snop  }
0x56: {  	[tilespmem:s17], [sflag:$0x1] =	stream.indirect.gather [hbm4b:s1+s14], $0x80, s26, s14, $0xb8;
	[tilespmem:$0x19800] =	vst v63  }
0x57: {  	s16 =	simm.s32 $0xA800;
	s17 =	simm.s32 $0x200  }
0x58: {  	[tilespmem:s16], [sflag:$0x1] =	stream.indirect.gather [hbm4b:s1+s14], $0x80, s17, s14, $0xb8;
	[tilespmem:$0x19800] =	vst v63  }
0x59: {  	_ =	swait.ge [sflag:s7], $0x2800  }
0x5a: {  	[sflag:s7] =	ssyncset.done $0x0  }
0x5b: {  	[sflag:s7] =	ssyncadd.s32 $0xFFFFD800  }
0x5c: {  	_ =	swait.ge [sflag:s7], $0x2800  }
0x5d: {  	[sflag:s7] =	ssyncset.done $0x0  }
0x5e: {  	[sflag:s7] =	ssyncadd.s32 $0xFFFFD800  }
0x5f: {  	_ =	swait.ge [sflag:s7], $0x2800  }
0x60: {  	[sflag:s7] =	ssyncset.done $0x0  }
0x61: {  	s21 =	simm.s32 $0x5800;
	s28 =	simm.s32 $0xA800;
	[sflag:s7] =	ssyncadd.s32 $0xFFFFD800  }
0x62: {  	p1 =	por $0x0, $0x0;
	s23 =	simm.s32 $0x8000;
	_ =	swait.ge [sflag:s7], $0x2800  }
0x63: {  	s8 =	simm.s32 $0x6400;
	s12 =	sadd.s32 $0x100, s12;
	[sflag:s7] =	ssyncset.done $0x0  }
0x64: {  	s10 =	sadd.s32 $0x100, s10;
	s20 =	simm.s32 $0x100;
	[sflag:s7] =	ssyncadd.s32 $0xFFFFD800  }
0x65: {  	s22 =	simm.s32 $0x180;
	s11 =	simm.s32 $0x3200;
	_ =	swait.ge [sflag:s7], $0x2800  }
0x66: {  	s26 =	simm.s32 $0x200;
	s16 =	sadd.s32 $0x1900, s9;
	[sflag:s7] =	ssyncset.done $0x0  }
.LBB2_2:
0x67: {  	s17 =	simm.s32 @!p1 $0x4;
	[sflag:s7] =	ssyncadd.s32 $0xFFFFD800  }
0x68: {  	[hbm4b:s16+s3] =	stream.linear.scatter [tilespmem:s25], [sflag:$0x4], $0xC800, $0x38;
	[tilespmem:$0x19800] =	vst v63  }
0x69: {  	_ =	swait.ge @!p1 [sflag:s17], $0xC800  }
0x6a: {  	[sflag:s17] =	ssyncset.done @!p1 $0x0  }
0x6b: {  	[sflag:s17] =	ssyncadd.s32 @!p1 $0xFFFF3800  }
0x6c: {  	[tilespmem:s24], [sflag:$0x5] =	stream.linear.gather [hbm4b:s12+s3], $0x280, $0x38;
	[tilespmem:$0x19800] =	vst v63  }
0x6d: {  	_ =	swait.ge [sflag:s13], $0x280  }
0x6e: {  	[sflag:s13] =	ssyncset.done $0x0  }
0x6f: {  	[sflag:s13] =	ssyncadd.s32 $0xFFFFFD80  }
0x70: {  	[tilespmem:s25], [sflag:$0x2] =	stream.indirect.gather [hbm4b:s1+s14], $0x80, s24, s14, $0xb8;
	[tilespmem:$0x19800] =	vst v63  }
0x71: {  	_ = 	snop  }
0x72: {  	[tilespmem:s30], [sflag:$0x2] =	stream.indirect.gather [hbm4b:s1+s14], $0x80, s29, s14, $0xb8;
	[tilespmem:$0x19800] =	vst v63  }
0x73: {  	_ = 	snop  }
0x74: {  	[tilespmem:s0], [sflag:$0x2] =	stream.indirect.gather [hbm4b:s1+s14], $0x80, s31, s14, $0xb8;
	[tilespmem:$0x19800] =	vst v63  }
0x75: {  	_ = 	snop  }
0x76: {  	[tilespmem:s4], [sflag:$0x2] =	stream.indirect.gather [hbm4b:s1+s14], $0x80, s2, s14, $0xb8;
	[tilespmem:$0x19800] =	vst v63  }
0x77: {  	_ = 	snop  }
0x78: {  	[tilespmem:s19], [sflag:$0x2] =	stream.indirect.gather [hbm4b:s1+s14], $0x80, s18, s14, $0xb8;
	[tilespmem:$0x19800] =	vst v63  }
0x79: {  	_ =	swait.ge [sflag:s5], $0x2800  }
0x7a: {  	[sflag:s5] =	ssyncset.done $0x0  }
0x7b: {  	[sflag:s5] =	ssyncadd.s32 $0xFFFFD800  }
0x7c: {  	_ =	swait.ge [sflag:s5], $0x2800  }
0x7d: {  	[sflag:s5] =	ssyncset.done $0x0  }
0x7e: {  	[sflag:s5] =	ssyncadd.s32 $0xFFFFD800  }
0x7f: {  	_ =	swait.ge [sflag:s5], $0x2800  }
0x80: {  	[sflag:s5] =	ssyncset.done $0x0  }
0x81: {  	[sflag:s5] =	ssyncadd.s32 $0xFFFFD800  }
0x82: {  	_ =	swait.ge [sflag:s5], $0x2800  }
0x83: {  	[sflag:s5] =	ssyncset.done $0x0  }
0x84: {  	[sflag:s5] =	ssyncadd.s32 $0xFFFFD800  }
0x85: {  	_ =	swait.ge [sflag:s5], $0x2800  }
0x86: {  	s17 =	rddreg [dreg:$0x3];
	[sflag:s5] =	ssyncset.done $0x0  }
0x87: {  	[sflag:s5] =	ssyncadd.s32 $0xFFFFD800;
	s16 =	sadd.s32 s11, s17  }
0x88: {  	[hbm4b:s16+s3] =	stream.linear.scatter [tilespmem:s15], [sflag:$0x3], $0xC800, $0x38;
	[tilespmem:$0x19800] =	vst v63  }
0x89: {  	_ =	swait.ge [sflag:s6], $0xC800  }
0x8a: {  	[sflag:s6] =	ssyncset.done $0x0  }
0x8b: {  	[sflag:s6] =	ssyncadd.s32 $0xFFFF3800  }
0x8c: {  	[tilespmem:s3], [sflag:$0x5] =	stream.linear.gather [hbm4b:s10+s3], $0x280, $0x38;
	[tilespmem:$0x19800] =	vst v63  }
0x8d: {  	_ =	swait.ge [sflag:s13], $0x280  }
0x8e: {  	[sflag:s13] =	ssyncset.done $0x0  }
0x8f: {  	s9 =	smov.u32 s8;
	[sflag:s13] =	ssyncadd.s32 $0xFFFFFD80  }
0x90: {  	[tilespmem:s15], [sflag:$0x1] =	stream.indirect.gather [hbm4b:s1+s14], $0x80, s3, s14, $0xb8;
	[tilespmem:$0x19800] =	vst v63  }
0x91: {  	s11 =	smov.u32 s9;
	s9 =	simm.s32 $0x80;
	s17 =	simm.s32 $0x3000  }
0x92: {  	[tilespmem:s17], [sflag:$0x1] =	stream.indirect.gather [hbm4b:s1+s14], $0x80, s9, s14, $0xb8;
	[tilespmem:$0x19800] =	vst v63  }
0x93: {  	_ = 	snop  }
0x94: {  	[tilespmem:s21], [sflag:$0x1] =	stream.indirect.gather [hbm4b:s1+s14], $0x80, s20, s14, $0xb8;
	[tilespmem:$0x19800] =	vst v63  }
0x95: {  	_ = 	snop  }
0x96: {  	[tilespmem:s23], [sflag:$0x1] =	stream.indirect.gather [hbm4b:s1+s14], $0x80, s22, s14, $0xb8;
	[tilespmem:$0x19800] =	vst v63  }
0x97: {  	_ = 	snop  }
0x98: {  	[tilespmem:s28], [sflag:$0x1] =	stream.indirect.gather [hbm4b:s1+s14], $0x80, s26, s14, $0xb8;
	[tilespmem:$0x19800] =	vst v63  }
0x99: {  	_ =	swait.ge [sflag:s7], $0x2800  }
0x9a: {  	[sflag:s7] =	ssyncset.done $0x0  }
0x9b: {  	[sflag:s7] =	ssyncadd.s32 $0xFFFFD800  }
0x9c: {  	_ =	swait.ge [sflag:s7], $0x2800  }
0x9d: {  	[sflag:s7] =	ssyncset.done $0x0  }
0x9e: {  	[sflag:s7] =	ssyncadd.s32 $0xFFFFD800  }
0x9f: {  	_ =	swait.ge [sflag:s7], $0x2800  }
0xa0: {  	s8 =	sadd.s32 $0x3200, s8;
	[sflag:s7] =	ssyncset.done $0x0  }
0xa1: {  	p0 =	sne.s32 s8, $0x25800;
	[sflag:s7] =	ssyncadd.s32 $0xFFFFD800  }
.Ltmp0:
0xa2: {  	_ =	swait.ge [sflag:s7], $0x2800;
	(pc) =	sbr.rel @p0 .LBB2_2-.Ltmp0, $4  }
0xa3: {  	[sflag:s7] =	ssyncset.done $0x0  }
0xa4: {  	[sflag:s7] =	ssyncadd.s32 $0xFFFFD800  }
0xa5: {  	s12 =	sadd.s32 $0x100, s12;
	p1 =	seq.s32 s11, $0x0;
	_ =	swait.ge [sflag:s7], $0x2800  }
0xa6: {  	s16 =	sadd.s32 $0x1900, s16;
	s10 =	sadd.s32 $0x100, s10;
	[sflag:s7] =	ssyncset.done $0x0  }
0xa7: {  	s8 =	simm.s32 @!p1 $0x4;
	[sflag:s7] =	ssyncadd.s32 $0xFFFFD800  }
0xa8: {  	[hbm4b:s16+s3] =	stream.linear.scatter [tilespmem:s25], [sflag:$0x4], $0xC800, $0x38;
	[tilespmem:$0x19800] =	vst v63  }
0xa9: {  	_ =	swait.ge @!p1 [sflag:s8], $0xC800  }
0xaa: {  	[sflag:s8] =	ssyncset.done @!p1 $0x0  }
0xab: {  	[sflag:s8] =	ssyncadd.s32 @!p1 $0xFFFF3800  }
0xac: {  	[tilespmem:s24], [sflag:$0x5] =	stream.linear.gather [hbm4b:s12+s3], $0x280, $0x38;
	[tilespmem:$0x19800] =	vst v63  }
0xad: {  	_ =	swait.ge [sflag:s13], $0x280  }
0xae: {  	[sflag:s13] =	ssyncset.done $0x0  }
0xaf: {  	[sflag:s13] =	ssyncadd.s32 $0xFFFFFD80  }
0xb0: {  	[tilespmem:s25], [sflag:$0x2] =	stream.indirect.gather [hbm4b:s1+s14], $0x80, s24, s14, $0xb8;
	[tilespmem:$0x19800] =	vst v63  }
0xb1: {  	s18 =	simm.s32 $0x480;
	s19 =	simm.s32 $0xF800  }
0xb2: {  	[tilespmem:s19], [sflag:$0x2] =	stream.indirect.gather [hbm4b:s1+s14], $0x80, s18, s14, $0xb8;
	[tilespmem:$0x19800] =	vst v63  }
0xb3: {  	s2 =	simm.s32 $0x500;
	s23 =	simm.s32 $0x12000  }
0xb4: {  	[tilespmem:s23], [sflag:$0x2] =	stream.indirect.gather [hbm4b:s1+s14], $0x80, s2, s14, $0xb8;
	[tilespmem:$0x19800] =	vst v63  }
0xb5: {  	s0 =	simm.s32 $0x580;
	s28 =	simm.s32 $0x14800  }
0xb6: {  	[tilespmem:s28], [sflag:$0x2] =	stream.indirect.gather [hbm4b:s1+s14], $0x80, s0, s14, $0xb8;
	[tilespmem:$0x19800] =	vst v63  }
0xb7: {  	s20 =	simm.s32 $0x17000;
	s8 =	simm.s32 $0x600  }
0xb8: {  	[tilespmem:s20], [sflag:$0x2] =	stream.indirect.gather [hbm4b:s1+s14], $0x80, s8, s14, $0xb8;
	[tilespmem:$0x19800] =	vst v63  }
0xb9: {  	_ =	swait.ge [sflag:s5], $0x2800  }
0xba: {  	[sflag:s5] =	ssyncset.done $0x0  }
0xbb: {  	[sflag:s5] =	ssyncadd.s32 $0xFFFFD800  }
0xbc: {  	_ =	swait.ge [sflag:s5], $0x2800  }
0xbd: {  	[sflag:s5] =	ssyncset.done $0x0  }
0xbe: {  	[sflag:s5] =	ssyncadd.s32 $0xFFFFD800  }
0xbf: {  	_ =	swait.ge [sflag:s5], $0x2800  }
0xc0: {  	[sflag:s5] =	ssyncset.done $0x0  }
0xc1: {  	[sflag:s5] =	ssyncadd.s32 $0xFFFFD800  }
0xc2: {  	_ =	swait.ge [sflag:s5], $0x2800  }
0xc3: {  	[sflag:s5] =	ssyncset.done $0x0  }
0xc4: {  	[sflag:s5] =	ssyncadd.s32 $0xFFFFD800  }
0xc5: {  	_ =	swait.ge [sflag:s5], $0x2800  }
0xc6: {  	s9 =	rddreg [dreg:$0x3];
	[sflag:s5] =	ssyncset.done $0x0  }
0xc7: {  	[sflag:s5] =	ssyncadd.s32 $0xFFFFD800;
	s8 =	sadd.s32 s11, s9  }
0xc8: {  	[hbm4b:s8+s3] =	stream.linear.scatter [tilespmem:s15], [sflag:$0x3], $0xC800, $0x38;
	[tilespmem:$0x19800] =	vst v63  }
0xc9: {  	_ =	swait.ge [sflag:s6], $0xC800  }
0xca: {  	[sflag:s6] =	ssyncset.done $0x0  }
0xcb: {  	[sflag:s6] =	ssyncadd.s32 $0xFFFF3800  }
0xcc: {  	[tilespmem:s3], [sflag:$0x5] =	stream.linear.gather [hbm4b:s10+s3], $0x280, $0x38;
	[tilespmem:$0x19800] =	vst v63  }
0xcd: {  	_ =	swait.ge [sflag:s13], $0x280  }
0xce: {  	[sflag:s13] =	ssyncset.done $0x0  }
0xcf: {  	[sflag:s13] =	ssyncadd.s32 $0xFFFFFD80  }
0xd0: {  	[tilespmem:s15], [sflag:$0x1] =	stream.indirect.gather [hbm4b:s1+s14], $0x80, s3, s14, $0xb8;
	[tilespmem:$0x19800] =	vst v63  }
0xd1: {  	s21 =	simm.s32 $0x80;
	s16 =	simm.s32 $0x3000  }
0xd2: {  	[tilespmem:s16], [sflag:$0x1] =	stream.indirect.gather [hbm4b:s1+s14], $0x80, s21, s14, $0xb8;
	[tilespmem:$0x19800] =	vst v63  }
0xd3: {  	s22 =	simm.s32 $0x100;
	s11 =	simm.s32 $0x5800  }
0xd4: {  	[tilespmem:s11], [sflag:$0x1] =	stream.indirect.gather [hbm4b:s1+s14], $0x80, s22, s14, $0xb8;
	[tilespmem:$0x19800] =	vst v63  }
0xd5: {  	s17 =	simm.s32 $0x8000;
	s10 =	simm.s32 $0x180  }
0xd6: {  	[tilespmem:s17], [sflag:$0x1] =	stream.indirect.gather [hbm4b:s1+s14], $0x80, s10, s14, $0xb8;
	[tilespmem:$0x19800] =	vst v63  }
0xd7: {  	s4 =	simm.s32 $0xA800;
	s12 =	simm.s32 $0x200  }
0xd8: {  	[tilespmem:s4], [sflag:$0x1] =	stream.indirect.gather [hbm4b:s1+s14], $0x80, s12, s14, $0xb8;
	[tilespmem:$0x19800] =	vst v63  }
0xd9: {  	_ =	swait.ge [sflag:s7], $0x2800  }
0xda: {  	[sflag:s7] =	ssyncset.done $0x0  }
0xdb: {  	[sflag:s7] =	ssyncadd.s32 $0xFFFFD800  }
0xdc: {  	_ =	swait.ge [sflag:s7], $0x2800  }
0xdd: {  	[sflag:s7] =	ssyncset.done $0x0  }
0xde: {  	[sflag:s7] =	ssyncadd.s32 $0xFFFFD800  }
0xdf: {  	_ =	swait.ge [sflag:s7], $0x2800  }
0xe0: {  	[sflag:s7] =	ssyncset.done $0x0  }
0xe1: {  	[sflag:s7] =	ssyncadd.s32 $0xFFFFD800  }
0xe2: {  	_ =	swait.ge [sflag:s7], $0x2800  }
0xe3: {  	[sflag:s7] =	ssyncset.done $0x0  }
0xe4: {  	[sflag:s7] =	ssyncadd.s32 $0xFFFFD800  }
0xe5: {  	_ =	swait.ge [sflag:s7], $0x2800  }
0xe6: {  	[sflag:s7] =	ssyncset.done $0x0  }
0xe7: {  	s8 =	sadd.s32 $0x1900, s8;
	[sflag:s7] =	ssyncadd.s32 $0xFFFFD800  }
0xe8: {  	[hbm4b:s8+s3] =	stream.linear.scatter [tilespmem:s25], [sflag:$0x4], $0xC800, $0x38;
	[tilespmem:$0x19800] =	vst v63  }
0xe9: {  	_ =	swait.ge [sflag:s5], $0x2800  }
0xea: {  	[sflag:s5] =	ssyncset.done $0x0  }
0xeb: {  	[sflag:s5] =	ssyncadd.s32 $0xFFFFD800  }
0xec: {  	_ =	swait.ge [sflag:s5], $0x2800  }
0xed: {  	[sflag:s5] =	ssyncset.done $0x0  }
0xee: {  	[sflag:s5] =	ssyncadd.s32 $0xFFFFD800  }
0xef: {  	_ =	swait.ge [sflag:s5], $0x2800  }
0xf0: {  	[sflag:s5] =	ssyncset.done $0x0  }
0xf1: {  	[sflag:s5] =	ssyncadd.s32 $0xFFFFD800  }
0xf2: {  	_ =	swait.ge [sflag:s5], $0x2800  }
0xf3: {  	[sflag:s5] =	ssyncset.done $0x0  }
0xf4: {  	[sflag:s5] =	ssyncadd.s32 $0xFFFFD800  }
0xf5: {  	_ =	swait.ge [sflag:s5], $0x2800  }
0xf6: {  	[sflag:s5] =	ssyncset.done $0x0  }
0xf7: {  	s8 =	simm.s32 $0x0;
	s9 =	rddreg [dreg:$0x6];
	[sflag:s5] =	ssyncadd.s32 $0xFFFFD800  }
0xf8: {  	[hbm4b:s9+s8] =	stream.linear.scatter [tilespmem:s15], [sflag:$0x3], $0xC800, $0x38;
	[tilespmem:$0x19800] =	vst v63  }
0xf9: {  	_ =	swait.ge [sflag:s6], $0xC800  }
0xfa: {  	[sflag:s6] =	ssyncset.done $0x0  }
0xfb: {  	s9 =	simm.s32 $0x4;
	[sflag:s6] =	ssyncadd.s32 $0xFFFF3800  }
0xfc: {  	_ =	swait.ge [sflag:s9], $0xC800  }
0xfd: {  	[sflag:s9] =	ssyncset.done $0x0  }
0xfe: {  	s12 =	rddreg [dreg:$0x7];
	[sflag:s9] =	ssyncadd.s32 $0xFFFF3800  }
0xff: {  	[tilespmem:s8], [sflag:$0x5] =	stream.linear.gather [hbm4b:s12+s8], $0x280, $0x38;
	[tilespmem:$0x19800] =	vst v63  }
0x100: {  	_ =	swait.ge [sflag:s13], $0x280  }
0x101: {  	[sflag:s13] =	ssyncset.done $0x0  }
0x102: {  	[sflag:s13] =	ssyncadd.s32 $0xFFFFFD80  }
0x103: {  	[tilespmem:s15], [sflag:$0x1] =	stream.indirect.gather [hbm4b:s1+s14], $0x80, s8, s14, $0xb8;
	[tilespmem:$0x19800] =	vst v63  }
0x104: {  	_ = 	snop  }
0x105: {  	[tilespmem:s16], [sflag:$0x1] =	stream.indirect.gather [hbm4b:s1+s14], $0x80, s21, s14, $0xb8;
	[tilespmem:$0x19800] =	vst v63  }
0x106: {  	_ = 	snop  }
0x107: {  	[tilespmem:s11], [sflag:$0x1] =	stream.indirect.gather [hbm4b:s1+s14], $0x80, s22, s14, $0xb8;
	[tilespmem:$0x19800] =	vst v63  }
0x108: {  	s26 =	simm.s32 $0x180;
	p0 =	por $0x1, $0x1  }
0x109: {  	[tilespmem:s17], [sflag:$0x1] =	stream.indirect.gather [hbm4b:s1+s14], $0x80, s26, s14, $0xb8;
	[tilespmem:$0x19800] =	vst v63  }
0x10a: {  	s10 =	simm.s32 $0x200;
	s4 =	simm.s32 $0xA800;
	s8 =	simm.s32 @!p0 $0x4  }
0x10b: {  	[tilespmem:s4], [sflag:$0x1] =	stream.indirect.gather [hbm4b:s1+s14], $0x80, s10, s14, $0xb8;
	[tilespmem:$0x19800] =	vst v63  }
0x10c: {  	_ =	swait.ge @!p0 [sflag:s8], $0xC800  }
0x10d: {  	[sflag:s8] =	ssyncset.done @!p0 $0x0  }
0x10e: {  	s12 =	rddreg [dreg:$0xd];
	[sflag:s8] =	ssyncadd.s32 @!p0 $0xFFFF3800  }
0x10f: {  	[tilespmem:s24], [sflag:$0x5] =	stream.linear.gather [hbm4b:s12+s3], $0x280, $0x38;
	[tilespmem:$0x19800] =	vst v63  }
0x110: {  	_ =	swait.ge [sflag:s13], $0x280  }
0x111: {  	[sflag:s13] =	ssyncset.done $0x0  }
0x112: {  	[sflag:s13] =	ssyncadd.s32 $0xFFFFFD80  }
0x113: {  	[tilespmem:s25], [sflag:$0x2] =	stream.indirect.gather [hbm4b:s1+s14], $0x80, s24, s14, $0xb8;
	[tilespmem:$0x19800] =	vst v63  }
0x114: {  	_ = 	snop  }
0x115: {  	[tilespmem:s19], [sflag:$0x2] =	stream.indirect.gather [hbm4b:s1+s14], $0x80, s18, s14, $0xb8;
	[tilespmem:$0x19800] =	vst v63  }
0x116: {  	_ = 	snop  }
0x117: {  	[tilespmem:s23], [sflag:$0x2] =	stream.indirect.gather [hbm4b:s1+s14], $0x80, s2, s14, $0xb8;
	[tilespmem:$0x19800] =	vst v63  }
0x118: {  	s23 =	simm.s32 $0x580  }
0x119: {  	[tilespmem:s28], [sflag:$0x2] =	stream.indirect.gather [hbm4b:s1+s14], $0x80, s23, s14, $0xb8;
	[tilespmem:$0x19800] =	vst v63  }
0x11a: {  	s9 =	simm.s32 $0x600  }
0x11b: {  	[tilespmem:s20], [sflag:$0x2] =	stream.indirect.gather [hbm4b:s1+s14], $0x80, s9, s14, $0xb8;
	[tilespmem:$0x19800] =	vst v63  }
0x11c: {  	_ =	swait.ge [sflag:s5], $0x2800  }
0x11d: {  	[sflag:s5] =	ssyncset.done $0x0  }
0x11e: {  	[sflag:s5] =	ssyncadd.s32 $0xFFFFD800  }
0x11f: {  	_ =	swait.ge [sflag:s5], $0x2800  }
0x120: {  	[sflag:s5] =	ssyncset.done $0x0  }
0x121: {  	[sflag:s5] =	ssyncadd.s32 $0xFFFFD800  }
0x122: {  	_ =	swait.ge [sflag:s5], $0x2800  }
0x123: {  	[sflag:s5] =	ssyncset.done $0x0  }
0x124: {  	[sflag:s5] =	ssyncadd.s32 $0xFFFFD800  }
0x125: {  	_ =	swait.ge [sflag:s5], $0x2800  }
0x126: {  	[sflag:s5] =	ssyncset.done $0x0  }
0x127: {  	[sflag:s5] =	ssyncadd.s32 $0xFFFFD800  }
0x128: {  	_ =	swait.ge [sflag:s5], $0x2800  }
0x129: {  	s10 =	rddreg [dreg:$0x4];
	[sflag:s5] =	ssyncset.done $0x0  }
0x12a: {  	[sflag:s5] =	ssyncadd.s32 $0xFFFFD800;
	s9 =	sadd.s32 $0x0, s10  }
0x12b: {  	[hbm4b:s9+s3] =	stream.linear.scatter [tilespmem:s15], [sflag:$0x3], $0xC800, $0x38;
	[tilespmem:$0x19800] =	vst v63  }
0x12c: {  	_ =	swait.ge [sflag:s6], $0xC800  }
0x12d: {  	[sflag:s6] =	ssyncset.done $0x0  }
0x12e: {  	s10 =	rddreg [dreg:$0xc];
	[sflag:s6] =	ssyncadd.s32 $0xFFFF3800  }
0x12f: {  	[tilespmem:s3], [sflag:$0x5] =	stream.linear.gather [hbm4b:s10+s3], $0x280, $0x38;
	[tilespmem:$0x19800] =	vst v63  }
0x130: {  	_ =	swait.ge [sflag:s13], $0x280  }
0x131: {  	[sflag:s13] =	ssyncset.done $0x0  }
0x132: {  	[sflag:s13] =	ssyncadd.s32 $0xFFFFFD80  }
0x133: {  	[tilespmem:s15], [sflag:$0x1] =	stream.indirect.gather [hbm4b:s1+s14], $0x80, s3, s14, $0xb8;
	[tilespmem:$0x19800] =	vst v63  }
0x134: {  	_ = 	snop  }
0x135: {  	[tilespmem:s16], [sflag:$0x1] =	stream.indirect.gather [hbm4b:s1+s14], $0x80, s21, s14, $0xb8;
	[tilespmem:$0x19800] =	vst v63  }
0x136: {  	_ = 	snop  }
0x137: {  	[tilespmem:s11], [sflag:$0x1] =	stream.indirect.gather [hbm4b:s1+s14], $0x80, s22, s14, $0xb8;
	[tilespmem:$0x19800] =	vst v63  }
0x138: {  	_ = 	snop  }
0x139: {  	[tilespmem:s17], [sflag:$0x1] =	stream.indirect.gather [hbm4b:s1+s14], $0x80, s26, s14, $0xb8;
	[tilespmem:$0x19800] =	vst v63  }
0x13a: {  	s16 =	simm.s32 $0x200;
	s17 =	simm.s32 $0xA800  }
0x13b: {  	[tilespmem:s17], [sflag:$0x1] =	stream.indirect.gather [hbm4b:s1+s14], $0x80, s16, s14, $0xb8;
	[tilespmem:$0x19800] =	vst v63  }
0x13c: {  	_ =	swait.ge [sflag:s7], $0x2800  }
0x13d: {  	[sflag:s7] =	ssyncset.done $0x0  }
0x13e: {  	[sflag:s7] =	ssyncadd.s32 $0xFFFFD800  }
0x13f: {  	_ =	swait.ge [sflag:s7], $0x2800  }
0x140: {  	s29 =	simm.s32 $0x480;
	s30 =	simm.s32 $0xF800;
	[sflag:s7] =	ssyncset.done $0x0  }
0x141: {  	s31 =	simm.s32 $0x500;
	p1 =	por $0x0, $0x0;
	[sflag:s7] =	ssyncadd.s32 $0xFFFFD800  }
0x142: {  	s0 =	simm.s32 $0x12000;
	s4 =	simm.s32 $0x14800;
	_ =	swait.ge [sflag:s7], $0x2800  }
0x143: {  	s8 =	simm.s32 $0x6400;
	s12 =	sadd.s32 $0x100, s12;
	[sflag:s7] =	ssyncset.done $0x0  }
0x144: {  	s18 =	simm.s32 $0x600;
	s19 =	simm.s32 $0x17000;
	[sflag:s7] =	ssyncadd.s32 $0xFFFFD800  }
0x145: {  	s2 =	simm.s32 $0x580;
	s23 =	simm.s32 $0x8000;
	_ =	swait.ge [sflag:s7], $0x2800  }
0x146: {  	s28 =	simm.s32 $0xA800;
	s20 =	simm.s32 $0x3000;
	[sflag:s7] =	ssyncset.done $0x0  }
0x147: {  	s10 =	sadd.s32 $0x100, s10;
	s21 =	simm.s32 $0x5800;
	[sflag:s7] =	ssyncadd.s32 $0xFFFFD800  }
0x148: {  	s22 =	simm.s32 $0x180;
	s11 =	simm.s32 $0x3200;
	_ =	swait.ge [sflag:s7], $0x2800  }
0x149: {  	s26 =	simm.s32 $0x200;
	s16 =	sadd.s32 $0x1900, s9;
	[sflag:s7] =	ssyncset.done $0x0  }
.LBB2_4:
0x14a: {  	s17 =	simm.s32 @!p1 $0x4;
	[sflag:s7] =	ssyncadd.s32 $0xFFFFD800  }
0x14b: {  	[hbm4b:s16+s3] =	stream.linear.scatter [tilespmem:s25], [sflag:$0x4], $0xC800, $0x38;
	[tilespmem:$0x19800] =	vst v63  }
0x14c: {  	_ =	swait.ge @!p1 [sflag:s17], $0xC800  }
0x14d: {  	[sflag:s17] =	ssyncset.done @!p1 $0x0  }
0x14e: {  	[sflag:s17] =	ssyncadd.s32 @!p1 $0xFFFF3800  }
0x14f: {  	[tilespmem:s24], [sflag:$0x5] =	stream.linear.gather [hbm4b:s12+s3], $0x280, $0x38;
	[tilespmem:$0x19800] =	vst v63  }
0x150: {  	_ =	swait.ge [sflag:s13], $0x280  }
0x151: {  	[sflag:s13] =	ssyncset.done $0x0  }
0x152: {  	[sflag:s13] =	ssyncadd.s32 $0xFFFFFD80  }
0x153: {  	[tilespmem:s25], [sflag:$0x2] =	stream.indirect.gather [hbm4b:s1+s14], $0x80, s24, s14, $0xb8;
	[tilespmem:$0x19800] =	vst v63  }
0x154: {  	_ = 	snop  }
0x155: {  	[tilespmem:s30], [sflag:$0x2] =	stream.indirect.gather [hbm4b:s1+s14], $0x80, s29, s14, $0xb8;
	[tilespmem:$0x19800] =	vst v63  }
0x156: {  	_ = 	snop  }
0x157: {  	[tilespmem:s0], [sflag:$0x2] =	stream.indirect.gather [hbm4b:s1+s14], $0x80, s31, s14, $0xb8;
	[tilespmem:$0x19800] =	vst v63  }
0x158: {  	_ = 	snop  }
0x159: {  	[tilespmem:s4], [sflag:$0x2] =	stream.indirect.gather [hbm4b:s1+s14], $0x80, s2, s14, $0xb8;
	[tilespmem:$0x19800] =	vst v63  }
0x15a: {  	_ = 	snop  }
0x15b: {  	[tilespmem:s19], [sflag:$0x2] =	stream.indirect.gather [hbm4b:s1+s14], $0x80, s18, s14, $0xb8;
	[tilespmem:$0x19800] =	vst v63  }
0x15c: {  	_ =	swait.ge [sflag:s5], $0x2800  }
0x15d: {  	[sflag:s5] =	ssyncset.done $0x0  }
0x15e: {  	[sflag:s5] =	ssyncadd.s32 $0xFFFFD800  }
0x15f: {  	_ =	swait.ge [sflag:s5], $0x2800  }
0x160: {  	[sflag:s5] =	ssyncset.done $0x0  }
0x161: {  	[sflag:s5] =	ssyncadd.s32 $0xFFFFD800  }
0x162: {  	_ =	swait.ge [sflag:s5], $0x2800  }
0x163: {  	[sflag:s5] =	ssyncset.done $0x0  }
0x164: {  	[sflag:s5] =	ssyncadd.s32 $0xFFFFD800  }
0x165: {  	_ =	swait.ge [sflag:s5], $0x2800  }
0x166: {  	[sflag:s5] =	ssyncset.done $0x0  }
0x167: {  	[sflag:s5] =	ssyncadd.s32 $0xFFFFD800  }
0x168: {  	_ =	swait.ge [sflag:s5], $0x2800  }
0x169: {  	s17 =	rddreg [dreg:$0x4];
	[sflag:s5] =	ssyncset.done $0x0  }
0x16a: {  	[sflag:s5] =	ssyncadd.s32 $0xFFFFD800;
	s16 =	sadd.s32 s11, s17  }
0x16b: {  	[hbm4b:s16+s3] =	stream.linear.scatter [tilespmem:s15], [sflag:$0x3], $0xC800, $0x38;
	[tilespmem:$0x19800] =	vst v63  }
0x16c: {  	_ =	swait.ge [sflag:s6], $0xC800  }
0x16d: {  	[sflag:s6] =	ssyncset.done $0x0  }
0x16e: {  	[sflag:s6] =	ssyncadd.s32 $0xFFFF3800  }
0x16f: {  	[tilespmem:s3], [sflag:$0x5] =	stream.linear.gather [hbm4b:s10+s3], $0x280, $0x38;
	[tilespmem:$0x19800] =	vst v63  }
0x170: {  	_ =	swait.ge [sflag:s13], $0x280  }
0x171: {  	[sflag:s13] =	ssyncset.done $0x0  }
0x172: {  	[sflag:s13] =	ssyncadd.s32 $0xFFFFFD80  }
0x173: {  	[tilespmem:s15], [sflag:$0x1] =	stream.indirect.gather [hbm4b:s1+s14], $0x80, s3, s14, $0xb8;
	[tilespmem:$0x19800] =	vst v63  }
0x174: {  	s17 =	simm.s32 $0x80  }
0x175: {  	[tilespmem:s20], [sflag:$0x1] =	stream.indirect.gather [hbm4b:s1+s14], $0x80, s17, s14, $0xb8;
	[tilespmem:$0x19800] =	vst v63  }
0x176: {  	s17 =	simm.s32 $0x100  }
0x177: {  	[tilespmem:s21], [sflag:$0x1] =	stream.indirect.gather [hbm4b:s1+s14], $0x80, s17, s14, $0xb8;
	[tilespmem:$0x19800] =	vst v63  }
0x178: {  	_ = 	snop  }
0x179: {  	[tilespmem:s23], [sflag:$0x1] =	stream.indirect.gather [hbm4b:s1+s14], $0x80, s22, s14, $0xb8;
	[tilespmem:$0x19800] =	vst v63  }
0x17a: {  	_ = 	snop  }
0x17b: {  	[tilespmem:s28], [sflag:$0x1] =	stream.indirect.gather [hbm4b:s1+s14], $0x80, s26, s14, $0xb8;
	[tilespmem:$0x19800] =	vst v63  }
0x17c: {  	_ =	swait.ge [sflag:s7], $0x2800  }
0x17d: {  	[sflag:s7] =	ssyncset.done $0x0  }
0x17e: {  	[sflag:s7] =	ssyncadd.s32 $0xFFFFD800  }
0x17f: {  	_ =	swait.ge [sflag:s7], $0x2800  }
0x180: {  	[sflag:s7] =	ssyncset.done $0x0  }
0x181: {  	[sflag:s7] =	ssyncadd.s32 $0xFFFFD800  }
0x182: {  	_ =	swait.ge [sflag:s7], $0x2800  }
0x183: {  	s9 =	smov.u32 s8;
	s8 =	sadd.s32 $0x3200, s8;
	[sflag:s7] =	ssyncset.done $0x0  }
0x184: {  	p0 =	sne.s32 s8, $0x25800;
	[sflag:s7] =	ssyncadd.s32 $0xFFFFD800  }
.Ltmp1:
0x185: {  	_ =	swait.ge [sflag:s7], $0x2800;
	(pc) =	sbr.rel @p0 .LBB2_4-.Ltmp1, $4  }
0x186: {  	[sflag:s7] =	ssyncset.done $0x0  }
0x187: {  	s11 =	smov.u32 s9;
	[sflag:s7] =	ssyncadd.s32 $0xFFFFD800  }
0x188: {  	s12 =	sadd.s32 $0x100, s12;
	p1 =	seq.s32 s11, $0x0;
	_ =	swait.ge [sflag:s7], $0x2800  }
0x189: {  	s16 =	sadd.s32 $0x1900, s16;
	s10 =	sadd.s32 $0x100, s10;
	[sflag:s7] =	ssyncset.done $0x0  }
0x18a: {  	[sflag:s7] =	ssyncadd.s32 $0xFFFFD800;
	s8 =	simm.s32 @!p1 $0x4  }
0x18b: {  	[hbm4b:s16+s3] =	stream.linear.scatter [tilespmem:s25], [sflag:$0x4], $0xC800, $0x38;
	[tilespmem:$0x19800] =	vst v63  }
0x18c: {  	_ =	swait.ge @!p1 [sflag:s8], $0xC800  }
0x18d: {  	[sflag:s8] =	ssyncset.done @!p1 $0x0  }
0x18e: {  	[sflag:s8] =	ssyncadd.s32 @!p1 $0xFFFF3800  }
0x18f: {  	[tilespmem:s24], [sflag:$0x5] =	stream.linear.gather [hbm4b:s12+s3], $0x280, $0x38;
	[tilespmem:$0x19800] =	vst v63  }
0x190: {  	_ =	swait.ge [sflag:s13], $0x280  }
0x191: {  	[sflag:s13] =	ssyncset.done $0x0  }
0x192: {  	[sflag:s13] =	ssyncadd.s32 $0xFFFFFD80  }
0x193: {  	[tilespmem:s25], [sflag:$0x2] =	stream.indirect.gather [hbm4b:s1+s14], $0x80, s24, s14, $0xb8;
	[tilespmem:$0x19800] =	vst v63  }
0x194: {  	_ = 	snop  }
0x195: {  	[tilespmem:s30], [sflag:$0x2] =	stream.indirect.gather [hbm4b:s1+s14], $0x80, s29, s14, $0xb8;
	[tilespmem:$0x19800] =	vst v63  }
0x196: {  	_ = 	snop  }
0x197: {  	[tilespmem:s0], [sflag:$0x2] =	stream.indirect.gather [hbm4b:s1+s14], $0x80, s31, s14, $0xb8;
	[tilespmem:$0x19800] =	vst v63  }
0x198: {  	_ = 	snop  }
0x199: {  	[tilespmem:s4], [sflag:$0x2] =	stream.indirect.gather [hbm4b:s1+s14], $0x80, s2, s14, $0xb8;
	[tilespmem:$0x19800] =	vst v63  }
0x19a: {  	_ = 	snop  }
0x19b: {  	[tilespmem:s19], [sflag:$0x2] =	stream.indirect.gather [hbm4b:s1+s14], $0x80, s18, s14, $0xb8;
	[tilespmem:$0x19800] =	vst v63  }
0x19c: {  	_ =	swait.ge [sflag:s5], $0x2800  }
0x19d: {  	[sflag:s5] =	ssyncset.done $0x0  }
0x19e: {  	[sflag:s5] =	ssyncadd.s32 $0xFFFFD800  }
0x19f: {  	_ =	swait.ge [sflag:s5], $0x2800  }
0x1a0: {  	[sflag:s5] =	ssyncset.done $0x0  }
0x1a1: {  	[sflag:s5] =	ssyncadd.s32 $0xFFFFD800  }
0x1a2: {  	_ =	swait.ge [sflag:s5], $0x2800  }
0x1a3: {  	[sflag:s5] =	ssyncset.done $0x0  }
0x1a4: {  	[sflag:s5] =	ssyncadd.s32 $0xFFFFD800  }
0x1a5: {  	_ =	swait.ge [sflag:s5], $0x2800  }
0x1a6: {  	[sflag:s5] =	ssyncset.done $0x0  }
0x1a7: {  	[sflag:s5] =	ssyncadd.s32 $0xFFFFD800  }
0x1a8: {  	_ =	swait.ge [sflag:s5], $0x2800  }
0x1a9: {  	s17 =	rddreg [dreg:$0x4];
	[sflag:s5] =	ssyncset.done $0x0  }
0x1aa: {  	s8 =	sadd.s32 s11, s17;
	[sflag:s5] =	ssyncadd.s32 $0xFFFFD800  }
0x1ab: {  	[hbm4b:s8+s3] =	stream.linear.scatter [tilespmem:s15], [sflag:$0x3], $0xC800, $0x38;
	[tilespmem:$0x19800] =	vst v63  }
0x1ac: {  	_ =	swait.ge [sflag:s6], $0xC800  }
0x1ad: {  	[sflag:s6] =	ssyncset.done $0x0  }
0x1ae: {  	[sflag:s6] =	ssyncadd.s32 $0xFFFF3800  }
0x1af: {  	[tilespmem:s3], [sflag:$0x5] =	stream.linear.gather [hbm4b:s10+s3], $0x280, $0x38;
	[tilespmem:$0x19800] =	vst v63  }
0x1b0: {  	_ =	swait.ge [sflag:s13], $0x280  }
0x1b1: {  	[sflag:s13] =	ssyncset.done $0x0  }
0x1b2: {  	[sflag:s13] =	ssyncadd.s32 $0xFFFFFD80  }
0x1b3: {  	[tilespmem:s15], [sflag:$0x1] =	stream.indirect.gather [hbm4b:s1+s14], $0x80, s3, s14, $0xb8;
	[tilespmem:$0x19800] =	vst v63  }
0x1b4: {  	s9 =	simm.s32 $0x80  }
0x1b5: {  	[tilespmem:s20], [sflag:$0x1] =	stream.indirect.gather [hbm4b:s1+s14], $0x80, s9, s14, $0xb8;
	[tilespmem:$0x19800] =	vst v63  }
0x1b6: {  	s20 =	simm.s32 $0x100  }
0x1b7: {  	[tilespmem:s21], [sflag:$0x1] =	stream.indirect.gather [hbm4b:s1+s14], $0x80, s20, s14, $0xb8;
	[tilespmem:$0x19800] =	vst v63  }
0x1b8: {  	_ = 	snop  }
0x1b9: {  	[tilespmem:s23], [sflag:$0x1] =	stream.indirect.gather [hbm4b:s1+s14], $0x80, s22, s14, $0xb8;
	[tilespmem:$0x19800] =	vst v63  }
0x1ba: {  	_ = 	snop  }
0x1bb: {  	[tilespmem:s28], [sflag:$0x1] =	stream.indirect.gather [hbm4b:s1+s14], $0x80, s26, s14, $0xb8;
	[tilespmem:$0x19800] =	vst v63  }
0x1bc: {  	_ =	swait.ge [sflag:s7], $0x2800  }
0x1bd: {  	[sflag:s7] =	ssyncset.done $0x0  }
0x1be: {  	[sflag:s7] =	ssyncadd.s32 $0xFFFFD800  }
0x1bf: {  	_ =	swait.ge [sflag:s7], $0x2800  }
0x1c0: {  	[sflag:s7] =	ssyncset.done $0x0  }
0x1c1: {  	[sflag:s7] =	ssyncadd.s32 $0xFFFFD800  }
0x1c2: {  	_ =	swait.ge [sflag:s7], $0x2800  }
0x1c3: {  	[sflag:s7] =	ssyncset.done $0x0  }
0x1c4: {  	[sflag:s7] =	ssyncadd.s32 $0xFFFFD800  }
0x1c5: {  	_ =	swait.ge [sflag:s7], $0x2800  }
0x1c6: {  	[sflag:s7] =	ssyncset.done $0x0  }
0x1c7: {  	[sflag:s7] =	ssyncadd.s32 $0xFFFFD800  }
0x1c8: {  	_ =	swait.ge [sflag:s7], $0x2800  }
0x1c9: {  	[sflag:s7] =	ssyncset.done $0x0  }
0x1ca: {  	s8 =	sadd.s32 $0x1900, s8;
	[sflag:s7] =	ssyncadd.s32 $0xFFFFD800  }
0x1cb: {  	[hbm4b:s8+s3] =	stream.linear.scatter [tilespmem:s25], [sflag:$0x4], $0xC800, $0x38;
	[tilespmem:$0x19800] =	vst v63  }
0x1cc: {  	_ =	swait.ge [sflag:s5], $0x2800  }
0x1cd: {  	[sflag:s5] =	ssyncset.done $0x0  }
0x1ce: {  	[sflag:s5] =	ssyncadd.s32 $0xFFFFD800  }
0x1cf: {  	_ =	swait.ge [sflag:s5], $0x2800  }
0x1d0: {  	[sflag:s5] =	ssyncset.done $0x0  }
0x1d1: {  	[sflag:s5] =	ssyncadd.s32 $0xFFFFD800  }
0x1d2: {  	_ =	swait.ge [sflag:s5], $0x2800  }
0x1d3: {  	[sflag:s5] =	ssyncset.done $0x0  }
0x1d4: {  	[sflag:s5] =	ssyncadd.s32 $0xFFFFD800  }
0x1d5: {  	_ =	swait.ge [sflag:s5], $0x2800  }
0x1d6: {  	[sflag:s5] =	ssyncset.done $0x0  }
0x1d7: {  	[sflag:s5] =	ssyncadd.s32 $0xFFFFD800  }
0x1d8: {  	_ =	swait.ge [sflag:s5], $0x2800  }
0x1d9: {  	[sflag:s5] =	ssyncset.done $0x0  }
0x1da: {  	s22 =	rddreg [dreg:$0x8];
	[sflag:s5] =	ssyncadd.s32 $0xFFFFD800  }
0x1db: {  	[hbm4b:s22+s3] =	stream.linear.scatter [tilespmem:s15], [sflag:$0x3], $0xC800, $0x38;
	[tilespmem:$0x19800] =	vst v63  }
0x1dc: {  	_ =	swait.ge [sflag:s6], $0xC800  }
0x1dd: {  	[sflag:s6] =	ssyncset.done $0x0  }
0x1de: {  	s23 =	simm.s32 $0x4;
	[sflag:s6] =	ssyncadd.s32 $0xFFFF3800  }
0x1df: {  	_ =	swait.ge [sflag:s23], $0xC800  }
0x1e0: {  	s26 =	rddreg [dreg:$0xe]  }
0x1e1: {  	s28 =	rddreg [dreg:$0x9];
	s10 =	sadd.s32 $0x1, s26  }
0x1e2: {  	p0 =	sne.s32 s10, s28  }
.Ltmp2:
0x1e3: {  	_ = 	snop;
	(pc) =	sbr.rel @p0 .LBB2_1-.Ltmp2, $3  }
0x1e4: {  	_ =	sdelay $0x1  }
0x1e5: {  	[sflag:s23] =	ssyncset.done $0x0  }
0x1e6: {  	[sflag:s23] =	ssyncadd.s32 $0xFFFF3800  }
0x1e7: {  	_ =	sfence.sel $0x180000  }
0x1e8: {  	[bflag:$0x0] =	sbarrier.arrive $0xFFFF  }
0x1e9: {  	_ =	strace $0x90000050  }
0x1ea: {  	s0 =	stileid.u32;
	[bflag:$0x2] =	sbarrier.arrive $0xFFFF  }
0x1eb: {  	p0 =	sne.s32 s0, $0x0;
	s0 =	rddreg [dreg:$0x2]  }
0x1ec: {  	s0 =	sadd.s32 @!p0 $0x100000, s0  }
0x1ed: {  	[sflag:s0] =	ssyncadd.tile.s32 @!p0 $0x1;
	_ =	shalt  }
.Lfunc_end2:
_tile_overlayer_lowered:
.L_overlay_start_2:
0x1ee: {  	(tag) =	ssettag $0x2  }
0x1ef: {  	s0 =	rddreg [dreg:$0x0];
	s2 =	stileid.u32  }
0x1f0: {  	s1 =	rddreg [dreg:$0x1];
	p0 =	sne.s32 s2, $0x0  }
0x1f1: {  	s3 =	rddreg [dreg:$0x2];
	[bflag:$0x3] =	sbarrier.arrive $0xFFFF;
	s2 =	simm.s32 @!p0 $0x1C05  }
0x1f2: {  	[timem:s3], [sflag:s2] =	dma.local @!p0 [hbm:s0], s1  }
0x1f3: {  	s0 =	simm.s32 @!p0 $0x5  }
0x1f4: {  	_ =	swait.ge @!p0 [sflag:s0], s1  }
0x1f5: {  	s1 =	ssub.s32 @!p0 $0x0, s1;
	[sflag:s0] =	ssyncset.done @!p0 $0x0  }
0x1f6: {  	[sflag:s0] =	ssyncadd.s32 @!p0 s1  }
0x1f7: {  	[bflag:$0x3] =	sbarrier.arrive $0xFFFF  }
0x1f8: {  	_ =	shalt  }

// kernel: kernel.7.cloned.1.call-start
scs
__scs_entry_jumppad:
0x0: {  	(pc) =	sbr.rel $0x88, $3  }
0x1: {  	(tag) =	ssettag $0x0;
	lr =	simm.s32 $0x1  }
0x2: {  	[smem:$0x3F72] =	sst lr;
	_ =	strace $0xD0000000  }
0x3: {  	_ = 	snop  }
0x4: {  	_ = 	snop  }
0x5: {  	_ = 	snop  }
0x6: {  	_ = 	snop  }
0x7: {  	_ = 	snop  }
__scs_overlays_trampoline_lowered:
0x8: {  	[smem:$0x3F81] =	sst s0  }
0x9: {  	[smem:$0x3F82] =	sst s1  }
0xa: {  	[smem:$0x3F83] =	sst s2  }
0xb: {  	[smem:$0x3F84] =	sst s3  }
0xc: {  	[smem:$0x3F85] =	sst s4  }
0xd: {  	[smem:$0x3F86] =	sst s5  }
0xe: {  	[smem:$0x3F87] =	sst s6  }
0xf: {  	[smem:$0x3F88] =	sst s7  }
0x10: {  	[smem:$0x3F89] =	sst s8  }
0x11: {  	[smem:$0x3F8A] =	sst s9;
	s0 =	simm.s32 @!p0 $0x0  }
0x12: {  	s1 =	sld [smem:$0x3F70];
	s0 =	simm.s32 @p0 $0x1  }
0x13: {  	[smem:$0x3F8B] =	sst s0;
	s0 =	simm.s32 @!p1 $0x0  }
0x14: {  	s2 =	sld [smem:$0x3F6F];
	s0 =	simm.s32 @p1 $0x1  }
0x15: {  	[smem:$0x3F8C] =	sst s0;
	s0 =	simm.s32 @!p2 $0x0  }
0x16: {  	s3 =	sld [smem:$0x3FDB];
	s0 =	simm.s32 @p2 $0x1  }
0x17: {  	s4 =	simm.s32 $0x1BF5;
	[smem:$0x3F8E] =	sst s0  }
0x18: {  	s0 =	sld [smem:$0x3F71];
	_ =	swait.ge [sflag:s4], $0x0  }
0x19: {  	s7 =	sld [smem:$0x3F72]  }
0x1a: {  	s8 =	sadd.s32 $0xFFFFE003, lr  }
0x1b: {  	s9 =	sadd.s32 $0xFFFFFEF7, lr;
	s5 =	simm.s32 $0xFFFFFFFF;
	p2 =	slt.u32 s8, $0xFFFFF086  }
0x1c: {  	p1 =	slt.u32 s9, $0xF7A;
	s5 =	simm.s32 @!p2 $0x0  }
0x1d: {  	s5 =	simm.s32 @p1 $0x1;
	p0 =	seq.s32 s7, s2  }
0x1e: {  	s7 =	smul.u32 @!p0 $0xF7A, s2;
	p2 =	seq.s32 @!p0 s5, $0x0  }
0x1f: {  	s9 =	smul.u32 $0xF7A, s1;
	s8 =	simm.s32 @!p0 $0x1BF5;
	p2 =	por !p2, p0  }
0x20: {  	[sflag:s8] =	ssyncset.s32 @!p0 $0xFFFFF086;
	s6 =	sadd.s32 @!p0 s3, s7;
	s7 =	simm.s32 @!p0 $0x108  }
0x21: {  	s3 =	sadd.s32 s3, s9;
	s6 =	sadd.s32 @!p0 $0x88, s6;
	s7 =	simm.s32 @p2 $0x1082  }
0x22: {  	[simem:s7], [sflag:s8] =	dma.local @!p0 [hbm:s6], $0xF7A  }
0x23: {  	s9 =	sor.u32 $0xD0000000, s2;
	s6 =	simm.s32 $0x108;
	_ =	swait.ge @!p0 [sflag:s8], $0x0  }
0x24: {  	s3 =	sadd.s32 $0x88, s3;
	s6 =	simm.s32 @!p1 $0x1082;
	[sflag:s4] =	ssyncset.s32 $0xFFFFF086  }
0x25: {  	[simem:s6], [sflag:s4] =	dma.local [hbm:s3], $0xF7A  }
0x26: {  	[smem:$0x3F72] =	sst s1;
	(tag) =	ssettag s2;
	_ =	strace s9  }
0x27: {  	s1 =	sld [smem:$0x3F82]  }
0x28: {  	s2 =	sld [smem:$0x3F83]  }
0x29: {  	s4 =	sld [smem:$0x3F85]  }
0x2a: {  	p0 =	seq.s32 s5, $0x0;
	s5 =	sld [smem:$0x3F86]  }
0x2b: {  	s6 =	sld [smem:$0x3F87]  }
0x2c: {  	s7 =	sld [smem:$0x3F88]  }
0x2d: {  	s3 =	simm.s32 $0x108;
	s8 =	sld [smem:$0x3F89]  }
0x2e: {  	s3 =	simm.s32 @!p0 $0x1082;
	s9 =	sld [smem:$0x3F8A]  }
0x2f: {  	lr =	sadd.s32 s0, s3;
	s0 =	sld [smem:$0x3F81]  }
0x30: {  	s3 =	sld [smem:$0x3F84]  }
0x31: {  	[smem:$0x3F8D] =	sst s10  }
0x32: {  	s10 =	sld [smem:$0x3F8B];
	_ =	sdelay $0x3  }
0x33: {  	p0 =	seq.s32 s10, $0x1;
	s10 =	sld [smem:$0x3F8D];
	_ =	sdelay $0x3  }
0x34: {  	[smem:$0x3F8D] =	sst s10  }
0x35: {  	s10 =	sld [smem:$0x3F8C];
	_ =	sdelay $0x3  }
0x36: {  	p1 =	seq.s32 s10, $0x1;
	s10 =	sld [smem:$0x3F8D];
	_ =	sdelay $0x3  }
0x37: {  	[smem:$0x3F8D] =	sst s10  }
0x38: {  	s10 =	sld [smem:$0x3F8E]  }
0x39: {  	_ = 	snop;
	(pc) =	sbr.ind lr, $3  }
0x3a: {  	_ = 	snop  }
0x3b: {  	_ = 	snop  }
0x3c: {  	p2 =	seq.s32 s10, $0x1;
	s10 =	sld [smem:$0x3F8D]  }
0x3d: {  	_ =	shalt  }
0x3e: {  	_ =	shalt  }
0x3f: {  	_ =	shalt  }
0x40: {  	_ =	shalt  }
0x41: {  	_ =	shalt  }
0x42: {  	_ =	shalt  }
0x43: {  	_ =	shalt  }
0x44: {  	_ =	shalt  }
0x45: {  	_ =	shalt  }
0x46: {  	_ =	shalt  }
0x47: {  	_ =	shalt  }
0x48: {  	_ =	shalt  }
0x49: {  	_ =	shalt  }
0x4a: {  	_ =	shalt  }
0x4b: {  	_ =	shalt  }
0x4c: {  	_ =	shalt  }
0x4d: {  	_ =	shalt  }
0x4e: {  	_ =	shalt  }
0x4f: {  	_ =	shalt  }
0x50: {  	_ =	shalt  }
0x51: {  	_ =	shalt  }
0x52: {  	_ =	shalt  }
0x53: {  	_ =	shalt  }
0x54: {  	_ =	shalt  }
0x55: {  	_ =	shalt  }
0x56: {  	_ =	shalt  }
0x57: {  	_ =	shalt  }
0x58: {  	_ =	shalt  }
0x59: {  	_ =	shalt  }
0x5a: {  	_ =	shalt  }
0x5b: {  	_ =	shalt  }
0x5c: {  	_ =	shalt  }
0x5d: {  	_ =	shalt  }
0x5e: {  	_ =	shalt  }
0x5f: {  	_ =	shalt  }
0x60: {  	_ =	shalt  }
0x61: {  	_ =	shalt  }
0x62: {  	_ =	shalt  }
0x63: {  	_ =	shalt  }
0x64: {  	_ =	shalt  }
0x65: {  	_ =	shalt  }
0x66: {  	_ =	shalt  }
0x67: {  	_ =	shalt  }
0x68: {  	_ =	shalt  }
0x69: {  	_ =	shalt  }
0x6a: {  	_ =	shalt  }
0x6b: {  	_ =	shalt  }
0x6c: {  	_ =	shalt  }
0x6d: {  	_ =	shalt  }
0x6e: {  	_ =	shalt  }
0x6f: {  	_ =	shalt  }
0x70: {  	_ =	shalt  }
0x71: {  	_ =	shalt  }
0x72: {  	_ =	shalt  }
0x73: {  	_ =	shalt  }
0x74: {  	_ =	shalt  }
0x75: {  	_ =	shalt  }
0x76: {  	_ =	shalt  }
0x77: {  	_ =	shalt  }
0x78: {  	_ =	shalt  }
0x79: {  	_ =	shalt  }
0x7a: {  	_ =	shalt  }
0x7b: {  	_ =	shalt  }
0x7c: {  	_ =	shalt  }
0x7d: {  	_ =	shalt  }
0x7e: {  	_ =	shalt  }
0x7f: {  	_ =	shalt  }
0x80: {  	_ =	shalt  }
0x81: {  	_ =	shalt  }
0x82: {  	_ =	shalt  }
0x83: {  	_ =	shalt  }
0x84: {  	_ =	shalt  }
0x85: {  	_ =	shalt  }
0x86: {  	_ =	shalt  }
0x87: {  	_ =	shalt  }
.Lfunc_end0:
.L_simem_size_0:
called_computation_lowered:
.L_overlay_start_0:
0x88: {  	s2 =	sld [smem:$0x3FD9]  }
0x89: {  	s3 =	sld [smem:$0x3FFE];
	_ =	sdelay $0x1  }
0x8a: {  	s1 =	srdreg.scid  }
0x8b: {  	s0 =	sand.u32 $0x1, s1  }
0x8c: {  	s15 =	sshll.u32 s0, $0xA;
	s2 =	sadd.s32 s3, s2  }
0x8d: {  	s2 =	sadd.s32 s2, s15  }
0x8e: {  	[smem:$0x3F99] =	sst s2  }
0x8f: {  	_ = 	snop  }
0x90: {  	s2 =	sld [smem:$0x3FD0];
	_ =	sdelay $0x2  }
0x91: {  	s16 =	simm.s32 $0xB;
	s4 =	simm.s32 $0x10  }
0x92: {  	[smem:s4], [sflag:s16] =	dma.local [hbm:s2], $0x1  }
0x93: {  	_ =	swait.eq [sflag:s16], $0x1  }
0x94: {  	[sflag:s16] =	ssyncset.done $0x0  }
0x95: {  	[sflag:s16] =	ssyncadd.s32 $0xFFFFFFFF  }
0x96: {  	s17 =	sld [smem:$0x10];
	(tm) =	ssettm $0x1  }
0x97: {  	s18 =	sld [smem:$0x3FFB];
	_ =	sdelay $0x3  }
0x98: {  	_ =	strace s18  }
0x99: {  	s2 =	sld [smem:$0x3FFC];
	_ =	sdelay $0x3  }
0x9a: {  	_ =	strace s2  }
0x9b: {  	s2 =	sld [smem:$0x3FFD];
	_ =	sdelay $0x3  }
0x9c: {  	_ =	strace s2  }
0x9d: {  	_ =	strace $0x8FFFFFFF  }
0x9e: {  	s19 =	sld [smem:$0x3FDB];
	_ =	sdelay $0x1  }
0x9f: {  	s20 =	simm.s32 $_scs_section_size  }
0xa0: {  	s5 =	simm.s32 $_size__tile_overlayer_lowered;
	s6 =	simm.s32 $_tile_overlayer_lowered  }
0xa1: {  	s7 =	simm.s32 $0x1BFF;
	s21 =	sshll.u32 s6, $0x1;
	s4 =	sadd.s32 s20, s19  }
0xa2: {  	s22 =	simm.s32 $0x0;
	s5 =	sshll.u32 s5, $0x1;
	s6 =	sadd.s32 s21, s4  }
0xa3: {  	[timem:s22], [sflag:s7] =	dma.local [hbm:s6], s5  }
0xa4: {  	_ =	swait.ge [sflag:s7], s5  }
0xa5: {  	s5 =	ssub.s32 $0x0, s5;
	[sflag:s7] =	ssyncset.done $0x0  }
0xa6: {  	[sflag:s7] =	ssyncadd.s32 s5;
	_ =	sdelay $0x1  }
0xa7: {  	s23 =	simm.s32 $0x1B8B  }
0xa8: {  	_ =	swait.ge [sflag:s23], $0x1  }
0xa9: {  	[sflag:s23] =	ssyncset.done $0x0  }
0xaa: {  	[sflag:s23] =	ssyncadd.s32 $0xFFFFFFFF  }
0xab: {  	s5 =	sld [smem:$0x0]  }
0xac: {  	s6 =	sand.u32 $0xFFFFFFFE, s1  }
0xad: {  	p0 =	sne.s32 s1, s6  }
0xae: {  	s6 =	sshll.u32 @p0 s6, $0xE  }
0xaf: {  	s6 =	sadd.s32 @p0 $0x11B8D, s6;
	s7 =	sshll.u32 @p0 s5, $0x11  }
0xb0: {  	s6 =	sor.u32 @p0 s7, s6  }
0xb1: {  	[sflag:s6] =	ssyncadd.remote.s32 @p0 $0x1;
	_ =	sdelay $0x1  }
0xb2: {  	s6 =	simm.s32 @p0 $0x1B8D  }
0xb3: {  	_ =	swait.eq @p0 [sflag:s6], $0x1  }
0xb4: {  	[sflag:s6] =	ssyncadd.s32 @p0 $0xFFFFFFFF  }
0xb5: {  	s7 =	sshll.u32 @!p0 s1, $0xE  }
0xb6: {  	s7 =	sor.u32 @!p0 $0x4000, s7;
	s6 =	simm.s32 @!p0 $0x1B8D  }
0xb7: {  	s5 =	sshll.u32 @!p0 s5, $0x11;
	s7 =	sadd.s32 @!p0 $0x11B8D, s7;
	_ =	swait.eq @!p0 [sflag:s6], $0x1  }
0xb8: {  	s5 =	sor.u32 @!p0 s5, s7;
	[sflag:s6] =	ssyncadd.s32 @!p0 $0xFFFFFFFF  }
0xb9: {  	s25 =	simm.s32 $0x1B8E;
	s24 =	sld [smem:$0x3FFE];
	[sflag:s5] =	ssyncadd.remote.s32 @!p0 $0x1  }
0xba: {  	s26 =	simm.s32 $execute0_lowered;
	[smem:$0x3FD2] =	sst s25  }
0xbb: {  	s6 =	sshll.u32 s26, $0x1;
	_ =	strace $0x80000049;
	[dreg:$0x1] =	wrdreg $0xFFFFFFFF  }
0xbc: {  	s28 =	simm.s32 $_size_execute0_lowered;
	s4 =	sadd.s32 s4, s6;
	[dreg:$0x0] =	wrdreg $0x0  }
0xbd: {  	s6 =	sshll.u32 s28, $0x1;
	[dreg:$0x2] =	wrdreg s4  }
0xbe: {  	[dreg:$0x3] =	wrdreg s6  }
0xbf: {  	[dreg:$0x4] =	wrdreg $0xC0  }
0xc0: {  	_ =	task [dreg:s22], $0x5FFFF  }
0xc1: {  	[dreg:$0x1] =	wrdreg $0xFFFFFFFF  }
0xc2: {  	[dreg:$0x0] =	wrdreg $0x60  }
0xc3: {  	[dreg:$0x2] =	wrdreg s17  }
0xc4: {  	[dreg:$0x3] =	wrdreg s24  }
0xc5: {  	[dreg:$0x4] =	wrdreg $0x28800  }
0xc6: {  	[dreg:$0x5] =	wrdreg $0x9  }
0xc7: {  	_ =	task.clear_ibuf [dreg:s22], $0x6FFFF;
	_ =	strace $0x90000049  }
0xc8: {  	s29 =	simm.s32 $0x9;
	_ =	strace $0x8000004B  }
0xc9: {  	_ =	swait.ge [sflag:s29], $0x1  }
0xca: {  	[sflag:s29] =	ssyncadd.s32 $0xFFFFFFFF  }
0xcb: {  	_ =	strace $0x9000004B  }
0xcc: {  	_ =	sfence  }
0xcd: {  	s30 =	sld [smem:$0x0];
	_ =	sdelay $0x2  }
0xce: {  	s31 =	sshll.u32 s1, $0xD;
	s1 =	sshrl.u32 s1, $0x2  }
0xcf: {  	s4 =	sand.u32 $0x4000, s31;
	s1 =	sadd.s32 s1, s30  }
0xd0: {  	s0 =	sor.u32 s4, s0;
	s1 =	sshll.u32 s1, $0x11  }
0xd1: {  	s0 =	sor.u32 s1, s0  }
0xd2: {  	s0 =	sadd.s32 $0x8F2B, s0  }
0xd3: {  	[sflag:s0] =	ssyncadd.remote.s32 $0x1  }
0xd4: {  	_ =	sfence.sel $0xFFFF  }
0xd5: {  	[dreg:$0x0] =	wrdreg $0xFFFFFFFF;
	(pc) =	sbr.abs _section_cstart, $3  }
0xd6: {  	[dreg:$0x1] =	wrdreg $0xFFFFFFFF  }
0xd7: {  	_ =	task.clear_ibuf [dreg:s22], $0x2FFFF;
	_ =	strace $0x9FFFFFFF  }
0xd8: {  	(tm) =	ssettm $0x7FFFFFFF  }
0xd9: {  	_ =	shalt  }
tec
execute0_lowered:
.L_overlay_start_1:
0x0: {  	(tag) =	ssettag $0x1  }
0x1: {  	s14 =	rddreg [dreg:$0x0]  }
0x2: {  	s4 =	rddreg [dreg:$0x1]  }
0x3: {  	s0 =	srdreg.scid;
	s2 =	rddreg [dreg:$0x2]  }
0x4: {  	s1 =	rddreg [dreg:$0x3];
	s6 =	sand.u32 $0x1, s0  }
0x5: {  	s3 =	simm.s32 $0x0;
	s0 =	stileid.u32;
	s5 =	smul.u32 $0x13C000, s6  }
0x6: {  	s16 =	simm.s32 $0x1;
	s17 =	simm.s32 $0x50;
	s7 =	smul.u32 $0x13C00, s0  }
0x7: {  	s20 =	simm.s32 $0x0;
	[smem:$0x7FF] =	sst s3;
	s28 =	smul.u32 $0x4F000, s0  }
0x8: {  	_ =	strace $0x8000004A;
	s29 =	ssub.s32 $0x2, s6;
	s11 =	smul.u32 $0x4E20, s0  }
0x9: {  	s15 =	smul.u32 $0x2710, s6;
	s18 =	sshll.u32 s0, $0x6;
	s31 =	sshrl.u32 s29, $0x1  }
0xa: {  	s18 =	sor.u32 $0x1C01, s18;
	s5 =	sadd.s32 s7, s5;
	s30 =	sshrl.u32 s28, $0x2  }
0xb: {  	s13 =	ssub.s32 s29, s31;
	s15 =	sadd.s32 s15, s11;
	s5 =	sshrl.u32 s5, $0x3  }
0xc: {  	s15 =	sshrl.u32 s15, $0x3;
	s13 =	smax.u32 s13, $0x1;
	s12 =	sadd.s32 s5, s4  }
0xd: {  	s4 =	sadd.s32 s30, s2;
	s14 =	sadd.s32 s15, s14;
	s15 =	simm.s32 $0x80  }
0xe: {  	s5 =	sadd.s32 $0x2800, s4;
	s6 =	sadd.s32 $0x5000, s4;
	s7 =	sadd.s32 $0x7800, s4  }
0xf: {  	v0 =	vimm.f32 $0.0e+00;
	vm0 =	vcmask $0x300;
	s8 =	sadd.s32 $0xA000, s4;
	s9 =	sadd.s32 $0xC800, s4;
	s10 =	sadd.s32 $0xF000, s4  }
0x10: {  	v1 =	vsel vm0, $0x3F800000, v0;
	s11 =	sadd.s32 $0x11800, s4;
	s12 =	sadd.s32 $0x7AE00, s12;
	s19 =	sshrl.u32 s4, $0x3  }
.LBB2_1:
0x11: {  	s21 =	simm.s32 $0x0;
	s22 =	simm.s32 $0x200  }
.LBB2_2:
0x12: {  	p0 =	sne.s32 s22, $0x9E00;
	[tilespmem:s21+$0xF0] =	vst v0  }
0x13: {  	[tilespmem:s21+$0x80] =	vst v0  }
0x14: {  	[tilespmem:s21+$0x90] =	vst v0  }
.Ltmp0:
0x15: {  	[tilespmem:s21+$0xA0] =	vst v0;
	(pc) =	sbr.rel @p0 .LBB2_2-.Ltmp0, $4  }
0x16: {  	[tilespmem:s21+$0xB0] =	vst v0  }
0x17: {  	[tilespmem:s21+$0xC0] =	vst v0  }
0x18: {  	[tilespmem:s21+$0xD0] =	vst v0  }
0x19: {  	[tilespmem:s21+$0xE0] =	vst v0;
	s21 =	sshra.s32 s22, $0x2;
	s22 =	sadd.s32 $0x200, s22  }
0x1a: {  	[tilespmem:s21+$0xF0] =	vst v0  }
0x1b: {  	[tilespmem:s21+$0x80] =	vst v0  }
0x1c: {  	[tilespmem:s21+$0x90] =	vst v0  }
0x1d: {  	[tilespmem:s21+$0xA0] =	vst v0  }
0x1e: {  	[tilespmem:s21+$0xB0] =	vst v0  }
0x1f: {  	[tilespmem:s21+$0xC0] =	vst v0  }
0x20: {  	[tilespmem:s21+$0xD0] =	vst v0  }
0x21: {  	[tilespmem:s21+$0xE0] =	vst v0  }
0x22: {  	[spmem:s4] =	stream.linear.scatter [tilespmem:s15], [sflag:$0x1], $0x2800, $0x38;
	[tilespmem:$0x16480] =	vst v63  }
0x23: {  	_ =	swait.ge [sflag:s16], $0x2800  }
0x24: {  	[sflag:s16] =	ssyncset.done $0x0  }
0x25: {  	[sflag:s16] =	ssyncadd.s32 $0xFFFFD800  }
0x26: {  	[spmem:s5] =	stream.linear.scatter [tilespmem:s15], [sflag:$0x1], $0x2800, $0x38;
	[tilespmem:$0x16480] =	vst v63  }
0x27: {  	_ =	swait.ge [sflag:s16], $0x2800  }
0x28: {  	[sflag:s16] =	ssyncset.done $0x0  }
0x29: {  	[sflag:s16] =	ssyncadd.s32 $0xFFFFD800  }
0x2a: {  	[spmem:s6] =	stream.linear.scatter [tilespmem:s15], [sflag:$0x1], $0x2800, $0x38;
	[tilespmem:$0x16480] =	vst v63  }
0x2b: {  	_ =	swait.ge [sflag:s16], $0x2800  }
0x2c: {  	[sflag:s16] =	ssyncset.done $0x0  }
0x2d: {  	[sflag:s16] =	ssyncadd.s32 $0xFFFFD800  }
0x2e: {  	[spmem:s7] =	stream.linear.scatter [tilespmem:s15], [sflag:$0x1], $0x2800, $0x38;
	[tilespmem:$0x16480] =	vst v63  }
0x2f: {  	_ =	swait.ge [sflag:s16], $0x2800  }
0x30: {  	[sflag:s16] =	ssyncset.done $0x0  }
0x31: {  	[sflag:s16] =	ssyncadd.s32 $0xFFFFD800  }
0x32: {  	[spmem:s8] =	stream.linear.scatter [tilespmem:s15], [sflag:$0x1], $0x2800, $0x38;
	[tilespmem:$0x16480] =	vst v63  }
0x33: {  	_ =	swait.ge [sflag:s16], $0x2800  }
0x34: {  	[sflag:s16] =	ssyncset.done $0x0  }
0x35: {  	[sflag:s16] =	ssyncadd.s32 $0xFFFFD800  }
0x36: {  	[spmem:s9] =	stream.linear.scatter [tilespmem:s15], [sflag:$0x1], $0x2800, $0x38;
	[tilespmem:$0x16480] =	vst v63  }
0x37: {  	_ =	swait.ge [sflag:s16], $0x2800  }
0x38: {  	[sflag:s16] =	ssyncset.done $0x0  }
0x39: {  	[sflag:s16] =	ssyncadd.s32 $0xFFFFD800  }
0x3a: {  	[spmem:s10] =	stream.linear.scatter [tilespmem:s15], [sflag:$0x1], $0x2800, $0x38;
	[tilespmem:$0x16480] =	vst v63  }
0x3b: {  	_ =	swait.ge [sflag:s16], $0x2800  }
0x3c: {  	[sflag:s16] =	ssyncset.done $0x0  }
0x3d: {  	[sflag:s16] =	ssyncadd.s32 $0xFFFFD800  }
0x3e: {  	[spmem:s11] =	stream.linear.scatter [tilespmem:s15], [sflag:$0x1], $0x2400, $0x38;
	[tilespmem:$0x16480] =	vst v63  }
0x3f: {  	_ =	swait.ge [sflag:s16], $0x2400  }
0x40: {  	[sflag:s16] =	ssyncset.done $0x0  }
0x41: {  	s21 =	simm.s32 $0x200;
	s22 =	simm.s32 $0x0;
	[sflag:s16] =	ssyncadd.s32 $0xFFFFDC00  }
.LBB2_4:
0x42: {  	p0 =	sne.s32 s21, $0x9E00;
	[tilespmem:s22+$0x80] =	vst v1;
	s22 =	smov.u32 s21;
	s21 =	sadd.s32 $0x200, s21  }
.Ltmp1:
0x43: {  	(pc) =	sbr.rel @p0 .LBB2_4-.Ltmp1, $2  }
0x44: {  	_ =	sdelay $0x2  }
0x45: {  	s22 =	sshra.s32 s22, $0x2  }
0x46: {  	[tilespmem:s22+$0x80] =	vst v1  }
0x47: {  	s21 =	sadd.s32 $0x0, s14;
	[bflag:$0x0] =	sbarrier.arrive $0xFFFF  }
0x48: {  	[tilespmem:s3], [sflag:$0x1] =	stream.linear.gather [hbm4b:s21+s3], $0x50, $0x38;
	[tilespmem:$0x16480] =	vst v63  }
0x49: {  	_ =	swait.ge [sflag:s16], $0x50  }
0x4a: {  	[sflag:s16] =	ssyncset.done $0x0  }
0x4b: {  	[sflag:s16] =	ssyncadd.s32 $0xFFFFFFB0  }
0x4c: {  	[spmem:s2] =	stream.indirect.scatter.add.f32 [tilespmem:s15], [sflag:$0x1], $0x80, s3, s17, $0xb8;
	[tilespmem:$0x16480] =	vst v63  }
0x4d: {  	_ =	swait.ge [sflag:s16], $0x2800  }
0x4e: {  	s22 =	simm.s32 $0x14;
	s21 =	simm.s32 $0xA;
	[sflag:s16] =	ssyncset.done $0x0  }
.LBB2_6:
0x4f: {  	s23 =	sadd.s32 s21, s14  }
0x50: {  	[sflag:s16] =	ssyncadd.s32 $0xFFFFD800;
	s21 =	smov.u32 s22;
	s24 =	sadd.s32 $0xA, s22  }
0x51: {  	[tilespmem:s3], [sflag:$0x1] =	stream.linear.gather [hbm4b:s23+s3], $0x50, $0x38;
	[tilespmem:$0x16480] =	vst v63  }
0x52: {  	p0 =	sne.s32 s22, $0x4D8;
	_ =	swait.ge [sflag:s16], $0x50  }
.Ltmp2:
0x53: {  	[sflag:s16] =	ssyncset.done $0x0;
	(pc) =	sbr.rel @p0 .LBB2_6-.Ltmp2, $4  }
0x54: {  	[sflag:s16] =	ssyncadd.s32 $0xFFFFFFB0  }
0x55: {  	[spmem:s2] =	stream.indirect.scatter.add.f32 [tilespmem:s15], [sflag:$0x1], $0x80, s3, s17, $0xb8;
	[tilespmem:$0x16480] =	vst v63  }
0x56: {  	_ =	swait.ge [sflag:s16], $0x2800  }
0x57: {  	s22 =	smov.u32 s24;
	[sflag:s16] =	ssyncset.done $0x0  }
0x58: {  	s21 =	sadd.s32 s21, s14;
	[sflag:s16] =	ssyncadd.s32 $0xFFFFD800  }
0x59: {  	[tilespmem:s3], [sflag:$0x1] =	stream.linear.gather [hbm4b:s21+s3], $0x50, $0x38;
	[tilespmem:$0x16480] =	vst v63  }
0x5a: {  	_ =	swait.ge [sflag:s16], $0x50  }
0x5b: {  	[sflag:s16] =	ssyncset.done $0x0  }
0x5c: {  	[sflag:s16] =	ssyncadd.s32 $0xFFFFFFB0  }
0x5d: {  	[spmem:s2] =	stream.indirect.scatter.add.f32 [tilespmem:s15], [sflag:$0x1], $0x80, s3, s17, $0xb8;
	[tilespmem:$0x16480] =	vst v63  }
0x5e: {  	_ =	swait.ge [sflag:s16], $0x2800  }
0x5f: {  	s20 =	sadd.s32 $0x1, s20;
	[sflag:s16] =	ssyncset.done $0x0  }
0x60: {  	p0 =	sne.s32 s20, s13;
	[sflag:s16] =	ssyncadd.s32 $0xFFFFD800  }
.Ltmp3:
0x61: {  	[bflag:$0x0] =	sbarrier.arrive $0xFFFF;
	(pc) =	sbr.rel @p0 .LBB2_1-.Ltmp3, $4  }
0x62: {  	[hbm:s12], [sflag:s18] =	dma.local [spmem:s19], $0x2780  }
0x63: {  	_ =	swait.ge [sflag:s16], $0x2780  }
0x64: {  	[sflag:s16] =	ssyncset.done $0x0  }
0x65: {  	[sflag:s16] =	ssyncadd.s32 $0xFFFFD880  }
0x66: {  	_ =	sfence.sel $0x180000  }
0x67: {  	[bflag:$0x0] =	sbarrier.arrive $0xFFFF  }
0x68: {  	p0 =	sne.s32 s0, $0x0;
	_ =	strace $0x9000004A  }
0x69: {  	s0 =	sadd.s32 @!p0 $0x100000, s1;
	[bflag:$0x2] =	sbarrier.arrive $0xFFFF  }
0x6a: {  	[sflag:s0] =	ssyncadd.tile.s32 @!p0 $0x1;
	_ =	shalt  }
.Lfunc_end2:
_tile_overlayer_lowered:
.L_overlay_start_2:
0x6b: {  	(tag) =	ssettag $0x2  }
0x6c: {  	s0 =	rddreg [dreg:$0x0];
	s2 =	stileid.u32  }
0x6d: {  	s1 =	rddreg [dreg:$0x1];
	p0 =	sne.s32 s2, $0x0  }
0x6e: {  	s3 =	rddreg [dreg:$0x2];
	[bflag:$0x3] =	sbarrier.arrive $0xFFFF;
	s2 =	simm.s32 @!p0 $0x1C01  }
0x6f: {  	[timem:s3], [sflag:s2] =	dma.local @!p0 [hbm:s0], s1  }
0x70: {  	s0 =	simm.s32 @!p0 $0x1  }
0x71: {  	_ =	swait.ge @!p0 [sflag:s0], s1  }
0x72: {  	s1 =	ssub.s32 @!p0 $0x0, s1;
	[sflag:s0] =	ssyncset.done @!p0 $0x0  }
0x73: {  	[sflag:s0] =	ssyncadd.s32 @!p0 s1  }
0x74: {  	[bflag:$0x3] =	sbarrier.arrive $0xFFFF  }
0x75: {  	_ =	shalt  }

</sc_bundles>
